<compile_context>
chip_gen: v7x
topology: tpu7x:2x2x1
jax: 0.10.2.dev20260603
libtpu: 0.0.44.dev20260713+nightly
codegen_flags: <defaults>
</compile_context>

<pallas_src>
import functools

import numpy as np
import jax
import jax.numpy as jnp
from jax import lax
from jax.experimental import pallas as pl
from jax.experimental.pallas import tpu as pltpu
from jax.experimental.pallas import tpu_sc as plsc

B = 16384
F = 26
D = 32
N = F * B
TOTAL_ROWS = 26 * 100000
DENSE_IN = 13
NUM_INTER = (F + 1) * F // 2

NC = 2
NS = 16
NW = NC * NS
BPW = N // NW


CH = 1024
NCH = BPW // CH
UNITS_PER_F = B // CH


def _sc_gather(table, idx):
    mesh = plsc.VectorSubcoreMesh(core_axis_name="c", subcore_axis_name="s")

    @functools.partial(
        pl.kernel,
        mesh=mesh,
        out_type=jax.ShapeDtypeStruct((F, B, D), jnp.float32),
        scratch_types=[
            pltpu.VMEM((BPW,), jnp.int32),
            pltpu.VMEM((CH, D), jnp.float32),
            pltpu.VMEM((CH, D), jnp.float32),
            pltpu.SemaphoreType.DMA,
            pltpu.SemaphoreType.DMA,
        ],
        compiler_params=pltpu.CompilerParams(use_tc_tiling_on_sc=False,
                                             needs_layout_passes=False),
    )
    def gather_k(table_hbm, idx_hbm, out_hbm, idx_v, big_a, big_b, sem_a, sem_b):
        wid = lax.axis_index("s") * NC + lax.axis_index("c")
        base_w = wid * BPW
        pltpu.sync_copy(idx_hbm.at[pl.ds(base_w, BPW)], idx_v)

        def start_gather(u, big, sem):
            pltpu.async_copy(table_hbm.at[idx_v.at[pl.ds(u * CH, CH)]], big, sem)

        def wait_gather(u, big, sem):
            pltpu.make_async_copy(table_hbm.at[idx_v.at[pl.ds(u * CH, CH)]], big, sem).wait()

        def write_out(u, big):
            unit = wid * NCH + u
            f = unit // UNITS_PER_F
            bc = unit % UNITS_PER_F
            pltpu.sync_copy(big, out_hbm.at[f, pl.ds(bc * CH, CH), :])

        start_gather(0, big_a, sem_a)

        def body(j, carry):
            u0 = 2 * j
            wait_gather(u0, big_a, sem_a)
            start_gather(u0 + 1, big_b, sem_b)
            write_out(u0, big_a)
            u1 = u0 + 1
            wait_gather(u1, big_b, sem_b)

            @pl.when(u1 + 1 < NCH)
            def _():
                start_gather(u1 + 1, big_a, sem_a)

            write_out(u1, big_b)
            return carry

        lax.fori_loop(0, NCH // 2, body, 0)
        wait_gather(NCH - 1, big_a, sem_a)
        write_out(NCH - 1, big_a)

    return gather_k(table, idx)


TB = 1024
_TI, _TJ = np.triu_indices(F + 1, k=1)


def _tc_body(dft_ref, s_ref, W0t, b0, W1t, b1, W2t, b2,
             oW0at, oW0bt, ob0, oW1t, ob1, oW2t, ob2, oW3t, ob3, out_ref):
    f32 = jnp.float32

    def mm(a, b):
        return jax.lax.dot_general(a, b, (((1,), (0,)), ((), ())),
                                   preferred_element_type=f32)

    x = jnp.maximum(mm(W0t[...], dft_ref[...]) + b0[...], 0.0)
    x = jnp.maximum(mm(W1t[...], x) + b1[...], 0.0)
    edt = jnp.maximum(mm(W2t[...], x) + b2[...], 0.0)

    st = jnp.transpose(s_ref[...], (0, 2, 1))
    cct = jnp.concatenate([edt[None], st], axis=0)
    blocks = []
    for g0 in range(0, NUM_INTER, 8):
        g8 = min(8, NUM_INTER - g0)
        a = jnp.concatenate([cct[_TI[p]][None] for p in range(g0, g0 + g8)], axis=0)
        b = jnp.concatenate([cct[_TJ[p]][None] for p in range(g0, g0 + g8)], axis=0)
        blocks.append(jnp.sum(a * b, axis=1))
    flat = jnp.concatenate(blocks, axis=0)

    y = jnp.maximum(mm(oW0at[...], edt) + mm(oW0bt[...], flat) + ob0[...], 0.0)
    y = jnp.maximum(mm(oW1t[...], y) + ob1[...], 0.0)
    y = jnp.maximum(mm(oW2t[...], y) + ob2[...], 0.0)
    out_ref[...] = mm(oW3t[...], y) + ob3[...]


def _full(shape):
    return pl.BlockSpec(shape, lambda i: (0,) * len(shape))


def _tc_call(dft, s3, dense_W0, dense_b0, dense_W1, dense_b1, dense_W2, dense_b2,
             over_W0, over_b0, over_W1, over_b1, over_W2, over_b2, over_W3, over_b3):
    oW0at = over_W0[:D].T
    oW0bt = over_W0[D:].T
    bc = lambda b: b.reshape(-1, 1)

    return pl.pallas_call(
        _tc_body,
        grid=(B // TB,),
        in_specs=[
            pl.BlockSpec((DENSE_IN, TB), lambda i: (0, i)),
            pl.BlockSpec((F, TB, D), lambda i: (0, i, 0)),
            _full((512, DENSE_IN)), _full((512, 1)),
            _full((256, 512)), _full((256, 1)),
            _full((D, 256)), _full((D, 1)),
            _full((512, D)), _full((512, NUM_INTER)), _full((512, 1)),
            _full((512, 512)), _full((512, 1)),
            _full((256, 512)), _full((256, 1)),
            _full((1, 256)), _full((1, 1)),
        ],
        out_specs=pl.BlockSpec((1, TB), lambda i: (0, i)),
        out_shape=jax.ShapeDtypeStruct((1, B), jnp.float32),
    )(dft, s3,
      dense_W0.T, bc(dense_b0), dense_W1.T, bc(dense_b1), dense_W2.T, bc(dense_b2),
      oW0at, oW0bt, bc(over_b0), over_W1.T, bc(over_b1), over_W2.T, bc(over_b2),
      over_W3.T, bc(over_b3))


def kernel(dense_features, values, offsets, emb_table,
           dense_W0, dense_b0, dense_W1, dense_b1, dense_W2, dense_b2,
           over_W0, over_b0, over_W1, over_b1, over_W2, over_b2, over_W3, over_b3):
    del offsets
    s3 = _sc_gather(emb_table, values)
    out = _tc_call(dense_features.T, s3,
                   dense_W0, dense_b0, dense_W1, dense_b1, dense_W2, dense_b2,
                   over_W0, over_b0, over_W1, over_b1, over_W2, over_b2,
                   over_W3, over_b3)
    return out.reshape(B, 1)

# --- scband reference (transcript-rebuilt; emitter-appended) ---
"""Pipeline reference for scband-hybrid-parallel-dlrm-18597208392063 (READ-ONLY COPY).

The authoritative reference and input builder live on the scoring server;
editing this copy changes nothing except your own understanding.
"""

import jax, jax.numpy as jnp
import numpy as np

B = 16384
F = 26
D = 32
TOTAL_ROWS = 26 * 100000
DENSE_IN = 13
NUM_INTER = (F + 1) * F // 2  # choose(F+1,2) = choose(F,2) + F = 351
OVER_IN = D + NUM_INTER  # 383


def setup_inputs(seed: int = 0) -> dict:
    key = jax.random.key(seed)
    ks = jax.random.split(key, 16)
    inp = {}
    inp["dense_features"] = jax.random.normal(ks[0], (B, DENSE_IN), dtype=jnp.float32)
    # feature-major flat indices into the concatenated embedding table (one index per bag)
    inp["values"] = jax.random.randint(ks[1], (F * B,), 0, TOTAL_ROWS, dtype=jnp.int32)
    # include_last_offset=True EmbeddingBag offsets; each bag has exactly one index
    inp["offsets"] = jnp.arange(F * B + 1, dtype=jnp.int32)
    inp["emb_table"] = jax.random.normal(ks[2], (TOTAL_ROWS, D), dtype=jnp.float32) * 0.01
    dense_sizes = [DENSE_IN, 512, 256, D]
    for i in range(3):
        inp[f"dense_W{i}"] = jax.random.normal(ks[3 + i], (dense_sizes[i], dense_sizes[i + 1]), dtype=jnp.float32) / np.sqrt(dense_sizes[i])
        inp[f"dense_b{i}"] = jnp.zeros((dense_sizes[i + 1],), dtype=jnp.float32)
    over_sizes = [OVER_IN, 512, 512, 256, 1]
    for i in range(4):
        inp[f"over_W{i}"] = jax.random.normal(ks[6 + i], (over_sizes[i], over_sizes[i + 1]), dtype=jnp.float32) / np.sqrt(over_sizes[i])
        inp[f"over_b{i}"] = jnp.zeros((over_sizes[i + 1],), dtype=jnp.float32)
    return inp


def reference(dense_features, values, offsets, emb_table,
              dense_W0, dense_b0, dense_W1, dense_b1, dense_W2, dense_b2,
              over_W0, over_b0, over_W1, over_b1, over_W2, over_b2, over_W3, over_b3):
    # --- FusedSparseModules: EmbeddingBag(mode='sum', include_last_offset=True) ---
    num_bags = offsets.shape[0] - 1
    lengths = offsets[1:] - offsets[:-1]
    seg = jnp.repeat(jnp.arange(num_bags), lengths, total_repeat_length=values.shape[0])
    gathered = jnp.take(emb_table, values, axis=0)
    pooled = jax.ops.segment_sum(gathered, seg, num_segments=num_bags)
    # sparse_embedding_shape_hook: view(F, B, -1).transpose(0, 1) -> (B, F, D)
    sparse = pooled.reshape(F, B, D).transpose(1, 0, 2)
    # --- DenseArch: MLP with ReLU after every layer ---
    x = jax.nn.relu(dense_features @ dense_W0 + dense_b0)
    x = jax.nn.relu(x @ dense_W1 + dense_b1)
    ed = jax.nn.relu(x @ dense_W2 + dense_b2)  # (B, D)
    # --- InteractionArch: pairwise dot products among [dense] + sparse embeddings ---
    combined = jnp.concatenate([ed[:, None, :], sparse], axis=1)  # (B, F+1, D)
    inter = jnp.einsum('bnd,bmd->bnm', combined, combined)  # (B, F+1, F+1)
    ti, tj = jnp.triu_indices(F + 1, k=1)
    flat = inter[:, ti, tj]  # (B, choose(F+1,2))
    cat = jnp.concatenate([ed, flat], axis=1)  # (B, D + 351)
    # --- OverArch: ReLU on all but the final linear ---
    y = jax.nn.relu(cat @ over_W0 + over_b0)
    y = jax.nn.relu(y @ over_W1 + over_b1)
    y = jax.nn.relu(y @ over_W2 + over_b2)
    logits = y @ over_W3 + over_b3  # (B, 1)
    return logits

if __name__ == "__main__":
    import jax
    _d = setup_inputs()
    print(jax.jit(kernel)(*tuple(_d.values())))

</pallas_src>

<mosaic_0001>
#map = affine_map<(d0, d1) -> (0, 0)>
#map1 = affine_map<(d0, d1) -> (0)>
#map2 = affine_map<(d0, d1) -> (0, 0, 0)>
module attributes {stable_mosaic.version = 14 : i64} {
  func.func @gather_k(%arg0: i32, %arg1: i32, %arg2: memref<2600000x32xf32, #tpu.memory_space<hbm>>, %arg3: memref<425984xi32, #tpu.memory_space<hbm>>, %arg4: memref<26x16384x32xf32, #tpu.memory_space<hbm>>, %arg5: memref<13312xi32, #tpu.memory_space<vmem>>, %arg6: memref<1024x32xf32, #tpu.memory_space<vmem>>, %arg7: memref<1024x32xf32, #tpu.memory_space<vmem>>, %arg8: memref<!tpu.dma_semaphore, #tpu.memory_space<semaphore_mem>>, %arg9: memref<!tpu.dma_semaphore, #tpu.memory_space<semaphore_mem>>) attributes {dimension_semantics = [#tpu.dimension_semantics<core_parallel>, #tpu.dimension_semantics<subcore_parallel>], iteration_bounds = array<i64: 2, 16>, scalar_prefetch = 0 : i64, scratch_operands = 5 : i64, tpu.core_type = #tpu.core_type<sc_vector_subcore>, window_params = [{transform_indices = #map}, {transform_indices = #map1}, {transform_indices = #map2}]} {
    %mul3A = arith.constant 2 : i32
    %mul3A_0 = arith.muli %arg1, %mul3A : i32
    %add3A = arith.addi %mul3A_0, %arg0 : i32
    %mul3A_1 = arith.constant 13312 : i32
    %mul3A_2 = arith.muli %add3A, %mul3A_1 : i32
    "tpu.region"() ({
      %run_scoped3A = tpu.sem_alloc : memref<!tpu.dma_semaphore, #tpu.memory_space<semaphore_mem>>
      %dma_start3A_52 = tpu.memref_slice %arg3[%mul3A_2] : memref<425984xi32, #tpu.memory_space<hbm>> -> memref<13312xi32, #tpu.memory_space<hbm>>
      %dma_start3A_53 = tpu.memref_slice %arg3[%mul3A_2] : memref<425984xi32, #tpu.memory_space<hbm>> -> memref<13312xi32, #tpu.memory_space<hbm>>
      tpu.enqueue_dma source(%dma_start3A_53 : memref<13312xi32, #tpu.memory_space<hbm>>) target(%arg5 : memref<13312xi32, #tpu.memory_space<vmem>>) target_semaphore(%run_scoped3A : memref<!tpu.dma_semaphore, #tpu.memory_space<semaphore_mem>>)
      %dma_wait3A_54 = tpu.memref_slice %arg3[%mul3A_2] : memref<425984xi32, #tpu.memory_space<hbm>> -> memref<13312xi32, #tpu.memory_space<hbm>>
      %dma_wait3A_55 = tpu.memref_slice %arg3[%mul3A_2] : memref<425984xi32, #tpu.memory_space<hbm>> -> memref<13312xi32, #tpu.memory_space<hbm>>
      tpu.wait_dma2 semaphore(%run_scoped3A : memref<!tpu.dma_semaphore, #tpu.memory_space<semaphore_mem>>) src(%dma_wait3A_55 : memref<13312xi32, #tpu.memory_space<hbm>>) dst(%arg5 : memref<13312xi32, #tpu.memory_space<vmem>>)
      tpu.yield
    }) : () -> ()
    %dma_start3A = arith.constant 0 : i32
    %dma_start3A_3 = tpu.memref_slice %arg5[%dma_start3A] : memref<13312xi32, #tpu.memory_space<vmem>> -> memref<1024xi32, #tpu.memory_space<vmem>>
    %dma_start3A_4 = arith.constant 0 : i32
    %dma_start3A_5 = arith.constant 0 : i32
    %dma_start3A_6 = tpu.memref_slice %arg2[%dma_start3A_4, %dma_start3A_5] : memref<2600000x32xf32, #tpu.memory_space<hbm>> -> memref<2600000x32xf32, #tpu.memory_space<hbm>>
    tpu.enqueue_indirect_dma source(%dma_start3A_6 : memref<2600000x32xf32, #tpu.memory_space<hbm>>) target(%arg6 : memref<1024x32xf32, #tpu.memory_space<vmem>>) offsets(%dma_start3A_3 : memref<1024xi32, #tpu.memory_space<vmem>>) semaphore(%arg8 : memref<!tpu.dma_semaphore, #tpu.memory_space<semaphore_mem>>)
    %scan3A = arith.constant 0 : i32
    %scan3A_7 = arith.constant 0 : i32
    %scan3A_8 = arith.constant 6 : i32
    %scan3A_9 = arith.addi %scan3A_7, %scan3A_8 : i32
    %scan3A_10 = arith.constant 1 : i32
    scf.for %scan3A_52 = %scan3A_7 to %scan3A_9 step %scan3A_10  : i32 {
      %mul3A_53 = arith.constant 2 : i32
      %mul3A_54 = arith.muli %mul3A_53, %scan3A_52 : i32
      %mul3A_55 = arith.constant 1024 : i32
      %mul3A_56 = arith.muli %mul3A_54, %mul3A_55 : i32
      %dma_wait3A_57 = tpu.memref_slice %arg5[%mul3A_56] : memref<13312xi32, #tpu.memory_space<vmem>> -> memref<1024xi32, #tpu.memory_space<vmem>>
      %dma_wait3A_58 = arith.constant 0 : i32
      %dma_wait3A_59 = arith.constant 0 : i32
      %dma_wait3A_60 = tpu.memref_slice %arg2[%dma_wait3A_58, %dma_wait3A_59] : memref<2600000x32xf32, #tpu.memory_space<hbm>> -> memref<2600000x32xf32, #tpu.memory_space<hbm>>
      tpu.wait_indirect_dma semaphore(%arg8 : memref<!tpu.dma_semaphore, #tpu.memory_space<semaphore_mem>>) src(%dma_wait3A_60 : memref<2600000x32xf32, #tpu.memory_space<hbm>>) dst(%arg6 : memref<1024x32xf32, #tpu.memory_space<vmem>>)
      %add3A_61 = arith.constant 1 : i32
      %add3A_62 = arith.addi %mul3A_54, %add3A_61 : i32
      %mul3A_63 = arith.constant 1024 : i32
      %mul3A_64 = arith.muli %add3A_62, %mul3A_63 : i32
      %dma_start3A_65 = tpu.memref_slice %arg5[%mul3A_64] : memref<13312xi32, #tpu.memory_space<vmem>> -> memref<1024xi32, #tpu.memory_space<vmem>>
      %dma_start3A_66 = arith.constant 0 : i32
      %dma_start3A_67 = arith.constant 0 : i32
      %dma_start3A_68 = tpu.memref_slice %arg2[%dma_start3A_66, %dma_start3A_67] : memref<2600000x32xf32, #tpu.memory_space<hbm>> -> memref<2600000x32xf32, #tpu.memory_space<hbm>>
      tpu.enqueue_indirect_dma source(%dma_start3A_68 : memref<2600000x32xf32, #tpu.memory_space<hbm>>) target(%arg7 : memref<1024x32xf32, #tpu.memory_space<vmem>>) offsets(%dma_start3A_65 : memref<1024xi32, #tpu.memory_space<vmem>>) semaphore(%arg9 : memref<!tpu.dma_semaphore, #tpu.memory_space<semaphore_mem>>)
      %mul3A_69 = arith.constant 13 : i32
      %mul3A_70 = arith.muli %add3A, %mul3A_69 : i32
      %add3A_71 = arith.addi %mul3A_70, %mul3A_54 : i32
      %jit3A_72 = arith.constant 16 : i32
      %div3A_73 = arith.divsi %add3A_71, %jit3A_72 : i32
      %sign3A_74 = arith.constant 0 : i32
      %sign3A_75 = arith.cmpi sgt, %add3A_71, %sign3A_74 : i32
      %sign3A_76 = arith.extui %sign3A_75 : i1 to i32
      %sign3A_77 = arith.constant 0 : i32
      %sign3A_78 = arith.cmpi slt, %add3A_71, %sign3A_77 : i32
      %sign3A_79 = arith.extui %sign3A_78 : i1 to i32
      %sign3A_80 = arith.subi %sign3A_76, %sign3A_79 : i32
      %sign3A_81 = arith.constant 0 : i32
      %sign3A_82 = arith.cmpi sgt, %jit3A_72, %sign3A_81 : i32
      %sign3A_83 = arith.extui %sign3A_82 : i1 to i32
      %sign3A_84 = arith.constant 0 : i32
      %sign3A_85 = arith.cmpi slt, %jit3A_72, %sign3A_84 : i32
      %sign3A_86 = arith.extui %sign3A_85 : i1 to i32
      %sign3A_87 = arith.subi %sign3A_83, %sign3A_86 : i32
      %ne3A_88 = arith.cmpi ne, %sign3A_80, %sign3A_87 : i32
      %rem3A_89 = arith.remsi %add3A_71, %jit3A_72 : i32
      %ne3A_90 = arith.constant 0 : i32
      %ne3A_91 = arith.cmpi ne, %rem3A_89, %ne3A_90 : i32
      %and3A_92 = arith.andi %ne3A_88, %ne3A_91 : i1
      %sub3A_93 = arith.constant 1 : i32
      %sub3A_94 = arith.subi %div3A_73, %sub3A_93 : i32
      %select_n3A_95 = arith.select %and3A_92, %sub3A_94, %div3A_73 : i32
      %jit3A_96 = arith.constant 16 : i32
      %eq3A_97 = arith.constant 0 : i32
      %eq3A_98 = arith.cmpi eq, %jit3A_96, %eq3A_97 : i32
      %jit3A_99 = arith.constant 1 : i32
      %select_n3A_100 = arith.select %eq3A_98, %jit3A_99, %jit3A_96 : i32
      %rem3A_101 = arith.remsi %add3A_71, %select_n3A_100 : i32
      %ne3A_102 = arith.constant 0 : i32
      %ne3A_103 = arith.cmpi ne, %rem3A_101, %ne3A_102 : i32
      %lt3A_104 = arith.constant 0 : i32
      %lt3A_105 = arith.cmpi slt, %rem3A_101, %lt3A_104 : i32
      %lt3A_106 = arith.constant 0 : i32
      %lt3A_107 = arith.cmpi slt, %select_n3A_100, %lt3A_106 : i32
      %ne3A_108 = arith.xori %lt3A_105, %lt3A_107 : i1
      %and3A_109 = arith.andi %ne3A_108, %ne3A_103 : i1
      %add3A_110 = arith.addi %rem3A_101, %select_n3A_100 : i32
      %select_n3A_111 = arith.select %and3A_109, %add3A_110, %rem3A_101 : i32
      %mul3A_112 = arith.constant 1024 : i32
      %mul3A_113 = arith.muli %select_n3A_111, %mul3A_112 : i32
      "tpu.region"() ({
        %run_scoped3A = tpu.sem_alloc : memref<!tpu.dma_semaphore, #tpu.memory_space<semaphore_mem>>
        %dma_start3A_172 = arith.constant 0 : i32
        %dma_start3A_173 = tpu.memref_slice %arg4[%select_n3A_95, %mul3A_113, %dma_start3A_172] : memref<26x16384x32xf32, #tpu.memory_space<hbm>> -> memref<1x1024x32xf32, #tpu.memory_space<hbm>>
        %dma_start3A_174 = tpu.memref_squeeze %dma_start3A_173 : memref<1x1024x32xf32, #tpu.memory_space<hbm>> -> memref<1024x32xf32, #tpu.memory_space<hbm>>
        %dma_start3A_175 = arith.constant 0 : i32
        %dma_start3A_176 = tpu.memref_slice %arg4[%select_n3A_95, %mul3A_113, %dma_start3A_175] : memref<26x16384x32xf32, #tpu.memory_space<hbm>> -> memref<1x1024x32xf32, #tpu.memory_space<hbm>>
        %dma_start3A_177 = tpu.memref_squeeze %dma_start3A_176 : memref<1x1024x32xf32, #tpu.memory_space<hbm>> -> memref<1024x32xf32, #tpu.memory_space<hbm>>
        tpu.enqueue_dma source(%arg6 : memref<1024x32xf32, #tpu.memory_space<vmem>>) target(%dma_start3A_177 : memref<1024x32xf32, #tpu.memory_space<hbm>>) target_semaphore(%run_scoped3A : memref<!tpu.dma_semaphore, #tpu.memory_space<semaphore_mem>>)
        %dma_wait3A_178 = arith.constant 0 : i32
        %dma_wait3A_179 = tpu.memref_slice %arg4[%select_n3A_95, %mul3A_113, %dma_wait3A_178] : memref<26x16384x32xf32, #tpu.memory_space<hbm>> -> memref<1x1024x32xf32, #tpu.memory_space<hbm>>
        %dma_wait3A_180 = tpu.memref_squeeze %dma_wait3A_179 : memref<1x1024x32xf32, #tpu.memory_space<hbm>> -> memref<1024x32xf32, #tpu.memory_space<hbm>>
        %dma_wait3A_181 = arith.constant 0 : i32
        %dma_wait3A_182 = tpu.memref_slice %arg4[%select_n3A_95, %mul3A_113, %dma_wait3A_181] : memref<26x16384x32xf32, #tpu.memory_space<hbm>> -> memref<1x1024x32xf32, #tpu.memory_space<hbm>>
        %dma_wait3A_183 = tpu.memref_squeeze %dma_wait3A_182 : memref<1x1024x32xf32, #tpu.memory_space<hbm>> -> memref<1024x32xf32, #tpu.memory_space<hbm>>
        tpu.wait_dma2 semaphore(%run_scoped3A : memref<!tpu.dma_semaphore, #tpu.memory_space<semaphore_mem>>) src(%arg6 : memref<1024x32xf32, #tpu.memory_space<vmem>>) dst(%dma_wait3A_183 : memref<1024x32xf32, #tpu.memory_space<hbm>>)
        tpu.yield
      }) : () -> ()
      %add3A_114 = arith.constant 1 : i32
      %add3A_115 = arith.addi %mul3A_54, %add3A_114 : i32
      %mul3A_116 = arith.constant 1024 : i32
      %mul3A_117 = arith.muli %add3A_115, %mul3A_116 : i32
      %dma_wait3A_118 = tpu.memref_slice %arg5[%mul3A_117] : memref<13312xi32, #tpu.memory_space<vmem>> -> memref<1024xi32, #tpu.memory_space<vmem>>
      %dma_wait3A_119 = arith.constant 0 : i32
      %dma_wait3A_120 = arith.constant 0 : i32
      %dma_wait3A_121 = tpu.memref_slice %arg2[%dma_wait3A_119, %dma_wait3A_120] : memref<2600000x32xf32, #tpu.memory_space<hbm>> -> memref<2600000x32xf32, #tpu.memory_space<hbm>>
      tpu.wait_indirect_dma semaphore(%arg9 : memref<!tpu.dma_semaphore, #tpu.memory_space<semaphore_mem>>) src(%dma_wait3A_121 : memref<2600000x32xf32, #tpu.memory_space<hbm>>) dst(%arg7 : memref<1024x32xf32, #tpu.memory_space<vmem>>)
      %add3A_122 = arith.constant 1 : i32
      %add3A_123 = arith.addi %add3A_115, %add3A_122 : i32
      %lt3A_124 = arith.constant 13 : i32
      %lt3A_125 = arith.cmpi slt, %add3A_123, %lt3A_124 : i32
      %convert_element_type3A = arith.extui %lt3A_125 : i1 to i32
      %cond3A = arith.constant 0 : i32
      %cond3A_126 = arith.cmpi ne, %convert_element_type3A, %cond3A : i32
      scf.if %cond3A_126 {
        %add3A_172 = arith.constant 1 : i32
        %add3A_173 = arith.addi %add3A_115, %add3A_172 : i32
        %mul3A_174 = arith.constant 1024 : i32
        %mul3A_175 = arith.muli %add3A_173, %mul3A_174 : i32
        %dma_start3A_176 = tpu.memref_slice %arg5[%mul3A_175] : memref<13312xi32, #tpu.memory_space<vmem>> -> memref<1024xi32, #tpu.memory_space<vmem>>
        %dma_start3A_177 = arith.constant 0 : i32
        %dma_start3A_178 = arith.constant 0 : i32
        %dma_start3A_179 = tpu.memref_slice %arg2[%dma_start3A_177, %dma_start3A_178] : memref<2600000x32xf32, #tpu.memory_space<hbm>> -> memref<2600000x32xf32, #tpu.memory_space<hbm>>
        tpu.enqueue_indirect_dma source(%dma_start3A_179 : memref<2600000x32xf32, #tpu.memory_space<hbm>>) target(%arg6 : memref<1024x32xf32, #tpu.memory_space<vmem>>) offsets(%dma_start3A_176 : memref<1024xi32, #tpu.memory_space<vmem>>) semaphore(%arg8 : memref<!tpu.dma_semaphore, #tpu.memory_space<semaphore_mem>>)
      } else {
      }
      %mul3A_127 = arith.constant 13 : i32
      %mul3A_128 = arith.muli %add3A, %mul3A_127 : i32
      %add3A_129 = arith.addi %mul3A_128, %add3A_115 : i32
      %jit3A_130 = arith.constant 16 : i32
      %div3A_131 = arith.divsi %add3A_129, %jit3A_130 : i32
      %sign3A_132 = arith.constant 0 : i32
      %sign3A_133 = arith.cmpi sgt, %add3A_129, %sign3A_132 : i32
      %sign3A_134 = arith.extui %sign3A_133 : i1 to i32
      %sign3A_135 = arith.constant 0 : i32
      %sign3A_136 = arith.cmpi slt, %add3A_129, %sign3A_135 : i32
      %sign3A_137 = arith.extui %sign3A_136 : i1 to i32
      %sign3A_138 = arith.subi %sign3A_134, %sign3A_137 : i32
      %sign3A_139 = arith.constant 0 : i32
      %sign3A_140 = arith.cmpi sgt, %jit3A_130, %sign3A_139 : i32
      %sign3A_141 = arith.extui %sign3A_140 : i1 to i32
      %sign3A_142 = arith.constant 0 : i32
      %sign3A_143 = arith.cmpi slt, %jit3A_130, %sign3A_142 : i32
      %sign3A_144 = arith.extui %sign3A_143 : i1 to i32
      %sign3A_145 = arith.subi %sign3A_141, %sign3A_144 : i32
      %ne3A_146 = arith.cmpi ne, %sign3A_138, %sign3A_145 : i32
      %rem3A_147 = arith.remsi %add3A_129, %jit3A_130 : i32
      %ne3A_148 = arith.constant 0 : i32
      %ne3A_149 = arith.cmpi ne, %rem3A_147, %ne3A_148 : i32
      %and3A_150 = arith.andi %ne3A_146, %ne3A_149 : i1
      %sub3A_151 = arith.constant 1 : i32
      %sub3A_152 = arith.subi %div3A_131, %sub3A_151 : i32
      %select_n3A_153 = arith.select %and3A_150, %sub3A_152, %div3A_131 : i32
      %jit3A_154 = arith.constant 16 : i32
      %eq3A_155 = arith.constant 0 : i32
      %eq3A_156 = arith.cmpi eq, %jit3A_154, %eq3A_155 : i32
      %jit3A_157 = arith.constant 1 : i32
      %select_n3A_158 = arith.select %eq3A_156, %jit3A_157, %jit3A_154 : i32
      %rem3A_159 = arith.remsi %add3A_129, %select_n3A_158 : i32
      %ne3A_160 = arith.constant 0 : i32
      %ne3A_161 = arith.cmpi ne, %rem3A_159, %ne3A_160 : i32
      %lt3A_162 = arith.constant 0 : i32
      %lt3A_163 = arith.cmpi slt, %rem3A_159, %lt3A_162 : i32
      %lt3A_164 = arith.constant 0 : i32
      %lt3A_165 = arith.cmpi slt, %select_n3A_158, %lt3A_164 : i32
      %ne3A_166 = arith.xori %lt3A_163, %lt3A_165 : i1
      %and3A_167 = arith.andi %ne3A_166, %ne3A_161 : i1
      %add3A_168 = arith.addi %rem3A_159, %select_n3A_158 : i32
      %select_n3A_169 = arith.select %and3A_167, %add3A_168, %rem3A_159 : i32
      %mul3A_170 = arith.constant 1024 : i32
      %mul3A_171 = arith.muli %select_n3A_169, %mul3A_170 : i32
      "tpu.region"() ({
        %run_scoped3A = tpu.sem_alloc : memref<!tpu.dma_semaphore, #tpu.memory_space<semaphore_mem>>
        %dma_start3A_172 = arith.constant 0 : i32
        %dma_start3A_173 = tpu.memref_slice %arg4[%select_n3A_153, %mul3A_171, %dma_start3A_172] : memref<26x16384x32xf32, #tpu.memory_space<hbm>> -> memref<1x1024x32xf32, #tpu.memory_space<hbm>>
        %dma_start3A_174 = tpu.memref_squeeze %dma_start3A_173 : memref<1x1024x32xf32, #tpu.memory_space<hbm>> -> memref<1024x32xf32, #tpu.memory_space<hbm>>
        %dma_start3A_175 = arith.constant 0 : i32
        %dma_start3A_176 = tpu.memref_slice %arg4[%select_n3A_153, %mul3A_171, %dma_start3A_175] : memref<26x16384x32xf32, #tpu.memory_space<hbm>> -> memref<1x1024x32xf32, #tpu.memory_space<hbm>>
        %dma_start3A_177 = tpu.memref_squeeze %dma_start3A_176 : memref<1x1024x32xf32, #tpu.memory_space<hbm>> -> memref<1024x32xf32, #tpu.memory_space<hbm>>
        tpu.enqueue_dma source(%arg7 : memref<1024x32xf32, #tpu.memory_space<vmem>>) target(%dma_start3A_177 : memref<1024x32xf32, #tpu.memory_space<hbm>>) target_semaphore(%run_scoped3A : memref<!tpu.dma_semaphore, #tpu.memory_space<semaphore_mem>>)
        %dma_wait3A_178 = arith.constant 0 : i32
        %dma_wait3A_179 = tpu.memref_slice %arg4[%select_n3A_153, %mul3A_171, %dma_wait3A_178] : memref<26x16384x32xf32, #tpu.memory_space<hbm>> -> memref<1x1024x32xf32, #tpu.memory_space<hbm>>
        %dma_wait3A_180 = tpu.memref_squeeze %dma_wait3A_179 : memref<1x1024x32xf32, #tpu.memory_space<hbm>> -> memref<1024x32xf32, #tpu.memory_space<hbm>>
        %dma_wait3A_181 = arith.constant 0 : i32
        %dma_wait3A_182 = tpu.memref_slice %arg4[%select_n3A_153, %mul3A_171, %dma_wait3A_181] : memref<26x16384x32xf32, #tpu.memory_space<hbm>> -> memref<1x1024x32xf32, #tpu.memory_space<hbm>>
        %dma_wait3A_183 = tpu.memref_squeeze %dma_wait3A_182 : memref<1x1024x32xf32, #tpu.memory_space<hbm>> -> memref<1024x32xf32, #tpu.memory_space<hbm>>
        tpu.wait_dma2 semaphore(%run_scoped3A : memref<!tpu.dma_semaphore, #tpu.memory_space<semaphore_mem>>) src(%arg7 : memref<1024x32xf32, #tpu.memory_space<vmem>>) dst(%dma_wait3A_183 : memref<1024x32xf32, #tpu.memory_space<hbm>>)
        tpu.yield
      }) : () -> ()
    }
    %scan3A_11 = arith.constant 6 : i32
    %dma_wait3A = arith.constant 12288 : i32
    %dma_wait3A_12 = tpu.memref_slice %arg5[%dma_wait3A] : memref<13312xi32, #tpu.memory_space<vmem>> -> memref<1024xi32, #tpu.memory_space<vmem>>
    %dma_wait3A_13 = arith.constant 0 : i32
    %dma_wait3A_14 = arith.constant 0 : i32
    %dma_wait3A_15 = tpu.memref_slice %arg2[%dma_wait3A_13, %dma_wait3A_14] : memref<2600000x32xf32, #tpu.memory_space<hbm>> -> memref<2600000x32xf32, #tpu.memory_space<hbm>>
    tpu.wait_indirect_dma semaphore(%arg8 : memref<!tpu.dma_semaphore, #tpu.memory_space<semaphore_mem>>) src(%dma_wait3A_15 : memref<2600000x32xf32, #tpu.memory_space<hbm>>) dst(%arg6 : memref<1024x32xf32, #tpu.memory_space<vmem>>)
    %mul3A_16 = arith.constant 13 : i32
    %mul3A_17 = arith.muli %add3A, %mul3A_16 : i32
    %add3A_18 = arith.constant 12 : i32
    %add3A_19 = arith.addi %mul3A_17, %add3A_18 : i32
    %jit3A = arith.constant 16 : i32
    %div3A = arith.divsi %add3A_19, %jit3A : i32
    %sign3A = arith.constant 0 : i32
    %sign3A_20 = arith.cmpi sgt, %add3A_19, %sign3A : i32
    %sign3A_21 = arith.extui %sign3A_20 : i1 to i32
    %sign3A_22 = arith.constant 0 : i32
    %sign3A_23 = arith.cmpi slt, %add3A_19, %sign3A_22 : i32
    %sign3A_24 = arith.extui %sign3A_23 : i1 to i32
    %sign3A_25 = arith.subi %sign3A_21, %sign3A_24 : i32
    %sign3A_26 = arith.constant 0 : i32
    %sign3A_27 = arith.cmpi sgt, %jit3A, %sign3A_26 : i32
    %sign3A_28 = arith.extui %sign3A_27 : i1 to i32
    %sign3A_29 = arith.constant 0 : i32
    %sign3A_30 = arith.cmpi slt, %jit3A, %sign3A_29 : i32
    %sign3A_31 = arith.extui %sign3A_30 : i1 to i32
    %sign3A_32 = arith.subi %sign3A_28, %sign3A_31 : i32
    %ne3A = arith.cmpi ne, %sign3A_25, %sign3A_32 : i32
    %rem3A = arith.remsi %add3A_19, %jit3A : i32
    %ne3A_33 = arith.constant 0 : i32
    %ne3A_34 = arith.cmpi ne, %rem3A, %ne3A_33 : i32
    %and3A = arith.andi %ne3A, %ne3A_34 : i1
    %sub3A = arith.constant 1 : i32
    %sub3A_35 = arith.subi %div3A, %sub3A : i32
    %select_n3A = arith.select %and3A, %sub3A_35, %div3A : i32
    %jit3A_36 = arith.constant 16 : i32
    %eq3A = arith.constant 0 : i32
    %eq3A_37 = arith.cmpi eq, %jit3A_36, %eq3A : i32
    %jit3A_38 = arith.constant 1 : i32
    %select_n3A_39 = arith.select %eq3A_37, %jit3A_38, %jit3A_36 : i32
    %rem3A_40 = arith.remsi %add3A_19, %select_n3A_39 : i32
    %ne3A_41 = arith.constant 0 : i32
    %ne3A_42 = arith.cmpi ne, %rem3A_40, %ne3A_41 : i32
    %lt3A = arith.constant 0 : i32
    %lt3A_43 = arith.cmpi slt, %rem3A_40, %lt3A : i32
    %lt3A_44 = arith.constant 0 : i32
    %lt3A_45 = arith.cmpi slt, %select_n3A_39, %lt3A_44 : i32
    %ne3A_46 = arith.xori %lt3A_43, %lt3A_45 : i1
    %and3A_47 = arith.andi %ne3A_46, %ne3A_42 : i1
    %add3A_48 = arith.addi %rem3A_40, %select_n3A_39 : i32
    %select_n3A_49 = arith.select %and3A_47, %add3A_48, %rem3A_40 : i32
    %mul3A_50 = arith.constant 1024 : i32
    %mul3A_51 = arith.muli %select_n3A_49, %mul3A_50 : i32
    "tpu.region"() ({
      %run_scoped3A = tpu.sem_alloc : memref<!tpu.dma_semaphore, #tpu.memory_space<semaphore_mem>>
      %dma_start3A_52 = arith.constant 0 : i32
      %dma_start3A_53 = tpu.memref_slice %arg4[%select_n3A, %mul3A_51, %dma_start3A_52] : memref<26x16384x32xf32, #tpu.memory_space<hbm>> -> memref<1x1024x32xf32, #tpu.memory_space<hbm>>
      %dma_start3A_54 = tpu.memref_squeeze %dma_start3A_53 : memref<1x1024x32xf32, #tpu.memory_space<hbm>> -> memref<1024x32xf32, #tpu.memory_space<hbm>>
      %dma_start3A_55 = arith.constant 0 : i32
      %dma_start3A_56 = tpu.memref_slice %arg4[%select_n3A, %mul3A_51, %dma_start3A_55] : memref<26x16384x32xf32, #tpu.memory_space<hbm>> -> memref<1x1024x32xf32, #tpu.memory_space<hbm>>
      %dma_start3A_57 = tpu.memref_squeeze %dma_start3A_56 : memref<1x1024x32xf32, #tpu.memory_space<hbm>> -> memref<1024x32xf32, #tpu.memory_space<hbm>>
      tpu.enqueue_dma source(%arg6 : memref<1024x32xf32, #tpu.memory_space<vmem>>) target(%dma_start3A_57 : memref<1024x32xf32, #tpu.memory_space<hbm>>) target_semaphore(%run_scoped3A : memref<!tpu.dma_semaphore, #tpu.memory_space<semaphore_mem>>)
      %dma_wait3A_58 = arith.constant 0 : i32
      %dma_wait3A_59 = tpu.memref_slice %arg4[%select_n3A, %mul3A_51, %dma_wait3A_58] : memref<26x16384x32xf32, #tpu.memory_space<hbm>> -> memref<1x1024x32xf32, #tpu.memory_space<hbm>>
      %dma_wait3A_60 = tpu.memref_squeeze %dma_wait3A_59 : memref<1x1024x32xf32, #tpu.memory_space<hbm>> -> memref<1024x32xf32, #tpu.memory_space<hbm>>
      %dma_wait3A_61 = arith.constant 0 : i32
      %dma_wait3A_62 = tpu.memref_slice %arg4[%select_n3A, %mul3A_51, %dma_wait3A_61] : memref<26x16384x32xf32, #tpu.memory_space<hbm>> -> memref<1x1024x32xf32, #tpu.memory_space<hbm>>
      %dma_wait3A_63 = tpu.memref_squeeze %dma_wait3A_62 : memref<1x1024x32xf32, #tpu.memory_space<hbm>> -> memref<1024x32xf32, #tpu.memory_space<hbm>>
      tpu.wait_dma2 semaphore(%run_scoped3A : memref<!tpu.dma_semaphore, #tpu.memory_space<semaphore_mem>>) src(%arg6 : memref<1024x32xf32, #tpu.memory_space<vmem>>) dst(%dma_wait3A_63 : memref<1024x32xf32, #tpu.memory_space<hbm>>)
      tpu.yield
    }) : () -> ()
    return
  }
}

module attributes {stable_mosaic.version = 14 : i64} {
  func.func @_tc_body(%arg0: i32, %arg1: memref<13x1024xf32, #tpu.memory_space<vmem>>, %arg2: memref<26x1024x32xf32, #tpu.memory_space<vmem>>, %arg3: memref<512x13xf32, #tpu.memory_space<vmem>>, %arg4: memref<512x1xf32, #tpu.memory_space<vmem>>, %arg5: memref<256x512xf32, #tpu.memory_space<vmem>>, %arg6: memref<256x1xf32, #tpu.memory_space<vmem>>, %arg7: memref<32x256xf32, #tpu.memory_space<vmem>>, %arg8: memref<32x1xf32, #tpu.memory_space<vmem>>, %arg9: memref<512x32xf32, #tpu.memory_space<vmem>>, %arg10: memref<512x351xf32, #tpu.memory_space<vmem>>, %arg11: memref<512x1xf32, #tpu.memory_space<vmem>>, %arg12: memref<512x512xf32, #tpu.memory_space<vmem>>, %arg13: memref<512x1xf32, #tpu.memory_space<vmem>>, %arg14: memref<256x512xf32, #tpu.memory_space<vmem>>, %arg15: memref<256x1xf32, #tpu.memory_space<vmem>>, %arg16: memref<1x256xf32, #tpu.memory_space<vmem>>, %arg17: memref<1x1xf32, #tpu.memory_space<vmem>>, %arg18: memref<1x1024xf32, #tpu.memory_space<vmem>>) attributes {dimension_semantics = [#tpu.dimension_semantics<arbitrary>], iteration_bounds = array<i64: 16>, scalar_prefetch = 0 : i64, scratch_operands = 0 : i64, tpu.core_type = #tpu.core_type<tc>, window_params = [{transform_indices = @transform_0, window_bounds = array<i64: 13, 1024>}, {transform_indices = @transform_1, window_bounds = array<i64: 26, 1024, 32>}, {pipeline_mode = #tpu.pipeline_mode<synchronous>, transform_indices = @transform_2, window_bounds = array<i64: 512, 13>}, {pipeline_mode = #tpu.pipeline_mode<synchronous>, transform_indices = @transform_3, window_bounds = array<i64: 512, 1>}, {pipeline_mode = #tpu.pipeline_mode<synchronous>, transform_indices = @transform_4, window_bounds = array<i64: 256, 512>}, {pipeline_mode = #tpu.pipeline_mode<synchronous>, transform_indices = @transform_5, window_bounds = array<i64: 256, 1>}, {pipeline_mode = #tpu.pipeline_mode<synchronous>, transform_indices = @transform_6, window_bounds = array<i64: 32, 256>}, {pipeline_mode = #tpu.pipeline_mode<synchronous>, transform_indices = @transform_7, window_bounds = array<i64: 32, 1>}, {pipeline_mode = #tpu.pipeline_mode<synchronous>, transform_indices = @transform_8, window_bounds = array<i64: 512, 32>}, {pipeline_mode = #tpu.pipeline_mode<synchronous>, transform_indices = @transform_9, window_bounds = array<i64: 512, 351>}, {pipeline_mode = #tpu.pipeline_mode<synchronous>, transform_indices = @transform_10, window_bounds = array<i64: 512, 1>}, {pipeline_mode = #tpu.pipeline_mode<synchronous>, transform_indices = @transform_11, window_bounds = array<i64: 512, 512>}, {pipeline_mode = #tpu.pipeline_mode<synchronous>, transform_indices = @transform_12, window_bounds = array<i64: 512, 1>}, {pipeline_mode = #tpu.pipeline_mode<synchronous>, transform_indices = @transform_13, window_bounds = array<i64: 256, 512>}, {pipeline_mode = #tpu.pipeline_mode<synchronous>, transform_indices = @transform_14, window_bounds = array<i64: 256, 1>}, {pipeline_mode = #tpu.pipeline_mode<synchronous>, transform_indices = @transform_15, window_bounds = array<i64: 1, 256>}, {pipeline_mode = #tpu.pipeline_mode<synchronous>, transform_indices = @transform_16, window_bounds = array<i64: 1, 1>}, {transform_indices = @transform_17, window_bounds = array<i64: 1, 1024>}]} {
    %get3A = arith.constant 0 : index
    %get3A_0 = arith.constant 0 : index
    %get3A_1 = vector.load %arg3[%get3A, %get3A_0] : memref<512x13xf32, #tpu.memory_space<vmem>>, vector<512x13xf32>
    %get3A_2 = arith.constant 0 : index
    %get3A_3 = arith.constant 0 : index
    %get3A_4 = vector.load %arg1[%get3A_2, %get3A_3] : memref<13x1024xf32, #tpu.memory_space<vmem>>, vector<13x1024xf32>
    %dot_general3A = arith.constant dense<0.000000e+00> : vector<512x1024xf32>
    %dot_general3A_5 = tpu.matmul %get3A_1, %get3A_4, %dot_general3A {dimension_numbers = #tpu.dot_dimension_numbers<[1], [0], [0], [1], [0, 0, 1, 1], [], []>, transpose_lhs_hint = false} : vector<512x13xf32>, vector<13x1024xf32>, vector<512x1024xf32> -> vector<512x1024xf32>
    %get3A_6 = arith.constant 0 : index
    %get3A_7 = arith.constant 0 : index
    %get3A_8 = vector.load %arg4[%get3A_6, %get3A_7] : memref<512x1xf32, #tpu.memory_space<vmem>>, vector<512x1xf32>
    %add3A = vector.broadcast %get3A_8 : vector<512x1xf32> to vector<512x1024xf32>
    %add3A_9 = arith.addf %dot_general3A_5, %add3A : vector<512x1024xf32>
    %max3A = arith.constant 0.000000e+00 : f32
    %max3A_10 = vector.broadcast %max3A : f32 to vector<512x1024xf32>
    %max3A_11 = arith.maximumf %add3A_9, %max3A_10 : vector<512x1024xf32>
    %get3A_12 = arith.constant 0 : index
    %get3A_13 = arith.constant 0 : index
    %get3A_14 = vector.load %arg5[%get3A_12, %get3A_13] : memref<256x512xf32, #tpu.memory_space<vmem>>, vector<256x512xf32>
    %dot_general3A_15 = arith.constant dense<0.000000e+00> : vector<256x1024xf32>
    %dot_general3A_16 = tpu.matmul %get3A_14, %max3A_11, %dot_general3A_15 {dimension_numbers = #tpu.dot_dimension_numbers<[1], [0], [0], [1], [0, 0, 1, 1], [], []>, transpose_lhs_hint = false} : vector<256x512xf32>, vector<512x1024xf32>, vector<256x1024xf32> -> vector<256x1024xf32>
    %get3A_17 = arith.constant 0 : index
    %get3A_18 = arith.constant 0 : index
    %get3A_19 = vector.load %arg6[%get3A_17, %get3A_18] : memref<256x1xf32, #tpu.memory_space<vmem>>, vector<256x1xf32>
    %add3A_20 = vector.broadcast %get3A_19 : vector<256x1xf32> to vector<256x1024xf32>
    %add3A_21 = arith.addf %dot_general3A_16, %add3A_20 : vector<256x1024xf32>
    %max3A_22 = arith.constant 0.000000e+00 : f32
    %max3A_23 = vector.broadcast %max3A_22 : f32 to vector<256x1024xf32>
    %max3A_24 = arith.maximumf %add3A_21, %max3A_23 : vector<256x1024xf32>
    %get3A_25 = arith.constant 0 : index
    %get3A_26 = arith.constant 0 : index
    %get3A_27 = vector.load %arg7[%get3A_25, %get3A_26] : memref<32x256xf32, #tpu.memory_space<vmem>>, vector<32x256xf32>
    %dot_general3A_28 = arith.constant dense<0.000000e+00> : vector<32x1024xf32>
    %dot_general3A_29 = tpu.matmul %get3A_27, %max3A_24, %dot_general3A_28 {dimension_numbers = #tpu.dot_dimension_numbers<[1], [0], [0], [1], [0, 0, 1, 1], [], []>, transpose_lhs_hint = false} : vector<32x256xf32>, vector<256x1024xf32>, vector<32x1024xf32> -> vector<32x1024xf32>
    %get3A_30 = arith.constant 0 : index
    %get3A_31 = arith.constant 0 : index
    %get3A_32 = vector.load %arg8[%get3A_30, %get3A_31] : memref<32x1xf32, #tpu.memory_space<vmem>>, vector<32x1xf32>
    %add3A_33 = vector.broadcast %get3A_32 : vector<32x1xf32> to vector<32x1024xf32>
    %add3A_34 = arith.addf %dot_general3A_29, %add3A_33 : vector<32x1024xf32>
    %max3A_35 = arith.constant 0.000000e+00 : f32
    %max3A_36 = vector.broadcast %max3A_35 : f32 to vector<32x1024xf32>
    %max3A_37 = arith.maximumf %add3A_34, %max3A_36 : vector<32x1024xf32>
    %get3A_38 = arith.constant 0 : index
    %get3A_39 = arith.constant 0 : index
    %get3A_40 = arith.constant 0 : index
    %get3A_41 = vector.load %arg2[%get3A_38, %get3A_39, %get3A_40] : memref<26x1024x32xf32, #tpu.memory_space<vmem>>, vector<26x1024x32xf32>
    %transpose3A = tpu.transpose %get3A_41, [0, 2, 1] : vector<26x1024x32xf32> -> vector<26x32x1024xf32>
    %broadcast_in_dim3A = vector.shape_cast %max3A_37 : vector<32x1024xf32> to vector<1x32x1024xf32>
    %concatenate3A = tpu.concatenate %broadcast_in_dim3A, %transpose3A in 0 : vector<1x32x1024xf32>, vector<26x32x1024xf32> -> vector<27x32x1024xf32>
    %slice3A = vector.extract_strided_slice %concatenate3A {offsets = [0, 0, 0], sizes = [1, 32, 1024], strides = [1, 1, 1]} : vector<27x32x1024xf32> to vector<1x32x1024xf32>
    %squeeze3A = vector.shape_cast %slice3A : vector<1x32x1024xf32> to vector<32x1024xf32>
    %broadcast_in_dim3A_42 = vector.shape_cast %squeeze3A : vector<32x1024xf32> to vector<1x32x1024xf32>
    %slice3A_43 = vector.extract_strided_slice %concatenate3A {offsets = [0, 0, 0], sizes = [1, 32, 1024], strides = [1, 1, 1]} : vector<27x32x1024xf32> to vector<1x32x1024xf32>
    %squeeze3A_44 = vector.shape_cast %slice3A_43 : vector<1x32x1024xf32> to vector<32x1024xf32>
    %broadcast_in_dim3A_45 = vector.shape_cast %squeeze3A_44 : vector<32x1024xf32> to vector<1x32x1024xf32>
    %slice3A_46 = vector.extract_strided_slice %concatenate3A {offsets = [0, 0, 0], sizes = [1, 32, 1024], strides = [1, 1, 1]} : vector<27x32x1024xf32> to vector<1x32x1024xf32>
    %squeeze3A_47 = vector.shape_cast %slice3A_46 : vector<1x32x1024xf32> to vector<32x1024xf32>
    %broadcast_in_dim3A_48 = vector.shape_cast %squeeze3A_47 : vector<32x1024xf32> to vector<1x32x1024xf32>
    %slice3A_49 = vector.extract_strided_slice %concatenate3A {offsets = [0, 0, 0], sizes = [1, 32, 1024], strides = [1, 1, 1]} : vector<27x32x1024xf32> to vector<1x32x1024xf32>
    %squeeze3A_50 = vector.shape_cast %slice3A_49 : vector<1x32x1024xf32> to vector<32x1024xf32>
    %broadcast_in_dim3A_51 = vector.shape_cast %squeeze3A_50 : vector<32x1024xf32> to vector<1x32x1024xf32>
    %slice3A_52 = vector.extract_strided_slice %concatenate3A {offsets = [0, 0, 0], sizes = [1, 32, 1024], strides = [1, 1, 1]} : vector<27x32x1024xf32> to vector<1x32x1024xf32>
    %squeeze3A_53 = vector.shape_cast %slice3A_52 : vector<1x32x1024xf32> to vector<32x1024xf32>
    %broadcast_in_dim3A_54 = vector.shape_cast %squeeze3A_53 : vector<32x1024xf32> to vector<1x32x1024xf32>
    %slice3A_55 = vector.extract_strided_slice %concatenate3A {offsets = [0, 0, 0], sizes = [1, 32, 1024], strides = [1, 1, 1]} : vector<27x32x1024xf32> to vector<1x32x1024xf32>
    %squeeze3A_56 = vector.shape_cast %slice3A_55 : vector<1x32x1024xf32> to vector<32x1024xf32>
    %broadcast_in_dim3A_57 = vector.shape_cast %squeeze3A_56 : vector<32x1024xf32> to vector<1x32x1024xf32>
    %slice3A_58 = vector.extract_strided_slice %concatenate3A {offsets = [0, 0, 0], sizes = [1, 32, 1024], strides = [1, 1, 1]} : vector<27x32x1024xf32> to vector<1x32x1024xf32>
    %squeeze3A_59 = vector.shape_cast %slice3A_58 : vector<1x32x1024xf32> to vector<32x1024xf32>
    %broadcast_in_dim3A_60 = vector.shape_cast %squeeze3A_59 : vector<32x1024xf32> to vector<1x32x1024xf32>
    %slice3A_61 = vector.extract_strided_slice %concatenate3A {offsets = [0, 0, 0], sizes = [1, 32, 1024], strides = [1, 1, 1]} : vector<27x32x1024xf32> to vector<1x32x1024xf32>
    %squeeze3A_62 = vector.shape_cast %slice3A_61 : vector<1x32x1024xf32> to vector<32x1024xf32>
    %broadcast_in_dim3A_63 = vector.shape_cast %squeeze3A_62 : vector<32x1024xf32> to vector<1x32x1024xf32>
    %concatenate3A_64 = tpu.concatenate %broadcast_in_dim3A_42, %broadcast_in_dim3A_45, %broadcast_in_dim3A_48, %broadcast_in_dim3A_51, %broadcast_in_dim3A_54, %broadcast_in_dim3A_57, %broadcast_in_dim3A_60, %broadcast_in_dim3A_63 in 0 : vector<1x32x1024xf32>, vector<1x32x1024xf32>, vector<1x32x1024xf32>, vector<1x32x1024xf32>, vector<1x32x1024xf32>, vector<1x32x1024xf32>, vector<1x32x1024xf32>, vector<1x32x1024xf32> -> vector<8x32x1024xf32>
    %slice3A_65 = vector.extract_strided_slice %concatenate3A {offsets = [1, 0, 0], sizes = [1, 32, 1024], strides = [1, 1, 1]} : vector<27x32x1024xf32> to vector<1x32x1024xf32>
    %squeeze3A_66 = vector.shape_cast %slice3A_65 : vector<1x32x1024xf32> to vector<32x1024xf32>
    %broadcast_in_dim3A_67 = vector.shape_cast %squeeze3A_66 : vector<32x1024xf32> to vector<1x32x1024xf32>
    %slice3A_68 = vector.extract_strided_slice %concatenate3A {offsets = [2, 0, 0], sizes = [1, 32, 1024], strides = [1, 1, 1]} : vector<27x32x1024xf32> to vector<1x32x1024xf32>
    %squeeze3A_69 = vector.shape_cast %slice3A_68 : vector<1x32x1024xf32> to vector<32x1024xf32>
    %broadcast_in_dim3A_70 = vector.shape_cast %squeeze3A_69 : vector<32x1024xf32> to vector<1x32x1024xf32>
    %slice3A_71 = vector.extract_strided_slice %concatenate3A {offsets = [3, 0, 0], sizes = [1, 32, 1024], strides = [1, 1, 1]} : vector<27x32x1024xf32> to vector<1x32x1024xf32>
    %squeeze3A_72 = vector.shape_cast %slice3A_71 : vector<1x32x1024xf32> to vector<32x1024xf32>
    %broadcast_in_dim3A_73 = vector.shape_cast %squeeze3A_72 : vector<32x1024xf32> to vector<1x32x1024xf32>
    %slice3A_74 = vector.extract_strided_slice %concatenate3A {offsets = [4, 0, 0], sizes = [1, 32, 1024], strides = [1, 1, 1]} : vector<27x32x1024xf32> to vector<1x32x1024xf32>
    %squeeze3A_75 = vector.shape_cast %slice3A_74 : vector<1x32x1024xf32> to vector<32x1024xf32>
    %broadcast_in_dim3A_76 = vector.shape_cast %squeeze3A_75 : vector<32x1024xf32> to vector<1x32x1024xf32>
    %slice3A_77 = vector.extract_strided_slice %concatenate3A {offsets = [5, 0, 0], sizes = [1, 32, 1024], strides = [1, 1, 1]} : vector<27x32x1024xf32> to vector<1x32x1024xf32>
    %squeeze3A_78 = vector.shape_cast %slice3A_77 : vector<1x32x1024xf32> to vector<32x1024xf32>
    %broadcast_in_dim3A_79 = vector.shape_cast %squeeze3A_78 : vector<32x1024xf32> to vector<1x32x1024xf32>
    %slice3A_80 = vector.extract_strided_slice %concatenate3A {offsets = [6, 0, 0], sizes = [1, 32, 1024], strides = [1, 1, 1]} : vector<27x32x1024xf32> to vector<1x32x1024xf32>
    %squeeze3A_81 = vector.shape_cast %slice3A_80 : vector<1x32x1024xf32> to vector<32x1024xf32>
    %broadcast_in_dim3A_82 = vector.shape_cast %squeeze3A_81 : vector<32x1024xf32> to vector<1x32x1024xf32>
    %slice3A_83 = vector.extract_strided_slice %concatenate3A {offsets = [7, 0, 0], sizes = [1, 32, 1024], strides = [1, 1, 1]} : vector<27x32x1024xf32> to vector<1x32x1024xf32>
    %squeeze3A_84 = vector.shape_cast %slice3A_83 : vector<1x32x1024xf32> to vector<32x1024xf32>
    %broadcast_in_dim3A_85 = vector.shape_cast %squeeze3A_84 : vector<32x1024xf32> to vector<1x32x1024xf32>
    %slice3A_86 = vector.extract_strided_slice %concatenate3A {offsets = [8, 0, 0], sizes = [1, 32, 1024], strides = [1, 1, 1]} : vector<27x32x1024xf32> to vector<1x32x1024xf32>
    %squeeze3A_87 = vector.shape_cast %slice3A_86 : vector<1x32x1024xf32> to vector<32x1024xf32>
    %broadcast_in_dim3A_88 = vector.shape_cast %squeeze3A_87 : vector<32x1024xf32> to vector<1x32x1024xf32>
    %concatenate3A_89 = tpu.concatenate %broadcast_in_dim3A_67, %broadcast_in_dim3A_70, %broadcast_in_dim3A_73, %broadcast_in_dim3A_76, %broadcast_in_dim3A_79, %broadcast_in_dim3A_82, %broadcast_in_dim3A_85, %broadcast_in_dim3A_88 in 0 : vector<1x32x1024xf32>, vector<1x32x1024xf32>, vector<1x32x1024xf32>, vector<1x32x1024xf32>, vector<1x32x1024xf32>, vector<1x32x1024xf32>, vector<1x32x1024xf32>, vector<1x32x1024xf32> -> vector<8x32x1024xf32>
    %mul3A = arith.mulf %concatenate3A_64, %concatenate3A_89 : vector<8x32x1024xf32>
    %reduce_sum3A = arith.constant dense<0.000000e+00> : vector<8x1024xf32>
    %reduce_sum3A_90 = vector.multi_reduction <add>, %mul3A, %reduce_sum3A [1] : vector<8x32x1024xf32> to vector<8x1024xf32>
    %slice3A_91 = vector.extract_strided_slice %concatenate3A {offsets = [0, 0, 0], sizes = [1, 32, 1024], strides = [1, 1, 1]} : vector<27x32x1024xf32> to vector<1x32x1024xf32>
    %squeeze3A_92 = vector.shape_cast %slice3A_91 : vector<1x32x1024xf32> to vector<32x1024xf32>
    %broadcast_in_dim3A_93 = vector.shape_cast %squeeze3A_92 : vector<32x1024xf32> to vector<1x32x1024xf32>
    %slice3A_94 = vector.extract_strided_slice %concatenate3A {offsets = [0, 0, 0], sizes = [1, 32, 1024], strides = [1, 1, 1]} : vector<27x32x1024xf32> to vector<1x32x1024xf32>
    %squeeze3A_95 = vector.shape_cast %slice3A_94 : vector<1x32x1024xf32> to vector<32x1024xf32>
    %broadcast_in_dim3A_96 = vector.shape_cast %squeeze3A_95 : vector<32x1024xf32> to vector<1x32x1024xf32>
    %slice3A_97 = vector.extract_strided_slice %concatenate3A {offsets = [0, 0, 0], sizes = [1, 32, 1024], strides = [1, 1, 1]} : vector<27x32x1024xf32> to vector<1x32x1024xf32>
    %squeeze3A_98 = vector.shape_cast %slice3A_97 : vector<1x32x1024xf32> to vector<32x1024xf32>
    %broadcast_in_dim3A_99 = vector.shape_cast %squeeze3A_98 : vector<32x1024xf32> to vector<1x32x1024xf32>
    %slice3A_100 = vector.extract_strided_slice %concatenate3A {offsets = [0, 0, 0], sizes = [1, 32, 1024], strides = [1, 1, 1]} : vector<27x32x1024xf32> to vector<1x32x1024xf32>
    %squeeze3A_101 = vector.shape_cast %slice3A_100 : vector<1x32x1024xf32> to vector<32x1024xf32>
    %broadcast_in_dim3A_102 = vector.shape_cast %squeeze3A_101 : vector<32x1024xf32> to vector<1x32x1024xf32>
    %slice3A_103 = vector.extract_strided_slice %concatenate3A {offsets = [0, 0, 0], sizes = [1, 32, 1024], strides = [1, 1, 1]} : vector<27x32x1024xf32> to vector<1x32x1024xf32>
    %squeeze3A_104 = vector.shape_cast %slice3A_103 : vector<1x32x1024xf32> to vector<32x1024xf32>
    %broadcast_in_dim3A_105 = vector.shape_cast %squeeze3A_104 : vector<32x1024xf32> to vector<1x32x1024xf32>
    %slice3A_106 = vector.extract_strided_slice %concatenate3A {offsets = [0, 0, 0], sizes = [1, 32, 1024], strides = [1, 1, 1]} : vector<27x32x1024xf32> to vector<1x32x1024xf32>
    %squeeze3A_107 = vector.shape_cast %slice3A_106 : vector<1x32x1024xf32> to vector<32x1024xf32>
    %broadcast_in_dim3A_108 = vector.shape_cast %squeeze3A_107 : vector<32x1024xf32> to vector<1x32x1024xf32>
    %slice3A_109 = vector.extract_strided_slice %concatenate3A {offsets = [0, 0, 0], sizes = [1, 32, 1024], strides = [1, 1, 1]} : vector<27x32x1024xf32> to vector<1x32x1024xf32>
    %squeeze3A_110 = vector.shape_cast %slice3A_109 : vector<1x32x1024xf32> to vector<32x1024xf32>
    %broadcast_in_dim3A_111 = vector.shape_cast %squeeze3A_110 : vector<32x1024xf32> to vector<1x32x1024xf32>
    %slice3A_112 = vector.extract_strided_slice %concatenate3A {offsets = [0, 0, 0], sizes = [1, 32, 1024], strides = [1, 1, 1]} : vector<27x32x1024xf32> to vector<1x32x1024xf32>
    %squeeze3A_113 = vector.shape_cast %slice3A_112 : vector<1x32x1024xf32> to vector<32x1024xf32>
    %broadcast_in_dim3A_114 = vector.shape_cast %squeeze3A_113 : vector<32x1024xf32> to vector<1x32x1024xf32>
    %concatenate3A_115 = tpu.concatenate %broadcast_in_dim3A_93, %broadcast_in_dim3A_96, %broadcast_in_dim3A_99, %broadcast_in_dim3A_102, %broadcast_in_dim3A_105, %broadcast_in_dim3A_108, %broadcast_in_dim3A_111, %broadcast_in_dim3A_114 in 0 : vector<1x32x1024xf32>, vector<1x32x1024xf32>, vector<1x32x1024xf32>, vector<1x32x1024xf32>, vector<1x32x1024xf32>, vector<1x32x1024xf32>, vector<1x32x1024xf32>, vector<1x32x1024xf32> -> vector<8x32x1024xf32>
    %slice3A_116 = vector.extract_strided_slice %concatenate3A {offsets = [9, 0, 0], sizes = [1, 32, 1024], strides = [1, 1, 1]} : vector<27x32x1024xf32> to vector<1x32x1024xf32>
    %squeeze3A_117 = vector.shape_cast %slice3A_116 : vector<1x32x1024xf32> to vector<32x1024xf32>
    %broadcast_in_dim3A_118 = vector.shape_cast %squeeze3A_117 : vector<32x1024xf32> to vector<1x32x1024xf32>
    %slice3A_119 = vector.extract_strided_slice %concatenate3A {offsets = [10, 0, 0], sizes = [1, 32, 1024], strides = [1, 1, 1]} : vector<27x32x1024xf32> to vector<1x32x1024xf32>
    %squeeze3A_120 = vector.shape_cast %slice3A_119 : vector<1x32x1024xf32> to vector<32x1024xf32>
    %broadcast_in_dim3A_121 = vector.shape_cast %squeeze3A_120 : vector<32x1024xf32> to vector<1x32x1024xf32>
    %slice3A_122 = vector.extract_strided_slice %concatenate3A {offsets = [11, 0, 0], sizes = [1, 32, 1024], strides = [1, 1, 1]} : vector<27x32x1024xf32> to vector<1x32x1024xf32>
    %squeeze3A_123 = vector.shape_cast %slice3A_122 : vector<1x32x1024xf32> to vector<32x1024xf32>
    %broadcast_in_dim3A_124 = vector.shape_cast %squeeze3A_123 : vector<32x1024xf32> to vector<1x32x1024xf32>
    %slice3A_125 = vector.extract_strided_slice %concatenate3A {offsets = [12, 0, 0], sizes = [1, 32, 1024], strides = [1, 1, 1]} : vector<27x32x1024xf32> to vector<1x32x1024xf32>
    %squeeze3A_126 = vector.shape_cast %slice3A_125 : vector<1x32x1024xf32> to vector<32x1024xf32>
    %broadcast_in_dim3A_127 = vector.shape_cast %squeeze3A_126 : vector<32x1024xf32> to vector<1x32x1024xf32>
    %slice3A_128 = vector.extract_strided_slice %concatenate3A {offsets = [13, 0, 0], sizes = [1, 32, 1024], strides = [1, 1, 1]} : vector<27x32x1024xf32> to vector<1x32x1024xf32>
    %squeeze3A_129 = vector.shape_cast %slice3A_128 : vector<1x32x1024xf32> to vector<32x1024xf32>
    %broadcast_in_dim3A_130 = vector.shape_cast %squeeze3A_129 : vector<32x1024xf32> to vector<1x32x1024xf32>
    %slice3A_131 = vector.extract_strided_slice %concatenate3A {offsets = [14, 0, 0], sizes = [1, 32, 1024], strides = [1, 1, 1]} : vector<27x32x1024xf32> to vector<1x32x1024xf32>
    %squeeze3A_132 = vector.shape_cast %slice3A_131 : vector<1x32x1024xf32> to vector<32x1024xf32>
    %broadcast_in_dim3A_133 = vector.shape_cast %squeeze3A_132 : vector<32x1024xf32> to vector<1x32x1024xf32>
    %slice3A_134 = vector.extract_strided_slice %concatenate3A {offsets = [15, 0, 0], sizes = [1, 32, 1024], strides = [1, 1, 1]} : vector<27x32x1024xf32> to vector<1x32x1024xf32>
    %squeeze3A_135 = vector.shape_cast %slice3A_134 : vector<1x32x1024xf32> to vector<32x1024xf32>
    %broadcast_in_dim3A_136 = vector.shape_cast %squeeze3A_135 : vector<32x1024xf32> to vector<1x32x1024xf32>
    %slice3A_137 = vector.extract_strided_slice %concatenate3A {offsets = [16, 0, 0], sizes = [1, 32, 1024], strides = [1, 1, 1]} : vector<27x32x1024xf32> to vector<1x32x1024xf32>
    %squeeze3A_138 = vector.shape_cast %slice3A_137 : vector<1x32x1024xf32> to vector<32x1024xf32>
    %broadcast_in_dim3A_139 = vector.shape_cast %squeeze3A_138 : vector<32x1024xf32> to vector<1x32x1024xf32>
    %concatenate3A_140 = tpu.concatenate %broadcast_in_dim3A_118, %broadcast_in_dim3A_121, %broadcast_in_dim3A_124, %broadcast_in_dim3A_127, %broadcast_in_dim3A_130, %broadcast_in_dim3A_133, %broadcast_in_dim3A_136, %broadcast_in_dim3A_139 in 0 : vector<1x32x1024xf32>, vector<1x32x1024xf32>, vector<1x32x1024xf32>, vector<1x32x1024xf32>, vector<1x32x1024xf32>, vector<1x32x1024xf32>, vector<1x32x1024xf32>, vector<1x32x1024xf32> -> vector<8x32x1024xf32>
    %mul3A_141 = arith.mulf %concatenate3A_115, %concatenate3A_140 : vector<8x32x1024xf32>
    %reduce_sum3A_142 = arith.constant dense<0.000000e+00> : vector<8x1024xf32>
    %reduce_sum3A_143 = vector.multi_reduction <add>, %mul3A_141, %reduce_sum3A_142 [1] : vector<8x32x1024xf32> to vector<8x1024xf32>
    %slice3A_144 = vector.extract_strided_slice %concatenate3A {offsets = [0, 0, 0], sizes = [1, 32, 1024], strides = [1, 1, 1]} : vector<27x32x1024xf32> to vector<1x32x1024xf32>
    %squeeze3A_145 = vector.shape_cast %slice3A_144 : vector<1x32x1024xf32> to vector<32x1024xf32>
    %broadcast_in_dim3A_146 = vector.shape_cast %squeeze3A_145 : vector<32x1024xf32> to vector<1x32x1024xf32>
    %slice3A_147 = vector.extract_strided_slice %concatenate3A {offsets = [0, 0, 0], sizes = [1, 32, 1024], strides = [1, 1, 1]} : vector<27x32x1024xf32> to vector<1x32x1024xf32>
    %squeeze3A_148 = vector.shape_cast %slice3A_147 : vector<1x32x1024xf32> to vector<32x1024xf32>
    %broadcast_in_dim3A_149 = vector.shape_cast %squeeze3A_148 : vector<32x1024xf32> to vector<1x32x1024xf32>
    %slice3A_150 = vector.extract_strided_slice %concatenate3A {offsets = [0, 0, 0], sizes = [1, 32, 1024], strides = [1, 1, 1]} : vector<27x32x1024xf32> to vector<1x32x1024xf32>
    %squeeze3A_151 = vector.shape_cast %slice3A_150 : vector<1x32x1024xf32> to vector<32x1024xf32>
    %broadcast_in_dim3A_152 = vector.shape_cast %squeeze3A_151 : vector<32x1024xf32> to vector<1x32x1024xf32>
    %slice3A_153 = vector.extract_strided_slice %concatenate3A {offsets = [0, 0, 0], sizes = [1, 32, 1024], strides = [1, 1, 1]} : vector<27x32x1024xf32> to vector<1x32x1024xf32>
    %squeeze3A_154 = vector.shape_cast %slice3A_153 : vector<1x32x1024xf32> to vector<32x1024xf32>
    %broadcast_in_dim3A_155 = vector.shape_cast %squeeze3A_154 : vector<32x1024xf32> to vector<1x32x1024xf32>
    %slice3A_156 = vector.extract_strided_slice %concatenate3A {offsets = [0, 0, 0], sizes = [1, 32, 1024], strides = [1, 1, 1]} : vector<27x32x1024xf32> to vector<1x32x1024xf32>
    %squeeze3A_157 = vector.shape_cast %slice3A_156 : vector<1x32x1024xf32> to vector<32x1024xf32>
    %broadcast_in_dim3A_158 = vector.shape_cast %squeeze3A_157 : vector<32x1024xf32> to vector<1x32x1024xf32>
    %slice3A_159 = vector.extract_strided_slice %concatenate3A {offsets = [0, 0, 0], sizes = [1, 32, 1024], strides = [1, 1, 1]} : vector<27x32x1024xf32> to vector<1x32x1024xf32>
    %squeeze3A_160 = vector.shape_cast %slice3A_159 : vector<1x32x1024xf32> to vector<32x1024xf32>
    %broadcast_in_dim3A_161 = vector.shape_cast %squeeze3A_160 : vector<32x1024xf32> to vector<1x32x1024xf32>
    %slice3A_162 = vector.extract_strided_slice %concatenate3A {offsets = [0, 0, 0], sizes = [1, 32, 1024], strides = [1, 1, 1]} : vector<27x32x1024xf32> to vector<1x32x1024xf32>
    %squeeze3A_163 = vector.shape_cast %slice3A_162 : vector<1x32x1024xf32> to vector<32x1024xf32>
    %broadcast_in_dim3A_164 = vector.shape_cast %squeeze3A_163 : vector<32x1024xf32> to vector<1x32x1024xf32>
    %slice3A_165 = vector.extract_strided_slice %concatenate3A {offsets = [0, 0, 0], sizes = [1, 32, 1024], strides = [1, 1, 1]} : vector<27x32x1024xf32> to vector<1x32x1024xf32>
    %squeeze3A_166 = vector.shape_cast %slice3A_165 : vector<1x32x1024xf32> to vector<32x1024xf32>
    %broadcast_in_dim3A_167 = vector.shape_cast %squeeze3A_166 : vector<32x1024xf32> to vector<1x32x1024xf32>
    %concatenate3A_168 = tpu.concatenate %broadcast_in_dim3A_146, %broadcast_in_dim3A_149, %broadcast_in_dim3A_152, %broadcast_in_dim3A_155, %broadcast_in_dim3A_158, %broadcast_in_dim3A_161, %broadcast_in_dim3A_164, %broadcast_in_dim3A_167 in 0 : vector<1x32x1024xf32>, vector<1x32x1024xf32>, vector<1x32x1024xf32>, vector<1x32x1024xf32>, vector<1x32x1024xf32>, vector<1x32x1024xf32>, vector<1x32x1024xf32>, vector<1x32x1024xf32> -> vector<8x32x1024xf32>
    %slice3A_169 = vector.extract_strided_slice %concatenate3A {offsets = [17, 0, 0], sizes = [1, 32, 1024], strides = [1, 1, 1]} : vector<27x32x1024xf32> to vector<1x32x1024xf32>
    %squeeze3A_170 = vector.shape_cast %slice3A_169 : vector<1x32x1024xf32> to vector<32x1024xf32>
    %broadcast_in_dim3A_171 = vector.shape_cast %squeeze3A_170 : vector<32x1024xf32> to vector<1x32x1024xf32>
    %slice3A_172 = vector.extract_strided_slice %concatenate3A {offsets = [18, 0, 0], sizes = [1, 32, 1024], strides = [1, 1, 1]} : vector<27x32x1024xf32> to vector<1x32x1024xf32>
    %squeeze3A_173 = vector.shape_cast %slice3A_172 : vector<1x32x1024xf32> to vector<32x1024xf32>
    %broadcast_in_dim3A_174 = vector.shape_cast %squeeze3A_173 : vector<32x1024xf32> to vector<1x32x1024xf32>
    %slice3A_175 = vector.extract_strided_slice %concatenate3A {offsets = [19, 0, 0], sizes = [1, 32, 1024], strides = [1, 1, 1]} : vector<27x32x1024xf32> to vector<1x32x1024xf32>
    %squeeze3A_176 = vector.shape_cast %slice3A_175 : vector<1x32x1024xf32> to vector<32x1024xf32>
    %broadcast_in_dim3A_177 = vector.shape_cast %squeeze3A_176 : vector<32x1024xf32> to vector<1x32x1024xf32>
    %slice3A_178 = vector.extract_strided_slice %concatenate3A {offsets = [20, 0, 0], sizes = [1, 32, 1024], strides = [1, 1, 1]} : vector<27x32x1024xf32> to vector<1x32x1024xf32>
    %squeeze3A_179 = vector.shape_cast %slice3A_178 : vector<1x32x1024xf32> to vector<32x1024xf32>
    %broadcast_in_dim3A_180 = vector.shape_cast %squeeze3A_179 : vector<32x1024xf32> to vector<1x32x1024xf32>
    %slice3A_181 = vector.extract_strided_slice %concatenate3A {offsets = [21, 0, 0], sizes = [1, 32, 1024], strides = [1, 1, 1]} : vector<27x32x1024xf32> to vector<1x32x1024xf32>
    %squeeze3A_182 = vector.shape_cast %slice3A_181 : vector<1x32x1024xf32> to vector<32x1024xf32>
    %broadcast_in_dim3A_183 = vector.shape_cast %squeeze3A_182 : vector<32x1024xf32> to vector<1x32x1024xf32>
    %slice3A_184 = vector.extract_strided_slice %concatenate3A {offsets = [22, 0, 0], sizes = [1, 32, 1024], strides = [1, 1, 1]} : vector<27x32x1024xf32> to vector<1x32x1024xf32>
    %squeeze3A_185 = vector.shape_cast %slice3A_184 : vector<1x32x1024xf32> to vector<32x1024xf32>
    %broadcast_in_dim3A_186 = vector.shape_cast %squeeze3A_185 : vector<32x1024xf32> to vector<1x32x1024xf32>
    %slice3A_187 = vector.extract_strided_slice %concatenate3A {offsets = [23, 0, 0], sizes = [1, 32, 1024], strides = [1, 1, 1]} : vector<27x32x1024xf32> to vector<1x32x1024xf32>
    %squeeze3A_188 = vector.shape_cast %slice3A_187 : vector<1x32x1024xf32> to vector<32x1024xf32>
    %broadcast_in_dim3A_189 = vector.shape_cast %squeeze3A_188 : vector<32x1024xf32> to vector<1x32x1024xf32>
    %slice3A_190 = vector.extract_strided_slice %concatenate3A {offsets = [24, 0, 0], sizes = [1, 32, 1024], strides = [1, 1, 1]} : vector<27x32x1024xf32> to vector<1x32x1024xf32>
    %squeeze3A_191 = vector.shape_cast %slice3A_190 : vector<1x32x1024xf32> to vector<32x1024xf32>
    %broadcast_in_dim3A_192 = vector.shape_cast %squeeze3A_191 : vector<32x1024xf32> to vector<1x32x1024xf32>
    %concatenate3A_193 = tpu.concatenate %broadcast_in_dim3A_171, %broadcast_in_dim3A_174, %broadcast_in_dim3A_177, %broadcast_in_dim3A_180, %broadcast_in_dim3A_183, %broadcast_in_dim3A_186, %broadcast_in_dim3A_189, %broadcast_in_dim3A_192 in 0 : vector<1x32x1024xf32>, vector<1x32x1024xf32>, vector<1x32x1024xf32>, vector<1x32x1024xf32>, vector<1x32x1024xf32>, vector<1x32x1024xf32>, vector<1x32x1024xf32>, vector<1x32x1024xf32> -> vector<8x32x1024xf32>
    %mul3A_194 = arith.mulf %concatenate3A_168, %concatenate3A_193 : vector<8x32x1024xf32>
    %reduce_sum3A_195 = arith.constant dense<0.000000e+00> : vector<8x1024xf32>
    %reduce_sum3A_196 = vector.multi_reduction <add>, %mul3A_194, %reduce_sum3A_195 [1] : vector<8x32x1024xf32> to vector<8x1024xf32>
    %slice3A_197 = vector.extract_strided_slice %concatenate3A {offsets = [0, 0, 0], sizes = [1, 32, 1024], strides = [1, 1, 1]} : vector<27x32x1024xf32> to vector<1x32x1024xf32>
    %squeeze3A_198 = vector.shape_cast %slice3A_197 : vector<1x32x1024xf32> to vector<32x1024xf32>
    %broadcast_in_dim3A_199 = vector.shape_cast %squeeze3A_198 : vector<32x1024xf32> to vector<1x32x1024xf32>
    %slice3A_200 = vector.extract_strided_slice %concatenate3A {offsets = [0, 0, 0], sizes = [1, 32, 1024], strides = [1, 1, 1]} : vector<27x32x1024xf32> to vector<1x32x1024xf32>
    %squeeze3A_201 = vector.shape_cast %slice3A_200 : vector<1x32x1024xf32> to vector<32x1024xf32>
    %broadcast_in_dim3A_202 = vector.shape_cast %squeeze3A_201 : vector<32x1024xf32> to vector<1x32x1024xf32>
    %slice3A_203 = vector.extract_strided_slice %concatenate3A {offsets = [1, 0, 0], sizes = [1, 32, 1024], strides = [1, 1, 1]} : vector<27x32x1024xf32> to vector<1x32x1024xf32>
    %squeeze3A_204 = vector.shape_cast %slice3A_203 : vector<1x32x1024xf32> to vector<32x1024xf32>
    %broadcast_in_dim3A_205 = vector.shape_cast %squeeze3A_204 : vector<32x1024xf32> to vector<1x32x1024xf32>
    %slice3A_206 = vector.extract_strided_slice %concatenate3A {offsets = [1, 0, 0], sizes = [1, 32, 1024], strides = [1, 1, 1]} : vector<27x32x1024xf32> to vector<1x32x1024xf32>
    %squeeze3A_207 = vector.shape_cast %slice3A_206 : vector<1x32x1024xf32> to vector<32x1024xf32>
    %broadcast_in_dim3A_208 = vector.shape_cast %squeeze3A_207 : vector<32x1024xf32> to vector<1x32x1024xf32>
    %slice3A_209 = vector.extract_strided_slice %concatenate3A {offsets = [1, 0, 0], sizes = [1, 32, 1024], strides = [1, 1, 1]} : vector<27x32x1024xf32> to vector<1x32x1024xf32>
    %squeeze3A_210 = vector.shape_cast %slice3A_209 : vector<1x32x1024xf32> to vector<32x1024xf32>
    %broadcast_in_dim3A_211 = vector.shape_cast %squeeze3A_210 : vector<32x1024xf32> to vector<1x32x1024xf32>
    %slice3A_212 = vector.extract_strided_slice %concatenate3A {offsets = [1, 0, 0], sizes = [1, 32, 1024], strides = [1, 1, 1]} : vector<27x32x1024xf32> to vector<1x32x1024xf32>
    %squeeze3A_213 = vector.shape_cast %slice3A_212 : vector<1x32x1024xf32> to vector<32x1024xf32>
    %broadcast_in_dim3A_214 = vector.shape_cast %squeeze3A_213 : vector<32x1024xf32> to vector<1x32x1024xf32>
    %slice3A_215 = vector.extract_strided_slice %concatenate3A {offsets = [1, 0, 0], sizes = [1, 32, 1024], strides = [1, 1, 1]} : vector<27x32x1024xf32> to vector<1x32x1024xf32>
    %squeeze3A_216 = vector.shape_cast %slice3A_215 : vector<1x32x1024xf32> to vector<32x1024xf32>
    %broadcast_in_dim3A_217 = vector.shape_cast %squeeze3A_216 : vector<32x1024xf32> to vector<1x32x1024xf32>
    %slice3A_218 = vector.extract_strided_slice %concatenate3A {offsets = [1, 0, 0], sizes = [1, 32, 1024], strides = [1, 1, 1]} : vector<27x32x1024xf32> to vector<1x32x1024xf32>
    %squeeze3A_219 = vector.shape_cast %slice3A_218 : vector<1x32x1024xf32> to vector<32x1024xf32>
    %broadcast_in_dim3A_220 = vector.shape_cast %squeeze3A_219 : vector<32x1024xf32> to vector<1x32x1024xf32>
    %concatenate3A_221 = tpu.concatenate %broadcast_in_dim3A_199, %broadcast_in_dim3A_202, %broadcast_in_dim3A_205, %broadcast_in_dim3A_208, %broadcast_in_dim3A_211, %broadcast_in_dim3A_214, %broadcast_in_dim3A_217, %broadcast_in_dim3A_220 in 0 : vector<1x32x1024xf32>, vector<1x32x1024xf32>, vector<1x32x1024xf32>, vector<1x32x1024xf32>, vector<1x32x1024xf32>, vector<1x32x1024xf32>, vector<1x32x1024xf32>, vector<1x32x1024xf32> -> vector<8x32x1024xf32>
    %slice3A_222 = vector.extract_strided_slice %concatenate3A {offsets = [25, 0, 0], sizes = [1, 32, 1024], strides = [1, 1, 1]} : vector<27x32x1024xf32> to vector<1x32x1024xf32>
    %squeeze3A_223 = vector.shape_cast %slice3A_222 : vector<1x32x1024xf32> to vector<32x1024xf32>
    %broadcast_in_dim3A_224 = vector.shape_cast %squeeze3A_223 : vector<32x1024xf32> to vector<1x32x1024xf32>
    %slice3A_225 = vector.extract_strided_slice %concatenate3A {offsets = [26, 0, 0], sizes = [1, 32, 1024], strides = [1, 1, 1]} : vector<27x32x1024xf32> to vector<1x32x1024xf32>
    %squeeze3A_226 = vector.shape_cast %slice3A_225 : vector<1x32x1024xf32> to vector<32x1024xf32>
    %broadcast_in_dim3A_227 = vector.shape_cast %squeeze3A_226 : vector<32x1024xf32> to vector<1x32x1024xf32>
    %slice3A_228 = vector.extract_strided_slice %concatenate3A {offsets = [2, 0, 0], sizes = [1, 32, 1024], strides = [1, 1, 1]} : vector<27x32x1024xf32> to vector<1x32x1024xf32>
    %squeeze3A_229 = vector.shape_cast %slice3A_228 : vector<1x32x1024xf32> to vector<32x1024xf32>
    %broadcast_in_dim3A_230 = vector.shape_cast %squeeze3A_229 : vector<32x1024xf32> to vector<1x32x1024xf32>
    %slice3A_231 = vector.extract_strided_slice %concatenate3A {offsets = [3, 0, 0], sizes = [1, 32, 1024], strides = [1, 1, 1]} : vector<27x32x1024xf32> to vector<1x32x1024xf32>
    %squeeze3A_232 = vector.shape_cast %slice3A_231 : vector<1x32x1024xf32> to vector<32x1024xf32>
    %broadcast_in_dim3A_233 = vector.shape_cast %squeeze3A_232 : vector<32x1024xf32> to vector<1x32x1024xf32>
    %slice3A_234 = vector.extract_strided_slice %concatenate3A {offsets = [4, 0, 0], sizes = [1, 32, 1024], strides = [1, 1, 1]} : vector<27x32x1024xf32> to vector<1x32x1024xf32>
    %squeeze3A_235 = vector.shape_cast %slice3A_234 : vector<1x32x1024xf32> to vector<32x1024xf32>
    %broadcast_in_dim3A_236 = vector.shape_cast %squeeze3A_235 : vector<32x1024xf32> to vector<1x32x1024xf32>
    %slice3A_237 = vector.extract_strided_slice %concatenate3A {offsets = [5, 0, 0], sizes = [1, 32, 1024], strides = [1, 1, 1]} : vector<27x32x1024xf32> to vector<1x32x1024xf32>
    %squeeze3A_238 = vector.shape_cast %slice3A_237 : vector<1x32x1024xf32> to vector<32x1024xf32>
    %broadcast_in_dim3A_239 = vector.shape_cast %squeeze3A_238 : vector<32x1024xf32> to vector<1x32x1024xf32>
    %slice3A_240 = vector.extract_strided_slice %concatenate3A {offsets = [6, 0, 0], sizes = [1, 32, 1024], strides = [1, 1, 1]} : vector<27x32x1024xf32> to vector<1x32x1024xf32>
    %squeeze3A_241 = vector.shape_cast %slice3A_240 : vector<1x32x1024xf32> to vector<32x1024xf32>
    %broadcast_in_dim3A_242 = vector.shape_cast %squeeze3A_241 : vector<32x1024xf32> to vector<1x32x1024xf32>
    %slice3A_243 = vector.extract_strided_slice %concatenate3A {offsets = [7, 0, 0], sizes = [1, 32, 1024], strides = [1, 1, 1]} : vector<27x32x1024xf32> to vector<1x32x1024xf32>
    %squeeze3A_244 = vector.shape_cast %slice3A_243 : vector<1x32x1024xf32> to vector<32x1024xf32>
    %broadcast_in_dim3A_245 = vector.shape_cast %squeeze3A_244 : vector<32x1024xf32> to vector<1x32x1024xf32>
    %concatenate3A_246 = tpu.concatenate %broadcast_in_dim3A_224, %broadcast_in_dim3A_227, %broadcast_in_dim3A_230, %broadcast_in_dim3A_233, %broadcast_in_dim3A_236, %broadcast_in_dim3A_239, %broadcast_in_dim3A_242, %broadcast_in_dim3A_245 in 0 : vector<1x32x1024xf32>, vector<1x32x1024xf32>, vector<1x32x1024xf32>, vector<1x32x1024xf32>, vector<1x32x1024xf32>, vector<1x32x1024xf32>, vector<1x32x1024xf32>, vector<1x32x1024xf32> -> vector<8x32x1024xf32>
    %mul3A_247 = arith.mulf %concatenate3A_221, %concatenate3A_246 : vector<8x32x1024xf32>
    %reduce_sum3A_248 = arith.constant dense<0.000000e+00> : vector<8x1024xf32>
    %reduce_sum3A_249 = vector.multi_reduction <add>, %mul3A_247, %reduce_sum3A_248 [1] : vector<8x32x1024xf32> to vector<8x1024xf32>
    %slice3A_250 = vector.extract_strided_slice %concatenate3A {offsets = [1, 0, 0], sizes = [1, 32, 1024], strides = [1, 1, 1]} : vector<27x32x1024xf32> to vector<1x32x1024xf32>
    %squeeze3A_251 = vector.shape_cast %slice3A_250 : vector<1x32x1024xf32> to vector<32x1024xf32>
    %broadcast_in_dim3A_252 = vector.shape_cast %squeeze3A_251 : vector<32x1024xf32> to vector<1x32x1024xf32>
    %slice3A_253 = vector.extract_strided_slice %concatenate3A {offsets = [1, 0, 0], sizes = [1, 32, 1024], strides = [1, 1, 1]} : vector<27x32x1024xf32> to vector<1x32x1024xf32>
    %squeeze3A_254 = vector.shape_cast %slice3A_253 : vector<1x32x1024xf32> to vector<32x1024xf32>
    %broadcast_in_dim3A_255 = vector.shape_cast %squeeze3A_254 : vector<32x1024xf32> to vector<1x32x1024xf32>
    %slice3A_256 = vector.extract_strided_slice %concatenate3A {offsets = [1, 0, 0], sizes = [1, 32, 1024], strides = [1, 1, 1]} : vector<27x32x1024xf32> to vector<1x32x1024xf32>
    %squeeze3A_257 = vector.shape_cast %slice3A_256 : vector<1x32x1024xf32> to vector<32x1024xf32>
    %broadcast_in_dim3A_258 = vector.shape_cast %squeeze3A_257 : vector<32x1024xf32> to vector<1x32x1024xf32>
    %slice3A_259 = vector.extract_strided_slice %concatenate3A {offsets = [1, 0, 0], sizes = [1, 32, 1024], strides = [1, 1, 1]} : vector<27x32x1024xf32> to vector<1x32x1024xf32>
    %squeeze3A_260 = vector.shape_cast %slice3A_259 : vector<1x32x1024xf32> to vector<32x1024xf32>
    %broadcast_in_dim3A_261 = vector.shape_cast %squeeze3A_260 : vector<32x1024xf32> to vector<1x32x1024xf32>
    %slice3A_262 = vector.extract_strided_slice %concatenate3A {offsets = [1, 0, 0], sizes = [1, 32, 1024], strides = [1, 1, 1]} : vector<27x32x1024xf32> to vector<1x32x1024xf32>
    %squeeze3A_263 = vector.shape_cast %slice3A_262 : vector<1x32x1024xf32> to vector<32x1024xf32>
    %broadcast_in_dim3A_264 = vector.shape_cast %squeeze3A_263 : vector<32x1024xf32> to vector<1x32x1024xf32>
    %slice3A_265 = vector.extract_strided_slice %concatenate3A {offsets = [1, 0, 0], sizes = [1, 32, 1024], strides = [1, 1, 1]} : vector<27x32x1024xf32> to vector<1x32x1024xf32>
    %squeeze3A_266 = vector.shape_cast %slice3A_265 : vector<1x32x1024xf32> to vector<32x1024xf32>
    %broadcast_in_dim3A_267 = vector.shape_cast %squeeze3A_266 : vector<32x1024xf32> to vector<1x32x1024xf32>
    %slice3A_268 = vector.extract_strided_slice %concatenate3A {offsets = [1, 0, 0], sizes = [1, 32, 1024], strides = [1, 1, 1]} : vector<27x32x1024xf32> to vector<1x32x1024xf32>
    %squeeze3A_269 = vector.shape_cast %slice3A_268 : vector<1x32x1024xf32> to vector<32x1024xf32>
    %broadcast_in_dim3A_270 = vector.shape_cast %squeeze3A_269 : vector<32x1024xf32> to vector<1x32x1024xf32>
    %slice3A_271 = vector.extract_strided_slice %concatenate3A {offsets = [1, 0, 0], sizes = [1, 32, 1024], strides = [1, 1, 1]} : vector<27x32x1024xf32> to vector<1x32x1024xf32>
    %squeeze3A_272 = vector.shape_cast %slice3A_271 : vector<1x32x1024xf32> to vector<32x1024xf32>
    %broadcast_in_dim3A_273 = vector.shape_cast %squeeze3A_272 : vector<32x1024xf32> to vector<1x32x1024xf32>
    %concatenate3A_274 = tpu.concatenate %broadcast_in_dim3A_252, %broadcast_in_dim3A_255, %broadcast_in_dim3A_258, %broadcast_in_dim3A_261, %broadcast_in_dim3A_264, %broadcast_in_dim3A_267, %broadcast_in_dim3A_270, %broadcast_in_dim3A_273 in 0 : vector<1x32x1024xf32>, vector<1x32x1024xf32>, vector<1x32x1024xf32>, vector<1x32x1024xf32>, vector<1x32x1024xf32>, vector<1x32x1024xf32>, vector<1x32x1024xf32>, vector<1x32x1024xf32> -> vector<8x32x1024xf32>
    %slice3A_275 = vector.extract_strided_slice %concatenate3A {offsets = [8, 0, 0], sizes = [1, 32, 1024], strides = [1, 1, 1]} : vector<27x32x1024xf32> to vector<1x32x1024xf32>
    %squeeze3A_276 = vector.shape_cast %slice3A_275 : vector<1x32x1024xf32> to vector<32x1024xf32>
    %broadcast_in_dim3A_277 = vector.shape_cast %squeeze3A_276 : vector<32x1024xf32> to vector<1x32x1024xf32>
    %slice3A_278 = vector.extract_strided_slice %concatenate3A {offsets = [9, 0, 0], sizes = [1, 32, 1024], strides = [1, 1, 1]} : vector<27x32x1024xf32> to vector<1x32x1024xf32>
    %squeeze3A_279 = vector.shape_cast %slice3A_278 : vector<1x32x1024xf32> to vector<32x1024xf32>
    %broadcast_in_dim3A_280 = vector.shape_cast %squeeze3A_279 : vector<32x1024xf32> to vector<1x32x1024xf32>
    %slice3A_281 = vector.extract_strided_slice %concatenate3A {offsets = [10, 0, 0], sizes = [1, 32, 1024], strides = [1, 1, 1]} : vector<27x32x1024xf32> to vector<1x32x1024xf32>
    %squeeze3A_282 = vector.shape_cast %slice3A_281 : vector<1x32x1024xf32> to vector<32x1024xf32>
    %broadcast_in_dim3A_283 = vector.shape_cast %squeeze3A_282 : vector<32x1024xf32> to vector<1x32x1024xf32>
    %slice3A_284 = vector.extract_strided_slice %concatenate3A {offsets = [11, 0, 0], sizes = [1, 32, 1024], strides = [1, 1, 1]} : vector<27x32x1024xf32> to vector<1x32x1024xf32>
    %squeeze3A_285 = vector.shape_cast %slice3A_284 : vector<1x32x1024xf32> to vector<32x1024xf32>
    %broadcast_in_dim3A_286 = vector.shape_cast %squeeze3A_285 : vector<32x1024xf32> to vector<1x32x1024xf32>
    %slice3A_287 = vector.extract_strided_slice %concatenate3A {offsets = [12, 0, 0], sizes = [1, 32, 1024], strides = [1, 1, 1]} : vector<27x32x1024xf32> to vector<1x32x1024xf32>
    %squeeze3A_288 = vector.shape_cast %slice3A_287 : vector<1x32x1024xf32> to vector<32x1024xf32>
    %broadcast_in_dim3A_289 = vector.shape_cast %squeeze3A_288 : vector<32x1024xf32> to vector<1x32x1024xf32>
    %slice3A_290 = vector.extract_strided_slice %concatenate3A {offsets = [13, 0, 0], sizes = [1, 32, 1024], strides = [1, 1, 1]} : vector<27x32x1024xf32> to vector<1x32x1024xf32>
    %squeeze3A_291 = vector.shape_cast %slice3A_290 : vector<1x32x1024xf32> to vector<32x1024xf32>
    %broadcast_in_dim3A_292 = vector.shape_cast %squeeze3A_291 : vector<32x1024xf32> to vector<1x32x1024xf32>
    %slice3A_293 = vector.extract_strided_slice %concatenate3A {offsets = [14, 0, 0], sizes = [1, 32, 1024], strides = [1, 1, 1]} : vector<27x32x1024xf32> to vector<1x32x1024xf32>
    %squeeze3A_294 = vector.shape_cast %slice3A_293 : vector<1x32x1024xf32> to vector<32x1024xf32>
    %broadcast_in_dim3A_295 = vector.shape_cast %squeeze3A_294 : vector<32x1024xf32> to vector<1x32x1024xf32>
    %slice3A_296 = vector.extract_strided_slice %concatenate3A {offsets = [15, 0, 0], sizes = [1, 32, 1024], strides = [1, 1, 1]} : vector<27x32x1024xf32> to vector<1x32x1024xf32>
    %squeeze3A_297 = vector.shape_cast %slice3A_296 : vector<1x32x1024xf32> to vector<32x1024xf32>
    %broadcast_in_dim3A_298 = vector.shape_cast %squeeze3A_297 : vector<32x1024xf32> to vector<1x32x1024xf32>
    %concatenate3A_299 = tpu.concatenate %broadcast_in_dim3A_277, %broadcast_in_dim3A_280, %broadcast_in_dim3A_283, %broadcast_in_dim3A_286, %broadcast_in_dim3A_289, %broadcast_in_dim3A_292, %broadcast_in_dim3A_295, %broadcast_in_dim3A_298 in 0 : vector<1x32x1024xf32>, vector<1x32x1024xf32>, vector<1x32x1024xf32>, vector<1x32x1024xf32>, vector<1x32x1024xf32>, vector<1x32x1024xf32>, vector<1x32x1024xf32>, vector<1x32x1024xf32> -> vector<8x32x1024xf32>
    %mul3A_300 = arith.mulf %concatenate3A_274, %concatenate3A_299 : vector<8x32x1024xf32>
    %reduce_sum3A_301 = arith.constant dense<0.000000e+00> : vector<8x1024xf32>
    %reduce_sum3A_302 = vector.multi_reduction <add>, %mul3A_300, %reduce_sum3A_301 [1] : vector<8x32x1024xf32> to vector<8x1024xf32>
    %slice3A_303 = vector.extract_strided_slice %concatenate3A {offsets = [1, 0, 0], sizes = [1, 32, 1024], strides = [1, 1, 1]} : vector<27x32x1024xf32> to vector<1x32x1024xf32>
    %squeeze3A_304 = vector.shape_cast %slice3A_303 : vector<1x32x1024xf32> to vector<32x1024xf32>
    %broadcast_in_dim3A_305 = vector.shape_cast %squeeze3A_304 : vector<32x1024xf32> to vector<1x32x1024xf32>
    %slice3A_306 = vector.extract_strided_slice %concatenate3A {offsets = [1, 0, 0], sizes = [1, 32, 1024], strides = [1, 1, 1]} : vector<27x32x1024xf32> to vector<1x32x1024xf32>
    %squeeze3A_307 = vector.shape_cast %slice3A_306 : vector<1x32x1024xf32> to vector<32x1024xf32>
    %broadcast_in_dim3A_308 = vector.shape_cast %squeeze3A_307 : vector<32x1024xf32> to vector<1x32x1024xf32>
    %slice3A_309 = vector.extract_strided_slice %concatenate3A {offsets = [1, 0, 0], sizes = [1, 32, 1024], strides = [1, 1, 1]} : vector<27x32x1024xf32> to vector<1x32x1024xf32>
    %squeeze3A_310 = vector.shape_cast %slice3A_309 : vector<1x32x1024xf32> to vector<32x1024xf32>
    %broadcast_in_dim3A_311 = vector.shape_cast %squeeze3A_310 : vector<32x1024xf32> to vector<1x32x1024xf32>
    %slice3A_312 = vector.extract_strided_slice %concatenate3A {offsets = [1, 0, 0], sizes = [1, 32, 1024], strides = [1, 1, 1]} : vector<27x32x1024xf32> to vector<1x32x1024xf32>
    %squeeze3A_313 = vector.shape_cast %slice3A_312 : vector<1x32x1024xf32> to vector<32x1024xf32>
    %broadcast_in_dim3A_314 = vector.shape_cast %squeeze3A_313 : vector<32x1024xf32> to vector<1x32x1024xf32>
    %slice3A_315 = vector.extract_strided_slice %concatenate3A {offsets = [1, 0, 0], sizes = [1, 32, 1024], strides = [1, 1, 1]} : vector<27x32x1024xf32> to vector<1x32x1024xf32>
    %squeeze3A_316 = vector.shape_cast %slice3A_315 : vector<1x32x1024xf32> to vector<32x1024xf32>
    %broadcast_in_dim3A_317 = vector.shape_cast %squeeze3A_316 : vector<32x1024xf32> to vector<1x32x1024xf32>
    %slice3A_318 = vector.extract_strided_slice %concatenate3A {offsets = [1, 0, 0], sizes = [1, 32, 1024], strides = [1, 1, 1]} : vector<27x32x1024xf32> to vector<1x32x1024xf32>
    %squeeze3A_319 = vector.shape_cast %slice3A_318 : vector<1x32x1024xf32> to vector<32x1024xf32>
    %broadcast_in_dim3A_320 = vector.shape_cast %squeeze3A_319 : vector<32x1024xf32> to vector<1x32x1024xf32>
    %slice3A_321 = vector.extract_strided_slice %concatenate3A {offsets = [1, 0, 0], sizes = [1, 32, 1024], strides = [1, 1, 1]} : vector<27x32x1024xf32> to vector<1x32x1024xf32>
    %squeeze3A_322 = vector.shape_cast %slice3A_321 : vector<1x32x1024xf32> to vector<32x1024xf32>
    %broadcast_in_dim3A_323 = vector.shape_cast %squeeze3A_322 : vector<32x1024xf32> to vector<1x32x1024xf32>
    %slice3A_324 = vector.extract_strided_slice %concatenate3A {offsets = [1, 0, 0], sizes = [1, 32, 1024], strides = [1, 1, 1]} : vector<27x32x1024xf32> to vector<1x32x1024xf32>
    %squeeze3A_325 = vector.shape_cast %slice3A_324 : vector<1x32x1024xf32> to vector<32x1024xf32>
    %broadcast_in_dim3A_326 = vector.shape_cast %squeeze3A_325 : vector<32x1024xf32> to vector<1x32x1024xf32>
    %concatenate3A_327 = tpu.concatenate %broadcast_in_dim3A_305, %broadcast_in_dim3A_308, %broadcast_in_dim3A_311, %broadcast_in_dim3A_314, %broadcast_in_dim3A_317, %broadcast_in_dim3A_320, %broadcast_in_dim3A_323, %broadcast_in_dim3A_326 in 0 : vector<1x32x1024xf32>, vector<1x32x1024xf32>, vector<1x32x1024xf32>, vector<1x32x1024xf32>, vector<1x32x1024xf32>, vector<1x32x1024xf32>, vector<1x32x1024xf32>, vector<1x32x1024xf32> -> vector<8x32x1024xf32>
    %slice3A_328 = vector.extract_strided_slice %concatenate3A {offsets = [16, 0, 0], sizes = [1, 32, 1024], strides = [1, 1, 1]} : vector<27x32x1024xf32> to vector<1x32x1024xf32>
    %squeeze3A_329 = vector.shape_cast %slice3A_328 : vector<1x32x1024xf32> to vector<32x1024xf32>
    %broadcast_in_dim3A_330 = vector.shape_cast %squeeze3A_329 : vector<32x1024xf32> to vector<1x32x1024xf32>
    %slice3A_331 = vector.extract_strided_slice %concatenate3A {offsets = [17, 0, 0], sizes = [1, 32, 1024], strides = [1, 1, 1]} : vector<27x32x1024xf32> to vector<1x32x1024xf32>
    %squeeze3A_332 = vector.shape_cast %slice3A_331 : vector<1x32x1024xf32> to vector<32x1024xf32>
    %broadcast_in_dim3A_333 = vector.shape_cast %squeeze3A_332 : vector<32x1024xf32> to vector<1x32x1024xf32>
    %slice3A_334 = vector.extract_strided_slice %concatenate3A {offsets = [18, 0, 0], sizes = [1, 32, 1024], strides = [1, 1, 1]} : vector<27x32x1024xf32> to vector<1x32x1024xf32>
    %squeeze3A_335 = vector.shape_cast %slice3A_334 : vector<1x32x1024xf32> to vector<32x1024xf32>
    %broadcast_in_dim3A_336 = vector.shape_cast %squeeze3A_335 : vector<32x1024xf32> to vector<1x32x1024xf32>
    %slice3A_337 = vector.extract_strided_slice %concatenate3A {offsets = [19, 0, 0], sizes = [1, 32, 1024], strides = [1, 1, 1]} : vector<27x32x1024xf32> to vector<1x32x1024xf32>
    %squeeze3A_338 = vector.shape_cast %slice3A_337 : vector<1x32x1024xf32> to vector<32x1024xf32>
    %broadcast_in_dim3A_339 = vector.shape_cast %squeeze3A_338 : vector<32x1024xf32> to vector<1x32x1024xf32>
    %slice3A_340 = vector.extract_strided_slice %concatenate3A {offsets = [20, 0, 0], sizes = [1, 32, 1024], strides = [1, 1, 1]} : vector<27x32x1024xf32> to vector<1x32x1024xf32>
    %squeeze3A_341 = vector.shape_cast %slice3A_340 : vector<1x32x1024xf32> to vector<32x1024xf32>
    %broadcast_in_dim3A_342 = vector.shape_cast %squeeze3A_341 : vector<32x1024xf32> to vector<1x32x1024xf32>
    %slice3A_343 = vector.extract_strided_slice %concatenate3A {offsets = [21, 0, 0], sizes = [1, 32, 1024], strides = [1, 1, 1]} : vector<27x32x1024xf32> to vector<1x32x1024xf32>
    %squeeze3A_344 = vector.shape_cast %slice3A_343 : vector<1x32x1024xf32> to vector<32x1024xf32>
    %broadcast_in_dim3A_345 = vector.shape_cast %squeeze3A_344 : vector<32x1024xf32> to vector<1x32x1024xf32>
    %slice3A_346 = vector.extract_strided_slice %concatenate3A {offsets = [22, 0, 0], sizes = [1, 32, 1024], strides = [1, 1, 1]} : vector<27x32x1024xf32> to vector<1x32x1024xf32>
    %squeeze3A_347 = vector.shape_cast %slice3A_346 : vector<1x32x1024xf32> to vector<32x1024xf32>
    %broadcast_in_dim3A_348 = vector.shape_cast %squeeze3A_347 : vector<32x1024xf32> to vector<1x32x1024xf32>
    %slice3A_349 = vector.extract_strided_slice %concatenate3A {offsets = [23, 0, 0], sizes = [1, 32, 1024], strides = [1, 1, 1]} : vector<27x32x1024xf32> to vector<1x32x1024xf32>
    %squeeze3A_350 = vector.shape_cast %slice3A_349 : vector<1x32x1024xf32> to vector<32x1024xf32>
    %broadcast_in_dim3A_351 = vector.shape_cast %squeeze3A_350 : vector<32x1024xf32> to vector<1x32x1024xf32>
    %concatenate3A_352 = tpu.concatenate %broadcast_in_dim3A_330, %broadcast_in_dim3A_333, %broadcast_in_dim3A_336, %broadcast_in_dim3A_339, %broadcast_in_dim3A_342, %broadcast_in_dim3A_345, %broadcast_in_dim3A_348, %broadcast_in_dim3A_351 in 0 : vector<1x32x1024xf32>, vector<1x32x1024xf32>, vector<1x32x1024xf32>, vector<1x32x1024xf32>, vector<1x32x1024xf32>, vector<1x32x1024xf32>, vector<1x32x1024xf32>, vector<1x32x1024xf32> -> vector<8x32x1024xf32>
    %mul3A_353 = arith.mulf %concatenate3A_327, %concatenate3A_352 : vector<8x32x1024xf32>
    %reduce_sum3A_354 = arith.constant dense<0.000000e+00> : vector<8x1024xf32>
    %reduce_sum3A_355 = vector.multi_reduction <add>, %mul3A_353, %reduce_sum3A_354 [1] : vector<8x32x1024xf32> to vector<8x1024xf32>
    %slice3A_356 = vector.extract_strided_slice %concatenate3A {offsets = [1, 0, 0], sizes = [1, 32, 1024], strides = [1, 1, 1]} : vector<27x32x1024xf32> to vector<1x32x1024xf32>
    %squeeze3A_357 = vector.shape_cast %slice3A_356 : vector<1x32x1024xf32> to vector<32x1024xf32>
    %broadcast_in_dim3A_358 = vector.shape_cast %squeeze3A_357 : vector<32x1024xf32> to vector<1x32x1024xf32>
    %slice3A_359 = vector.extract_strided_slice %concatenate3A {offsets = [1, 0, 0], sizes = [1, 32, 1024], strides = [1, 1, 1]} : vector<27x32x1024xf32> to vector<1x32x1024xf32>
    %squeeze3A_360 = vector.shape_cast %slice3A_359 : vector<1x32x1024xf32> to vector<32x1024xf32>
    %broadcast_in_dim3A_361 = vector.shape_cast %squeeze3A_360 : vector<32x1024xf32> to vector<1x32x1024xf32>
    %slice3A_362 = vector.extract_strided_slice %concatenate3A {offsets = [1, 0, 0], sizes = [1, 32, 1024], strides = [1, 1, 1]} : vector<27x32x1024xf32> to vector<1x32x1024xf32>
    %squeeze3A_363 = vector.shape_cast %slice3A_362 : vector<1x32x1024xf32> to vector<32x1024xf32>
    %broadcast_in_dim3A_364 = vector.shape_cast %squeeze3A_363 : vector<32x1024xf32> to vector<1x32x1024xf32>
    %slice3A_365 = vector.extract_strided_slice %concatenate3A {offsets = [2, 0, 0], sizes = [1, 32, 1024], strides = [1, 1, 1]} : vector<27x32x1024xf32> to vector<1x32x1024xf32>
    %squeeze3A_366 = vector.shape_cast %slice3A_365 : vector<1x32x1024xf32> to vector<32x1024xf32>
    %broadcast_in_dim3A_367 = vector.shape_cast %squeeze3A_366 : vector<32x1024xf32> to vector<1x32x1024xf32>
    %slice3A_368 = vector.extract_strided_slice %concatenate3A {offsets = [2, 0, 0], sizes = [1, 32, 1024], strides = [1, 1, 1]} : vector<27x32x1024xf32> to vector<1x32x1024xf32>
    %squeeze3A_369 = vector.shape_cast %slice3A_368 : vector<1x32x1024xf32> to vector<32x1024xf32>
    %broadcast_in_dim3A_370 = vector.shape_cast %squeeze3A_369 : vector<32x1024xf32> to vector<1x32x1024xf32>
    %slice3A_371 = vector.extract_strided_slice %concatenate3A {offsets = [2, 0, 0], sizes = [1, 32, 1024], strides = [1, 1, 1]} : vector<27x32x1024xf32> to vector<1x32x1024xf32>
    %squeeze3A_372 = vector.shape_cast %slice3A_371 : vector<1x32x1024xf32> to vector<32x1024xf32>
    %broadcast_in_dim3A_373 = vector.shape_cast %squeeze3A_372 : vector<32x1024xf32> to vector<1x32x1024xf32>
    %slice3A_374 = vector.extract_strided_slice %concatenate3A {offsets = [2, 0, 0], sizes = [1, 32, 1024], strides = [1, 1, 1]} : vector<27x32x1024xf32> to vector<1x32x1024xf32>
    %squeeze3A_375 = vector.shape_cast %slice3A_374 : vector<1x32x1024xf32> to vector<32x1024xf32>
    %broadcast_in_dim3A_376 = vector.shape_cast %squeeze3A_375 : vector<32x1024xf32> to vector<1x32x1024xf32>
    %slice3A_377 = vector.extract_strided_slice %concatenate3A {offsets = [2, 0, 0], sizes = [1, 32, 1024], strides = [1, 1, 1]} : vector<27x32x1024xf32> to vector<1x32x1024xf32>
    %squeeze3A_378 = vector.shape_cast %slice3A_377 : vector<1x32x1024xf32> to vector<32x1024xf32>
    %broadcast_in_dim3A_379 = vector.shape_cast %squeeze3A_378 : vector<32x1024xf32> to vector<1x32x1024xf32>
    %concatenate3A_380 = tpu.concatenate %broadcast_in_dim3A_358, %broadcast_in_dim3A_361, %broadcast_in_dim3A_364, %broadcast_in_dim3A_367, %broadcast_in_dim3A_370, %broadcast_in_dim3A_373, %broadcast_in_dim3A_376, %broadcast_in_dim3A_379 in 0 : vector<1x32x1024xf32>, vector<1x32x1024xf32>, vector<1x32x1024xf32>, vector<1x32x1024xf32>, vector<1x32x1024xf32>, vector<1x32x1024xf32>, vector<1x32x1024xf32>, vector<1x32x1024xf32> -> vector<8x32x1024xf32>
    %slice3A_381 = vector.extract_strided_slice %concatenate3A {offsets = [24, 0, 0], sizes = [1, 32, 1024], strides = [1, 1, 1]} : vector<27x32x1024xf32> to vector<1x32x1024xf32>
    %squeeze3A_382 = vector.shape_cast %slice3A_381 : vector<1x32x1024xf32> to vector<32x1024xf32>
    %broadcast_in_dim3A_383 = vector.shape_cast %squeeze3A_382 : vector<32x1024xf32> to vector<1x32x1024xf32>
    %slice3A_384 = vector.extract_strided_slice %concatenate3A {offsets = [25, 0, 0], sizes = [1, 32, 1024], strides = [1, 1, 1]} : vector<27x32x1024xf32> to vector<1x32x1024xf32>
    %squeeze3A_385 = vector.shape_cast %slice3A_384 : vector<1x32x1024xf32> to vector<32x1024xf32>
    %broadcast_in_dim3A_386 = vector.shape_cast %squeeze3A_385 : vector<32x1024xf32> to vector<1x32x1024xf32>
    %slice3A_387 = vector.extract_strided_slice %concatenate3A {offsets = [26, 0, 0], sizes = [1, 32, 1024], strides = [1, 1, 1]} : vector<27x32x1024xf32> to vector<1x32x1024xf32>
    %squeeze3A_388 = vector.shape_cast %slice3A_387 : vector<1x32x1024xf32> to vector<32x1024xf32>
    %broadcast_in_dim3A_389 = vector.shape_cast %squeeze3A_388 : vector<32x1024xf32> to vector<1x32x1024xf32>
    %slice3A_390 = vector.extract_strided_slice %concatenate3A {offsets = [3, 0, 0], sizes = [1, 32, 1024], strides = [1, 1, 1]} : vector<27x32x1024xf32> to vector<1x32x1024xf32>
    %squeeze3A_391 = vector.shape_cast %slice3A_390 : vector<1x32x1024xf32> to vector<32x1024xf32>
    %broadcast_in_dim3A_392 = vector.shape_cast %squeeze3A_391 : vector<32x1024xf32> to vector<1x32x1024xf32>
    %slice3A_393 = vector.extract_strided_slice %concatenate3A {offsets = [4, 0, 0], sizes = [1, 32, 1024], strides = [1, 1, 1]} : vector<27x32x1024xf32> to vector<1x32x1024xf32>
    %squeeze3A_394 = vector.shape_cast %slice3A_393 : vector<1x32x1024xf32> to vector<32x1024xf32>
    %broadcast_in_dim3A_395 = vector.shape_cast %squeeze3A_394 : vector<32x1024xf32> to vector<1x32x1024xf32>
    %slice3A_396 = vector.extract_strided_slice %concatenate3A {offsets = [5, 0, 0], sizes = [1, 32, 1024], strides = [1, 1, 1]} : vector<27x32x1024xf32> to vector<1x32x1024xf32>
    %squeeze3A_397 = vector.shape_cast %slice3A_396 : vector<1x32x1024xf32> to vector<32x1024xf32>
    %broadcast_in_dim3A_398 = vector.shape_cast %squeeze3A_397 : vector<32x1024xf32> to vector<1x32x1024xf32>
    %slice3A_399 = vector.extract_strided_slice %concatenate3A {offsets = [6, 0, 0], sizes = [1, 32, 1024], strides = [1, 1, 1]} : vector<27x32x1024xf32> to vector<1x32x1024xf32>
    %squeeze3A_400 = vector.shape_cast %slice3A_399 : vector<1x32x1024xf32> to vector<32x1024xf32>
    %broadcast_in_dim3A_401 = vector.shape_cast %squeeze3A_400 : vector<32x1024xf32> to vector<1x32x1024xf32>
    %slice3A_402 = vector.extract_strided_slice %concatenate3A {offsets = [7, 0, 0], sizes = [1, 32, 1024], strides = [1, 1, 1]} : vector<27x32x1024xf32> to vector<1x32x1024xf32>
    %squeeze3A_403 = vector.shape_cast %slice3A_402 : vector<1x32x1024xf32> to vector<32x1024xf32>
    %broadcast_in_dim3A_404 = vector.shape_cast %squeeze3A_403 : vector<32x1024xf32> to vector<1x32x1024xf32>
    %concatenate3A_405 = tpu.concatenate %broadcast_in_dim3A_383, %broadcast_in_dim3A_386, %broadcast_in_dim3A_389, %broadcast_in_dim3A_392, %broadcast_in_dim3A_395, %broadcast_in_dim3A_398, %broadcast_in_dim3A_401, %broadcast_in_dim3A_404 in 0 : vector<1x32x1024xf32>, vector<1x32x1024xf32>, vector<1x32x1024xf32>, vector<1x32x1024xf32>, vector<1x32x1024xf32>, vector<1x32x1024xf32>, vector<1x32x1024xf32>, vector<1x32x1024xf32> -> vector<8x32x1024xf32>
    %mul3A_406 = arith.mulf %concatenate3A_380, %concatenate3A_405 : vector<8x32x1024xf32>
    %reduce_sum3A_407 = arith.constant dense<0.000000e+00> : vector<8x1024xf32>
    %reduce_sum3A_408 = vector.multi_reduction <add>, %mul3A_406, %reduce_sum3A_407 [1] : vector<8x32x1024xf32> to vector<8x1024xf32>
    %slice3A_409 = vector.extract_strided_slice %concatenate3A {offsets = [2, 0, 0], sizes = [1, 32, 1024], strides = [1, 1, 1]} : vector<27x32x1024xf32> to vector<1x32x1024xf32>
    %squeeze3A_410 = vector.shape_cast %slice3A_409 : vector<1x32x1024xf32> to vector<32x1024xf32>
    %broadcast_in_dim3A_411 = vector.shape_cast %squeeze3A_410 : vector<32x1024xf32> to vector<1x32x1024xf32>
    %slice3A_412 = vector.extract_strided_slice %concatenate3A {offsets = [2, 0, 0], sizes = [1, 32, 1024], strides = [1, 1, 1]} : vector<27x32x1024xf32> to vector<1x32x1024xf32>
    %squeeze3A_413 = vector.shape_cast %slice3A_412 : vector<1x32x1024xf32> to vector<32x1024xf32>
    %broadcast_in_dim3A_414 = vector.shape_cast %squeeze3A_413 : vector<32x1024xf32> to vector<1x32x1024xf32>
    %slice3A_415 = vector.extract_strided_slice %concatenate3A {offsets = [2, 0, 0], sizes = [1, 32, 1024], strides = [1, 1, 1]} : vector<27x32x1024xf32> to vector<1x32x1024xf32>
    %squeeze3A_416 = vector.shape_cast %slice3A_415 : vector<1x32x1024xf32> to vector<32x1024xf32>
    %broadcast_in_dim3A_417 = vector.shape_cast %squeeze3A_416 : vector<32x1024xf32> to vector<1x32x1024xf32>
    %slice3A_418 = vector.extract_strided_slice %concatenate3A {offsets = [2, 0, 0], sizes = [1, 32, 1024], strides = [1, 1, 1]} : vector<27x32x1024xf32> to vector<1x32x1024xf32>
    %squeeze3A_419 = vector.shape_cast %slice3A_418 : vector<1x32x1024xf32> to vector<32x1024xf32>
    %broadcast_in_dim3A_420 = vector.shape_cast %squeeze3A_419 : vector<32x1024xf32> to vector<1x32x1024xf32>
    %slice3A_421 = vector.extract_strided_slice %concatenate3A {offsets = [2, 0, 0], sizes = [1, 32, 1024], strides = [1, 1, 1]} : vector<27x32x1024xf32> to vector<1x32x1024xf32>
    %squeeze3A_422 = vector.shape_cast %slice3A_421 : vector<1x32x1024xf32> to vector<32x1024xf32>
    %broadcast_in_dim3A_423 = vector.shape_cast %squeeze3A_422 : vector<32x1024xf32> to vector<1x32x1024xf32>
    %slice3A_424 = vector.extract_strided_slice %concatenate3A {offsets = [2, 0, 0], sizes = [1, 32, 1024], strides = [1, 1, 1]} : vector<27x32x1024xf32> to vector<1x32x1024xf32>
    %squeeze3A_425 = vector.shape_cast %slice3A_424 : vector<1x32x1024xf32> to vector<32x1024xf32>
    %broadcast_in_dim3A_426 = vector.shape_cast %squeeze3A_425 : vector<32x1024xf32> to vector<1x32x1024xf32>
    %slice3A_427 = vector.extract_strided_slice %concatenate3A {offsets = [2, 0, 0], sizes = [1, 32, 1024], strides = [1, 1, 1]} : vector<27x32x1024xf32> to vector<1x32x1024xf32>
    %squeeze3A_428 = vector.shape_cast %slice3A_427 : vector<1x32x1024xf32> to vector<32x1024xf32>
    %broadcast_in_dim3A_429 = vector.shape_cast %squeeze3A_428 : vector<32x1024xf32> to vector<1x32x1024xf32>
    %slice3A_430 = vector.extract_strided_slice %concatenate3A {offsets = [2, 0, 0], sizes = [1, 32, 1024], strides = [1, 1, 1]} : vector<27x32x1024xf32> to vector<1x32x1024xf32>
    %squeeze3A_431 = vector.shape_cast %slice3A_430 : vector<1x32x1024xf32> to vector<32x1024xf32>
    %broadcast_in_dim3A_432 = vector.shape_cast %squeeze3A_431 : vector<32x1024xf32> to vector<1x32x1024xf32>
    %concatenate3A_433 = tpu.concatenate %broadcast_in_dim3A_411, %broadcast_in_dim3A_414, %broadcast_in_dim3A_417, %broadcast_in_dim3A_420, %broadcast_in_dim3A_423, %broadcast_in_dim3A_426, %broadcast_in_dim3A_429, %broadcast_in_dim3A_432 in 0 : vector<1x32x1024xf32>, vector<1x32x1024xf32>, vector<1x32x1024xf32>, vector<1x32x1024xf32>, vector<1x32x1024xf32>, vector<1x32x1024xf32>, vector<1x32x1024xf32>, vector<1x32x1024xf32> -> vector<8x32x1024xf32>
    %slice3A_434 = vector.extract_strided_slice %concatenate3A {offsets = [8, 0, 0], sizes = [1, 32, 1024], strides = [1, 1, 1]} : vector<27x32x1024xf32> to vector<1x32x1024xf32>
    %squeeze3A_435 = vector.shape_cast %slice3A_434 : vector<1x32x1024xf32> to vector<32x1024xf32>
    %broadcast_in_dim3A_436 = vector.shape_cast %squeeze3A_435 : vector<32x1024xf32> to vector<1x32x1024xf32>
    %slice3A_437 = vector.extract_strided_slice %concatenate3A {offsets = [9, 0, 0], sizes = [1, 32, 1024], strides = [1, 1, 1]} : vector<27x32x1024xf32> to vector<1x32x1024xf32>
    %squeeze3A_438 = vector.shape_cast %slice3A_437 : vector<1x32x1024xf32> to vector<32x1024xf32>
    %broadcast_in_dim3A_439 = vector.shape_cast %squeeze3A_438 : vector<32x1024xf32> to vector<1x32x1024xf32>
    %slice3A_440 = vector.extract_strided_slice %concatenate3A {offsets = [10, 0, 0], sizes = [1, 32, 1024], strides = [1, 1, 1]} : vector<27x32x1024xf32> to vector<1x32x1024xf32>
    %squeeze3A_441 = vector.shape_cast %slice3A_440 : vector<1x32x1024xf32> to vector<32x1024xf32>
    %broadcast_in_dim3A_442 = vector.shape_cast %squeeze3A_441 : vector<32x1024xf32> to vector<1x32x1024xf32>
    %slice3A_443 = vector.extract_strided_slice %concatenate3A {offsets = [11, 0, 0], sizes = [1, 32, 1024], strides = [1, 1, 1]} : vector<27x32x1024xf32> to vector<1x32x1024xf32>
    %squeeze3A_444 = vector.shape_cast %slice3A_443 : vector<1x32x1024xf32> to vector<32x1024xf32>
    %broadcast_in_dim3A_445 = vector.shape_cast %squeeze3A_444 : vector<32x1024xf32> to vector<1x32x1024xf32>
    %slice3A_446 = vector.extract_strided_slice %concatenate3A {offsets = [12, 0, 0], sizes = [1, 32, 1024], strides = [1, 1, 1]} : vector<27x32x1024xf32> to vector<1x32x1024xf32>
    %squeeze3A_447 = vector.shape_cast %slice3A_446 : vector<1x32x1024xf32> to vector<32x1024xf32>
    %broadcast_in_dim3A_448 = vector.shape_cast %squeeze3A_447 : vector<32x1024xf32> to vector<1x32x1024xf32>
    %slice3A_449 = vector.extract_strided_slice %concatenate3A {offsets = [13, 0, 0], sizes = [1, 32, 1024], strides = [1, 1, 1]} : vector<27x32x1024xf32> to vector<1x32x1024xf32>
    %squeeze3A_450 = vector.shape_cast %slice3A_449 : vector<1x32x1024xf32> to vector<32x1024xf32>
    %broadcast_in_dim3A_451 = vector.shape_cast %squeeze3A_450 : vector<32x1024xf32> to vector<1x32x1024xf32>
    %slice3A_452 = vector.extract_strided_slice %concatenate3A {offsets = [14, 0, 0], sizes = [1, 32, 1024], strides = [1, 1, 1]} : vector<27x32x1024xf32> to vector<1x32x1024xf32>
    %squeeze3A_453 = vector.shape_cast %slice3A_452 : vector<1x32x1024xf32> to vector<32x1024xf32>
    %broadcast_in_dim3A_454 = vector.shape_cast %squeeze3A_453 : vector<32x1024xf32> to vector<1x32x1024xf32>
    %slice3A_455 = vector.extract_strided_slice %concatenate3A {offsets = [15, 0, 0], sizes = [1, 32, 1024], strides = [1, 1, 1]} : vector<27x32x1024xf32> to vector<1x32x1024xf32>
    %squeeze3A_456 = vector.shape_cast %slice3A_455 : vector<1x32x1024xf32> to vector<32x1024xf32>
    %broadcast_in_dim3A_457 = vector.shape_cast %squeeze3A_456 : vector<32x1024xf32> to vector<1x32x1024xf32>
    %concatenate3A_458 = tpu.concatenate %broadcast_in_dim3A_436, %broadcast_in_dim3A_439, %broadcast_in_dim3A_442, %broadcast_in_dim3A_445, %broadcast_in_dim3A_448, %broadcast_in_dim3A_451, %broadcast_in_dim3A_454, %broadcast_in_dim3A_457 in 0 : vector<1x32x1024xf32>, vector<1x32x1024xf32>, vector<1x32x1024xf32>, vector<1x32x1024xf32>, vector<1x32x1024xf32>, vector<1x32x1024xf32>, vector<1x32x1024xf32>, vector<1x32x1024xf32> -> vector<8x32x1024xf32>
    %mul3A_459 = arith.mulf %concatenate3A_433, %concatenate3A_458 : vector<8x32x1024xf32>
    %reduce_sum3A_460 = arith.constant dense<0.000000e+00> : vector<8x1024xf32>
    %reduce_sum3A_461 = vector.multi_reduction <add>, %mul3A_459, %reduce_sum3A_460 [1] : vector<8x32x1024xf32> to vector<8x1024xf32>
    %slice3A_462 = vector.extract_strided_slice %concatenate3A {offsets = [2, 0, 0], sizes = [1, 32, 1024], strides = [1, 1, 1]} : vector<27x32x1024xf32> to vector<1x32x1024xf32>
    %squeeze3A_463 = vector.shape_cast %slice3A_462 : vector<1x32x1024xf32> to vector<32x1024xf32>
    %broadcast_in_dim3A_464 = vector.shape_cast %squeeze3A_463 : vector<32x1024xf32> to vector<1x32x1024xf32>
    %slice3A_465 = vector.extract_strided_slice %concatenate3A {offsets = [2, 0, 0], sizes = [1, 32, 1024], strides = [1, 1, 1]} : vector<27x32x1024xf32> to vector<1x32x1024xf32>
    %squeeze3A_466 = vector.shape_cast %slice3A_465 : vector<1x32x1024xf32> to vector<32x1024xf32>
    %broadcast_in_dim3A_467 = vector.shape_cast %squeeze3A_466 : vector<32x1024xf32> to vector<1x32x1024xf32>
    %slice3A_468 = vector.extract_strided_slice %concatenate3A {offsets = [2, 0, 0], sizes = [1, 32, 1024], strides = [1, 1, 1]} : vector<27x32x1024xf32> to vector<1x32x1024xf32>
    %squeeze3A_469 = vector.shape_cast %slice3A_468 : vector<1x32x1024xf32> to vector<32x1024xf32>
    %broadcast_in_dim3A_470 = vector.shape_cast %squeeze3A_469 : vector<32x1024xf32> to vector<1x32x1024xf32>
    %slice3A_471 = vector.extract_strided_slice %concatenate3A {offsets = [2, 0, 0], sizes = [1, 32, 1024], strides = [1, 1, 1]} : vector<27x32x1024xf32> to vector<1x32x1024xf32>
    %squeeze3A_472 = vector.shape_cast %slice3A_471 : vector<1x32x1024xf32> to vector<32x1024xf32>
    %broadcast_in_dim3A_473 = vector.shape_cast %squeeze3A_472 : vector<32x1024xf32> to vector<1x32x1024xf32>
    %slice3A_474 = vector.extract_strided_slice %concatenate3A {offsets = [2, 0, 0], sizes = [1, 32, 1024], strides = [1, 1, 1]} : vector<27x32x1024xf32> to vector<1x32x1024xf32>
    %squeeze3A_475 = vector.shape_cast %slice3A_474 : vector<1x32x1024xf32> to vector<32x1024xf32>
    %broadcast_in_dim3A_476 = vector.shape_cast %squeeze3A_475 : vector<32x1024xf32> to vector<1x32x1024xf32>
    %slice3A_477 = vector.extract_strided_slice %concatenate3A {offsets = [2, 0, 0], sizes = [1, 32, 1024], strides = [1, 1, 1]} : vector<27x32x1024xf32> to vector<1x32x1024xf32>
    %squeeze3A_478 = vector.shape_cast %slice3A_477 : vector<1x32x1024xf32> to vector<32x1024xf32>
    %broadcast_in_dim3A_479 = vector.shape_cast %squeeze3A_478 : vector<32x1024xf32> to vector<1x32x1024xf32>
    %slice3A_480 = vector.extract_strided_slice %concatenate3A {offsets = [2, 0, 0], sizes = [1, 32, 1024], strides = [1, 1, 1]} : vector<27x32x1024xf32> to vector<1x32x1024xf32>
    %squeeze3A_481 = vector.shape_cast %slice3A_480 : vector<1x32x1024xf32> to vector<32x1024xf32>
    %broadcast_in_dim3A_482 = vector.shape_cast %squeeze3A_481 : vector<32x1024xf32> to vector<1x32x1024xf32>
    %slice3A_483 = vector.extract_strided_slice %concatenate3A {offsets = [2, 0, 0], sizes = [1, 32, 1024], strides = [1, 1, 1]} : vector<27x32x1024xf32> to vector<1x32x1024xf32>
    %squeeze3A_484 = vector.shape_cast %slice3A_483 : vector<1x32x1024xf32> to vector<32x1024xf32>
    %broadcast_in_dim3A_485 = vector.shape_cast %squeeze3A_484 : vector<32x1024xf32> to vector<1x32x1024xf32>
    %concatenate3A_486 = tpu.concatenate %broadcast_in_dim3A_464, %broadcast_in_dim3A_467, %broadcast_in_dim3A_470, %broadcast_in_dim3A_473, %broadcast_in_dim3A_476, %broadcast_in_dim3A_479, %broadcast_in_dim3A_482, %broadcast_in_dim3A_485 in 0 : vector<1x32x1024xf32>, vector<1x32x1024xf32>, vector<1x32x1024xf32>, vector<1x32x1024xf32>, vector<1x32x1024xf32>, vector<1x32x1024xf32>, vector<1x32x1024xf32>, vector<1x32x1024xf32> -> vector<8x32x1024xf32>
    %slice3A_487 = vector.extract_strided_slice %concatenate3A {offsets = [16, 0, 0], sizes = [1, 32, 1024], strides = [1, 1, 1]} : vector<27x32x1024xf32> to vector<1x32x1024xf32>
    %squeeze3A_488 = vector.shape_cast %slice3A_487 : vector<1x32x1024xf32> to vector<32x1024xf32>
    %broadcast_in_dim3A_489 = vector.shape_cast %squeeze3A_488 : vector<32x1024xf32> to vector<1x32x1024xf32>
    %slice3A_490 = vector.extract_strided_slice %concatenate3A {offsets = [17, 0, 0], sizes = [1, 32, 1024], strides = [1, 1, 1]} : vector<27x32x1024xf32> to vector<1x32x1024xf32>
    %squeeze3A_491 = vector.shape_cast %slice3A_490 : vector<1x32x1024xf32> to vector<32x1024xf32>
    %broadcast_in_dim3A_492 = vector.shape_cast %squeeze3A_491 : vector<32x1024xf32> to vector<1x32x1024xf32>
    %slice3A_493 = vector.extract_strided_slice %concatenate3A {offsets = [18, 0, 0], sizes = [1, 32, 1024], strides = [1, 1, 1]} : vector<27x32x1024xf32> to vector<1x32x1024xf32>
    %squeeze3A_494 = vector.shape_cast %slice3A_493 : vector<1x32x1024xf32> to vector<32x1024xf32>
    %broadcast_in_dim3A_495 = vector.shape_cast %squeeze3A_494 : vector<32x1024xf32> to vector<1x32x1024xf32>
    %slice3A_496 = vector.extract_strided_slice %concatenate3A {offsets = [19, 0, 0], sizes = [1, 32, 1024], strides = [1, 1, 1]} : vector<27x32x1024xf32> to vector<1x32x1024xf32>
    %squeeze3A_497 = vector.shape_cast %slice3A_496 : vector<1x32x1024xf32> to vector<32x1024xf32>
    %broadcast_in_dim3A_498 = vector.shape_cast %squeeze3A_497 : vector<32x1024xf32> to vector<1x32x1024xf32>
    %slice3A_499 = vector.extract_strided_slice %concatenate3A {offsets = [20, 0, 0], sizes = [1, 32, 1024], strides = [1, 1, 1]} : vector<27x32x1024xf32> to vector<1x32x1024xf32>
    %squeeze3A_500 = vector.shape_cast %slice3A_499 : vector<1x32x1024xf32> to vector<32x1024xf32>
    %broadcast_in_dim3A_501 = vector.shape_cast %squeeze3A_500 : vector<32x1024xf32> to vector<1x32x1024xf32>
    %slice3A_502 = vector.extract_strided_slice %concatenate3A {offsets = [21, 0, 0], sizes = [1, 32, 1024], strides = [1, 1, 1]} : vector<27x32x1024xf32> to vector<1x32x1024xf32>
    %squeeze3A_503 = vector.shape_cast %slice3A_502 : vector<1x32x1024xf32> to vector<32x1024xf32>
    %broadcast_in_dim3A_504 = vector.shape_cast %squeeze3A_503 : vector<32x1024xf32> to vector<1x32x1024xf32>
    %slice3A_505 = vector.extract_strided_slice %concatenate3A {offsets = [22, 0, 0], sizes = [1, 32, 1024], strides = [1, 1, 1]} : vector<27x32x1024xf32> to vector<1x32x1024xf32>
    %squeeze3A_506 = vector.shape_cast %slice3A_505 : vector<1x32x1024xf32> to vector<32x1024xf32>
    %broadcast_in_dim3A_507 = vector.shape_cast %squeeze3A_506 : vector<32x1024xf32> to vector<1x32x1024xf32>
    %slice3A_508 = vector.extract_strided_slice %concatenate3A {offsets = [23, 0, 0], sizes = [1, 32, 1024], strides = [1, 1, 1]} : vector<27x32x1024xf32> to vector<1x32x1024xf32>
    %squeeze3A_509 = vector.shape_cast %slice3A_508 : vector<1x32x1024xf32> to vector<32x1024xf32>
    %broadcast_in_dim3A_510 = vector.shape_cast %squeeze3A_509 : vector<32x1024xf32> to vector<1x32x1024xf32>
    %concatenate3A_511 = tpu.concatenate %broadcast_in_dim3A_489, %broadcast_in_dim3A_492, %broadcast_in_dim3A_495, %broadcast_in_dim3A_498, %broadcast_in_dim3A_501, %broadcast_in_dim3A_504, %broadcast_in_dim3A_507, %broadcast_in_dim3A_510 in 0 : vector<1x32x1024xf32>, vector<1x32x1024xf32>, vector<1x32x1024xf32>, vector<1x32x1024xf32>, vector<1x32x1024xf32>, vector<1x32x1024xf32>, vector<1x32x1024xf32>, vector<1x32x1024xf32> -> vector<8x32x1024xf32>
    %mul3A_512 = arith.mulf %concatenate3A_486, %concatenate3A_511 : vector<8x32x1024xf32>
    %reduce_sum3A_513 = arith.constant dense<0.000000e+00> : vector<8x1024xf32>
    %reduce_sum3A_514 = vector.multi_reduction <add>, %mul3A_512, %reduce_sum3A_513 [1] : vector<8x32x1024xf32> to vector<8x1024xf32>
    %slice3A_515 = vector.extract_strided_slice %concatenate3A {offsets = [2, 0, 0], sizes = [1, 32, 1024], strides = [1, 1, 1]} : vector<27x32x1024xf32> to vector<1x32x1024xf32>
    %squeeze3A_516 = vector.shape_cast %slice3A_515 : vector<1x32x1024xf32> to vector<32x1024xf32>
    %broadcast_in_dim3A_517 = vector.shape_cast %squeeze3A_516 : vector<32x1024xf32> to vector<1x32x1024xf32>
    %slice3A_518 = vector.extract_strided_slice %concatenate3A {offsets = [2, 0, 0], sizes = [1, 32, 1024], strides = [1, 1, 1]} : vector<27x32x1024xf32> to vector<1x32x1024xf32>
    %squeeze3A_519 = vector.shape_cast %slice3A_518 : vector<1x32x1024xf32> to vector<32x1024xf32>
    %broadcast_in_dim3A_520 = vector.shape_cast %squeeze3A_519 : vector<32x1024xf32> to vector<1x32x1024xf32>
    %slice3A_521 = vector.extract_strided_slice %concatenate3A {offsets = [2, 0, 0], sizes = [1, 32, 1024], strides = [1, 1, 1]} : vector<27x32x1024xf32> to vector<1x32x1024xf32>
    %squeeze3A_522 = vector.shape_cast %slice3A_521 : vector<1x32x1024xf32> to vector<32x1024xf32>
    %broadcast_in_dim3A_523 = vector.shape_cast %squeeze3A_522 : vector<32x1024xf32> to vector<1x32x1024xf32>
    %slice3A_524 = vector.extract_strided_slice %concatenate3A {offsets = [3, 0, 0], sizes = [1, 32, 1024], strides = [1, 1, 1]} : vector<27x32x1024xf32> to vector<1x32x1024xf32>
    %squeeze3A_525 = vector.shape_cast %slice3A_524 : vector<1x32x1024xf32> to vector<32x1024xf32>
    %broadcast_in_dim3A_526 = vector.shape_cast %squeeze3A_525 : vector<32x1024xf32> to vector<1x32x1024xf32>
    %slice3A_527 = vector.extract_strided_slice %concatenate3A {offsets = [3, 0, 0], sizes = [1, 32, 1024], strides = [1, 1, 1]} : vector<27x32x1024xf32> to vector<1x32x1024xf32>
    %squeeze3A_528 = vector.shape_cast %slice3A_527 : vector<1x32x1024xf32> to vector<32x1024xf32>
    %broadcast_in_dim3A_529 = vector.shape_cast %squeeze3A_528 : vector<32x1024xf32> to vector<1x32x1024xf32>
    %slice3A_530 = vector.extract_strided_slice %concatenate3A {offsets = [3, 0, 0], sizes = [1, 32, 1024], strides = [1, 1, 1]} : vector<27x32x1024xf32> to vector<1x32x1024xf32>
    %squeeze3A_531 = vector.shape_cast %slice3A_530 : vector<1x32x1024xf32> to vector<32x1024xf32>
    %broadcast_in_dim3A_532 = vector.shape_cast %squeeze3A_531 : vector<32x1024xf32> to vector<1x32x1024xf32>
    %slice3A_533 = vector.extract_strided_slice %concatenate3A {offsets = [3, 0, 0], sizes = [1, 32, 1024], strides = [1, 1, 1]} : vector<27x32x1024xf32> to vector<1x32x1024xf32>
    %squeeze3A_534 = vector.shape_cast %slice3A_533 : vector<1x32x1024xf32> to vector<32x1024xf32>
    %broadcast_in_dim3A_535 = vector.shape_cast %squeeze3A_534 : vector<32x1024xf32> to vector<1x32x1024xf32>
    %slice3A_536 = vector.extract_strided_slice %concatenate3A {offsets = [3, 0, 0], sizes = [1, 32, 1024], strides = [1, 1, 1]} : vector<27x32x1024xf32> to vector<1x32x1024xf32>
    %squeeze3A_537 = vector.shape_cast %slice3A_536 : vector<1x32x1024xf32> to vector<32x1024xf32>
    %broadcast_in_dim3A_538 = vector.shape_cast %squeeze3A_537 : vector<32x1024xf32> to vector<1x32x1024xf32>
    %concatenate3A_539 = tpu.concatenate %broadcast_in_dim3A_517, %broadcast_in_dim3A_520, %broadcast_in_dim3A_523, %broadcast_in_dim3A_526, %broadcast_in_dim3A_529, %broadcast_in_dim3A_532, %broadcast_in_dim3A_535, %broadcast_in_dim3A_538 in 0 : vector<1x32x1024xf32>, vector<1x32x1024xf32>, vector<1x32x1024xf32>, vector<1x32x1024xf32>, vector<1x32x1024xf32>, vector<1x32x1024xf32>, vector<1x32x1024xf32>, vector<1x32x1024xf32> -> vector<8x32x1024xf32>
    %slice3A_540 = vector.extract_strided_slice %concatenate3A {offsets = [24, 0, 0], sizes = [1, 32, 1024], strides = [1, 1, 1]} : vector<27x32x1024xf32> to vector<1x32x1024xf32>
    %squeeze3A_541 = vector.shape_cast %slice3A_540 : vector<1x32x1024xf32> to vector<32x1024xf32>
    %broadcast_in_dim3A_542 = vector.shape_cast %squeeze3A_541 : vector<32x1024xf32> to vector<1x32x1024xf32>
    %slice3A_543 = vector.extract_strided_slice %concatenate3A {offsets = [25, 0, 0], sizes = [1, 32, 1024], strides = [1, 1, 1]} : vector<27x32x1024xf32> to vector<1x32x1024xf32>
    %squeeze3A_544 = vector.shape_cast %slice3A_543 : vector<1x32x1024xf32> to vector<32x1024xf32>
    %broadcast_in_dim3A_545 = vector.shape_cast %squeeze3A_544 : vector<32x1024xf32> to vector<1x32x1024xf32>
    %slice3A_546 = vector.extract_strided_slice %concatenate3A {offsets = [26, 0, 0], sizes = [1, 32, 1024], strides = [1, 1, 1]} : vector<27x32x1024xf32> to vector<1x32x1024xf32>
    %squeeze3A_547 = vector.shape_cast %slice3A_546 : vector<1x32x1024xf32> to vector<32x1024xf32>
    %broadcast_in_dim3A_548 = vector.shape_cast %squeeze3A_547 : vector<32x1024xf32> to vector<1x32x1024xf32>
    %slice3A_549 = vector.extract_strided_slice %concatenate3A {offsets = [4, 0, 0], sizes = [1, 32, 1024], strides = [1, 1, 1]} : vector<27x32x1024xf32> to vector<1x32x1024xf32>
    %squeeze3A_550 = vector.shape_cast %slice3A_549 : vector<1x32x1024xf32> to vector<32x1024xf32>
    %broadcast_in_dim3A_551 = vector.shape_cast %squeeze3A_550 : vector<32x1024xf32> to vector<1x32x1024xf32>
    %slice3A_552 = vector.extract_strided_slice %concatenate3A {offsets = [5, 0, 0], sizes = [1, 32, 1024], strides = [1, 1, 1]} : vector<27x32x1024xf32> to vector<1x32x1024xf32>
    %squeeze3A_553 = vector.shape_cast %slice3A_552 : vector<1x32x1024xf32> to vector<32x1024xf32>
    %broadcast_in_dim3A_554 = vector.shape_cast %squeeze3A_553 : vector<32x1024xf32> to vector<1x32x1024xf32>
    %slice3A_555 = vector.extract_strided_slice %concatenate3A {offsets = [6, 0, 0], sizes = [1, 32, 1024], strides = [1, 1, 1]} : vector<27x32x1024xf32> to vector<1x32x1024xf32>
    %squeeze3A_556 = vector.shape_cast %slice3A_555 : vector<1x32x1024xf32> to vector<32x1024xf32>
    %broadcast_in_dim3A_557 = vector.shape_cast %squeeze3A_556 : vector<32x1024xf32> to vector<1x32x1024xf32>
    %slice3A_558 = vector.extract_strided_slice %concatenate3A {offsets = [7, 0, 0], sizes = [1, 32, 1024], strides = [1, 1, 1]} : vector<27x32x1024xf32> to vector<1x32x1024xf32>
    %squeeze3A_559 = vector.shape_cast %slice3A_558 : vector<1x32x1024xf32> to vector<32x1024xf32>
    %broadcast_in_dim3A_560 = vector.shape_cast %squeeze3A_559 : vector<32x1024xf32> to vector<1x32x1024xf32>
    %slice3A_561 = vector.extract_strided_slice %concatenate3A {offsets = [8, 0, 0], sizes = [1, 32, 1024], strides = [1, 1, 1]} : vector<27x32x1024xf32> to vector<1x32x1024xf32>
    %squeeze3A_562 = vector.shape_cast %slice3A_561 : vector<1x32x1024xf32> to vector<32x1024xf32>
    %broadcast_in_dim3A_563 = vector.shape_cast %squeeze3A_562 : vector<32x1024xf32> to vector<1x32x1024xf32>
    %concatenate3A_564 = tpu.concatenate %broadcast_in_dim3A_542, %broadcast_in_dim3A_545, %broadcast_in_dim3A_548, %broadcast_in_dim3A_551, %broadcast_in_dim3A_554, %broadcast_in_dim3A_557, %broadcast_in_dim3A_560, %broadcast_in_dim3A_563 in 0 : vector<1x32x1024xf32>, vector<1x32x1024xf32>, vector<1x32x1024xf32>, vector<1x32x1024xf32>, vector<1x32x1024xf32>, vector<1x32x1024xf32>, vector<1x32x1024xf32>, vector<1x32x1024xf32> -> vector<8x32x1024xf32>
    %mul3A_565 = arith.mulf %concatenate3A_539, %concatenate3A_564 : vector<8x32x1024xf32>
    %reduce_sum3A_566 = arith.constant dense<0.000000e+00> : vector<8x1024xf32>
    %reduce_sum3A_567 = vector.multi_reduction <add>, %mul3A_565, %reduce_sum3A_566 [1] : vector<8x32x1024xf32> to vector<8x1024xf32>
    %slice3A_568 = vector.extract_strided_slice %concatenate3A {offsets = [3, 0, 0], sizes = [1, 32, 1024], strides = [1, 1, 1]} : vector<27x32x1024xf32> to vector<1x32x1024xf32>
    %squeeze3A_569 = vector.shape_cast %slice3A_568 : vector<1x32x1024xf32> to vector<32x1024xf32>
    %broadcast_in_dim3A_570 = vector.shape_cast %squeeze3A_569 : vector<32x1024xf32> to vector<1x32x1024xf32>
    %slice3A_571 = vector.extract_strided_slice %concatenate3A {offsets = [3, 0, 0], sizes = [1, 32, 1024], strides = [1, 1, 1]} : vector<27x32x1024xf32> to vector<1x32x1024xf32>
    %squeeze3A_572 = vector.shape_cast %slice3A_571 : vector<1x32x1024xf32> to vector<32x1024xf32>
    %broadcast_in_dim3A_573 = vector.shape_cast %squeeze3A_572 : vector<32x1024xf32> to vector<1x32x1024xf32>
    %slice3A_574 = vector.extract_strided_slice %concatenate3A {offsets = [3, 0, 0], sizes = [1, 32, 1024], strides = [1, 1, 1]} : vector<27x32x1024xf32> to vector<1x32x1024xf32>
    %squeeze3A_575 = vector.shape_cast %slice3A_574 : vector<1x32x1024xf32> to vector<32x1024xf32>
    %broadcast_in_dim3A_576 = vector.shape_cast %squeeze3A_575 : vector<32x1024xf32> to vector<1x32x1024xf32>
    %slice3A_577 = vector.extract_strided_slice %concatenate3A {offsets = [3, 0, 0], sizes = [1, 32, 1024], strides = [1, 1, 1]} : vector<27x32x1024xf32> to vector<1x32x1024xf32>
    %squeeze3A_578 = vector.shape_cast %slice3A_577 : vector<1x32x1024xf32> to vector<32x1024xf32>
    %broadcast_in_dim3A_579 = vector.shape_cast %squeeze3A_578 : vector<32x1024xf32> to vector<1x32x1024xf32>
    %slice3A_580 = vector.extract_strided_slice %concatenate3A {offsets = [3, 0, 0], sizes = [1, 32, 1024], strides = [1, 1, 1]} : vector<27x32x1024xf32> to vector<1x32x1024xf32>
    %squeeze3A_581 = vector.shape_cast %slice3A_580 : vector<1x32x1024xf32> to vector<32x1024xf32>
    %broadcast_in_dim3A_582 = vector.shape_cast %squeeze3A_581 : vector<32x1024xf32> to vector<1x32x1024xf32>
    %slice3A_583 = vector.extract_strided_slice %concatenate3A {offsets = [3, 0, 0], sizes = [1, 32, 1024], strides = [1, 1, 1]} : vector<27x32x1024xf32> to vector<1x32x1024xf32>
    %squeeze3A_584 = vector.shape_cast %slice3A_583 : vector<1x32x1024xf32> to vector<32x1024xf32>
    %broadcast_in_dim3A_585 = vector.shape_cast %squeeze3A_584 : vector<32x1024xf32> to vector<1x32x1024xf32>
    %slice3A_586 = vector.extract_strided_slice %concatenate3A {offsets = [3, 0, 0], sizes = [1, 32, 1024], strides = [1, 1, 1]} : vector<27x32x1024xf32> to vector<1x32x1024xf32>
    %squeeze3A_587 = vector.shape_cast %slice3A_586 : vector<1x32x1024xf32> to vector<32x1024xf32>
    %broadcast_in_dim3A_588 = vector.shape_cast %squeeze3A_587 : vector<32x1024xf32> to vector<1x32x1024xf32>
    %slice3A_589 = vector.extract_strided_slice %concatenate3A {offsets = [3, 0, 0], sizes = [1, 32, 1024], strides = [1, 1, 1]} : vector<27x32x1024xf32> to vector<1x32x1024xf32>
    %squeeze3A_590 = vector.shape_cast %slice3A_589 : vector<1x32x1024xf32> to vector<32x1024xf32>
    %broadcast_in_dim3A_591 = vector.shape_cast %squeeze3A_590 : vector<32x1024xf32> to vector<1x32x1024xf32>
    %concatenate3A_592 = tpu.concatenate %broadcast_in_dim3A_570, %broadcast_in_dim3A_573, %broadcast_in_dim3A_576, %broadcast_in_dim3A_579, %broadcast_in_dim3A_582, %broadcast_in_dim3A_585, %broadcast_in_dim3A_588, %broadcast_in_dim3A_591 in 0 : vector<1x32x1024xf32>, vector<1x32x1024xf32>, vector<1x32x1024xf32>, vector<1x32x1024xf32>, vector<1x32x1024xf32>, vector<1x32x1024xf32>, vector<1x32x1024xf32>, vector<1x32x1024xf32> -> vector<8x32x1024xf32>
    %slice3A_593 = vector.extract_strided_slice %concatenate3A {offsets = [9, 0, 0], sizes = [1, 32, 1024], strides = [1, 1, 1]} : vector<27x32x1024xf32> to vector<1x32x1024xf32>
    %squeeze3A_594 = vector.shape_cast %slice3A_593 : vector<1x32x1024xf32> to vector<32x1024xf32>
    %broadcast_in_dim3A_595 = vector.shape_cast %squeeze3A_594 : vector<32x1024xf32> to vector<1x32x1024xf32>
    %slice3A_596 = vector.extract_strided_slice %concatenate3A {offsets = [10, 0, 0], sizes = [1, 32, 1024], strides = [1, 1, 1]} : vector<27x32x1024xf32> to vector<1x32x1024xf32>
    %squeeze3A_597 = vector.shape_cast %slice3A_596 : vector<1x32x1024xf32> to vector<32x1024xf32>
    %broadcast_in_dim3A_598 = vector.shape_cast %squeeze3A_597 : vector<32x1024xf32> to vector<1x32x1024xf32>
    %slice3A_599 = vector.extract_strided_slice %concatenate3A {offsets = [11, 0, 0], sizes = [1, 32, 1024], strides = [1, 1, 1]} : vector<27x32x1024xf32> to vector<1x32x1024xf32>
    %squeeze3A_600 = vector.shape_cast %slice3A_599 : vector<1x32x1024xf32> to vector<32x1024xf32>
    %broadcast_in_dim3A_601 = vector.shape_cast %squeeze3A_600 : vector<32x1024xf32> to vector<1x32x1024xf32>
    %slice3A_602 = vector.extract_strided_slice %concatenate3A {offsets = [12, 0, 0], sizes = [1, 32, 1024], strides = [1, 1, 1]} : vector<27x32x1024xf32> to vector<1x32x1024xf32>
    %squeeze3A_603 = vector.shape_cast %slice3A_602 : vector<1x32x1024xf32> to vector<32x1024xf32>
    %broadcast_in_dim3A_604 = vector.shape_cast %squeeze3A_603 : vector<32x1024xf32> to vector<1x32x1024xf32>
    %slice3A_605 = vector.extract_strided_slice %concatenate3A {offsets = [13, 0, 0], sizes = [1, 32, 1024], strides = [1, 1, 1]} : vector<27x32x1024xf32> to vector<1x32x1024xf32>
    %squeeze3A_606 = vector.shape_cast %slice3A_605 : vector<1x32x1024xf32> to vector<32x1024xf32>
    %broadcast_in_dim3A_607 = vector.shape_cast %squeeze3A_606 : vector<32x1024xf32> to vector<1x32x1024xf32>
    %slice3A_608 = vector.extract_strided_slice %concatenate3A {offsets = [14, 0, 0], sizes = [1, 32, 1024], strides = [1, 1, 1]} : vector<27x32x1024xf32> to vector<1x32x1024xf32>
    %squeeze3A_609 = vector.shape_cast %slice3A_608 : vector<1x32x1024xf32> to vector<32x1024xf32>
    %broadcast_in_dim3A_610 = vector.shape_cast %squeeze3A_609 : vector<32x1024xf32> to vector<1x32x1024xf32>
    %slice3A_611 = vector.extract_strided_slice %concatenate3A {offsets = [15, 0, 0], sizes = [1, 32, 1024], strides = [1, 1, 1]} : vector<27x32x1024xf32> to vector<1x32x1024xf32>
    %squeeze3A_612 = vector.shape_cast %slice3A_611 : vector<1x32x1024xf32> to vector<32x1024xf32>
    %broadcast_in_dim3A_613 = vector.shape_cast %squeeze3A_612 : vector<32x1024xf32> to vector<1x32x1024xf32>
    %slice3A_614 = vector.extract_strided_slice %concatenate3A {offsets = [16, 0, 0], sizes = [1, 32, 1024], strides = [1, 1, 1]} : vector<27x32x1024xf32> to vector<1x32x1024xf32>
    %squeeze3A_615 = vector.shape_cast %slice3A_614 : vector<1x32x1024xf32> to vector<32x1024xf32>
    %broadcast_in_dim3A_616 = vector.shape_cast %squeeze3A_615 : vector<32x1024xf32> to vector<1x32x1024xf32>
    %concatenate3A_617 = tpu.concatenate %broadcast_in_dim3A_595, %broadcast_in_dim3A_598, %broadcast_in_dim3A_601, %broadcast_in_dim3A_604, %broadcast_in_dim3A_607, %broadcast_in_dim3A_610, %broadcast_in_dim3A_613, %broadcast_in_dim3A_616 in 0 : vector<1x32x1024xf32>, vector<1x32x1024xf32>, vector<1x32x1024xf32>, vector<1x32x1024xf32>, vector<1x32x1024xf32>, vector<1x32x1024xf32>, vector<1x32x1024xf32>, vector<1x32x1024xf32> -> vector<8x32x1024xf32>
    %mul3A_618 = arith.mulf %concatenate3A_592, %concatenate3A_617 : vector<8x32x1024xf32>
    %reduce_sum3A_619 = arith.constant dense<0.000000e+00> : vector<8x1024xf32>
    %reduce_sum3A_620 = vector.multi_reduction <add>, %mul3A_618, %reduce_sum3A_619 [1] : vector<8x32x1024xf32> to vector<8x1024xf32>
    %slice3A_621 = vector.extract_strided_slice %concatenate3A {offsets = [3, 0, 0], sizes = [1, 32, 1024], strides = [1, 1, 1]} : vector<27x32x1024xf32> to vector<1x32x1024xf32>
    %squeeze3A_622 = vector.shape_cast %slice3A_621 : vector<1x32x1024xf32> to vector<32x1024xf32>
    %broadcast_in_dim3A_623 = vector.shape_cast %squeeze3A_622 : vector<32x1024xf32> to vector<1x32x1024xf32>
    %slice3A_624 = vector.extract_strided_slice %concatenate3A {offsets = [3, 0, 0], sizes = [1, 32, 1024], strides = [1, 1, 1]} : vector<27x32x1024xf32> to vector<1x32x1024xf32>
    %squeeze3A_625 = vector.shape_cast %slice3A_624 : vector<1x32x1024xf32> to vector<32x1024xf32>
    %broadcast_in_dim3A_626 = vector.shape_cast %squeeze3A_625 : vector<32x1024xf32> to vector<1x32x1024xf32>
    %slice3A_627 = vector.extract_strided_slice %concatenate3A {offsets = [3, 0, 0], sizes = [1, 32, 1024], strides = [1, 1, 1]} : vector<27x32x1024xf32> to vector<1x32x1024xf32>
    %squeeze3A_628 = vector.shape_cast %slice3A_627 : vector<1x32x1024xf32> to vector<32x1024xf32>
    %broadcast_in_dim3A_629 = vector.shape_cast %squeeze3A_628 : vector<32x1024xf32> to vector<1x32x1024xf32>
    %slice3A_630 = vector.extract_strided_slice %concatenate3A {offsets = [3, 0, 0], sizes = [1, 32, 1024], strides = [1, 1, 1]} : vector<27x32x1024xf32> to vector<1x32x1024xf32>
    %squeeze3A_631 = vector.shape_cast %slice3A_630 : vector<1x32x1024xf32> to vector<32x1024xf32>
    %broadcast_in_dim3A_632 = vector.shape_cast %squeeze3A_631 : vector<32x1024xf32> to vector<1x32x1024xf32>
    %slice3A_633 = vector.extract_strided_slice %concatenate3A {offsets = [3, 0, 0], sizes = [1, 32, 1024], strides = [1, 1, 1]} : vector<27x32x1024xf32> to vector<1x32x1024xf32>
    %squeeze3A_634 = vector.shape_cast %slice3A_633 : vector<1x32x1024xf32> to vector<32x1024xf32>
    %broadcast_in_dim3A_635 = vector.shape_cast %squeeze3A_634 : vector<32x1024xf32> to vector<1x32x1024xf32>
    %slice3A_636 = vector.extract_strided_slice %concatenate3A {offsets = [3, 0, 0], sizes = [1, 32, 1024], strides = [1, 1, 1]} : vector<27x32x1024xf32> to vector<1x32x1024xf32>
    %squeeze3A_637 = vector.shape_cast %slice3A_636 : vector<1x32x1024xf32> to vector<32x1024xf32>
    %broadcast_in_dim3A_638 = vector.shape_cast %squeeze3A_637 : vector<32x1024xf32> to vector<1x32x1024xf32>
    %slice3A_639 = vector.extract_strided_slice %concatenate3A {offsets = [3, 0, 0], sizes = [1, 32, 1024], strides = [1, 1, 1]} : vector<27x32x1024xf32> to vector<1x32x1024xf32>
    %squeeze3A_640 = vector.shape_cast %slice3A_639 : vector<1x32x1024xf32> to vector<32x1024xf32>
    %broadcast_in_dim3A_641 = vector.shape_cast %squeeze3A_640 : vector<32x1024xf32> to vector<1x32x1024xf32>
    %slice3A_642 = vector.extract_strided_slice %concatenate3A {offsets = [3, 0, 0], sizes = [1, 32, 1024], strides = [1, 1, 1]} : vector<27x32x1024xf32> to vector<1x32x1024xf32>
    %squeeze3A_643 = vector.shape_cast %slice3A_642 : vector<1x32x1024xf32> to vector<32x1024xf32>
    %broadcast_in_dim3A_644 = vector.shape_cast %squeeze3A_643 : vector<32x1024xf32> to vector<1x32x1024xf32>
    %concatenate3A_645 = tpu.concatenate %broadcast_in_dim3A_623, %broadcast_in_dim3A_626, %broadcast_in_dim3A_629, %broadcast_in_dim3A_632, %broadcast_in_dim3A_635, %broadcast_in_dim3A_638, %broadcast_in_dim3A_641, %broadcast_in_dim3A_644 in 0 : vector<1x32x1024xf32>, vector<1x32x1024xf32>, vector<1x32x1024xf32>, vector<1x32x1024xf32>, vector<1x32x1024xf32>, vector<1x32x1024xf32>, vector<1x32x1024xf32>, vector<1x32x1024xf32> -> vector<8x32x1024xf32>
    %slice3A_646 = vector.extract_strided_slice %concatenate3A {offsets = [17, 0, 0], sizes = [1, 32, 1024], strides = [1, 1, 1]} : vector<27x32x1024xf32> to vector<1x32x1024xf32>
    %squeeze3A_647 = vector.shape_cast %slice3A_646 : vector<1x32x1024xf32> to vector<32x1024xf32>
    %broadcast_in_dim3A_648 = vector.shape_cast %squeeze3A_647 : vector<32x1024xf32> to vector<1x32x1024xf32>
    %slice3A_649 = vector.extract_strided_slice %concatenate3A {offsets = [18, 0, 0], sizes = [1, 32, 1024], strides = [1, 1, 1]} : vector<27x32x1024xf32> to vector<1x32x1024xf32>
    %squeeze3A_650 = vector.shape_cast %slice3A_649 : vector<1x32x1024xf32> to vector<32x1024xf32>
    %broadcast_in_dim3A_651 = vector.shape_cast %squeeze3A_650 : vector<32x1024xf32> to vector<1x32x1024xf32>
    %slice3A_652 = vector.extract_strided_slice %concatenate3A {offsets = [19, 0, 0], sizes = [1, 32, 1024], strides = [1, 1, 1]} : vector<27x32x1024xf32> to vector<1x32x1024xf32>
    %squeeze3A_653 = vector.shape_cast %slice3A_652 : vector<1x32x1024xf32> to vector<32x1024xf32>
    %broadcast_in_dim3A_654 = vector.shape_cast %squeeze3A_653 : vector<32x1024xf32> to vector<1x32x1024xf32>
    %slice3A_655 = vector.extract_strided_slice %concatenate3A {offsets = [20, 0, 0], sizes = [1, 32, 1024], strides = [1, 1, 1]} : vector<27x32x1024xf32> to vector<1x32x1024xf32>
    %squeeze3A_656 = vector.shape_cast %slice3A_655 : vector<1x32x1024xf32> to vector<32x1024xf32>
    %broadcast_in_dim3A_657 = vector.shape_cast %squeeze3A_656 : vector<32x1024xf32> to vector<1x32x1024xf32>
    %slice3A_658 = vector.extract_strided_slice %concatenate3A {offsets = [21, 0, 0], sizes = [1, 32, 1024], strides = [1, 1, 1]} : vector<27x32x1024xf32> to vector<1x32x1024xf32>
    %squeeze3A_659 = vector.shape_cast %slice3A_658 : vector<1x32x1024xf32> to vector<32x1024xf32>
    %broadcast_in_dim3A_660 = vector.shape_cast %squeeze3A_659 : vector<32x1024xf32> to vector<1x32x1024xf32>
    %slice3A_661 = vector.extract_strided_slice %concatenate3A {offsets = [22, 0, 0], sizes = [1, 32, 1024], strides = [1, 1, 1]} : vector<27x32x1024xf32> to vector<1x32x1024xf32>
    %squeeze3A_662 = vector.shape_cast %slice3A_661 : vector<1x32x1024xf32> to vector<32x1024xf32>
    %broadcast_in_dim3A_663 = vector.shape_cast %squeeze3A_662 : vector<32x1024xf32> to vector<1x32x1024xf32>
    %slice3A_664 = vector.extract_strided_slice %concatenate3A {offsets = [23, 0, 0], sizes = [1, 32, 1024], strides = [1, 1, 1]} : vector<27x32x1024xf32> to vector<1x32x1024xf32>
    %squeeze3A_665 = vector.shape_cast %slice3A_664 : vector<1x32x1024xf32> to vector<32x1024xf32>
    %broadcast_in_dim3A_666 = vector.shape_cast %squeeze3A_665 : vector<32x1024xf32> to vector<1x32x1024xf32>
    %slice3A_667 = vector.extract_strided_slice %concatenate3A {offsets = [24, 0, 0], sizes = [1, 32, 1024], strides = [1, 1, 1]} : vector<27x32x1024xf32> to vector<1x32x1024xf32>
    %squeeze3A_668 = vector.shape_cast %slice3A_667 : vector<1x32x1024xf32> to vector<32x1024xf32>
    %broadcast_in_dim3A_669 = vector.shape_cast %squeeze3A_668 : vector<32x1024xf32> to vector<1x32x1024xf32>
    %concatenate3A_670 = tpu.concatenate %broadcast_in_dim3A_648, %broadcast_in_dim3A_651, %broadcast_in_dim3A_654, %broadcast_in_dim3A_657, %broadcast_in_dim3A_660, %broadcast_in_dim3A_663, %broadcast_in_dim3A_666, %broadcast_in_dim3A_669 in 0 : vector<1x32x1024xf32>, vector<1x32x1024xf32>, vector<1x32x1024xf32>, vector<1x32x1024xf32>, vector<1x32x1024xf32>, vector<1x32x1024xf32>, vector<1x32x1024xf32>, vector<1x32x1024xf32> -> vector<8x32x1024xf32>
    %mul3A_671 = arith.mulf %concatenate3A_645, %concatenate3A_670 : vector<8x32x1024xf32>
    %reduce_sum3A_672 = arith.constant dense<0.000000e+00> : vector<8x1024xf32>
    %reduce_sum3A_673 = vector.multi_reduction <add>, %mul3A_671, %reduce_sum3A_672 [1] : vector<8x32x1024xf32> to vector<8x1024xf32>
    %slice3A_674 = vector.extract_strided_slice %concatenate3A {offsets = [3, 0, 0], sizes = [1, 32, 1024], strides = [1, 1, 1]} : vector<27x32x1024xf32> to vector<1x32x1024xf32>
    %squeeze3A_675 = vector.shape_cast %slice3A_674 : vector<1x32x1024xf32> to vector<32x1024xf32>
    %broadcast_in_dim3A_676 = vector.shape_cast %squeeze3A_675 : vector<32x1024xf32> to vector<1x32x1024xf32>
    %slice3A_677 = vector.extract_strided_slice %concatenate3A {offsets = [3, 0, 0], sizes = [1, 32, 1024], strides = [1, 1, 1]} : vector<27x32x1024xf32> to vector<1x32x1024xf32>
    %squeeze3A_678 = vector.shape_cast %slice3A_677 : vector<1x32x1024xf32> to vector<32x1024xf32>
    %broadcast_in_dim3A_679 = vector.shape_cast %squeeze3A_678 : vector<32x1024xf32> to vector<1x32x1024xf32>
    %slice3A_680 = vector.extract_strided_slice %concatenate3A {offsets = [4, 0, 0], sizes = [1, 32, 1024], strides = [1, 1, 1]} : vector<27x32x1024xf32> to vector<1x32x1024xf32>
    %squeeze3A_681 = vector.shape_cast %slice3A_680 : vector<1x32x1024xf32> to vector<32x1024xf32>
    %broadcast_in_dim3A_682 = vector.shape_cast %squeeze3A_681 : vector<32x1024xf32> to vector<1x32x1024xf32>
    %slice3A_683 = vector.extract_strided_slice %concatenate3A {offsets = [4, 0, 0], sizes = [1, 32, 1024], strides = [1, 1, 1]} : vector<27x32x1024xf32> to vector<1x32x1024xf32>
    %squeeze3A_684 = vector.shape_cast %slice3A_683 : vector<1x32x1024xf32> to vector<32x1024xf32>
    %broadcast_in_dim3A_685 = vector.shape_cast %squeeze3A_684 : vector<32x1024xf32> to vector<1x32x1024xf32>
    %slice3A_686 = vector.extract_strided_slice %concatenate3A {offsets = [4, 0, 0], sizes = [1, 32, 1024], strides = [1, 1, 1]} : vector<27x32x1024xf32> to vector<1x32x1024xf32>
    %squeeze3A_687 = vector.shape_cast %slice3A_686 : vector<1x32x1024xf32> to vector<32x1024xf32>
    %broadcast_in_dim3A_688 = vector.shape_cast %squeeze3A_687 : vector<32x1024xf32> to vector<1x32x1024xf32>
    %slice3A_689 = vector.extract_strided_slice %concatenate3A {offsets = [4, 0, 0], sizes = [1, 32, 1024], strides = [1, 1, 1]} : vector<27x32x1024xf32> to vector<1x32x1024xf32>
    %squeeze3A_690 = vector.shape_cast %slice3A_689 : vector<1x32x1024xf32> to vector<32x1024xf32>
    %broadcast_in_dim3A_691 = vector.shape_cast %squeeze3A_690 : vector<32x1024xf32> to vector<1x32x1024xf32>
    %slice3A_692 = vector.extract_strided_slice %concatenate3A {offsets = [4, 0, 0], sizes = [1, 32, 1024], strides = [1, 1, 1]} : vector<27x32x1024xf32> to vector<1x32x1024xf32>
    %squeeze3A_693 = vector.shape_cast %slice3A_692 : vector<1x32x1024xf32> to vector<32x1024xf32>
    %broadcast_in_dim3A_694 = vector.shape_cast %squeeze3A_693 : vector<32x1024xf32> to vector<1x32x1024xf32>
    %slice3A_695 = vector.extract_strided_slice %concatenate3A {offsets = [4, 0, 0], sizes = [1, 32, 1024], strides = [1, 1, 1]} : vector<27x32x1024xf32> to vector<1x32x1024xf32>
    %squeeze3A_696 = vector.shape_cast %slice3A_695 : vector<1x32x1024xf32> to vector<32x1024xf32>
    %broadcast_in_dim3A_697 = vector.shape_cast %squeeze3A_696 : vector<32x1024xf32> to vector<1x32x1024xf32>
    %concatenate3A_698 = tpu.concatenate %broadcast_in_dim3A_676, %broadcast_in_dim3A_679, %broadcast_in_dim3A_682, %broadcast_in_dim3A_685, %broadcast_in_dim3A_688, %broadcast_in_dim3A_691, %broadcast_in_dim3A_694, %broadcast_in_dim3A_697 in 0 : vector<1x32x1024xf32>, vector<1x32x1024xf32>, vector<1x32x1024xf32>, vector<1x32x1024xf32>, vector<1x32x1024xf32>, vector<1x32x1024xf32>, vector<1x32x1024xf32>, vector<1x32x1024xf32> -> vector<8x32x1024xf32>
    %slice3A_699 = vector.extract_strided_slice %concatenate3A {offsets = [25, 0, 0], sizes = [1, 32, 1024], strides = [1, 1, 1]} : vector<27x32x1024xf32> to vector<1x32x1024xf32>
    %squeeze3A_700 = vector.shape_cast %slice3A_699 : vector<1x32x1024xf32> to vector<32x1024xf32>
    %broadcast_in_dim3A_701 = vector.shape_cast %squeeze3A_700 : vector<32x1024xf32> to vector<1x32x1024xf32>
    %slice3A_702 = vector.extract_strided_slice %concatenate3A {offsets = [26, 0, 0], sizes = [1, 32, 1024], strides = [1, 1, 1]} : vector<27x32x1024xf32> to vector<1x32x1024xf32>
    %squeeze3A_703 = vector.shape_cast %slice3A_702 : vector<1x32x1024xf32> to vector<32x1024xf32>
    %broadcast_in_dim3A_704 = vector.shape_cast %squeeze3A_703 : vector<32x1024xf32> to vector<1x32x1024xf32>
    %slice3A_705 = vector.extract_strided_slice %concatenate3A {offsets = [5, 0, 0], sizes = [1, 32, 1024], strides = [1, 1, 1]} : vector<27x32x1024xf32> to vector<1x32x1024xf32>
    %squeeze3A_706 = vector.shape_cast %slice3A_705 : vector<1x32x1024xf32> to vector<32x1024xf32>
    %broadcast_in_dim3A_707 = vector.shape_cast %squeeze3A_706 : vector<32x1024xf32> to vector<1x32x1024xf32>
    %slice3A_708 = vector.extract_strided_slice %concatenate3A {offsets = [6, 0, 0], sizes = [1, 32, 1024], strides = [1, 1, 1]} : vector<27x32x1024xf32> to vector<1x32x1024xf32>
    %squeeze3A_709 = vector.shape_cast %slice3A_708 : vector<1x32x1024xf32> to vector<32x1024xf32>
    %broadcast_in_dim3A_710 = vector.shape_cast %squeeze3A_709 : vector<32x1024xf32> to vector<1x32x1024xf32>
    %slice3A_711 = vector.extract_strided_slice %concatenate3A {offsets = [7, 0, 0], sizes = [1, 32, 1024], strides = [1, 1, 1]} : vector<27x32x1024xf32> to vector<1x32x1024xf32>
    %squeeze3A_712 = vector.shape_cast %slice3A_711 : vector<1x32x1024xf32> to vector<32x1024xf32>
    %broadcast_in_dim3A_713 = vector.shape_cast %squeeze3A_712 : vector<32x1024xf32> to vector<1x32x1024xf32>
    %slice3A_714 = vector.extract_strided_slice %concatenate3A {offsets = [8, 0, 0], sizes = [1, 32, 1024], strides = [1, 1, 1]} : vector<27x32x1024xf32> to vector<1x32x1024xf32>
    %squeeze3A_715 = vector.shape_cast %slice3A_714 : vector<1x32x1024xf32> to vector<32x1024xf32>
    %broadcast_in_dim3A_716 = vector.shape_cast %squeeze3A_715 : vector<32x1024xf32> to vector<1x32x1024xf32>
    %slice3A_717 = vector.extract_strided_slice %concatenate3A {offsets = [9, 0, 0], sizes = [1, 32, 1024], strides = [1, 1, 1]} : vector<27x32x1024xf32> to vector<1x32x1024xf32>
    %squeeze3A_718 = vector.shape_cast %slice3A_717 : vector<1x32x1024xf32> to vector<32x1024xf32>
    %broadcast_in_dim3A_719 = vector.shape_cast %squeeze3A_718 : vector<32x1024xf32> to vector<1x32x1024xf32>
    %slice3A_720 = vector.extract_strided_slice %concatenate3A {offsets = [10, 0, 0], sizes = [1, 32, 1024], strides = [1, 1, 1]} : vector<27x32x1024xf32> to vector<1x32x1024xf32>
    %squeeze3A_721 = vector.shape_cast %slice3A_720 : vector<1x32x1024xf32> to vector<32x1024xf32>
    %broadcast_in_dim3A_722 = vector.shape_cast %squeeze3A_721 : vector<32x1024xf32> to vector<1x32x1024xf32>
    %concatenate3A_723 = tpu.concatenate %broadcast_in_dim3A_701, %broadcast_in_dim3A_704, %broadcast_in_dim3A_707, %broadcast_in_dim3A_710, %broadcast_in_dim3A_713, %broadcast_in_dim3A_716, %broadcast_in_dim3A_719, %broadcast_in_dim3A_722 in 0 : vector<1x32x1024xf32>, vector<1x32x1024xf32>, vector<1x32x1024xf32>, vector<1x32x1024xf32>, vector<1x32x1024xf32>, vector<1x32x1024xf32>, vector<1x32x1024xf32>, vector<1x32x1024xf32> -> vector<8x32x1024xf32>
    %mul3A_724 = arith.mulf %concatenate3A_698, %concatenate3A_723 : vector<8x32x1024xf32>
    %reduce_sum3A_725 = arith.constant dense<0.000000e+00> : vector<8x1024xf32>
    %reduce_sum3A_726 = vector.multi_reduction <add>, %mul3A_724, %reduce_sum3A_725 [1] : vector<8x32x1024xf32> to vector<8x1024xf32>
    %slice3A_727 = vector.extract_strided_slice %concatenate3A {offsets = [4, 0, 0], sizes = [1, 32, 1024], strides = [1, 1, 1]} : vector<27x32x1024xf32> to vector<1x32x1024xf32>
    %squeeze3A_728 = vector.shape_cast %slice3A_727 : vector<1x32x1024xf32> to vector<32x1024xf32>
    %broadcast_in_dim3A_729 = vector.shape_cast %squeeze3A_728 : vector<32x1024xf32> to vector<1x32x1024xf32>
    %slice3A_730 = vector.extract_strided_slice %concatenate3A {offsets = [4, 0, 0], sizes = [1, 32, 1024], strides = [1, 1, 1]} : vector<27x32x1024xf32> to vector<1x32x1024xf32>
    %squeeze3A_731 = vector.shape_cast %slice3A_730 : vector<1x32x1024xf32> to vector<32x1024xf32>
    %broadcast_in_dim3A_732 = vector.shape_cast %squeeze3A_731 : vector<32x1024xf32> to vector<1x32x1024xf32>
    %slice3A_733 = vector.extract_strided_slice %concatenate3A {offsets = [4, 0, 0], sizes = [1, 32, 1024], strides = [1, 1, 1]} : vector<27x32x1024xf32> to vector<1x32x1024xf32>
    %squeeze3A_734 = vector.shape_cast %slice3A_733 : vector<1x32x1024xf32> to vector<32x1024xf32>
    %broadcast_in_dim3A_735 = vector.shape_cast %squeeze3A_734 : vector<32x1024xf32> to vector<1x32x1024xf32>
    %slice3A_736 = vector.extract_strided_slice %concatenate3A {offsets = [4, 0, 0], sizes = [1, 32, 1024], strides = [1, 1, 1]} : vector<27x32x1024xf32> to vector<1x32x1024xf32>
    %squeeze3A_737 = vector.shape_cast %slice3A_736 : vector<1x32x1024xf32> to vector<32x1024xf32>
    %broadcast_in_dim3A_738 = vector.shape_cast %squeeze3A_737 : vector<32x1024xf32> to vector<1x32x1024xf32>
    %slice3A_739 = vector.extract_strided_slice %concatenate3A {offsets = [4, 0, 0], sizes = [1, 32, 1024], strides = [1, 1, 1]} : vector<27x32x1024xf32> to vector<1x32x1024xf32>
    %squeeze3A_740 = vector.shape_cast %slice3A_739 : vector<1x32x1024xf32> to vector<32x1024xf32>
    %broadcast_in_dim3A_741 = vector.shape_cast %squeeze3A_740 : vector<32x1024xf32> to vector<1x32x1024xf32>
    %slice3A_742 = vector.extract_strided_slice %concatenate3A {offsets = [4, 0, 0], sizes = [1, 32, 1024], strides = [1, 1, 1]} : vector<27x32x1024xf32> to vector<1x32x1024xf32>
    %squeeze3A_743 = vector.shape_cast %slice3A_742 : vector<1x32x1024xf32> to vector<32x1024xf32>
    %broadcast_in_dim3A_744 = vector.shape_cast %squeeze3A_743 : vector<32x1024xf32> to vector<1x32x1024xf32>
    %slice3A_745 = vector.extract_strided_slice %concatenate3A {offsets = [4, 0, 0], sizes = [1, 32, 1024], strides = [1, 1, 1]} : vector<27x32x1024xf32> to vector<1x32x1024xf32>
    %squeeze3A_746 = vector.shape_cast %slice3A_745 : vector<1x32x1024xf32> to vector<32x1024xf32>
    %broadcast_in_dim3A_747 = vector.shape_cast %squeeze3A_746 : vector<32x1024xf32> to vector<1x32x1024xf32>
    %slice3A_748 = vector.extract_strided_slice %concatenate3A {offsets = [4, 0, 0], sizes = [1, 32, 1024], strides = [1, 1, 1]} : vector<27x32x1024xf32> to vector<1x32x1024xf32>
    %squeeze3A_749 = vector.shape_cast %slice3A_748 : vector<1x32x1024xf32> to vector<32x1024xf32>
    %broadcast_in_dim3A_750 = vector.shape_cast %squeeze3A_749 : vector<32x1024xf32> to vector<1x32x1024xf32>
    %concatenate3A_751 = tpu.concatenate %broadcast_in_dim3A_729, %broadcast_in_dim3A_732, %broadcast_in_dim3A_735, %broadcast_in_dim3A_738, %broadcast_in_dim3A_741, %broadcast_in_dim3A_744, %broadcast_in_dim3A_747, %broadcast_in_dim3A_750 in 0 : vector<1x32x1024xf32>, vector<1x32x1024xf32>, vector<1x32x1024xf32>, vector<1x32x1024xf32>, vector<1x32x1024xf32>, vector<1x32x1024xf32>, vector<1x32x1024xf32>, vector<1x32x1024xf32> -> vector<8x32x1024xf32>
    %slice3A_752 = vector.extract_strided_slice %concatenate3A {offsets = [11, 0, 0], sizes = [1, 32, 1024], strides = [1, 1, 1]} : vector<27x32x1024xf32> to vector<1x32x1024xf32>
    %squeeze3A_753 = vector.shape_cast %slice3A_752 : vector<1x32x1024xf32> to vector<32x1024xf32>
    %broadcast_in_dim3A_754 = vector.shape_cast %squeeze3A_753 : vector<32x1024xf32> to vector<1x32x1024xf32>
    %slice3A_755 = vector.extract_strided_slice %concatenate3A {offsets = [12, 0, 0], sizes = [1, 32, 1024], strides = [1, 1, 1]} : vector<27x32x1024xf32> to vector<1x32x1024xf32>
    %squeeze3A_756 = vector.shape_cast %slice3A_755 : vector<1x32x1024xf32> to vector<32x1024xf32>
    %broadcast_in_dim3A_757 = vector.shape_cast %squeeze3A_756 : vector<32x1024xf32> to vector<1x32x1024xf32>
    %slice3A_758 = vector.extract_strided_slice %concatenate3A {offsets = [13, 0, 0], sizes = [1, 32, 1024], strides = [1, 1, 1]} : vector<27x32x1024xf32> to vector<1x32x1024xf32>
    %squeeze3A_759 = vector.shape_cast %slice3A_758 : vector<1x32x1024xf32> to vector<32x1024xf32>
    %broadcast_in_dim3A_760 = vector.shape_cast %squeeze3A_759 : vector<32x1024xf32> to vector<1x32x1024xf32>
    %slice3A_761 = vector.extract_strided_slice %concatenate3A {offsets = [14, 0, 0], sizes = [1, 32, 1024], strides = [1, 1, 1]} : vector<27x32x1024xf32> to vector<1x32x1024xf32>
    %squeeze3A_762 = vector.shape_cast %slice3A_761 : vector<1x32x1024xf32> to vector<32x1024xf32>
    %broadcast_in_dim3A_763 = vector.shape_cast %squeeze3A_762 : vector<32x1024xf32> to vector<1x32x1024xf32>
    %slice3A_764 = vector.extract_strided_slice %concatenate3A {offsets = [15, 0, 0], sizes = [1, 32, 1024], strides = [1, 1, 1]} : vector<27x32x1024xf32> to vector<1x32x1024xf32>
    %squeeze3A_765 = vector.shape_cast %slice3A_764 : vector<1x32x1024xf32> to vector<32x1024xf32>
    %broadcast_in_dim3A_766 = vector.shape_cast %squeeze3A_765 : vector<32x1024xf32> to vector<1x32x1024xf32>
    %slice3A_767 = vector.extract_strided_slice %concatenate3A {offsets = [16, 0, 0], sizes = [1, 32, 1024], strides = [1, 1, 1]} : vector<27x32x1024xf32> to vector<1x32x1024xf32>
    %squeeze3A_768 = vector.shape_cast %slice3A_767 : vector<1x32x1024xf32> to vector<32x1024xf32>
    %broadcast_in_dim3A_769 = vector.shape_cast %squeeze3A_768 : vector<32x1024xf32> to vector<1x32x1024xf32>
    %slice3A_770 = vector.extract_strided_slice %concatenate3A {offsets = [17, 0, 0], sizes = [1, 32, 1024], strides = [1, 1, 1]} : vector<27x32x1024xf32> to vector<1x32x1024xf32>
    %squeeze3A_771 = vector.shape_cast %slice3A_770 : vector<1x32x1024xf32> to vector<32x1024xf32>
    %broadcast_in_dim3A_772 = vector.shape_cast %squeeze3A_771 : vector<32x1024xf32> to vector<1x32x1024xf32>
    %slice3A_773 = vector.extract_strided_slice %concatenate3A {offsets = [18, 0, 0], sizes = [1, 32, 1024], strides = [1, 1, 1]} : vector<27x32x1024xf32> to vector<1x32x1024xf32>
    %squeeze3A_774 = vector.shape_cast %slice3A_773 : vector<1x32x1024xf32> to vector<32x1024xf32>
    %broadcast_in_dim3A_775 = vector.shape_cast %squeeze3A_774 : vector<32x1024xf32> to vector<1x32x1024xf32>
    %concatenate3A_776 = tpu.concatenate %broadcast_in_dim3A_754, %broadcast_in_dim3A_757, %broadcast_in_dim3A_760, %broadcast_in_dim3A_763, %broadcast_in_dim3A_766, %broadcast_in_dim3A_769, %broadcast_in_dim3A_772, %broadcast_in_dim3A_775 in 0 : vector<1x32x1024xf32>, vector<1x32x1024xf32>, vector<1x32x1024xf32>, vector<1x32x1024xf32>, vector<1x32x1024xf32>, vector<1x32x1024xf32>, vector<1x32x1024xf32>, vector<1x32x1024xf32> -> vector<8x32x1024xf32>
    %mul3A_777 = arith.mulf %concatenate3A_751, %concatenate3A_776 : vector<8x32x1024xf32>
    %reduce_sum3A_778 = arith.constant dense<0.000000e+00> : vector<8x1024xf32>
    %reduce_sum3A_779 = vector.multi_reduction <add>, %mul3A_777, %reduce_sum3A_778 [1] : vector<8x32x1024xf32> to vector<8x1024xf32>
    %slice3A_780 = vector.extract_strided_slice %concatenate3A {offsets = [4, 0, 0], sizes = [1, 32, 1024], strides = [1, 1, 1]} : vector<27x32x1024xf32> to vector<1x32x1024xf32>
    %squeeze3A_781 = vector.shape_cast %slice3A_780 : vector<1x32x1024xf32> to vector<32x1024xf32>
    %broadcast_in_dim3A_782 = vector.shape_cast %squeeze3A_781 : vector<32x1024xf32> to vector<1x32x1024xf32>
    %slice3A_783 = vector.extract_strided_slice %concatenate3A {offsets = [4, 0, 0], sizes = [1, 32, 1024], strides = [1, 1, 1]} : vector<27x32x1024xf32> to vector<1x32x1024xf32>
    %squeeze3A_784 = vector.shape_cast %slice3A_783 : vector<1x32x1024xf32> to vector<32x1024xf32>
    %broadcast_in_dim3A_785 = vector.shape_cast %squeeze3A_784 : vector<32x1024xf32> to vector<1x32x1024xf32>
    %slice3A_786 = vector.extract_strided_slice %concatenate3A {offsets = [4, 0, 0], sizes = [1, 32, 1024], strides = [1, 1, 1]} : vector<27x32x1024xf32> to vector<1x32x1024xf32>
    %squeeze3A_787 = vector.shape_cast %slice3A_786 : vector<1x32x1024xf32> to vector<32x1024xf32>
    %broadcast_in_dim3A_788 = vector.shape_cast %squeeze3A_787 : vector<32x1024xf32> to vector<1x32x1024xf32>
    %slice3A_789 = vector.extract_strided_slice %concatenate3A {offsets = [4, 0, 0], sizes = [1, 32, 1024], strides = [1, 1, 1]} : vector<27x32x1024xf32> to vector<1x32x1024xf32>
    %squeeze3A_790 = vector.shape_cast %slice3A_789 : vector<1x32x1024xf32> to vector<32x1024xf32>
    %broadcast_in_dim3A_791 = vector.shape_cast %squeeze3A_790 : vector<32x1024xf32> to vector<1x32x1024xf32>
    %slice3A_792 = vector.extract_strided_slice %concatenate3A {offsets = [4, 0, 0], sizes = [1, 32, 1024], strides = [1, 1, 1]} : vector<27x32x1024xf32> to vector<1x32x1024xf32>
    %squeeze3A_793 = vector.shape_cast %slice3A_792 : vector<1x32x1024xf32> to vector<32x1024xf32>
    %broadcast_in_dim3A_794 = vector.shape_cast %squeeze3A_793 : vector<32x1024xf32> to vector<1x32x1024xf32>
    %slice3A_795 = vector.extract_strided_slice %concatenate3A {offsets = [4, 0, 0], sizes = [1, 32, 1024], strides = [1, 1, 1]} : vector<27x32x1024xf32> to vector<1x32x1024xf32>
    %squeeze3A_796 = vector.shape_cast %slice3A_795 : vector<1x32x1024xf32> to vector<32x1024xf32>
    %broadcast_in_dim3A_797 = vector.shape_cast %squeeze3A_796 : vector<32x1024xf32> to vector<1x32x1024xf32>
    %slice3A_798 = vector.extract_strided_slice %concatenate3A {offsets = [4, 0, 0], sizes = [1, 32, 1024], strides = [1, 1, 1]} : vector<27x32x1024xf32> to vector<1x32x1024xf32>
    %squeeze3A_799 = vector.shape_cast %slice3A_798 : vector<1x32x1024xf32> to vector<32x1024xf32>
    %broadcast_in_dim3A_800 = vector.shape_cast %squeeze3A_799 : vector<32x1024xf32> to vector<1x32x1024xf32>
    %slice3A_801 = vector.extract_strided_slice %concatenate3A {offsets = [4, 0, 0], sizes = [1, 32, 1024], strides = [1, 1, 1]} : vector<27x32x1024xf32> to vector<1x32x1024xf32>
    %squeeze3A_802 = vector.shape_cast %slice3A_801 : vector<1x32x1024xf32> to vector<32x1024xf32>
    %broadcast_in_dim3A_803 = vector.shape_cast %squeeze3A_802 : vector<32x1024xf32> to vector<1x32x1024xf32>
    %concatenate3A_804 = tpu.concatenate %broadcast_in_dim3A_782, %broadcast_in_dim3A_785, %broadcast_in_dim3A_788, %broadcast_in_dim3A_791, %broadcast_in_dim3A_794, %broadcast_in_dim3A_797, %broadcast_in_dim3A_800, %broadcast_in_dim3A_803 in 0 : vector<1x32x1024xf32>, vector<1x32x1024xf32>, vector<1x32x1024xf32>, vector<1x32x1024xf32>, vector<1x32x1024xf32>, vector<1x32x1024xf32>, vector<1x32x1024xf32>, vector<1x32x1024xf32> -> vector<8x32x1024xf32>
    %slice3A_805 = vector.extract_strided_slice %concatenate3A {offsets = [19, 0, 0], sizes = [1, 32, 1024], strides = [1, 1, 1]} : vector<27x32x1024xf32> to vector<1x32x1024xf32>
    %squeeze3A_806 = vector.shape_cast %slice3A_805 : vector<1x32x1024xf32> to vector<32x1024xf32>
    %broadcast_in_dim3A_807 = vector.shape_cast %squeeze3A_806 : vector<32x1024xf32> to vector<1x32x1024xf32>
    %slice3A_808 = vector.extract_strided_slice %concatenate3A {offsets = [20, 0, 0], sizes = [1, 32, 1024], strides = [1, 1, 1]} : vector<27x32x1024xf32> to vector<1x32x1024xf32>
    %squeeze3A_809 = vector.shape_cast %slice3A_808 : vector<1x32x1024xf32> to vector<32x1024xf32>
    %broadcast_in_dim3A_810 = vector.shape_cast %squeeze3A_809 : vector<32x1024xf32> to vector<1x32x1024xf32>
    %slice3A_811 = vector.extract_strided_slice %concatenate3A {offsets = [21, 0, 0], sizes = [1, 32, 1024], strides = [1, 1, 1]} : vector<27x32x1024xf32> to vector<1x32x1024xf32>
    %squeeze3A_812 = vector.shape_cast %slice3A_811 : vector<1x32x1024xf32> to vector<32x1024xf32>
    %broadcast_in_dim3A_813 = vector.shape_cast %squeeze3A_812 : vector<32x1024xf32> to vector<1x32x1024xf32>
    %slice3A_814 = vector.extract_strided_slice %concatenate3A {offsets = [22, 0, 0], sizes = [1, 32, 1024], strides = [1, 1, 1]} : vector<27x32x1024xf32> to vector<1x32x1024xf32>
    %squeeze3A_815 = vector.shape_cast %slice3A_814 : vector<1x32x1024xf32> to vector<32x1024xf32>
    %broadcast_in_dim3A_816 = vector.shape_cast %squeeze3A_815 : vector<32x1024xf32> to vector<1x32x1024xf32>
    %slice3A_817 = vector.extract_strided_slice %concatenate3A {offsets = [23, 0, 0], sizes = [1, 32, 1024], strides = [1, 1, 1]} : vector<27x32x1024xf32> to vector<1x32x1024xf32>
    %squeeze3A_818 = vector.shape_cast %slice3A_817 : vector<1x32x1024xf32> to vector<32x1024xf32>
    %broadcast_in_dim3A_819 = vector.shape_cast %squeeze3A_818 : vector<32x1024xf32> to vector<1x32x1024xf32>
    %slice3A_820 = vector.extract_strided_slice %concatenate3A {offsets = [24, 0, 0], sizes = [1, 32, 1024], strides = [1, 1, 1]} : vector<27x32x1024xf32> to vector<1x32x1024xf32>
    %squeeze3A_821 = vector.shape_cast %slice3A_820 : vector<1x32x1024xf32> to vector<32x1024xf32>
    %broadcast_in_dim3A_822 = vector.shape_cast %squeeze3A_821 : vector<32x1024xf32> to vector<1x32x1024xf32>
    %slice3A_823 = vector.extract_strided_slice %concatenate3A {offsets = [25, 0, 0], sizes = [1, 32, 1024], strides = [1, 1, 1]} : vector<27x32x1024xf32> to vector<1x32x1024xf32>
    %squeeze3A_824 = vector.shape_cast %slice3A_823 : vector<1x32x1024xf32> to vector<32x1024xf32>
    %broadcast_in_dim3A_825 = vector.shape_cast %squeeze3A_824 : vector<32x1024xf32> to vector<1x32x1024xf32>
    %slice3A_826 = vector.extract_strided_slice %concatenate3A {offsets = [26, 0, 0], sizes = [1, 32, 1024], strides = [1, 1, 1]} : vector<27x32x1024xf32> to vector<1x32x1024xf32>
    %squeeze3A_827 = vector.shape_cast %slice3A_826 : vector<1x32x1024xf32> to vector<32x1024xf32>
    %broadcast_in_dim3A_828 = vector.shape_cast %squeeze3A_827 : vector<32x1024xf32> to vector<1x32x1024xf32>
    %concatenate3A_829 = tpu.concatenate %broadcast_in_dim3A_807, %broadcast_in_dim3A_810, %broadcast_in_dim3A_813, %broadcast_in_dim3A_816, %broadcast_in_dim3A_819, %broadcast_in_dim3A_822, %broadcast_in_dim3A_825, %broadcast_in_dim3A_828 in 0 : vector<1x32x1024xf32>, vector<1x32x1024xf32>, vector<1x32x1024xf32>, vector<1x32x1024xf32>, vector<1x32x1024xf32>, vector<1x32x1024xf32>, vector<1x32x1024xf32>, vector<1x32x1024xf32> -> vector<8x32x1024xf32>
    %mul3A_830 = arith.mulf %concatenate3A_804, %concatenate3A_829 : vector<8x32x1024xf32>
    %reduce_sum3A_831 = arith.constant dense<0.000000e+00> : vector<8x1024xf32>
    %reduce_sum3A_832 = vector.multi_reduction <add>, %mul3A_830, %reduce_sum3A_831 [1] : vector<8x32x1024xf32> to vector<8x1024xf32>
    %slice3A_833 = vector.extract_strided_slice %concatenate3A {offsets = [5, 0, 0], sizes = [1, 32, 1024], strides = [1, 1, 1]} : vector<27x32x1024xf32> to vector<1x32x1024xf32>
    %squeeze3A_834 = vector.shape_cast %slice3A_833 : vector<1x32x1024xf32> to vector<32x1024xf32>
    %broadcast_in_dim3A_835 = vector.shape_cast %squeeze3A_834 : vector<32x1024xf32> to vector<1x32x1024xf32>
    %slice3A_836 = vector.extract_strided_slice %concatenate3A {offsets = [5, 0, 0], sizes = [1, 32, 1024], strides = [1, 1, 1]} : vector<27x32x1024xf32> to vector<1x32x1024xf32>
    %squeeze3A_837 = vector.shape_cast %slice3A_836 : vector<1x32x1024xf32> to vector<32x1024xf32>
    %broadcast_in_dim3A_838 = vector.shape_cast %squeeze3A_837 : vector<32x1024xf32> to vector<1x32x1024xf32>
    %slice3A_839 = vector.extract_strided_slice %concatenate3A {offsets = [5, 0, 0], sizes = [1, 32, 1024], strides = [1, 1, 1]} : vector<27x32x1024xf32> to vector<1x32x1024xf32>
    %squeeze3A_840 = vector.shape_cast %slice3A_839 : vector<1x32x1024xf32> to vector<32x1024xf32>
    %broadcast_in_dim3A_841 = vector.shape_cast %squeeze3A_840 : vector<32x1024xf32> to vector<1x32x1024xf32>
    %slice3A_842 = vector.extract_strided_slice %concatenate3A {offsets = [5, 0, 0], sizes = [1, 32, 1024], strides = [1, 1, 1]} : vector<27x32x1024xf32> to vector<1x32x1024xf32>
    %squeeze3A_843 = vector.shape_cast %slice3A_842 : vector<1x32x1024xf32> to vector<32x1024xf32>
    %broadcast_in_dim3A_844 = vector.shape_cast %squeeze3A_843 : vector<32x1024xf32> to vector<1x32x1024xf32>
    %slice3A_845 = vector.extract_strided_slice %concatenate3A {offsets = [5, 0, 0], sizes = [1, 32, 1024], strides = [1, 1, 1]} : vector<27x32x1024xf32> to vector<1x32x1024xf32>
    %squeeze3A_846 = vector.shape_cast %slice3A_845 : vector<1x32x1024xf32> to vector<32x1024xf32>
    %broadcast_in_dim3A_847 = vector.shape_cast %squeeze3A_846 : vector<32x1024xf32> to vector<1x32x1024xf32>
    %slice3A_848 = vector.extract_strided_slice %concatenate3A {offsets = [5, 0, 0], sizes = [1, 32, 1024], strides = [1, 1, 1]} : vector<27x32x1024xf32> to vector<1x32x1024xf32>
    %squeeze3A_849 = vector.shape_cast %slice3A_848 : vector<1x32x1024xf32> to vector<32x1024xf32>
    %broadcast_in_dim3A_850 = vector.shape_cast %squeeze3A_849 : vector<32x1024xf32> to vector<1x32x1024xf32>
    %slice3A_851 = vector.extract_strided_slice %concatenate3A {offsets = [5, 0, 0], sizes = [1, 32, 1024], strides = [1, 1, 1]} : vector<27x32x1024xf32> to vector<1x32x1024xf32>
    %squeeze3A_852 = vector.shape_cast %slice3A_851 : vector<1x32x1024xf32> to vector<32x1024xf32>
    %broadcast_in_dim3A_853 = vector.shape_cast %squeeze3A_852 : vector<32x1024xf32> to vector<1x32x1024xf32>
    %slice3A_854 = vector.extract_strided_slice %concatenate3A {offsets = [5, 0, 0], sizes = [1, 32, 1024], strides = [1, 1, 1]} : vector<27x32x1024xf32> to vector<1x32x1024xf32>
    %squeeze3A_855 = vector.shape_cast %slice3A_854 : vector<1x32x1024xf32> to vector<32x1024xf32>
    %broadcast_in_dim3A_856 = vector.shape_cast %squeeze3A_855 : vector<32x1024xf32> to vector<1x32x1024xf32>
    %concatenate3A_857 = tpu.concatenate %broadcast_in_dim3A_835, %broadcast_in_dim3A_838, %broadcast_in_dim3A_841, %broadcast_in_dim3A_844, %broadcast_in_dim3A_847, %broadcast_in_dim3A_850, %broadcast_in_dim3A_853, %broadcast_in_dim3A_856 in 0 : vector<1x32x1024xf32>, vector<1x32x1024xf32>, vector<1x32x1024xf32>, vector<1x32x1024xf32>, vector<1x32x1024xf32>, vector<1x32x1024xf32>, vector<1x32x1024xf32>, vector<1x32x1024xf32> -> vector<8x32x1024xf32>
    %slice3A_858 = vector.extract_strided_slice %concatenate3A {offsets = [6, 0, 0], sizes = [1, 32, 1024], strides = [1, 1, 1]} : vector<27x32x1024xf32> to vector<1x32x1024xf32>
    %squeeze3A_859 = vector.shape_cast %slice3A_858 : vector<1x32x1024xf32> to vector<32x1024xf32>
    %broadcast_in_dim3A_860 = vector.shape_cast %squeeze3A_859 : vector<32x1024xf32> to vector<1x32x1024xf32>
    %slice3A_861 = vector.extract_strided_slice %concatenate3A {offsets = [7, 0, 0], sizes = [1, 32, 1024], strides = [1, 1, 1]} : vector<27x32x1024xf32> to vector<1x32x1024xf32>
    %squeeze3A_862 = vector.shape_cast %slice3A_861 : vector<1x32x1024xf32> to vector<32x1024xf32>
    %broadcast_in_dim3A_863 = vector.shape_cast %squeeze3A_862 : vector<32x1024xf32> to vector<1x32x1024xf32>
    %slice3A_864 = vector.extract_strided_slice %concatenate3A {offsets = [8, 0, 0], sizes = [1, 32, 1024], strides = [1, 1, 1]} : vector<27x32x1024xf32> to vector<1x32x1024xf32>
    %squeeze3A_865 = vector.shape_cast %slice3A_864 : vector<1x32x1024xf32> to vector<32x1024xf32>
    %broadcast_in_dim3A_866 = vector.shape_cast %squeeze3A_865 : vector<32x1024xf32> to vector<1x32x1024xf32>
    %slice3A_867 = vector.extract_strided_slice %concatenate3A {offsets = [9, 0, 0], sizes = [1, 32, 1024], strides = [1, 1, 1]} : vector<27x32x1024xf32> to vector<1x32x1024xf32>
    %squeeze3A_868 = vector.shape_cast %slice3A_867 : vector<1x32x1024xf32> to vector<32x1024xf32>
    %broadcast_in_dim3A_869 = vector.shape_cast %squeeze3A_868 : vector<32x1024xf32> to vector<1x32x1024xf32>
    %slice3A_870 = vector.extract_strided_slice %concatenate3A {offsets = [10, 0, 0], sizes = [1, 32, 1024], strides = [1, 1, 1]} : vector<27x32x1024xf32> to vector<1x32x1024xf32>
    %squeeze3A_871 = vector.shape_cast %slice3A_870 : vector<1x32x1024xf32> to vector<32x1024xf32>
    %broadcast_in_dim3A_872 = vector.shape_cast %squeeze3A_871 : vector<32x1024xf32> to vector<1x32x1024xf32>
    %slice3A_873 = vector.extract_strided_slice %concatenate3A {offsets = [11, 0, 0], sizes = [1, 32, 1024], strides = [1, 1, 1]} : vector<27x32x1024xf32> to vector<1x32x1024xf32>
    %squeeze3A_874 = vector.shape_cast %slice3A_873 : vector<1x32x1024xf32> to vector<32x1024xf32>
    %broadcast_in_dim3A_875 = vector.shape_cast %squeeze3A_874 : vector<32x1024xf32> to vector<1x32x1024xf32>
    %slice3A_876 = vector.extract_strided_slice %concatenate3A {offsets = [12, 0, 0], sizes = [1, 32, 1024], strides = [1, 1, 1]} : vector<27x32x1024xf32> to vector<1x32x1024xf32>
    %squeeze3A_877 = vector.shape_cast %slice3A_876 : vector<1x32x1024xf32> to vector<32x1024xf32>
    %broadcast_in_dim3A_878 = vector.shape_cast %squeeze3A_877 : vector<32x1024xf32> to vector<1x32x1024xf32>
    %slice3A_879 = vector.extract_strided_slice %concatenate3A {offsets = [13, 0, 0], sizes = [1, 32, 1024], strides = [1, 1, 1]} : vector<27x32x1024xf32> to vector<1x32x1024xf32>
    %squeeze3A_880 = vector.shape_cast %slice3A_879 : vector<1x32x1024xf32> to vector<32x1024xf32>
    %broadcast_in_dim3A_881 = vector.shape_cast %squeeze3A_880 : vector<32x1024xf32> to vector<1x32x1024xf32>
    %concatenate3A_882 = tpu.concatenate %broadcast_in_dim3A_860, %broadcast_in_dim3A_863, %broadcast_in_dim3A_866, %broadcast_in_dim3A_869, %broadcast_in_dim3A_872, %broadcast_in_dim3A_875, %broadcast_in_dim3A_878, %broadcast_in_dim3A_881 in 0 : vector<1x32x1024xf32>, vector<1x32x1024xf32>, vector<1x32x1024xf32>, vector<1x32x1024xf32>, vector<1x32x1024xf32>, vector<1x32x1024xf32>, vector<1x32x1024xf32>, vector<1x32x1024xf32> -> vector<8x32x1024xf32>
    %mul3A_883 = arith.mulf %concatenate3A_857, %concatenate3A_882 : vector<8x32x1024xf32>
    %reduce_sum3A_884 = arith.constant dense<0.000000e+00> : vector<8x1024xf32>
    %reduce_sum3A_885 = vector.multi_reduction <add>, %mul3A_883, %reduce_sum3A_884 [1] : vector<8x32x1024xf32> to vector<8x1024xf32>
    %slice3A_886 = vector.extract_strided_slice %concatenate3A {offsets = [5, 0, 0], sizes = [1, 32, 1024], strides = [1, 1, 1]} : vector<27x32x1024xf32> to vector<1x32x1024xf32>
    %squeeze3A_887 = vector.shape_cast %slice3A_886 : vector<1x32x1024xf32> to vector<32x1024xf32>
    %broadcast_in_dim3A_888 = vector.shape_cast %squeeze3A_887 : vector<32x1024xf32> to vector<1x32x1024xf32>
    %slice3A_889 = vector.extract_strided_slice %concatenate3A {offsets = [5, 0, 0], sizes = [1, 32, 1024], strides = [1, 1, 1]} : vector<27x32x1024xf32> to vector<1x32x1024xf32>
    %squeeze3A_890 = vector.shape_cast %slice3A_889 : vector<1x32x1024xf32> to vector<32x1024xf32>
    %broadcast_in_dim3A_891 = vector.shape_cast %squeeze3A_890 : vector<32x1024xf32> to vector<1x32x1024xf32>
    %slice3A_892 = vector.extract_strided_slice %concatenate3A {offsets = [5, 0, 0], sizes = [1, 32, 1024], strides = [1, 1, 1]} : vector<27x32x1024xf32> to vector<1x32x1024xf32>
    %squeeze3A_893 = vector.shape_cast %slice3A_892 : vector<1x32x1024xf32> to vector<32x1024xf32>
    %broadcast_in_dim3A_894 = vector.shape_cast %squeeze3A_893 : vector<32x1024xf32> to vector<1x32x1024xf32>
    %slice3A_895 = vector.extract_strided_slice %concatenate3A {offsets = [5, 0, 0], sizes = [1, 32, 1024], strides = [1, 1, 1]} : vector<27x32x1024xf32> to vector<1x32x1024xf32>
    %squeeze3A_896 = vector.shape_cast %slice3A_895 : vector<1x32x1024xf32> to vector<32x1024xf32>
    %broadcast_in_dim3A_897 = vector.shape_cast %squeeze3A_896 : vector<32x1024xf32> to vector<1x32x1024xf32>
    %slice3A_898 = vector.extract_strided_slice %concatenate3A {offsets = [5, 0, 0], sizes = [1, 32, 1024], strides = [1, 1, 1]} : vector<27x32x1024xf32> to vector<1x32x1024xf32>
    %squeeze3A_899 = vector.shape_cast %slice3A_898 : vector<1x32x1024xf32> to vector<32x1024xf32>
    %broadcast_in_dim3A_900 = vector.shape_cast %squeeze3A_899 : vector<32x1024xf32> to vector<1x32x1024xf32>
    %slice3A_901 = vector.extract_strided_slice %concatenate3A {offsets = [5, 0, 0], sizes = [1, 32, 1024], strides = [1, 1, 1]} : vector<27x32x1024xf32> to vector<1x32x1024xf32>
    %squeeze3A_902 = vector.shape_cast %slice3A_901 : vector<1x32x1024xf32> to vector<32x1024xf32>
    %broadcast_in_dim3A_903 = vector.shape_cast %squeeze3A_902 : vector<32x1024xf32> to vector<1x32x1024xf32>
    %slice3A_904 = vector.extract_strided_slice %concatenate3A {offsets = [5, 0, 0], sizes = [1, 32, 1024], strides = [1, 1, 1]} : vector<27x32x1024xf32> to vector<1x32x1024xf32>
    %squeeze3A_905 = vector.shape_cast %slice3A_904 : vector<1x32x1024xf32> to vector<32x1024xf32>
    %broadcast_in_dim3A_906 = vector.shape_cast %squeeze3A_905 : vector<32x1024xf32> to vector<1x32x1024xf32>
    %slice3A_907 = vector.extract_strided_slice %concatenate3A {offsets = [5, 0, 0], sizes = [1, 32, 1024], strides = [1, 1, 1]} : vector<27x32x1024xf32> to vector<1x32x1024xf32>
    %squeeze3A_908 = vector.shape_cast %slice3A_907 : vector<1x32x1024xf32> to vector<32x1024xf32>
    %broadcast_in_dim3A_909 = vector.shape_cast %squeeze3A_908 : vector<32x1024xf32> to vector<1x32x1024xf32>
    %concatenate3A_910 = tpu.concatenate %broadcast_in_dim3A_888, %broadcast_in_dim3A_891, %broadcast_in_dim3A_894, %broadcast_in_dim3A_897, %broadcast_in_dim3A_900, %broadcast_in_dim3A_903, %broadcast_in_dim3A_906, %broadcast_in_dim3A_909 in 0 : vector<1x32x1024xf32>, vector<1x32x1024xf32>, vector<1x32x1024xf32>, vector<1x32x1024xf32>, vector<1x32x1024xf32>, vector<1x32x1024xf32>, vector<1x32x1024xf32>, vector<1x32x1024xf32> -> vector<8x32x1024xf32>
    %slice3A_911 = vector.extract_strided_slice %concatenate3A {offsets = [14, 0, 0], sizes = [1, 32, 1024], strides = [1, 1, 1]} : vector<27x32x1024xf32> to vector<1x32x1024xf32>
    %squeeze3A_912 = vector.shape_cast %slice3A_911 : vector<1x32x1024xf32> to vector<32x1024xf32>
    %broadcast_in_dim3A_913 = vector.shape_cast %squeeze3A_912 : vector<32x1024xf32> to vector<1x32x1024xf32>
    %slice3A_914 = vector.extract_strided_slice %concatenate3A {offsets = [15, 0, 0], sizes = [1, 32, 1024], strides = [1, 1, 1]} : vector<27x32x1024xf32> to vector<1x32x1024xf32>
    %squeeze3A_915 = vector.shape_cast %slice3A_914 : vector<1x32x1024xf32> to vector<32x1024xf32>
    %broadcast_in_dim3A_916 = vector.shape_cast %squeeze3A_915 : vector<32x1024xf32> to vector<1x32x1024xf32>
    %slice3A_917 = vector.extract_strided_slice %concatenate3A {offsets = [16, 0, 0], sizes = [1, 32, 1024], strides = [1, 1, 1]} : vector<27x32x1024xf32> to vector<1x32x1024xf32>
    %squeeze3A_918 = vector.shape_cast %slice3A_917 : vector<1x32x1024xf32> to vector<32x1024xf32>
    %broadcast_in_dim3A_919 = vector.shape_cast %squeeze3A_918 : vector<32x1024xf32> to vector<1x32x1024xf32>
    %slice3A_920 = vector.extract_strided_slice %concatenate3A {offsets = [17, 0, 0], sizes = [1, 32, 1024], strides = [1, 1, 1]} : vector<27x32x1024xf32> to vector<1x32x1024xf32>
    %squeeze3A_921 = vector.shape_cast %slice3A_920 : vector<1x32x1024xf32> to vector<32x1024xf32>
    %broadcast_in_dim3A_922 = vector.shape_cast %squeeze3A_921 : vector<32x1024xf32> to vector<1x32x1024xf32>
    %slice3A_923 = vector.extract_strided_slice %concatenate3A {offsets = [18, 0, 0], sizes = [1, 32, 1024], strides = [1, 1, 1]} : vector<27x32x1024xf32> to vector<1x32x1024xf32>
    %squeeze3A_924 = vector.shape_cast %slice3A_923 : vector<1x32x1024xf32> to vector<32x1024xf32>
    %broadcast_in_dim3A_925 = vector.shape_cast %squeeze3A_924 : vector<32x1024xf32> to vector<1x32x1024xf32>
    %slice3A_926 = vector.extract_strided_slice %concatenate3A {offsets = [19, 0, 0], sizes = [1, 32, 1024], strides = [1, 1, 1]} : vector<27x32x1024xf32> to vector<1x32x1024xf32>
    %squeeze3A_927 = vector.shape_cast %slice3A_926 : vector<1x32x1024xf32> to vector<32x1024xf32>
    %broadcast_in_dim3A_928 = vector.shape_cast %squeeze3A_927 : vector<32x1024xf32> to vector<1x32x1024xf32>
    %slice3A_929 = vector.extract_strided_slice %concatenate3A {offsets = [20, 0, 0], sizes = [1, 32, 1024], strides = [1, 1, 1]} : vector<27x32x1024xf32> to vector<1x32x1024xf32>
    %squeeze3A_930 = vector.shape_cast %slice3A_929 : vector<1x32x1024xf32> to vector<32x1024xf32>
    %broadcast_in_dim3A_931 = vector.shape_cast %squeeze3A_930 : vector<32x1024xf32> to vector<1x32x1024xf32>
    %slice3A_932 = vector.extract_strided_slice %concatenate3A {offsets = [21, 0, 0], sizes = [1, 32, 1024], strides = [1, 1, 1]} : vector<27x32x1024xf32> to vector<1x32x1024xf32>
    %squeeze3A_933 = vector.shape_cast %slice3A_932 : vector<1x32x1024xf32> to vector<32x1024xf32>
    %broadcast_in_dim3A_934 = vector.shape_cast %squeeze3A_933 : vector<32x1024xf32> to vector<1x32x1024xf32>
    %concatenate3A_935 = tpu.concatenate %broadcast_in_dim3A_913, %broadcast_in_dim3A_916, %broadcast_in_dim3A_919, %broadcast_in_dim3A_922, %broadcast_in_dim3A_925, %broadcast_in_dim3A_928, %broadcast_in_dim3A_931, %broadcast_in_dim3A_934 in 0 : vector<1x32x1024xf32>, vector<1x32x1024xf32>, vector<1x32x1024xf32>, vector<1x32x1024xf32>, vector<1x32x1024xf32>, vector<1x32x1024xf32>, vector<1x32x1024xf32>, vector<1x32x1024xf32> -> vector<8x32x1024xf32>
    %mul3A_936 = arith.mulf %concatenate3A_910, %concatenate3A_935 : vector<8x32x1024xf32>
    %reduce_sum3A_937 = arith.constant dense<0.000000e+00> : vector<8x1024xf32>
    %reduce_sum3A_938 = vector.multi_reduction <add>, %mul3A_936, %reduce_sum3A_937 [1] : vector<8x32x1024xf32> to vector<8x1024xf32>
    %slice3A_939 = vector.extract_strided_slice %concatenate3A {offsets = [5, 0, 0], sizes = [1, 32, 1024], strides = [1, 1, 1]} : vector<27x32x1024xf32> to vector<1x32x1024xf32>
    %squeeze3A_940 = vector.shape_cast %slice3A_939 : vector<1x32x1024xf32> to vector<32x1024xf32>
    %broadcast_in_dim3A_941 = vector.shape_cast %squeeze3A_940 : vector<32x1024xf32> to vector<1x32x1024xf32>
    %slice3A_942 = vector.extract_strided_slice %concatenate3A {offsets = [5, 0, 0], sizes = [1, 32, 1024], strides = [1, 1, 1]} : vector<27x32x1024xf32> to vector<1x32x1024xf32>
    %squeeze3A_943 = vector.shape_cast %slice3A_942 : vector<1x32x1024xf32> to vector<32x1024xf32>
    %broadcast_in_dim3A_944 = vector.shape_cast %squeeze3A_943 : vector<32x1024xf32> to vector<1x32x1024xf32>
    %slice3A_945 = vector.extract_strided_slice %concatenate3A {offsets = [5, 0, 0], sizes = [1, 32, 1024], strides = [1, 1, 1]} : vector<27x32x1024xf32> to vector<1x32x1024xf32>
    %squeeze3A_946 = vector.shape_cast %slice3A_945 : vector<1x32x1024xf32> to vector<32x1024xf32>
    %broadcast_in_dim3A_947 = vector.shape_cast %squeeze3A_946 : vector<32x1024xf32> to vector<1x32x1024xf32>
    %slice3A_948 = vector.extract_strided_slice %concatenate3A {offsets = [5, 0, 0], sizes = [1, 32, 1024], strides = [1, 1, 1]} : vector<27x32x1024xf32> to vector<1x32x1024xf32>
    %squeeze3A_949 = vector.shape_cast %slice3A_948 : vector<1x32x1024xf32> to vector<32x1024xf32>
    %broadcast_in_dim3A_950 = vector.shape_cast %squeeze3A_949 : vector<32x1024xf32> to vector<1x32x1024xf32>
    %slice3A_951 = vector.extract_strided_slice %concatenate3A {offsets = [5, 0, 0], sizes = [1, 32, 1024], strides = [1, 1, 1]} : vector<27x32x1024xf32> to vector<1x32x1024xf32>
    %squeeze3A_952 = vector.shape_cast %slice3A_951 : vector<1x32x1024xf32> to vector<32x1024xf32>
    %broadcast_in_dim3A_953 = vector.shape_cast %squeeze3A_952 : vector<32x1024xf32> to vector<1x32x1024xf32>
    %slice3A_954 = vector.extract_strided_slice %concatenate3A {offsets = [6, 0, 0], sizes = [1, 32, 1024], strides = [1, 1, 1]} : vector<27x32x1024xf32> to vector<1x32x1024xf32>
    %squeeze3A_955 = vector.shape_cast %slice3A_954 : vector<1x32x1024xf32> to vector<32x1024xf32>
    %broadcast_in_dim3A_956 = vector.shape_cast %squeeze3A_955 : vector<32x1024xf32> to vector<1x32x1024xf32>
    %slice3A_957 = vector.extract_strided_slice %concatenate3A {offsets = [6, 0, 0], sizes = [1, 32, 1024], strides = [1, 1, 1]} : vector<27x32x1024xf32> to vector<1x32x1024xf32>
    %squeeze3A_958 = vector.shape_cast %slice3A_957 : vector<1x32x1024xf32> to vector<32x1024xf32>
    %broadcast_in_dim3A_959 = vector.shape_cast %squeeze3A_958 : vector<32x1024xf32> to vector<1x32x1024xf32>
    %slice3A_960 = vector.extract_strided_slice %concatenate3A {offsets = [6, 0, 0], sizes = [1, 32, 1024], strides = [1, 1, 1]} : vector<27x32x1024xf32> to vector<1x32x1024xf32>
    %squeeze3A_961 = vector.shape_cast %slice3A_960 : vector<1x32x1024xf32> to vector<32x1024xf32>
    %broadcast_in_dim3A_962 = vector.shape_cast %squeeze3A_961 : vector<32x1024xf32> to vector<1x32x1024xf32>
    %concatenate3A_963 = tpu.concatenate %broadcast_in_dim3A_941, %broadcast_in_dim3A_944, %broadcast_in_dim3A_947, %broadcast_in_dim3A_950, %broadcast_in_dim3A_953, %broadcast_in_dim3A_956, %broadcast_in_dim3A_959, %broadcast_in_dim3A_962 in 0 : vector<1x32x1024xf32>, vector<1x32x1024xf32>, vector<1x32x1024xf32>, vector<1x32x1024xf32>, vector<1x32x1024xf32>, vector<1x32x1024xf32>, vector<1x32x1024xf32>, vector<1x32x1024xf32> -> vector<8x32x1024xf32>
    %slice3A_964 = vector.extract_strided_slice %concatenate3A {offsets = [22, 0, 0], sizes = [1, 32, 1024], strides = [1, 1, 1]} : vector<27x32x1024xf32> to vector<1x32x1024xf32>
    %squeeze3A_965 = vector.shape_cast %slice3A_964 : vector<1x32x1024xf32> to vector<32x1024xf32>
    %broadcast_in_dim3A_966 = vector.shape_cast %squeeze3A_965 : vector<32x1024xf32> to vector<1x32x1024xf32>
    %slice3A_967 = vector.extract_strided_slice %concatenate3A {offsets = [23, 0, 0], sizes = [1, 32, 1024], strides = [1, 1, 1]} : vector<27x32x1024xf32> to vector<1x32x1024xf32>
    %squeeze3A_968 = vector.shape_cast %slice3A_967 : vector<1x32x1024xf32> to vector<32x1024xf32>
    %broadcast_in_dim3A_969 = vector.shape_cast %squeeze3A_968 : vector<32x1024xf32> to vector<1x32x1024xf32>
    %slice3A_970 = vector.extract_strided_slice %concatenate3A {offsets = [24, 0, 0], sizes = [1, 32, 1024], strides = [1, 1, 1]} : vector<27x32x1024xf32> to vector<1x32x1024xf32>
    %squeeze3A_971 = vector.shape_cast %slice3A_970 : vector<1x32x1024xf32> to vector<32x1024xf32>
    %broadcast_in_dim3A_972 = vector.shape_cast %squeeze3A_971 : vector<32x1024xf32> to vector<1x32x1024xf32>
    %slice3A_973 = vector.extract_strided_slice %concatenate3A {offsets = [25, 0, 0], sizes = [1, 32, 1024], strides = [1, 1, 1]} : vector<27x32x1024xf32> to vector<1x32x1024xf32>
    %squeeze3A_974 = vector.shape_cast %slice3A_973 : vector<1x32x1024xf32> to vector<32x1024xf32>
    %broadcast_in_dim3A_975 = vector.shape_cast %squeeze3A_974 : vector<32x1024xf32> to vector<1x32x1024xf32>
    %slice3A_976 = vector.extract_strided_slice %concatenate3A {offsets = [26, 0, 0], sizes = [1, 32, 1024], strides = [1, 1, 1]} : vector<27x32x1024xf32> to vector<1x32x1024xf32>
    %squeeze3A_977 = vector.shape_cast %slice3A_976 : vector<1x32x1024xf32> to vector<32x1024xf32>
    %broadcast_in_dim3A_978 = vector.shape_cast %squeeze3A_977 : vector<32x1024xf32> to vector<1x32x1024xf32>
    %slice3A_979 = vector.extract_strided_slice %concatenate3A {offsets = [7, 0, 0], sizes = [1, 32, 1024], strides = [1, 1, 1]} : vector<27x32x1024xf32> to vector<1x32x1024xf32>
    %squeeze3A_980 = vector.shape_cast %slice3A_979 : vector<1x32x1024xf32> to vector<32x1024xf32>
    %broadcast_in_dim3A_981 = vector.shape_cast %squeeze3A_980 : vector<32x1024xf32> to vector<1x32x1024xf32>
    %slice3A_982 = vector.extract_strided_slice %concatenate3A {offsets = [8, 0, 0], sizes = [1, 32, 1024], strides = [1, 1, 1]} : vector<27x32x1024xf32> to vector<1x32x1024xf32>
    %squeeze3A_983 = vector.shape_cast %slice3A_982 : vector<1x32x1024xf32> to vector<32x1024xf32>
    %broadcast_in_dim3A_984 = vector.shape_cast %squeeze3A_983 : vector<32x1024xf32> to vector<1x32x1024xf32>
    %slice3A_985 = vector.extract_strided_slice %concatenate3A {offsets = [9, 0, 0], sizes = [1, 32, 1024], strides = [1, 1, 1]} : vector<27x32x1024xf32> to vector<1x32x1024xf32>
    %squeeze3A_986 = vector.shape_cast %slice3A_985 : vector<1x32x1024xf32> to vector<32x1024xf32>
    %broadcast_in_dim3A_987 = vector.shape_cast %squeeze3A_986 : vector<32x1024xf32> to vector<1x32x1024xf32>
    %concatenate3A_988 = tpu.concatenate %broadcast_in_dim3A_966, %broadcast_in_dim3A_969, %broadcast_in_dim3A_972, %broadcast_in_dim3A_975, %broadcast_in_dim3A_978, %broadcast_in_dim3A_981, %broadcast_in_dim3A_984, %broadcast_in_dim3A_987 in 0 : vector<1x32x1024xf32>, vector<1x32x1024xf32>, vector<1x32x1024xf32>, vector<1x32x1024xf32>, vector<1x32x1024xf32>, vector<1x32x1024xf32>, vector<1x32x1024xf32>, vector<1x32x1024xf32> -> vector<8x32x1024xf32>
    %mul3A_989 = arith.mulf %concatenate3A_963, %concatenate3A_988 : vector<8x32x1024xf32>
    %reduce_sum3A_990 = arith.constant dense<0.000000e+00> : vector<8x1024xf32>
    %reduce_sum3A_991 = vector.multi_reduction <add>, %mul3A_989, %reduce_sum3A_990 [1] : vector<8x32x1024xf32> to vector<8x1024xf32>
    %slice3A_992 = vector.extract_strided_slice %concatenate3A {offsets = [6, 0, 0], sizes = [1, 32, 1024], strides = [1, 1, 1]} : vector<27x32x1024xf32> to vector<1x32x1024xf32>
    %squeeze3A_993 = vector.shape_cast %slice3A_992 : vector<1x32x1024xf32> to vector<32x1024xf32>
    %broadcast_in_dim3A_994 = vector.shape_cast %squeeze3A_993 : vector<32x1024xf32> to vector<1x32x1024xf32>
    %slice3A_995 = vector.extract_strided_slice %concatenate3A {offsets = [6, 0, 0], sizes = [1, 32, 1024], strides = [1, 1, 1]} : vector<27x32x1024xf32> to vector<1x32x1024xf32>
    %squeeze3A_996 = vector.shape_cast %slice3A_995 : vector<1x32x1024xf32> to vector<32x1024xf32>
    %broadcast_in_dim3A_997 = vector.shape_cast %squeeze3A_996 : vector<32x1024xf32> to vector<1x32x1024xf32>
    %slice3A_998 = vector.extract_strided_slice %concatenate3A {offsets = [6, 0, 0], sizes = [1, 32, 1024], strides = [1, 1, 1]} : vector<27x32x1024xf32> to vector<1x32x1024xf32>
    %squeeze3A_999 = vector.shape_cast %slice3A_998 : vector<1x32x1024xf32> to vector<32x1024xf32>
    %broadcast_in_dim3A_1000 = vector.shape_cast %squeeze3A_999 : vector<32x1024xf32> to vector<1x32x1024xf32>
    %slice3A_1001 = vector.extract_strided_slice %concatenate3A {offsets = [6, 0, 0], sizes = [1, 32, 1024], strides = [1, 1, 1]} : vector<27x32x1024xf32> to vector<1x32x1024xf32>
    %squeeze3A_1002 = vector.shape_cast %slice3A_1001 : vector<1x32x1024xf32> to vector<32x1024xf32>
    %broadcast_in_dim3A_1003 = vector.shape_cast %squeeze3A_1002 : vector<32x1024xf32> to vector<1x32x1024xf32>
    %slice3A_1004 = vector.extract_strided_slice %concatenate3A {offsets = [6, 0, 0], sizes = [1, 32, 1024], strides = [1, 1, 1]} : vector<27x32x1024xf32> to vector<1x32x1024xf32>
    %squeeze3A_1005 = vector.shape_cast %slice3A_1004 : vector<1x32x1024xf32> to vector<32x1024xf32>
    %broadcast_in_dim3A_1006 = vector.shape_cast %squeeze3A_1005 : vector<32x1024xf32> to vector<1x32x1024xf32>
    %slice3A_1007 = vector.extract_strided_slice %concatenate3A {offsets = [6, 0, 0], sizes = [1, 32, 1024], strides = [1, 1, 1]} : vector<27x32x1024xf32> to vector<1x32x1024xf32>
    %squeeze3A_1008 = vector.shape_cast %slice3A_1007 : vector<1x32x1024xf32> to vector<32x1024xf32>
    %broadcast_in_dim3A_1009 = vector.shape_cast %squeeze3A_1008 : vector<32x1024xf32> to vector<1x32x1024xf32>
    %slice3A_1010 = vector.extract_strided_slice %concatenate3A {offsets = [6, 0, 0], sizes = [1, 32, 1024], strides = [1, 1, 1]} : vector<27x32x1024xf32> to vector<1x32x1024xf32>
    %squeeze3A_1011 = vector.shape_cast %slice3A_1010 : vector<1x32x1024xf32> to vector<32x1024xf32>
    %broadcast_in_dim3A_1012 = vector.shape_cast %squeeze3A_1011 : vector<32x1024xf32> to vector<1x32x1024xf32>
    %slice3A_1013 = vector.extract_strided_slice %concatenate3A {offsets = [6, 0, 0], sizes = [1, 32, 1024], strides = [1, 1, 1]} : vector<27x32x1024xf32> to vector<1x32x1024xf32>
    %squeeze3A_1014 = vector.shape_cast %slice3A_1013 : vector<1x32x1024xf32> to vector<32x1024xf32>
    %broadcast_in_dim3A_1015 = vector.shape_cast %squeeze3A_1014 : vector<32x1024xf32> to vector<1x32x1024xf32>
    %concatenate3A_1016 = tpu.concatenate %broadcast_in_dim3A_994, %broadcast_in_dim3A_997, %broadcast_in_dim3A_1000, %broadcast_in_dim3A_1003, %broadcast_in_dim3A_1006, %broadcast_in_dim3A_1009, %broadcast_in_dim3A_1012, %broadcast_in_dim3A_1015 in 0 : vector<1x32x1024xf32>, vector<1x32x1024xf32>, vector<1x32x1024xf32>, vector<1x32x1024xf32>, vector<1x32x1024xf32>, vector<1x32x1024xf32>, vector<1x32x1024xf32>, vector<1x32x1024xf32> -> vector<8x32x1024xf32>
    %slice3A_1017 = vector.extract_strided_slice %concatenate3A {offsets = [10, 0, 0], sizes = [1, 32, 1024], strides = [1, 1, 1]} : vector<27x32x1024xf32> to vector<1x32x1024xf32>
    %squeeze3A_1018 = vector.shape_cast %slice3A_1017 : vector<1x32x1024xf32> to vector<32x1024xf32>
    %broadcast_in_dim3A_1019 = vector.shape_cast %squeeze3A_1018 : vector<32x1024xf32> to vector<1x32x1024xf32>
    %slice3A_1020 = vector.extract_strided_slice %concatenate3A {offsets = [11, 0, 0], sizes = [1, 32, 1024], strides = [1, 1, 1]} : vector<27x32x1024xf32> to vector<1x32x1024xf32>
    %squeeze3A_1021 = vector.shape_cast %slice3A_1020 : vector<1x32x1024xf32> to vector<32x1024xf32>
    %broadcast_in_dim3A_1022 = vector.shape_cast %squeeze3A_1021 : vector<32x1024xf32> to vector<1x32x1024xf32>
    %slice3A_1023 = vector.extract_strided_slice %concatenate3A {offsets = [12, 0, 0], sizes = [1, 32, 1024], strides = [1, 1, 1]} : vector<27x32x1024xf32> to vector<1x32x1024xf32>
    %squeeze3A_1024 = vector.shape_cast %slice3A_1023 : vector<1x32x1024xf32> to vector<32x1024xf32>
    %broadcast_in_dim3A_1025 = vector.shape_cast %squeeze3A_1024 : vector<32x1024xf32> to vector<1x32x1024xf32>
    %slice3A_1026 = vector.extract_strided_slice %concatenate3A {offsets = [13, 0, 0], sizes = [1, 32, 1024], strides = [1, 1, 1]} : vector<27x32x1024xf32> to vector<1x32x1024xf32>
    %squeeze3A_1027 = vector.shape_cast %slice3A_1026 : vector<1x32x1024xf32> to vector<32x1024xf32>
    %broadcast_in_dim3A_1028 = vector.shape_cast %squeeze3A_1027 : vector<32x1024xf32> to vector<1x32x1024xf32>
    %slice3A_1029 = vector.extract_strided_slice %concatenate3A {offsets = [14, 0, 0], sizes = [1, 32, 1024], strides = [1, 1, 1]} : vector<27x32x1024xf32> to vector<1x32x1024xf32>
    %squeeze3A_1030 = vector.shape_cast %slice3A_1029 : vector<1x32x1024xf32> to vector<32x1024xf32>
    %broadcast_in_dim3A_1031 = vector.shape_cast %squeeze3A_1030 : vector<32x1024xf32> to vector<1x32x1024xf32>
    %slice3A_1032 = vector.extract_strided_slice %concatenate3A {offsets = [15, 0, 0], sizes = [1, 32, 1024], strides = [1, 1, 1]} : vector<27x32x1024xf32> to vector<1x32x1024xf32>
    %squeeze3A_1033 = vector.shape_cast %slice3A_1032 : vector<1x32x1024xf32> to vector<32x1024xf32>
    %broadcast_in_dim3A_1034 = vector.shape_cast %squeeze3A_1033 : vector<32x1024xf32> to vector<1x32x1024xf32>
    %slice3A_1035 = vector.extract_strided_slice %concatenate3A {offsets = [16, 0, 0], sizes = [1, 32, 1024], strides = [1, 1, 1]} : vector<27x32x1024xf32> to vector<1x32x1024xf32>
    %squeeze3A_1036 = vector.shape_cast %slice3A_1035 : vector<1x32x1024xf32> to vector<32x1024xf32>
    %broadcast_in_dim3A_1037 = vector.shape_cast %squeeze3A_1036 : vector<32x1024xf32> to vector<1x32x1024xf32>
    %slice3A_1038 = vector.extract_strided_slice %concatenate3A {offsets = [17, 0, 0], sizes = [1, 32, 1024], strides = [1, 1, 1]} : vector<27x32x1024xf32> to vector<1x32x1024xf32>
    %squeeze3A_1039 = vector.shape_cast %slice3A_1038 : vector<1x32x1024xf32> to vector<32x1024xf32>
    %broadcast_in_dim3A_1040 = vector.shape_cast %squeeze3A_1039 : vector<32x1024xf32> to vector<1x32x1024xf32>
    %concatenate3A_1041 = tpu.concatenate %broadcast_in_dim3A_1019, %broadcast_in_dim3A_1022, %broadcast_in_dim3A_1025, %broadcast_in_dim3A_1028, %broadcast_in_dim3A_1031, %broadcast_in_dim3A_1034, %broadcast_in_dim3A_1037, %broadcast_in_dim3A_1040 in 0 : vector<1x32x1024xf32>, vector<1x32x1024xf32>, vector<1x32x1024xf32>, vector<1x32x1024xf32>, vector<1x32x1024xf32>, vector<1x32x1024xf32>, vector<1x32x1024xf32>, vector<1x32x1024xf32> -> vector<8x32x1024xf32>
    %mul3A_1042 = arith.mulf %concatenate3A_1016, %concatenate3A_1041 : vector<8x32x1024xf32>
    %reduce_sum3A_1043 = arith.constant dense<0.000000e+00> : vector<8x1024xf32>
    %reduce_sum3A_1044 = vector.multi_reduction <add>, %mul3A_1042, %reduce_sum3A_1043 [1] : vector<8x32x1024xf32> to vector<8x1024xf32>
    %slice3A_1045 = vector.extract_strided_slice %concatenate3A {offsets = [6, 0, 0], sizes = [1, 32, 1024], strides = [1, 1, 1]} : vector<27x32x1024xf32> to vector<1x32x1024xf32>
    %squeeze3A_1046 = vector.shape_cast %slice3A_1045 : vector<1x32x1024xf32> to vector<32x1024xf32>
    %broadcast_in_dim3A_1047 = vector.shape_cast %squeeze3A_1046 : vector<32x1024xf32> to vector<1x32x1024xf32>
    %slice3A_1048 = vector.extract_strided_slice %concatenate3A {offsets = [6, 0, 0], sizes = [1, 32, 1024], strides = [1, 1, 1]} : vector<27x32x1024xf32> to vector<1x32x1024xf32>
    %squeeze3A_1049 = vector.shape_cast %slice3A_1048 : vector<1x32x1024xf32> to vector<32x1024xf32>
    %broadcast_in_dim3A_1050 = vector.shape_cast %squeeze3A_1049 : vector<32x1024xf32> to vector<1x32x1024xf32>
    %slice3A_1051 = vector.extract_strided_slice %concatenate3A {offsets = [6, 0, 0], sizes = [1, 32, 1024], strides = [1, 1, 1]} : vector<27x32x1024xf32> to vector<1x32x1024xf32>
    %squeeze3A_1052 = vector.shape_cast %slice3A_1051 : vector<1x32x1024xf32> to vector<32x1024xf32>
    %broadcast_in_dim3A_1053 = vector.shape_cast %squeeze3A_1052 : vector<32x1024xf32> to vector<1x32x1024xf32>
    %slice3A_1054 = vector.extract_strided_slice %concatenate3A {offsets = [6, 0, 0], sizes = [1, 32, 1024], strides = [1, 1, 1]} : vector<27x32x1024xf32> to vector<1x32x1024xf32>
    %squeeze3A_1055 = vector.shape_cast %slice3A_1054 : vector<1x32x1024xf32> to vector<32x1024xf32>
    %broadcast_in_dim3A_1056 = vector.shape_cast %squeeze3A_1055 : vector<32x1024xf32> to vector<1x32x1024xf32>
    %slice3A_1057 = vector.extract_strided_slice %concatenate3A {offsets = [6, 0, 0], sizes = [1, 32, 1024], strides = [1, 1, 1]} : vector<27x32x1024xf32> to vector<1x32x1024xf32>
    %squeeze3A_1058 = vector.shape_cast %slice3A_1057 : vector<1x32x1024xf32> to vector<32x1024xf32>
    %broadcast_in_dim3A_1059 = vector.shape_cast %squeeze3A_1058 : vector<32x1024xf32> to vector<1x32x1024xf32>
    %slice3A_1060 = vector.extract_strided_slice %concatenate3A {offsets = [6, 0, 0], sizes = [1, 32, 1024], strides = [1, 1, 1]} : vector<27x32x1024xf32> to vector<1x32x1024xf32>
    %squeeze3A_1061 = vector.shape_cast %slice3A_1060 : vector<1x32x1024xf32> to vector<32x1024xf32>
    %broadcast_in_dim3A_1062 = vector.shape_cast %squeeze3A_1061 : vector<32x1024xf32> to vector<1x32x1024xf32>
    %slice3A_1063 = vector.extract_strided_slice %concatenate3A {offsets = [6, 0, 0], sizes = [1, 32, 1024], strides = [1, 1, 1]} : vector<27x32x1024xf32> to vector<1x32x1024xf32>
    %squeeze3A_1064 = vector.shape_cast %slice3A_1063 : vector<1x32x1024xf32> to vector<32x1024xf32>
    %broadcast_in_dim3A_1065 = vector.shape_cast %squeeze3A_1064 : vector<32x1024xf32> to vector<1x32x1024xf32>
    %slice3A_1066 = vector.extract_strided_slice %concatenate3A {offsets = [6, 0, 0], sizes = [1, 32, 1024], strides = [1, 1, 1]} : vector<27x32x1024xf32> to vector<1x32x1024xf32>
    %squeeze3A_1067 = vector.shape_cast %slice3A_1066 : vector<1x32x1024xf32> to vector<32x1024xf32>
    %broadcast_in_dim3A_1068 = vector.shape_cast %squeeze3A_1067 : vector<32x1024xf32> to vector<1x32x1024xf32>
    %concatenate3A_1069 = tpu.concatenate %broadcast_in_dim3A_1047, %broadcast_in_dim3A_1050, %broadcast_in_dim3A_1053, %broadcast_in_dim3A_1056, %broadcast_in_dim3A_1059, %broadcast_in_dim3A_1062, %broadcast_in_dim3A_1065, %broadcast_in_dim3A_1068 in 0 : vector<1x32x1024xf32>, vector<1x32x1024xf32>, vector<1x32x1024xf32>, vector<1x32x1024xf32>, vector<1x32x1024xf32>, vector<1x32x1024xf32>, vector<1x32x1024xf32>, vector<1x32x1024xf32> -> vector<8x32x1024xf32>
    %slice3A_1070 = vector.extract_strided_slice %concatenate3A {offsets = [18, 0, 0], sizes = [1, 32, 1024], strides = [1, 1, 1]} : vector<27x32x1024xf32> to vector<1x32x1024xf32>
    %squeeze3A_1071 = vector.shape_cast %slice3A_1070 : vector<1x32x1024xf32> to vector<32x1024xf32>
    %broadcast_in_dim3A_1072 = vector.shape_cast %squeeze3A_1071 : vector<32x1024xf32> to vector<1x32x1024xf32>
    %slice3A_1073 = vector.extract_strided_slice %concatenate3A {offsets = [19, 0, 0], sizes = [1, 32, 1024], strides = [1, 1, 1]} : vector<27x32x1024xf32> to vector<1x32x1024xf32>
    %squeeze3A_1074 = vector.shape_cast %slice3A_1073 : vector<1x32x1024xf32> to vector<32x1024xf32>
    %broadcast_in_dim3A_1075 = vector.shape_cast %squeeze3A_1074 : vector<32x1024xf32> to vector<1x32x1024xf32>
    %slice3A_1076 = vector.extract_strided_slice %concatenate3A {offsets = [20, 0, 0], sizes = [1, 32, 1024], strides = [1, 1, 1]} : vector<27x32x1024xf32> to vector<1x32x1024xf32>
    %squeeze3A_1077 = vector.shape_cast %slice3A_1076 : vector<1x32x1024xf32> to vector<32x1024xf32>
    %broadcast_in_dim3A_1078 = vector.shape_cast %squeeze3A_1077 : vector<32x1024xf32> to vector<1x32x1024xf32>
    %slice3A_1079 = vector.extract_strided_slice %concatenate3A {offsets = [21, 0, 0], sizes = [1, 32, 1024], strides = [1, 1, 1]} : vector<27x32x1024xf32> to vector<1x32x1024xf32>
    %squeeze3A_1080 = vector.shape_cast %slice3A_1079 : vector<1x32x1024xf32> to vector<32x1024xf32>
    %broadcast_in_dim3A_1081 = vector.shape_cast %squeeze3A_1080 : vector<32x1024xf32> to vector<1x32x1024xf32>
    %slice3A_1082 = vector.extract_strided_slice %concatenate3A {offsets = [22, 0, 0], sizes = [1, 32, 1024], strides = [1, 1, 1]} : vector<27x32x1024xf32> to vector<1x32x1024xf32>
    %squeeze3A_1083 = vector.shape_cast %slice3A_1082 : vector<1x32x1024xf32> to vector<32x1024xf32>
    %broadcast_in_dim3A_1084 = vector.shape_cast %squeeze3A_1083 : vector<32x1024xf32> to vector<1x32x1024xf32>
    %slice3A_1085 = vector.extract_strided_slice %concatenate3A {offsets = [23, 0, 0], sizes = [1, 32, 1024], strides = [1, 1, 1]} : vector<27x32x1024xf32> to vector<1x32x1024xf32>
    %squeeze3A_1086 = vector.shape_cast %slice3A_1085 : vector<1x32x1024xf32> to vector<32x1024xf32>
    %broadcast_in_dim3A_1087 = vector.shape_cast %squeeze3A_1086 : vector<32x1024xf32> to vector<1x32x1024xf32>
    %slice3A_1088 = vector.extract_strided_slice %concatenate3A {offsets = [24, 0, 0], sizes = [1, 32, 1024], strides = [1, 1, 1]} : vector<27x32x1024xf32> to vector<1x32x1024xf32>
    %squeeze3A_1089 = vector.shape_cast %slice3A_1088 : vector<1x32x1024xf32> to vector<32x1024xf32>
    %broadcast_in_dim3A_1090 = vector.shape_cast %squeeze3A_1089 : vector<32x1024xf32> to vector<1x32x1024xf32>
    %slice3A_1091 = vector.extract_strided_slice %concatenate3A {offsets = [25, 0, 0], sizes = [1, 32, 1024], strides = [1, 1, 1]} : vector<27x32x1024xf32> to vector<1x32x1024xf32>
    %squeeze3A_1092 = vector.shape_cast %slice3A_1091 : vector<1x32x1024xf32> to vector<32x1024xf32>
    %broadcast_in_dim3A_1093 = vector.shape_cast %squeeze3A_1092 : vector<32x1024xf32> to vector<1x32x1024xf32>
    %concatenate3A_1094 = tpu.concatenate %broadcast_in_dim3A_1072, %broadcast_in_dim3A_1075, %broadcast_in_dim3A_1078, %broadcast_in_dim3A_1081, %broadcast_in_dim3A_1084, %broadcast_in_dim3A_1087, %broadcast_in_dim3A_1090, %broadcast_in_dim3A_1093 in 0 : vector<1x32x1024xf32>, vector<1x32x1024xf32>, vector<1x32x1024xf32>, vector<1x32x1024xf32>, vector<1x32x1024xf32>, vector<1x32x1024xf32>, vector<1x32x1024xf32>, vector<1x32x1024xf32> -> vector<8x32x1024xf32>
    %mul3A_1095 = arith.mulf %concatenate3A_1069, %concatenate3A_1094 : vector<8x32x1024xf32>
    %reduce_sum3A_1096 = arith.constant dense<0.000000e+00> : vector<8x1024xf32>
    %reduce_sum3A_1097 = vector.multi_reduction <add>, %mul3A_1095, %reduce_sum3A_1096 [1] : vector<8x32x1024xf32> to vector<8x1024xf32>
    %slice3A_1098 = vector.extract_strided_slice %concatenate3A {offsets = [6, 0, 0], sizes = [1, 32, 1024], strides = [1, 1, 1]} : vector<27x32x1024xf32> to vector<1x32x1024xf32>
    %squeeze3A_1099 = vector.shape_cast %slice3A_1098 : vector<1x32x1024xf32> to vector<32x1024xf32>
    %broadcast_in_dim3A_1100 = vector.shape_cast %squeeze3A_1099 : vector<32x1024xf32> to vector<1x32x1024xf32>
    %slice3A_1101 = vector.extract_strided_slice %concatenate3A {offsets = [7, 0, 0], sizes = [1, 32, 1024], strides = [1, 1, 1]} : vector<27x32x1024xf32> to vector<1x32x1024xf32>
    %squeeze3A_1102 = vector.shape_cast %slice3A_1101 : vector<1x32x1024xf32> to vector<32x1024xf32>
    %broadcast_in_dim3A_1103 = vector.shape_cast %squeeze3A_1102 : vector<32x1024xf32> to vector<1x32x1024xf32>
    %slice3A_1104 = vector.extract_strided_slice %concatenate3A {offsets = [7, 0, 0], sizes = [1, 32, 1024], strides = [1, 1, 1]} : vector<27x32x1024xf32> to vector<1x32x1024xf32>
    %squeeze3A_1105 = vector.shape_cast %slice3A_1104 : vector<1x32x1024xf32> to vector<32x1024xf32>
    %broadcast_in_dim3A_1106 = vector.shape_cast %squeeze3A_1105 : vector<32x1024xf32> to vector<1x32x1024xf32>
    %slice3A_1107 = vector.extract_strided_slice %concatenate3A {offsets = [7, 0, 0], sizes = [1, 32, 1024], strides = [1, 1, 1]} : vector<27x32x1024xf32> to vector<1x32x1024xf32>
    %squeeze3A_1108 = vector.shape_cast %slice3A_1107 : vector<1x32x1024xf32> to vector<32x1024xf32>
    %broadcast_in_dim3A_1109 = vector.shape_cast %squeeze3A_1108 : vector<32x1024xf32> to vector<1x32x1024xf32>
    %slice3A_1110 = vector.extract_strided_slice %concatenate3A {offsets = [7, 0, 0], sizes = [1, 32, 1024], strides = [1, 1, 1]} : vector<27x32x1024xf32> to vector<1x32x1024xf32>
    %squeeze3A_1111 = vector.shape_cast %slice3A_1110 : vector<1x32x1024xf32> to vector<32x1024xf32>
    %broadcast_in_dim3A_1112 = vector.shape_cast %squeeze3A_1111 : vector<32x1024xf32> to vector<1x32x1024xf32>
    %slice3A_1113 = vector.extract_strided_slice %concatenate3A {offsets = [7, 0, 0], sizes = [1, 32, 1024], strides = [1, 1, 1]} : vector<27x32x1024xf32> to vector<1x32x1024xf32>
    %squeeze3A_1114 = vector.shape_cast %slice3A_1113 : vector<1x32x1024xf32> to vector<32x1024xf32>
    %broadcast_in_dim3A_1115 = vector.shape_cast %squeeze3A_1114 : vector<32x1024xf32> to vector<1x32x1024xf32>
    %slice3A_1116 = vector.extract_strided_slice %concatenate3A {offsets = [7, 0, 0], sizes = [1, 32, 1024], strides = [1, 1, 1]} : vector<27x32x1024xf32> to vector<1x32x1024xf32>
    %squeeze3A_1117 = vector.shape_cast %slice3A_1116 : vector<1x32x1024xf32> to vector<32x1024xf32>
    %broadcast_in_dim3A_1118 = vector.shape_cast %squeeze3A_1117 : vector<32x1024xf32> to vector<1x32x1024xf32>
    %slice3A_1119 = vector.extract_strided_slice %concatenate3A {offsets = [7, 0, 0], sizes = [1, 32, 1024], strides = [1, 1, 1]} : vector<27x32x1024xf32> to vector<1x32x1024xf32>
    %squeeze3A_1120 = vector.shape_cast %slice3A_1119 : vector<1x32x1024xf32> to vector<32x1024xf32>
    %broadcast_in_dim3A_1121 = vector.shape_cast %squeeze3A_1120 : vector<32x1024xf32> to vector<1x32x1024xf32>
    %concatenate3A_1122 = tpu.concatenate %broadcast_in_dim3A_1100, %broadcast_in_dim3A_1103, %broadcast_in_dim3A_1106, %broadcast_in_dim3A_1109, %broadcast_in_dim3A_1112, %broadcast_in_dim3A_1115, %broadcast_in_dim3A_1118, %broadcast_in_dim3A_1121 in 0 : vector<1x32x1024xf32>, vector<1x32x1024xf32>, vector<1x32x1024xf32>, vector<1x32x1024xf32>, vector<1x32x1024xf32>, vector<1x32x1024xf32>, vector<1x32x1024xf32>, vector<1x32x1024xf32> -> vector<8x32x1024xf32>
    %slice3A_1123 = vector.extract_strided_slice %concatenate3A {offsets = [26, 0, 0], sizes = [1, 32, 1024], strides = [1, 1, 1]} : vector<27x32x1024xf32> to vector<1x32x1024xf32>
    %squeeze3A_1124 = vector.shape_cast %slice3A_1123 : vector<1x32x1024xf32> to vector<32x1024xf32>
    %broadcast_in_dim3A_1125 = vector.shape_cast %squeeze3A_1124 : vector<32x1024xf32> to vector<1x32x1024xf32>
    %slice3A_1126 = vector.extract_strided_slice %concatenate3A {offsets = [8, 0, 0], sizes = [1, 32, 1024], strides = [1, 1, 1]} : vector<27x32x1024xf32> to vector<1x32x1024xf32>
    %squeeze3A_1127 = vector.shape_cast %slice3A_1126 : vector<1x32x1024xf32> to vector<32x1024xf32>
    %broadcast_in_dim3A_1128 = vector.shape_cast %squeeze3A_1127 : vector<32x1024xf32> to vector<1x32x1024xf32>
    %slice3A_1129 = vector.extract_strided_slice %concatenate3A {offsets = [9, 0, 0], sizes = [1, 32, 1024], strides = [1, 1, 1]} : vector<27x32x1024xf32> to vector<1x32x1024xf32>
    %squeeze3A_1130 = vector.shape_cast %slice3A_1129 : vector<1x32x1024xf32> to vector<32x1024xf32>
    %broadcast_in_dim3A_1131 = vector.shape_cast %squeeze3A_1130 : vector<32x1024xf32> to vector<1x32x1024xf32>
    %slice3A_1132 = vector.extract_strided_slice %concatenate3A {offsets = [10, 0, 0], sizes = [1, 32, 1024], strides = [1, 1, 1]} : vector<27x32x1024xf32> to vector<1x32x1024xf32>
    %squeeze3A_1133 = vector.shape_cast %slice3A_1132 : vector<1x32x1024xf32> to vector<32x1024xf32>
    %broadcast_in_dim3A_1134 = vector.shape_cast %squeeze3A_1133 : vector<32x1024xf32> to vector<1x32x1024xf32>
    %slice3A_1135 = vector.extract_strided_slice %concatenate3A {offsets = [11, 0, 0], sizes = [1, 32, 1024], strides = [1, 1, 1]} : vector<27x32x1024xf32> to vector<1x32x1024xf32>
    %squeeze3A_1136 = vector.shape_cast %slice3A_1135 : vector<1x32x1024xf32> to vector<32x1024xf32>
    %broadcast_in_dim3A_1137 = vector.shape_cast %squeeze3A_1136 : vector<32x1024xf32> to vector<1x32x1024xf32>
    %slice3A_1138 = vector.extract_strided_slice %concatenate3A {offsets = [12, 0, 0], sizes = [1, 32, 1024], strides = [1, 1, 1]} : vector<27x32x1024xf32> to vector<1x32x1024xf32>
    %squeeze3A_1139 = vector.shape_cast %slice3A_1138 : vector<1x32x1024xf32> to vector<32x1024xf32>
    %broadcast_in_dim3A_1140 = vector.shape_cast %squeeze3A_1139 : vector<32x1024xf32> to vector<1x32x1024xf32>
    %slice3A_1141 = vector.extract_strided_slice %concatenate3A {offsets = [13, 0, 0], sizes = [1, 32, 1024], strides = [1, 1, 1]} : vector<27x32x1024xf32> to vector<1x32x1024xf32>
    %squeeze3A_1142 = vector.shape_cast %slice3A_1141 : vector<1x32x1024xf32> to vector<32x1024xf32>
    %broadcast_in_dim3A_1143 = vector.shape_cast %squeeze3A_1142 : vector<32x1024xf32> to vector<1x32x1024xf32>
    %slice3A_1144 = vector.extract_strided_slice %concatenate3A {offsets = [14, 0, 0], sizes = [1, 32, 1024], strides = [1, 1, 1]} : vector<27x32x1024xf32> to vector<1x32x1024xf32>
    %squeeze3A_1145 = vector.shape_cast %slice3A_1144 : vector<1x32x1024xf32> to vector<32x1024xf32>
    %broadcast_in_dim3A_1146 = vector.shape_cast %squeeze3A_1145 : vector<32x1024xf32> to vector<1x32x1024xf32>
    %concatenate3A_1147 = tpu.concatenate %broadcast_in_dim3A_1125, %broadcast_in_dim3A_1128, %broadcast_in_dim3A_1131, %broadcast_in_dim3A_1134, %broadcast_in_dim3A_1137, %broadcast_in_dim3A_1140, %broadcast_in_dim3A_1143, %broadcast_in_dim3A_1146 in 0 : vector<1x32x1024xf32>, vector<1x32x1024xf32>, vector<1x32x1024xf32>, vector<1x32x1024xf32>, vector<1x32x1024xf32>, vector<1x32x1024xf32>, vector<1x32x1024xf32>, vector<1x32x1024xf32> -> vector<8x32x1024xf32>
    %mul3A_1148 = arith.mulf %concatenate3A_1122, %concatenate3A_1147 : vector<8x32x1024xf32>
    %reduce_sum3A_1149 = arith.constant dense<0.000000e+00> : vector<8x1024xf32>
    %reduce_sum3A_1150 = vector.multi_reduction <add>, %mul3A_1148, %reduce_sum3A_1149 [1] : vector<8x32x1024xf32> to vector<8x1024xf32>
    %slice3A_1151 = vector.extract_strided_slice %concatenate3A {offsets = [7, 0, 0], sizes = [1, 32, 1024], strides = [1, 1, 1]} : vector<27x32x1024xf32> to vector<1x32x1024xf32>
    %squeeze3A_1152 = vector.shape_cast %slice3A_1151 : vector<1x32x1024xf32> to vector<32x1024xf32>
    %broadcast_in_dim3A_1153 = vector.shape_cast %squeeze3A_1152 : vector<32x1024xf32> to vector<1x32x1024xf32>
    %slice3A_1154 = vector.extract_strided_slice %concatenate3A {offsets = [7, 0, 0], sizes = [1, 32, 1024], strides = [1, 1, 1]} : vector<27x32x1024xf32> to vector<1x32x1024xf32>
    %squeeze3A_1155 = vector.shape_cast %slice3A_1154 : vector<1x32x1024xf32> to vector<32x1024xf32>
    %broadcast_in_dim3A_1156 = vector.shape_cast %squeeze3A_1155 : vector<32x1024xf32> to vector<1x32x1024xf32>
    %slice3A_1157 = vector.extract_strided_slice %concatenate3A {offsets = [7, 0, 0], sizes = [1, 32, 1024], strides = [1, 1, 1]} : vector<27x32x1024xf32> to vector<1x32x1024xf32>
    %squeeze3A_1158 = vector.shape_cast %slice3A_1157 : vector<1x32x1024xf32> to vector<32x1024xf32>
    %broadcast_in_dim3A_1159 = vector.shape_cast %squeeze3A_1158 : vector<32x1024xf32> to vector<1x32x1024xf32>
    %slice3A_1160 = vector.extract_strided_slice %concatenate3A {offsets = [7, 0, 0], sizes = [1, 32, 1024], strides = [1, 1, 1]} : vector<27x32x1024xf32> to vector<1x32x1024xf32>
    %squeeze3A_1161 = vector.shape_cast %slice3A_1160 : vector<1x32x1024xf32> to vector<32x1024xf32>
    %broadcast_in_dim3A_1162 = vector.shape_cast %squeeze3A_1161 : vector<32x1024xf32> to vector<1x32x1024xf32>
    %slice3A_1163 = vector.extract_strided_slice %concatenate3A {offsets = [7, 0, 0], sizes = [1, 32, 1024], strides = [1, 1, 1]} : vector<27x32x1024xf32> to vector<1x32x1024xf32>
    %squeeze3A_1164 = vector.shape_cast %slice3A_1163 : vector<1x32x1024xf32> to vector<32x1024xf32>
    %broadcast_in_dim3A_1165 = vector.shape_cast %squeeze3A_1164 : vector<32x1024xf32> to vector<1x32x1024xf32>
    %slice3A_1166 = vector.extract_strided_slice %concatenate3A {offsets = [7, 0, 0], sizes = [1, 32, 1024], strides = [1, 1, 1]} : vector<27x32x1024xf32> to vector<1x32x1024xf32>
    %squeeze3A_1167 = vector.shape_cast %slice3A_1166 : vector<1x32x1024xf32> to vector<32x1024xf32>
    %broadcast_in_dim3A_1168 = vector.shape_cast %squeeze3A_1167 : vector<32x1024xf32> to vector<1x32x1024xf32>
    %slice3A_1169 = vector.extract_strided_slice %concatenate3A {offsets = [7, 0, 0], sizes = [1, 32, 1024], strides = [1, 1, 1]} : vector<27x32x1024xf32> to vector<1x32x1024xf32>
    %squeeze3A_1170 = vector.shape_cast %slice3A_1169 : vector<1x32x1024xf32> to vector<32x1024xf32>
    %broadcast_in_dim3A_1171 = vector.shape_cast %squeeze3A_1170 : vector<32x1024xf32> to vector<1x32x1024xf32>
    %slice3A_1172 = vector.extract_strided_slice %concatenate3A {offsets = [7, 0, 0], sizes = [1, 32, 1024], strides = [1, 1, 1]} : vector<27x32x1024xf32> to vector<1x32x1024xf32>
    %squeeze3A_1173 = vector.shape_cast %slice3A_1172 : vector<1x32x1024xf32> to vector<32x1024xf32>
    %broadcast_in_dim3A_1174 = vector.shape_cast %squeeze3A_1173 : vector<32x1024xf32> to vector<1x32x1024xf32>
    %concatenate3A_1175 = tpu.concatenate %broadcast_in_dim3A_1153, %broadcast_in_dim3A_1156, %broadcast_in_dim3A_1159, %broadcast_in_dim3A_1162, %broadcast_in_dim3A_1165, %broadcast_in_dim3A_1168, %broadcast_in_dim3A_1171, %broadcast_in_dim3A_1174 in 0 : vector<1x32x1024xf32>, vector<1x32x1024xf32>, vector<1x32x1024xf32>, vector<1x32x1024xf32>, vector<1x32x1024xf32>, vector<1x32x1024xf32>, vector<1x32x1024xf32>, vector<1x32x1024xf32> -> vector<8x32x1024xf32>
    %slice3A_1176 = vector.extract_strided_slice %concatenate3A {offsets = [15, 0, 0], sizes = [1, 32, 1024], strides = [1, 1, 1]} : vector<27x32x1024xf32> to vector<1x32x1024xf32>
    %squeeze3A_1177 = vector.shape_cast %slice3A_1176 : vector<1x32x1024xf32> to vector<32x1024xf32>
    %broadcast_in_dim3A_1178 = vector.shape_cast %squeeze3A_1177 : vector<32x1024xf32> to vector<1x32x1024xf32>
    %slice3A_1179 = vector.extract_strided_slice %concatenate3A {offsets = [16, 0, 0], sizes = [1, 32, 1024], strides = [1, 1, 1]} : vector<27x32x1024xf32> to vector<1x32x1024xf32>
    %squeeze3A_1180 = vector.shape_cast %slice3A_1179 : vector<1x32x1024xf32> to vector<32x1024xf32>
    %broadcast_in_dim3A_1181 = vector.shape_cast %squeeze3A_1180 : vector<32x1024xf32> to vector<1x32x1024xf32>
    %slice3A_1182 = vector.extract_strided_slice %concatenate3A {offsets = [17, 0, 0], sizes = [1, 32, 1024], strides = [1, 1, 1]} : vector<27x32x1024xf32> to vector<1x32x1024xf32>
    %squeeze3A_1183 = vector.shape_cast %slice3A_1182 : vector<1x32x1024xf32> to vector<32x1024xf32>
    %broadcast_in_dim3A_1184 = vector.shape_cast %squeeze3A_1183 : vector<32x1024xf32> to vector<1x32x1024xf32>
    %slice3A_1185 = vector.extract_strided_slice %concatenate3A {offsets = [18, 0, 0], sizes = [1, 32, 1024], strides = [1, 1, 1]} : vector<27x32x1024xf32> to vector<1x32x1024xf32>
    %squeeze3A_1186 = vector.shape_cast %slice3A_1185 : vector<1x32x1024xf32> to vector<32x1024xf32>
    %broadcast_in_dim3A_1187 = vector.shape_cast %squeeze3A_1186 : vector<32x1024xf32> to vector<1x32x1024xf32>
    %slice3A_1188 = vector.extract_strided_slice %concatenate3A {offsets = [19, 0, 0], sizes = [1, 32, 1024], strides = [1, 1, 1]} : vector<27x32x1024xf32> to vector<1x32x1024xf32>
    %squeeze3A_1189 = vector.shape_cast %slice3A_1188 : vector<1x32x1024xf32> to vector<32x1024xf32>
    %broadcast_in_dim3A_1190 = vector.shape_cast %squeeze3A_1189 : vector<32x1024xf32> to vector<1x32x1024xf32>
    %slice3A_1191 = vector.extract_strided_slice %concatenate3A {offsets = [20, 0, 0], sizes = [1, 32, 1024], strides = [1, 1, 1]} : vector<27x32x1024xf32> to vector<1x32x1024xf32>
    %squeeze3A_1192 = vector.shape_cast %slice3A_1191 : vector<1x32x1024xf32> to vector<32x1024xf32>
    %broadcast_in_dim3A_1193 = vector.shape_cast %squeeze3A_1192 : vector<32x1024xf32> to vector<1x32x1024xf32>
    %slice3A_1194 = vector.extract_strided_slice %concatenate3A {offsets = [21, 0, 0], sizes = [1, 32, 1024], strides = [1, 1, 1]} : vector<27x32x1024xf32> to vector<1x32x1024xf32>
    %squeeze3A_1195 = vector.shape_cast %slice3A_1194 : vector<1x32x1024xf32> to vector<32x1024xf32>
    %broadcast_in_dim3A_1196 = vector.shape_cast %squeeze3A_1195 : vector<32x1024xf32> to vector<1x32x1024xf32>
    %slice3A_1197 = vector.extract_strided_slice %concatenate3A {offsets = [22, 0, 0], sizes = [1, 32, 1024], strides = [1, 1, 1]} : vector<27x32x1024xf32> to vector<1x32x1024xf32>
    %squeeze3A_1198 = vector.shape_cast %slice3A_1197 : vector<1x32x1024xf32> to vector<32x1024xf32>
    %broadcast_in_dim3A_1199 = vector.shape_cast %squeeze3A_1198 : vector<32x1024xf32> to vector<1x32x1024xf32>
    %concatenate3A_1200 = tpu.concatenate %broadcast_in_dim3A_1178, %broadcast_in_dim3A_1181, %broadcast_in_dim3A_1184, %broadcast_in_dim3A_1187, %broadcast_in_dim3A_1190, %broadcast_in_dim3A_1193, %broadcast_in_dim3A_1196, %broadcast_in_dim3A_1199 in 0 : vector<1x32x1024xf32>, vector<1x32x1024xf32>, vector<1x32x1024xf32>, vector<1x32x1024xf32>, vector<1x32x1024xf32>, vector<1x32x1024xf32>, vector<1x32x1024xf32>, vector<1x32x1024xf32> -> vector<8x32x1024xf32>
    %mul3A_1201 = arith.mulf %concatenate3A_1175, %concatenate3A_1200 : vector<8x32x1024xf32>
    %reduce_sum3A_1202 = arith.constant dense<0.000000e+00> : vector<8x1024xf32>
    %reduce_sum3A_1203 = vector.multi_reduction <add>, %mul3A_1201, %reduce_sum3A_1202 [1] : vector<8x32x1024xf32> to vector<8x1024xf32>
    %slice3A_1204 = vector.extract_strided_slice %concatenate3A {offsets = [7, 0, 0], sizes = [1, 32, 1024], strides = [1, 1, 1]} : vector<27x32x1024xf32> to vector<1x32x1024xf32>
    %squeeze3A_1205 = vector.shape_cast %slice3A_1204 : vector<1x32x1024xf32> to vector<32x1024xf32>
    %broadcast_in_dim3A_1206 = vector.shape_cast %squeeze3A_1205 : vector<32x1024xf32> to vector<1x32x1024xf32>
    %slice3A_1207 = vector.extract_strided_slice %concatenate3A {offsets = [7, 0, 0], sizes = [1, 32, 1024], strides = [1, 1, 1]} : vector<27x32x1024xf32> to vector<1x32x1024xf32>
    %squeeze3A_1208 = vector.shape_cast %slice3A_1207 : vector<1x32x1024xf32> to vector<32x1024xf32>
    %broadcast_in_dim3A_1209 = vector.shape_cast %squeeze3A_1208 : vector<32x1024xf32> to vector<1x32x1024xf32>
    %slice3A_1210 = vector.extract_strided_slice %concatenate3A {offsets = [7, 0, 0], sizes = [1, 32, 1024], strides = [1, 1, 1]} : vector<27x32x1024xf32> to vector<1x32x1024xf32>
    %squeeze3A_1211 = vector.shape_cast %slice3A_1210 : vector<1x32x1024xf32> to vector<32x1024xf32>
    %broadcast_in_dim3A_1212 = vector.shape_cast %squeeze3A_1211 : vector<32x1024xf32> to vector<1x32x1024xf32>
    %slice3A_1213 = vector.extract_strided_slice %concatenate3A {offsets = [7, 0, 0], sizes = [1, 32, 1024], strides = [1, 1, 1]} : vector<27x32x1024xf32> to vector<1x32x1024xf32>
    %squeeze3A_1214 = vector.shape_cast %slice3A_1213 : vector<1x32x1024xf32> to vector<32x1024xf32>
    %broadcast_in_dim3A_1215 = vector.shape_cast %squeeze3A_1214 : vector<32x1024xf32> to vector<1x32x1024xf32>
    %slice3A_1216 = vector.extract_strided_slice %concatenate3A {offsets = [8, 0, 0], sizes = [1, 32, 1024], strides = [1, 1, 1]} : vector<27x32x1024xf32> to vector<1x32x1024xf32>
    %squeeze3A_1217 = vector.shape_cast %slice3A_1216 : vector<1x32x1024xf32> to vector<32x1024xf32>
    %broadcast_in_dim3A_1218 = vector.shape_cast %squeeze3A_1217 : vector<32x1024xf32> to vector<1x32x1024xf32>
    %slice3A_1219 = vector.extract_strided_slice %concatenate3A {offsets = [8, 0, 0], sizes = [1, 32, 1024], strides = [1, 1, 1]} : vector<27x32x1024xf32> to vector<1x32x1024xf32>
    %squeeze3A_1220 = vector.shape_cast %slice3A_1219 : vector<1x32x1024xf32> to vector<32x1024xf32>
    %broadcast_in_dim3A_1221 = vector.shape_cast %squeeze3A_1220 : vector<32x1024xf32> to vector<1x32x1024xf32>
    %slice3A_1222 = vector.extract_strided_slice %concatenate3A {offsets = [8, 0, 0], sizes = [1, 32, 1024], strides = [1, 1, 1]} : vector<27x32x1024xf32> to vector<1x32x1024xf32>
    %squeeze3A_1223 = vector.shape_cast %slice3A_1222 : vector<1x32x1024xf32> to vector<32x1024xf32>
    %broadcast_in_dim3A_1224 = vector.shape_cast %squeeze3A_1223 : vector<32x1024xf32> to vector<1x32x1024xf32>
    %slice3A_1225 = vector.extract_strided_slice %concatenate3A {offsets = [8, 0, 0], sizes = [1, 32, 1024], strides = [1, 1, 1]} : vector<27x32x1024xf32> to vector<1x32x1024xf32>
    %squeeze3A_1226 = vector.shape_cast %slice3A_1225 : vector<1x32x1024xf32> to vector<32x1024xf32>
    %broadcast_in_dim3A_1227 = vector.shape_cast %squeeze3A_1226 : vector<32x1024xf32> to vector<1x32x1024xf32>
    %concatenate3A_1228 = tpu.concatenate %broadcast_in_dim3A_1206, %broadcast_in_dim3A_1209, %broadcast_in_dim3A_1212, %broadcast_in_dim3A_1215, %broadcast_in_dim3A_1218, %broadcast_in_dim3A_1221, %broadcast_in_dim3A_1224, %broadcast_in_dim3A_1227 in 0 : vector<1x32x1024xf32>, vector<1x32x1024xf32>, vector<1x32x1024xf32>, vector<1x32x1024xf32>, vector<1x32x1024xf32>, vector<1x32x1024xf32>, vector<1x32x1024xf32>, vector<1x32x1024xf32> -> vector<8x32x1024xf32>
    %slice3A_1229 = vector.extract_strided_slice %concatenate3A {offsets = [23, 0, 0], sizes = [1, 32, 1024], strides = [1, 1, 1]} : vector<27x32x1024xf32> to vector<1x32x1024xf32>
    %squeeze3A_1230 = vector.shape_cast %slice3A_1229 : vector<1x32x1024xf32> to vector<32x1024xf32>
    %broadcast_in_dim3A_1231 = vector.shape_cast %squeeze3A_1230 : vector<32x1024xf32> to vector<1x32x1024xf32>
    %slice3A_1232 = vector.extract_strided_slice %concatenate3A {offsets = [24, 0, 0], sizes = [1, 32, 1024], strides = [1, 1, 1]} : vector<27x32x1024xf32> to vector<1x32x1024xf32>
    %squeeze3A_1233 = vector.shape_cast %slice3A_1232 : vector<1x32x1024xf32> to vector<32x1024xf32>
    %broadcast_in_dim3A_1234 = vector.shape_cast %squeeze3A_1233 : vector<32x1024xf32> to vector<1x32x1024xf32>
    %slice3A_1235 = vector.extract_strided_slice %concatenate3A {offsets = [25, 0, 0], sizes = [1, 32, 1024], strides = [1, 1, 1]} : vector<27x32x1024xf32> to vector<1x32x1024xf32>
    %squeeze3A_1236 = vector.shape_cast %slice3A_1235 : vector<1x32x1024xf32> to vector<32x1024xf32>
    %broadcast_in_dim3A_1237 = vector.shape_cast %squeeze3A_1236 : vector<32x1024xf32> to vector<1x32x1024xf32>
    %slice3A_1238 = vector.extract_strided_slice %concatenate3A {offsets = [26, 0, 0], sizes = [1, 32, 1024], strides = [1, 1, 1]} : vector<27x32x1024xf32> to vector<1x32x1024xf32>
    %squeeze3A_1239 = vector.shape_cast %slice3A_1238 : vector<1x32x1024xf32> to vector<32x1024xf32>
    %broadcast_in_dim3A_1240 = vector.shape_cast %squeeze3A_1239 : vector<32x1024xf32> to vector<1x32x1024xf32>
    %slice3A_1241 = vector.extract_strided_slice %concatenate3A {offsets = [9, 0, 0], sizes = [1, 32, 1024], strides = [1, 1, 1]} : vector<27x32x1024xf32> to vector<1x32x1024xf32>
    %squeeze3A_1242 = vector.shape_cast %slice3A_1241 : vector<1x32x1024xf32> to vector<32x1024xf32>
    %broadcast_in_dim3A_1243 = vector.shape_cast %squeeze3A_1242 : vector<32x1024xf32> to vector<1x32x1024xf32>
    %slice3A_1244 = vector.extract_strided_slice %concatenate3A {offsets = [10, 0, 0], sizes = [1, 32, 1024], strides = [1, 1, 1]} : vector<27x32x1024xf32> to vector<1x32x1024xf32>
    %squeeze3A_1245 = vector.shape_cast %slice3A_1244 : vector<1x32x1024xf32> to vector<32x1024xf32>
    %broadcast_in_dim3A_1246 = vector.shape_cast %squeeze3A_1245 : vector<32x1024xf32> to vector<1x32x1024xf32>
    %slice3A_1247 = vector.extract_strided_slice %concatenate3A {offsets = [11, 0, 0], sizes = [1, 32, 1024], strides = [1, 1, 1]} : vector<27x32x1024xf32> to vector<1x32x1024xf32>
    %squeeze3A_1248 = vector.shape_cast %slice3A_1247 : vector<1x32x1024xf32> to vector<32x1024xf32>
    %broadcast_in_dim3A_1249 = vector.shape_cast %squeeze3A_1248 : vector<32x1024xf32> to vector<1x32x1024xf32>
    %slice3A_1250 = vector.extract_strided_slice %concatenate3A {offsets = [12, 0, 0], sizes = [1, 32, 1024], strides = [1, 1, 1]} : vector<27x32x1024xf32> to vector<1x32x1024xf32>
    %squeeze3A_1251 = vector.shape_cast %slice3A_1250 : vector<1x32x1024xf32> to vector<32x1024xf32>
    %broadcast_in_dim3A_1252 = vector.shape_cast %squeeze3A_1251 : vector<32x1024xf32> to vector<1x32x1024xf32>
    %concatenate3A_1253 = tpu.concatenate %broadcast_in_dim3A_1231, %broadcast_in_dim3A_1234, %broadcast_in_dim3A_1237, %broadcast_in_dim3A_1240, %broadcast_in_dim3A_1243, %broadcast_in_dim3A_1246, %broadcast_in_dim3A_1249, %broadcast_in_dim3A_1252 in 0 : vector<1x32x1024xf32>, vector<1x32x1024xf32>, vector<1x32x1024xf32>, vector<1x32x1024xf32>, vector<1x32x1024xf32>, vector<1x32x1024xf32>, vector<1x32x1024xf32>, vector<1x32x1024xf32> -> vector<8x32x1024xf32>
    %mul3A_1254 = arith.mulf %concatenate3A_1228, %concatenate3A_1253 : vector<8x32x1024xf32>
    %reduce_sum3A_1255 = arith.constant dense<0.000000e+00> : vector<8x1024xf32>
    %reduce_sum3A_1256 = vector.multi_reduction <add>, %mul3A_1254, %reduce_sum3A_1255 [1] : vector<8x32x1024xf32> to vector<8x1024xf32>
    %slice3A_1257 = vector.extract_strided_slice %concatenate3A {offsets = [8, 0, 0], sizes = [1, 32, 1024], strides = [1, 1, 1]} : vector<27x32x1024xf32> to vector<1x32x1024xf32>
    %squeeze3A_1258 = vector.shape_cast %slice3A_1257 : vector<1x32x1024xf32> to vector<32x1024xf32>
    %broadcast_in_dim3A_1259 = vector.shape_cast %squeeze3A_1258 : vector<32x1024xf32> to vector<1x32x1024xf32>
    %slice3A_1260 = vector.extract_strided_slice %concatenate3A {offsets = [8, 0, 0], sizes = [1, 32, 1024], strides = [1, 1, 1]} : vector<27x32x1024xf32> to vector<1x32x1024xf32>
    %squeeze3A_1261 = vector.shape_cast %slice3A_1260 : vector<1x32x1024xf32> to vector<32x1024xf32>
    %broadcast_in_dim3A_1262 = vector.shape_cast %squeeze3A_1261 : vector<32x1024xf32> to vector<1x32x1024xf32>
    %slice3A_1263 = vector.extract_strided_slice %concatenate3A {offsets = [8, 0, 0], sizes = [1, 32, 1024], strides = [1, 1, 1]} : vector<27x32x1024xf32> to vector<1x32x1024xf32>
    %squeeze3A_1264 = vector.shape_cast %slice3A_1263 : vector<1x32x1024xf32> to vector<32x1024xf32>
    %broadcast_in_dim3A_1265 = vector.shape_cast %squeeze3A_1264 : vector<32x1024xf32> to vector<1x32x1024xf32>
    %slice3A_1266 = vector.extract_strided_slice %concatenate3A {offsets = [8, 0, 0], sizes = [1, 32, 1024], strides = [1, 1, 1]} : vector<27x32x1024xf32> to vector<1x32x1024xf32>
    %squeeze3A_1267 = vector.shape_cast %slice3A_1266 : vector<1x32x1024xf32> to vector<32x1024xf32>
    %broadcast_in_dim3A_1268 = vector.shape_cast %squeeze3A_1267 : vector<32x1024xf32> to vector<1x32x1024xf32>
    %slice3A_1269 = vector.extract_strided_slice %concatenate3A {offsets = [8, 0, 0], sizes = [1, 32, 1024], strides = [1, 1, 1]} : vector<27x32x1024xf32> to vector<1x32x1024xf32>
    %squeeze3A_1270 = vector.shape_cast %slice3A_1269 : vector<1x32x1024xf32> to vector<32x1024xf32>
    %broadcast_in_dim3A_1271 = vector.shape_cast %squeeze3A_1270 : vector<32x1024xf32> to vector<1x32x1024xf32>
    %slice3A_1272 = vector.extract_strided_slice %concatenate3A {offsets = [8, 0, 0], sizes = [1, 32, 1024], strides = [1, 1, 1]} : vector<27x32x1024xf32> to vector<1x32x1024xf32>
    %squeeze3A_1273 = vector.shape_cast %slice3A_1272 : vector<1x32x1024xf32> to vector<32x1024xf32>
    %broadcast_in_dim3A_1274 = vector.shape_cast %squeeze3A_1273 : vector<32x1024xf32> to vector<1x32x1024xf32>
    %slice3A_1275 = vector.extract_strided_slice %concatenate3A {offsets = [8, 0, 0], sizes = [1, 32, 1024], strides = [1, 1, 1]} : vector<27x32x1024xf32> to vector<1x32x1024xf32>
    %squeeze3A_1276 = vector.shape_cast %slice3A_1275 : vector<1x32x1024xf32> to vector<32x1024xf32>
    %broadcast_in_dim3A_1277 = vector.shape_cast %squeeze3A_1276 : vector<32x1024xf32> to vector<1x32x1024xf32>
    %slice3A_1278 = vector.extract_strided_slice %concatenate3A {offsets = [8, 0, 0], sizes = [1, 32, 1024], strides = [1, 1, 1]} : vector<27x32x1024xf32> to vector<1x32x1024xf32>
    %squeeze3A_1279 = vector.shape_cast %slice3A_1278 : vector<1x32x1024xf32> to vector<32x1024xf32>
    %broadcast_in_dim3A_1280 = vector.shape_cast %squeeze3A_1279 : vector<32x1024xf32> to vector<1x32x1024xf32>
    %concatenate3A_1281 = tpu.concatenate %broadcast_in_dim3A_1259, %broadcast_in_dim3A_1262, %broadcast_in_dim3A_1265, %broadcast_in_dim3A_1268, %broadcast_in_dim3A_1271, %broadcast_in_dim3A_1274, %broadcast_in_dim3A_1277, %broadcast_in_dim3A_1280 in 0 : vector<1x32x1024xf32>, vector<1x32x1024xf32>, vector<1x32x1024xf32>, vector<1x32x1024xf32>, vector<1x32x1024xf32>, vector<1x32x1024xf32>, vector<1x32x1024xf32>, vector<1x32x1024xf32> -> vector<8x32x1024xf32>
    %slice3A_1282 = vector.extract_strided_slice %concatenate3A {offsets = [13, 0, 0], sizes = [1, 32, 1024], strides = [1, 1, 1]} : vector<27x32x1024xf32> to vector<1x32x1024xf32>
    %squeeze3A_1283 = vector.shape_cast %slice3A_1282 : vector<1x32x1024xf32> to vector<32x1024xf32>
    %broadcast_in_dim3A_1284 = vector.shape_cast %squeeze3A_1283 : vector<32x1024xf32> to vector<1x32x1024xf32>
    %slice3A_1285 = vector.extract_strided_slice %concatenate3A {offsets = [14, 0, 0], sizes = [1, 32, 1024], strides = [1, 1, 1]} : vector<27x32x1024xf32> to vector<1x32x1024xf32>
    %squeeze3A_1286 = vector.shape_cast %slice3A_1285 : vector<1x32x1024xf32> to vector<32x1024xf32>
    %broadcast_in_dim3A_1287 = vector.shape_cast %squeeze3A_1286 : vector<32x1024xf32> to vector<1x32x1024xf32>
    %slice3A_1288 = vector.extract_strided_slice %concatenate3A {offsets = [15, 0, 0], sizes = [1, 32, 1024], strides = [1, 1, 1]} : vector<27x32x1024xf32> to vector<1x32x1024xf32>
    %squeeze3A_1289 = vector.shape_cast %slice3A_1288 : vector<1x32x1024xf32> to vector<32x1024xf32>
    %broadcast_in_dim3A_1290 = vector.shape_cast %squeeze3A_1289 : vector<32x1024xf32> to vector<1x32x1024xf32>
    %slice3A_1291 = vector.extract_strided_slice %concatenate3A {offsets = [16, 0, 0], sizes = [1, 32, 1024], strides = [1, 1, 1]} : vector<27x32x1024xf32> to vector<1x32x1024xf32>
    %squeeze3A_1292 = vector.shape_cast %slice3A_1291 : vector<1x32x1024xf32> to vector<32x1024xf32>
    %broadcast_in_dim3A_1293 = vector.shape_cast %squeeze3A_1292 : vector<32x1024xf32> to vector<1x32x1024xf32>
    %slice3A_1294 = vector.extract_strided_slice %concatenate3A {offsets = [17, 0, 0], sizes = [1, 32, 1024], strides = [1, 1, 1]} : vector<27x32x1024xf32> to vector<1x32x1024xf32>
    %squeeze3A_1295 = vector.shape_cast %slice3A_1294 : vector<1x32x1024xf32> to vector<32x1024xf32>
    %broadcast_in_dim3A_1296 = vector.shape_cast %squeeze3A_1295 : vector<32x1024xf32> to vector<1x32x1024xf32>
    %slice3A_1297 = vector.extract_strided_slice %concatenate3A {offsets = [18, 0, 0], sizes = [1, 32, 1024], strides = [1, 1, 1]} : vector<27x32x1024xf32> to vector<1x32x1024xf32>
    %squeeze3A_1298 = vector.shape_cast %slice3A_1297 : vector<1x32x1024xf32> to vector<32x1024xf32>
    %broadcast_in_dim3A_1299 = vector.shape_cast %squeeze3A_1298 : vector<32x1024xf32> to vector<1x32x1024xf32>
    %slice3A_1300 = vector.extract_strided_slice %concatenate3A {offsets = [19, 0, 0], sizes = [1, 32, 1024], strides = [1, 1, 1]} : vector<27x32x1024xf32> to vector<1x32x1024xf32>
    %squeeze3A_1301 = vector.shape_cast %slice3A_1300 : vector<1x32x1024xf32> to vector<32x1024xf32>
    %broadcast_in_dim3A_1302 = vector.shape_cast %squeeze3A_1301 : vector<32x1024xf32> to vector<1x32x1024xf32>
    %slice3A_1303 = vector.extract_strided_slice %concatenate3A {offsets = [20, 0, 0], sizes = [1, 32, 1024], strides = [1, 1, 1]} : vector<27x32x1024xf32> to vector<1x32x1024xf32>
    %squeeze3A_1304 = vector.shape_cast %slice3A_1303 : vector<1x32x1024xf32> to vector<32x1024xf32>
    %broadcast_in_dim3A_1305 = vector.shape_cast %squeeze3A_1304 : vector<32x1024xf32> to vector<1x32x1024xf32>
    %concatenate3A_1306 = tpu.concatenate %broadcast_in_dim3A_1284, %broadcast_in_dim3A_1287, %broadcast_in_dim3A_1290, %broadcast_in_dim3A_1293, %broadcast_in_dim3A_1296, %broadcast_in_dim3A_1299, %broadcast_in_dim3A_1302, %broadcast_in_dim3A_1305 in 0 : vector<1x32x1024xf32>, vector<1x32x1024xf32>, vector<1x32x1024xf32>, vector<1x32x1024xf32>, vector<1x32x1024xf32>, vector<1x32x1024xf32>, vector<1x32x1024xf32>, vector<1x32x1024xf32> -> vector<8x32x1024xf32>
    %mul3A_1307 = arith.mulf %concatenate3A_1281, %concatenate3A_1306 : vector<8x32x1024xf32>
    %reduce_sum3A_1308 = arith.constant dense<0.000000e+00> : vector<8x1024xf32>
    %reduce_sum3A_1309 = vector.multi_reduction <add>, %mul3A_1307, %reduce_sum3A_1308 [1] : vector<8x32x1024xf32> to vector<8x1024xf32>
    %slice3A_1310 = vector.extract_strided_slice %concatenate3A {offsets = [8, 0, 0], sizes = [1, 32, 1024], strides = [1, 1, 1]} : vector<27x32x1024xf32> to vector<1x32x1024xf32>
    %squeeze3A_1311 = vector.shape_cast %slice3A_1310 : vector<1x32x1024xf32> to vector<32x1024xf32>
    %broadcast_in_dim3A_1312 = vector.shape_cast %squeeze3A_1311 : vector<32x1024xf32> to vector<1x32x1024xf32>
    %slice3A_1313 = vector.extract_strided_slice %concatenate3A {offsets = [8, 0, 0], sizes = [1, 32, 1024], strides = [1, 1, 1]} : vector<27x32x1024xf32> to vector<1x32x1024xf32>
    %squeeze3A_1314 = vector.shape_cast %slice3A_1313 : vector<1x32x1024xf32> to vector<32x1024xf32>
    %broadcast_in_dim3A_1315 = vector.shape_cast %squeeze3A_1314 : vector<32x1024xf32> to vector<1x32x1024xf32>
    %slice3A_1316 = vector.extract_strided_slice %concatenate3A {offsets = [8, 0, 0], sizes = [1, 32, 1024], strides = [1, 1, 1]} : vector<27x32x1024xf32> to vector<1x32x1024xf32>
    %squeeze3A_1317 = vector.shape_cast %slice3A_1316 : vector<1x32x1024xf32> to vector<32x1024xf32>
    %broadcast_in_dim3A_1318 = vector.shape_cast %squeeze3A_1317 : vector<32x1024xf32> to vector<1x32x1024xf32>
    %slice3A_1319 = vector.extract_strided_slice %concatenate3A {offsets = [8, 0, 0], sizes = [1, 32, 1024], strides = [1, 1, 1]} : vector<27x32x1024xf32> to vector<1x32x1024xf32>
    %squeeze3A_1320 = vector.shape_cast %slice3A_1319 : vector<1x32x1024xf32> to vector<32x1024xf32>
    %broadcast_in_dim3A_1321 = vector.shape_cast %squeeze3A_1320 : vector<32x1024xf32> to vector<1x32x1024xf32>
    %slice3A_1322 = vector.extract_strided_slice %concatenate3A {offsets = [8, 0, 0], sizes = [1, 32, 1024], strides = [1, 1, 1]} : vector<27x32x1024xf32> to vector<1x32x1024xf32>
    %squeeze3A_1323 = vector.shape_cast %slice3A_1322 : vector<1x32x1024xf32> to vector<32x1024xf32>
    %broadcast_in_dim3A_1324 = vector.shape_cast %squeeze3A_1323 : vector<32x1024xf32> to vector<1x32x1024xf32>
    %slice3A_1325 = vector.extract_strided_slice %concatenate3A {offsets = [8, 0, 0], sizes = [1, 32, 1024], strides = [1, 1, 1]} : vector<27x32x1024xf32> to vector<1x32x1024xf32>
    %squeeze3A_1326 = vector.shape_cast %slice3A_1325 : vector<1x32x1024xf32> to vector<32x1024xf32>
    %broadcast_in_dim3A_1327 = vector.shape_cast %squeeze3A_1326 : vector<32x1024xf32> to vector<1x32x1024xf32>
    %slice3A_1328 = vector.extract_strided_slice %concatenate3A {offsets = [9, 0, 0], sizes = [1, 32, 1024], strides = [1, 1, 1]} : vector<27x32x1024xf32> to vector<1x32x1024xf32>
    %squeeze3A_1329 = vector.shape_cast %slice3A_1328 : vector<1x32x1024xf32> to vector<32x1024xf32>
    %broadcast_in_dim3A_1330 = vector.shape_cast %squeeze3A_1329 : vector<32x1024xf32> to vector<1x32x1024xf32>
    %slice3A_1331 = vector.extract_strided_slice %concatenate3A {offsets = [9, 0, 0], sizes = [1, 32, 1024], strides = [1, 1, 1]} : vector<27x32x1024xf32> to vector<1x32x1024xf32>
    %squeeze3A_1332 = vector.shape_cast %slice3A_1331 : vector<1x32x1024xf32> to vector<32x1024xf32>
    %broadcast_in_dim3A_1333 = vector.shape_cast %squeeze3A_1332 : vector<32x1024xf32> to vector<1x32x1024xf32>
    %concatenate3A_1334 = tpu.concatenate %broadcast_in_dim3A_1312, %broadcast_in_dim3A_1315, %broadcast_in_dim3A_1318, %broadcast_in_dim3A_1321, %broadcast_in_dim3A_1324, %broadcast_in_dim3A_1327, %broadcast_in_dim3A_1330, %broadcast_in_dim3A_1333 in 0 : vector<1x32x1024xf32>, vector<1x32x1024xf32>, vector<1x32x1024xf32>, vector<1x32x1024xf32>, vector<1x32x1024xf32>, vector<1x32x1024xf32>, vector<1x32x1024xf32>, vector<1x32x1024xf32> -> vector<8x32x1024xf32>
    %slice3A_1335 = vector.extract_strided_slice %concatenate3A {offsets = [21, 0, 0], sizes = [1, 32, 1024], strides = [1, 1, 1]} : vector<27x32x1024xf32> to vector<1x32x1024xf32>
    %squeeze3A_1336 = vector.shape_cast %slice3A_1335 : vector<1x32x1024xf32> to vector<32x1024xf32>
    %broadcast_in_dim3A_1337 = vector.shape_cast %squeeze3A_1336 : vector<32x1024xf32> to vector<1x32x1024xf32>
    %slice3A_1338 = vector.extract_strided_slice %concatenate3A {offsets = [22, 0, 0], sizes = [1, 32, 1024], strides = [1, 1, 1]} : vector<27x32x1024xf32> to vector<1x32x1024xf32>
    %squeeze3A_1339 = vector.shape_cast %slice3A_1338 : vector<1x32x1024xf32> to vector<32x1024xf32>
    %broadcast_in_dim3A_1340 = vector.shape_cast %squeeze3A_1339 : vector<32x1024xf32> to vector<1x32x1024xf32>
    %slice3A_1341 = vector.extract_strided_slice %concatenate3A {offsets = [23, 0, 0], sizes = [1, 32, 1024], strides = [1, 1, 1]} : vector<27x32x1024xf32> to vector<1x32x1024xf32>
    %squeeze3A_1342 = vector.shape_cast %slice3A_1341 : vector<1x32x1024xf32> to vector<32x1024xf32>
    %broadcast_in_dim3A_1343 = vector.shape_cast %squeeze3A_1342 : vector<32x1024xf32> to vector<1x32x1024xf32>
    %slice3A_1344 = vector.extract_strided_slice %concatenate3A {offsets = [24, 0, 0], sizes = [1, 32, 1024], strides = [1, 1, 1]} : vector<27x32x1024xf32> to vector<1x32x1024xf32>
    %squeeze3A_1345 = vector.shape_cast %slice3A_1344 : vector<1x32x1024xf32> to vector<32x1024xf32>
    %broadcast_in_dim3A_1346 = vector.shape_cast %squeeze3A_1345 : vector<32x1024xf32> to vector<1x32x1024xf32>
    %slice3A_1347 = vector.extract_strided_slice %concatenate3A {offsets = [25, 0, 0], sizes = [1, 32, 1024], strides = [1, 1, 1]} : vector<27x32x1024xf32> to vector<1x32x1024xf32>
    %squeeze3A_1348 = vector.shape_cast %slice3A_1347 : vector<1x32x1024xf32> to vector<32x1024xf32>
    %broadcast_in_dim3A_1349 = vector.shape_cast %squeeze3A_1348 : vector<32x1024xf32> to vector<1x32x1024xf32>
    %slice3A_1350 = vector.extract_strided_slice %concatenate3A {offsets = [26, 0, 0], sizes = [1, 32, 1024], strides = [1, 1, 1]} : vector<27x32x1024xf32> to vector<1x32x1024xf32>
    %squeeze3A_1351 = vector.shape_cast %slice3A_1350 : vector<1x32x1024xf32> to vector<32x1024xf32>
    %broadcast_in_dim3A_1352 = vector.shape_cast %squeeze3A_1351 : vector<32x1024xf32> to vector<1x32x1024xf32>
    %slice3A_1353 = vector.extract_strided_slice %concatenate3A {offsets = [10, 0, 0], sizes = [1, 32, 1024], strides = [1, 1, 1]} : vector<27x32x1024xf32> to vector<1x32x1024xf32>
    %squeeze3A_1354 = vector.shape_cast %slice3A_1353 : vector<1x32x1024xf32> to vector<32x1024xf32>
    %broadcast_in_dim3A_1355 = vector.shape_cast %squeeze3A_1354 : vector<32x1024xf32> to vector<1x32x1024xf32>
    %slice3A_1356 = vector.extract_strided_slice %concatenate3A {offsets = [11, 0, 0], sizes = [1, 32, 1024], strides = [1, 1, 1]} : vector<27x32x1024xf32> to vector<1x32x1024xf32>
    %squeeze3A_1357 = vector.shape_cast %slice3A_1356 : vector<1x32x1024xf32> to vector<32x1024xf32>
    %broadcast_in_dim3A_1358 = vector.shape_cast %squeeze3A_1357 : vector<32x1024xf32> to vector<1x32x1024xf32>
    %concatenate3A_1359 = tpu.concatenate %broadcast_in_dim3A_1337, %broadcast_in_dim3A_1340, %broadcast_in_dim3A_1343, %broadcast_in_dim3A_1346, %broadcast_in_dim3A_1349, %broadcast_in_dim3A_1352, %broadcast_in_dim3A_1355, %broadcast_in_dim3A_1358 in 0 : vector<1x32x1024xf32>, vector<1x32x1024xf32>, vector<1x32x1024xf32>, vector<1x32x1024xf32>, vector<1x32x1024xf32>, vector<1x32x1024xf32>, vector<1x32x1024xf32>, vector<1x32x1024xf32> -> vector<8x32x1024xf32>
    %mul3A_1360 = arith.mulf %concatenate3A_1334, %concatenate3A_1359 : vector<8x32x1024xf32>
    %reduce_sum3A_1361 = arith.constant dense<0.000000e+00> : vector<8x1024xf32>
    %reduce_sum3A_1362 = vector.multi_reduction <add>, %mul3A_1360, %reduce_sum3A_1361 [1] : vector<8x32x1024xf32> to vector<8x1024xf32>
    %slice3A_1363 = vector.extract_strided_slice %concatenate3A {offsets = [9, 0, 0], sizes = [1, 32, 1024], strides = [1, 1, 1]} : vector<27x32x1024xf32> to vector<1x32x1024xf32>
    %squeeze3A_1364 = vector.shape_cast %slice3A_1363 : vector<1x32x1024xf32> to vector<32x1024xf32>
    %broadcast_in_dim3A_1365 = vector.shape_cast %squeeze3A_1364 : vector<32x1024xf32> to vector<1x32x1024xf32>
    %slice3A_1366 = vector.extract_strided_slice %concatenate3A {offsets = [9, 0, 0], sizes = [1, 32, 1024], strides = [1, 1, 1]} : vector<27x32x1024xf32> to vector<1x32x1024xf32>
    %squeeze3A_1367 = vector.shape_cast %slice3A_1366 : vector<1x32x1024xf32> to vector<32x1024xf32>
    %broadcast_in_dim3A_1368 = vector.shape_cast %squeeze3A_1367 : vector<32x1024xf32> to vector<1x32x1024xf32>
    %slice3A_1369 = vector.extract_strided_slice %concatenate3A {offsets = [9, 0, 0], sizes = [1, 32, 1024], strides = [1, 1, 1]} : vector<27x32x1024xf32> to vector<1x32x1024xf32>
    %squeeze3A_1370 = vector.shape_cast %slice3A_1369 : vector<1x32x1024xf32> to vector<32x1024xf32>
    %broadcast_in_dim3A_1371 = vector.shape_cast %squeeze3A_1370 : vector<32x1024xf32> to vector<1x32x1024xf32>
    %slice3A_1372 = vector.extract_strided_slice %concatenate3A {offsets = [9, 0, 0], sizes = [1, 32, 1024], strides = [1, 1, 1]} : vector<27x32x1024xf32> to vector<1x32x1024xf32>
    %squeeze3A_1373 = vector.shape_cast %slice3A_1372 : vector<1x32x1024xf32> to vector<32x1024xf32>
    %broadcast_in_dim3A_1374 = vector.shape_cast %squeeze3A_1373 : vector<32x1024xf32> to vector<1x32x1024xf32>
    %slice3A_1375 = vector.extract_strided_slice %concatenate3A {offsets = [9, 0, 0], sizes = [1, 32, 1024], strides = [1, 1, 1]} : vector<27x32x1024xf32> to vector<1x32x1024xf32>
    %squeeze3A_1376 = vector.shape_cast %slice3A_1375 : vector<1x32x1024xf32> to vector<32x1024xf32>
    %broadcast_in_dim3A_1377 = vector.shape_cast %squeeze3A_1376 : vector<32x1024xf32> to vector<1x32x1024xf32>
    %slice3A_1378 = vector.extract_strided_slice %concatenate3A {offsets = [9, 0, 0], sizes = [1, 32, 1024], strides = [1, 1, 1]} : vector<27x32x1024xf32> to vector<1x32x1024xf32>
    %squeeze3A_1379 = vector.shape_cast %slice3A_1378 : vector<1x32x1024xf32> to vector<32x1024xf32>
    %broadcast_in_dim3A_1380 = vector.shape_cast %squeeze3A_1379 : vector<32x1024xf32> to vector<1x32x1024xf32>
    %slice3A_1381 = vector.extract_strided_slice %concatenate3A {offsets = [9, 0, 0], sizes = [1, 32, 1024], strides = [1, 1, 1]} : vector<27x32x1024xf32> to vector<1x32x1024xf32>
    %squeeze3A_1382 = vector.shape_cast %slice3A_1381 : vector<1x32x1024xf32> to vector<32x1024xf32>
    %broadcast_in_dim3A_1383 = vector.shape_cast %squeeze3A_1382 : vector<32x1024xf32> to vector<1x32x1024xf32>
    %slice3A_1384 = vector.extract_strided_slice %concatenate3A {offsets = [9, 0, 0], sizes = [1, 32, 1024], strides = [1, 1, 1]} : vector<27x32x1024xf32> to vector<1x32x1024xf32>
    %squeeze3A_1385 = vector.shape_cast %slice3A_1384 : vector<1x32x1024xf32> to vector<32x1024xf32>
    %broadcast_in_dim3A_1386 = vector.shape_cast %squeeze3A_1385 : vector<32x1024xf32> to vector<1x32x1024xf32>
    %concatenate3A_1387 = tpu.concatenate %broadcast_in_dim3A_1365, %broadcast_in_dim3A_1368, %broadcast_in_dim3A_1371, %broadcast_in_dim3A_1374, %broadcast_in_dim3A_1377, %broadcast_in_dim3A_1380, %broadcast_in_dim3A_1383, %broadcast_in_dim3A_1386 in 0 : vector<1x32x1024xf32>, vector<1x32x1024xf32>, vector<1x32x1024xf32>, vector<1x32x1024xf32>, vector<1x32x1024xf32>, vector<1x32x1024xf32>, vector<1x32x1024xf32>, vector<1x32x1024xf32> -> vector<8x32x1024xf32>
    %slice3A_1388 = vector.extract_strided_slice %concatenate3A {offsets = [12, 0, 0], sizes = [1, 32, 1024], strides = [1, 1, 1]} : vector<27x32x1024xf32> to vector<1x32x1024xf32>
    %squeeze3A_1389 = vector.shape_cast %slice3A_1388 : vector<1x32x1024xf32> to vector<32x1024xf32>
    %broadcast_in_dim3A_1390 = vector.shape_cast %squeeze3A_1389 : vector<32x1024xf32> to vector<1x32x1024xf32>
    %slice3A_1391 = vector.extract_strided_slice %concatenate3A {offsets = [13, 0, 0], sizes = [1, 32, 1024], strides = [1, 1, 1]} : vector<27x32x1024xf32> to vector<1x32x1024xf32>
    %squeeze3A_1392 = vector.shape_cast %slice3A_1391 : vector<1x32x1024xf32> to vector<32x1024xf32>
    %broadcast_in_dim3A_1393 = vector.shape_cast %squeeze3A_1392 : vector<32x1024xf32> to vector<1x32x1024xf32>
    %slice3A_1394 = vector.extract_strided_slice %concatenate3A {offsets = [14, 0, 0], sizes = [1, 32, 1024], strides = [1, 1, 1]} : vector<27x32x1024xf32> to vector<1x32x1024xf32>
    %squeeze3A_1395 = vector.shape_cast %slice3A_1394 : vector<1x32x1024xf32> to vector<32x1024xf32>
    %broadcast_in_dim3A_1396 = vector.shape_cast %squeeze3A_1395 : vector<32x1024xf32> to vector<1x32x1024xf32>
    %slice3A_1397 = vector.extract_strided_slice %concatenate3A {offsets = [15, 0, 0], sizes = [1, 32, 1024], strides = [1, 1, 1]} : vector<27x32x1024xf32> to vector<1x32x1024xf32>
    %squeeze3A_1398 = vector.shape_cast %slice3A_1397 : vector<1x32x1024xf32> to vector<32x1024xf32>
    %broadcast_in_dim3A_1399 = vector.shape_cast %squeeze3A_1398 : vector<32x1024xf32> to vector<1x32x1024xf32>
    %slice3A_1400 = vector.extract_strided_slice %concatenate3A {offsets = [16, 0, 0], sizes = [1, 32, 1024], strides = [1, 1, 1]} : vector<27x32x1024xf32> to vector<1x32x1024xf32>
    %squeeze3A_1401 = vector.shape_cast %slice3A_1400 : vector<1x32x1024xf32> to vector<32x1024xf32>
    %broadcast_in_dim3A_1402 = vector.shape_cast %squeeze3A_1401 : vector<32x1024xf32> to vector<1x32x1024xf32>
    %slice3A_1403 = vector.extract_strided_slice %concatenate3A {offsets = [17, 0, 0], sizes = [1, 32, 1024], strides = [1, 1, 1]} : vector<27x32x1024xf32> to vector<1x32x1024xf32>
    %squeeze3A_1404 = vector.shape_cast %slice3A_1403 : vector<1x32x1024xf32> to vector<32x1024xf32>
    %broadcast_in_dim3A_1405 = vector.shape_cast %squeeze3A_1404 : vector<32x1024xf32> to vector<1x32x1024xf32>
    %slice3A_1406 = vector.extract_strided_slice %concatenate3A {offsets = [18, 0, 0], sizes = [1, 32, 1024], strides = [1, 1, 1]} : vector<27x32x1024xf32> to vector<1x32x1024xf32>
    %squeeze3A_1407 = vector.shape_cast %slice3A_1406 : vector<1x32x1024xf32> to vector<32x1024xf32>
    %broadcast_in_dim3A_1408 = vector.shape_cast %squeeze3A_1407 : vector<32x1024xf32> to vector<1x32x1024xf32>
    %slice3A_1409 = vector.extract_strided_slice %concatenate3A {offsets = [19, 0, 0], sizes = [1, 32, 1024], strides = [1, 1, 1]} : vector<27x32x1024xf32> to vector<1x32x1024xf32>
    %squeeze3A_1410 = vector.shape_cast %slice3A_1409 : vector<1x32x1024xf32> to vector<32x1024xf32>
    %broadcast_in_dim3A_1411 = vector.shape_cast %squeeze3A_1410 : vector<32x1024xf32> to vector<1x32x1024xf32>
    %concatenate3A_1412 = tpu.concatenate %broadcast_in_dim3A_1390, %broadcast_in_dim3A_1393, %broadcast_in_dim3A_1396, %broadcast_in_dim3A_1399, %broadcast_in_dim3A_1402, %broadcast_in_dim3A_1405, %broadcast_in_dim3A_1408, %broadcast_in_dim3A_1411 in 0 : vector<1x32x1024xf32>, vector<1x32x1024xf32>, vector<1x32x1024xf32>, vector<1x32x1024xf32>, vector<1x32x1024xf32>, vector<1x32x1024xf32>, vector<1x32x1024xf32>, vector<1x32x1024xf32> -> vector<8x32x1024xf32>
    %mul3A_1413 = arith.mulf %concatenate3A_1387, %concatenate3A_1412 : vector<8x32x1024xf32>
    %reduce_sum3A_1414 = arith.constant dense<0.000000e+00> : vector<8x1024xf32>
    %reduce_sum3A_1415 = vector.multi_reduction <add>, %mul3A_1413, %reduce_sum3A_1414 [1] : vector<8x32x1024xf32> to vector<8x1024xf32>
    %slice3A_1416 = vector.extract_strided_slice %concatenate3A {offsets = [9, 0, 0], sizes = [1, 32, 1024], strides = [1, 1, 1]} : vector<27x32x1024xf32> to vector<1x32x1024xf32>
    %squeeze3A_1417 = vector.shape_cast %slice3A_1416 : vector<1x32x1024xf32> to vector<32x1024xf32>
    %broadcast_in_dim3A_1418 = vector.shape_cast %squeeze3A_1417 : vector<32x1024xf32> to vector<1x32x1024xf32>
    %slice3A_1419 = vector.extract_strided_slice %concatenate3A {offsets = [9, 0, 0], sizes = [1, 32, 1024], strides = [1, 1, 1]} : vector<27x32x1024xf32> to vector<1x32x1024xf32>
    %squeeze3A_1420 = vector.shape_cast %slice3A_1419 : vector<1x32x1024xf32> to vector<32x1024xf32>
    %broadcast_in_dim3A_1421 = vector.shape_cast %squeeze3A_1420 : vector<32x1024xf32> to vector<1x32x1024xf32>
    %slice3A_1422 = vector.extract_strided_slice %concatenate3A {offsets = [9, 0, 0], sizes = [1, 32, 1024], strides = [1, 1, 1]} : vector<27x32x1024xf32> to vector<1x32x1024xf32>
    %squeeze3A_1423 = vector.shape_cast %slice3A_1422 : vector<1x32x1024xf32> to vector<32x1024xf32>
    %broadcast_in_dim3A_1424 = vector.shape_cast %squeeze3A_1423 : vector<32x1024xf32> to vector<1x32x1024xf32>
    %slice3A_1425 = vector.extract_strided_slice %concatenate3A {offsets = [9, 0, 0], sizes = [1, 32, 1024], strides = [1, 1, 1]} : vector<27x32x1024xf32> to vector<1x32x1024xf32>
    %squeeze3A_1426 = vector.shape_cast %slice3A_1425 : vector<1x32x1024xf32> to vector<32x1024xf32>
    %broadcast_in_dim3A_1427 = vector.shape_cast %squeeze3A_1426 : vector<32x1024xf32> to vector<1x32x1024xf32>
    %slice3A_1428 = vector.extract_strided_slice %concatenate3A {offsets = [9, 0, 0], sizes = [1, 32, 1024], strides = [1, 1, 1]} : vector<27x32x1024xf32> to vector<1x32x1024xf32>
    %squeeze3A_1429 = vector.shape_cast %slice3A_1428 : vector<1x32x1024xf32> to vector<32x1024xf32>
    %broadcast_in_dim3A_1430 = vector.shape_cast %squeeze3A_1429 : vector<32x1024xf32> to vector<1x32x1024xf32>
    %slice3A_1431 = vector.extract_strided_slice %concatenate3A {offsets = [9, 0, 0], sizes = [1, 32, 1024], strides = [1, 1, 1]} : vector<27x32x1024xf32> to vector<1x32x1024xf32>
    %squeeze3A_1432 = vector.shape_cast %slice3A_1431 : vector<1x32x1024xf32> to vector<32x1024xf32>
    %broadcast_in_dim3A_1433 = vector.shape_cast %squeeze3A_1432 : vector<32x1024xf32> to vector<1x32x1024xf32>
    %slice3A_1434 = vector.extract_strided_slice %concatenate3A {offsets = [9, 0, 0], sizes = [1, 32, 1024], strides = [1, 1, 1]} : vector<27x32x1024xf32> to vector<1x32x1024xf32>
    %squeeze3A_1435 = vector.shape_cast %slice3A_1434 : vector<1x32x1024xf32> to vector<32x1024xf32>
    %broadcast_in_dim3A_1436 = vector.shape_cast %squeeze3A_1435 : vector<32x1024xf32> to vector<1x32x1024xf32>
    %slice3A_1437 = vector.extract_strided_slice %concatenate3A {offsets = [10, 0, 0], sizes = [1, 32, 1024], strides = [1, 1, 1]} : vector<27x32x1024xf32> to vector<1x32x1024xf32>
    %squeeze3A_1438 = vector.shape_cast %slice3A_1437 : vector<1x32x1024xf32> to vector<32x1024xf32>
    %broadcast_in_dim3A_1439 = vector.shape_cast %squeeze3A_1438 : vector<32x1024xf32> to vector<1x32x1024xf32>
    %concatenate3A_1440 = tpu.concatenate %broadcast_in_dim3A_1418, %broadcast_in_dim3A_1421, %broadcast_in_dim3A_1424, %broadcast_in_dim3A_1427, %broadcast_in_dim3A_1430, %broadcast_in_dim3A_1433, %broadcast_in_dim3A_1436, %broadcast_in_dim3A_1439 in 0 : vector<1x32x1024xf32>, vector<1x32x1024xf32>, vector<1x32x1024xf32>, vector<1x32x1024xf32>, vector<1x32x1024xf32>, vector<1x32x1024xf32>, vector<1x32x1024xf32>, vector<1x32x1024xf32> -> vector<8x32x1024xf32>
    %slice3A_1441 = vector.extract_strided_slice %concatenate3A {offsets = [20, 0, 0], sizes = [1, 32, 1024], strides = [1, 1, 1]} : vector<27x32x1024xf32> to vector<1x32x1024xf32>
    %squeeze3A_1442 = vector.shape_cast %slice3A_1441 : vector<1x32x1024xf32> to vector<32x1024xf32>
    %broadcast_in_dim3A_1443 = vector.shape_cast %squeeze3A_1442 : vector<32x1024xf32> to vector<1x32x1024xf32>
    %slice3A_1444 = vector.extract_strided_slice %concatenate3A {offsets = [21, 0, 0], sizes = [1, 32, 1024], strides = [1, 1, 1]} : vector<27x32x1024xf32> to vector<1x32x1024xf32>
    %squeeze3A_1445 = vector.shape_cast %slice3A_1444 : vector<1x32x1024xf32> to vector<32x1024xf32>
    %broadcast_in_dim3A_1446 = vector.shape_cast %squeeze3A_1445 : vector<32x1024xf32> to vector<1x32x1024xf32>
    %slice3A_1447 = vector.extract_strided_slice %concatenate3A {offsets = [22, 0, 0], sizes = [1, 32, 1024], strides = [1, 1, 1]} : vector<27x32x1024xf32> to vector<1x32x1024xf32>
    %squeeze3A_1448 = vector.shape_cast %slice3A_1447 : vector<1x32x1024xf32> to vector<32x1024xf32>
    %broadcast_in_dim3A_1449 = vector.shape_cast %squeeze3A_1448 : vector<32x1024xf32> to vector<1x32x1024xf32>
    %slice3A_1450 = vector.extract_strided_slice %concatenate3A {offsets = [23, 0, 0], sizes = [1, 32, 1024], strides = [1, 1, 1]} : vector<27x32x1024xf32> to vector<1x32x1024xf32>
    %squeeze3A_1451 = vector.shape_cast %slice3A_1450 : vector<1x32x1024xf32> to vector<32x1024xf32>
    %broadcast_in_dim3A_1452 = vector.shape_cast %squeeze3A_1451 : vector<32x1024xf32> to vector<1x32x1024xf32>
    %slice3A_1453 = vector.extract_strided_slice %concatenate3A {offsets = [24, 0, 0], sizes = [1, 32, 1024], strides = [1, 1, 1]} : vector<27x32x1024xf32> to vector<1x32x1024xf32>
    %squeeze3A_1454 = vector.shape_cast %slice3A_1453 : vector<1x32x1024xf32> to vector<32x1024xf32>
    %broadcast_in_dim3A_1455 = vector.shape_cast %squeeze3A_1454 : vector<32x1024xf32> to vector<1x32x1024xf32>
    %slice3A_1456 = vector.extract_strided_slice %concatenate3A {offsets = [25, 0, 0], sizes = [1, 32, 1024], strides = [1, 1, 1]} : vector<27x32x1024xf32> to vector<1x32x1024xf32>
    %squeeze3A_1457 = vector.shape_cast %slice3A_1456 : vector<1x32x1024xf32> to vector<32x1024xf32>
    %broadcast_in_dim3A_1458 = vector.shape_cast %squeeze3A_1457 : vector<32x1024xf32> to vector<1x32x1024xf32>
    %slice3A_1459 = vector.extract_strided_slice %concatenate3A {offsets = [26, 0, 0], sizes = [1, 32, 1024], strides = [1, 1, 1]} : vector<27x32x1024xf32> to vector<1x32x1024xf32>
    %squeeze3A_1460 = vector.shape_cast %slice3A_1459 : vector<1x32x1024xf32> to vector<32x1024xf32>
    %broadcast_in_dim3A_1461 = vector.shape_cast %squeeze3A_1460 : vector<32x1024xf32> to vector<1x32x1024xf32>
    %slice3A_1462 = vector.extract_strided_slice %concatenate3A {offsets = [11, 0, 0], sizes = [1, 32, 1024], strides = [1, 1, 1]} : vector<27x32x1024xf32> to vector<1x32x1024xf32>
    %squeeze3A_1463 = vector.shape_cast %slice3A_1462 : vector<1x32x1024xf32> to vector<32x1024xf32>
    %broadcast_in_dim3A_1464 = vector.shape_cast %squeeze3A_1463 : vector<32x1024xf32> to vector<1x32x1024xf32>
    %concatenate3A_1465 = tpu.concatenate %broadcast_in_dim3A_1443, %broadcast_in_dim3A_1446, %broadcast_in_dim3A_1449, %broadcast_in_dim3A_1452, %broadcast_in_dim3A_1455, %broadcast_in_dim3A_1458, %broadcast_in_dim3A_1461, %broadcast_in_dim3A_1464 in 0 : vector<1x32x1024xf32>, vector<1x32x1024xf32>, vector<1x32x1024xf32>, vector<1x32x1024xf32>, vector<1x32x1024xf32>, vector<1x32x1024xf32>, vector<1x32x1024xf32>, vector<1x32x1024xf32> -> vector<8x32x1024xf32>
    %mul3A_1466 = arith.mulf %concatenate3A_1440, %concatenate3A_1465 : vector<8x32x1024xf32>
    %reduce_sum3A_1467 = arith.constant dense<0.000000e+00> : vector<8x1024xf32>
    %reduce_sum3A_1468 = vector.multi_reduction <add>, %mul3A_1466, %reduce_sum3A_1467 [1] : vector<8x32x1024xf32> to vector<8x1024xf32>
    %slice3A_1469 = vector.extract_strided_slice %concatenate3A {offsets = [10, 0, 0], sizes = [1, 32, 1024], strides = [1, 1, 1]} : vector<27x32x1024xf32> to vector<1x32x1024xf32>
    %squeeze3A_1470 = vector.shape_cast %slice3A_1469 : vector<1x32x1024xf32> to vector<32x1024xf32>
    %broadcast_in_dim3A_1471 = vector.shape_cast %squeeze3A_1470 : vector<32x1024xf32> to vector<1x32x1024xf32>
    %slice3A_1472 = vector.extract_strided_slice %concatenate3A {offsets = [10, 0, 0], sizes = [1, 32, 1024], strides = [1, 1, 1]} : vector<27x32x1024xf32> to vector<1x32x1024xf32>
    %squeeze3A_1473 = vector.shape_cast %slice3A_1472 : vector<1x32x1024xf32> to vector<32x1024xf32>
    %broadcast_in_dim3A_1474 = vector.shape_cast %squeeze3A_1473 : vector<32x1024xf32> to vector<1x32x1024xf32>
    %slice3A_1475 = vector.extract_strided_slice %concatenate3A {offsets = [10, 0, 0], sizes = [1, 32, 1024], strides = [1, 1, 1]} : vector<27x32x1024xf32> to vector<1x32x1024xf32>
    %squeeze3A_1476 = vector.shape_cast %slice3A_1475 : vector<1x32x1024xf32> to vector<32x1024xf32>
    %broadcast_in_dim3A_1477 = vector.shape_cast %squeeze3A_1476 : vector<32x1024xf32> to vector<1x32x1024xf32>
    %slice3A_1478 = vector.extract_strided_slice %concatenate3A {offsets = [10, 0, 0], sizes = [1, 32, 1024], strides = [1, 1, 1]} : vector<27x32x1024xf32> to vector<1x32x1024xf32>
    %squeeze3A_1479 = vector.shape_cast %slice3A_1478 : vector<1x32x1024xf32> to vector<32x1024xf32>
    %broadcast_in_dim3A_1480 = vector.shape_cast %squeeze3A_1479 : vector<32x1024xf32> to vector<1x32x1024xf32>
    %slice3A_1481 = vector.extract_strided_slice %concatenate3A {offsets = [10, 0, 0], sizes = [1, 32, 1024], strides = [1, 1, 1]} : vector<27x32x1024xf32> to vector<1x32x1024xf32>
    %squeeze3A_1482 = vector.shape_cast %slice3A_1481 : vector<1x32x1024xf32> to vector<32x1024xf32>
    %broadcast_in_dim3A_1483 = vector.shape_cast %squeeze3A_1482 : vector<32x1024xf32> to vector<1x32x1024xf32>
    %slice3A_1484 = vector.extract_strided_slice %concatenate3A {offsets = [10, 0, 0], sizes = [1, 32, 1024], strides = [1, 1, 1]} : vector<27x32x1024xf32> to vector<1x32x1024xf32>
    %squeeze3A_1485 = vector.shape_cast %slice3A_1484 : vector<1x32x1024xf32> to vector<32x1024xf32>
    %broadcast_in_dim3A_1486 = vector.shape_cast %squeeze3A_1485 : vector<32x1024xf32> to vector<1x32x1024xf32>
    %slice3A_1487 = vector.extract_strided_slice %concatenate3A {offsets = [10, 0, 0], sizes = [1, 32, 1024], strides = [1, 1, 1]} : vector<27x32x1024xf32> to vector<1x32x1024xf32>
    %squeeze3A_1488 = vector.shape_cast %slice3A_1487 : vector<1x32x1024xf32> to vector<32x1024xf32>
    %broadcast_in_dim3A_1489 = vector.shape_cast %squeeze3A_1488 : vector<32x1024xf32> to vector<1x32x1024xf32>
    %slice3A_1490 = vector.extract_strided_slice %concatenate3A {offsets = [10, 0, 0], sizes = [1, 32, 1024], strides = [1, 1, 1]} : vector<27x32x1024xf32> to vector<1x32x1024xf32>
    %squeeze3A_1491 = vector.shape_cast %slice3A_1490 : vector<1x32x1024xf32> to vector<32x1024xf32>
    %broadcast_in_dim3A_1492 = vector.shape_cast %squeeze3A_1491 : vector<32x1024xf32> to vector<1x32x1024xf32>
    %concatenate3A_1493 = tpu.concatenate %broadcast_in_dim3A_1471, %broadcast_in_dim3A_1474, %broadcast_in_dim3A_1477, %broadcast_in_dim3A_1480, %broadcast_in_dim3A_1483, %broadcast_in_dim3A_1486, %broadcast_in_dim3A_1489, %broadcast_in_dim3A_1492 in 0 : vector<1x32x1024xf32>, vector<1x32x1024xf32>, vector<1x32x1024xf32>, vector<1x32x1024xf32>, vector<1x32x1024xf32>, vector<1x32x1024xf32>, vector<1x32x1024xf32>, vector<1x32x1024xf32> -> vector<8x32x1024xf32>
    %slice3A_1494 = vector.extract_strided_slice %concatenate3A {offsets = [12, 0, 0], sizes = [1, 32, 1024], strides = [1, 1, 1]} : vector<27x32x1024xf32> to vector<1x32x1024xf32>
    %squeeze3A_1495 = vector.shape_cast %slice3A_1494 : vector<1x32x1024xf32> to vector<32x1024xf32>
    %broadcast_in_dim3A_1496 = vector.shape_cast %squeeze3A_1495 : vector<32x1024xf32> to vector<1x32x1024xf32>
    %slice3A_1497 = vector.extract_strided_slice %concatenate3A {offsets = [13, 0, 0], sizes = [1, 32, 1024], strides = [1, 1, 1]} : vector<27x32x1024xf32> to vector<1x32x1024xf32>
    %squeeze3A_1498 = vector.shape_cast %slice3A_1497 : vector<1x32x1024xf32> to vector<32x1024xf32>
    %broadcast_in_dim3A_1499 = vector.shape_cast %squeeze3A_1498 : vector<32x1024xf32> to vector<1x32x1024xf32>
    %slice3A_1500 = vector.extract_strided_slice %concatenate3A {offsets = [14, 0, 0], sizes = [1, 32, 1024], strides = [1, 1, 1]} : vector<27x32x1024xf32> to vector<1x32x1024xf32>
    %squeeze3A_1501 = vector.shape_cast %slice3A_1500 : vector<1x32x1024xf32> to vector<32x1024xf32>
    %broadcast_in_dim3A_1502 = vector.shape_cast %squeeze3A_1501 : vector<32x1024xf32> to vector<1x32x1024xf32>
    %slice3A_1503 = vector.extract_strided_slice %concatenate3A {offsets = [15, 0, 0], sizes = [1, 32, 1024], strides = [1, 1, 1]} : vector<27x32x1024xf32> to vector<1x32x1024xf32>
    %squeeze3A_1504 = vector.shape_cast %slice3A_1503 : vector<1x32x1024xf32> to vector<32x1024xf32>
    %broadcast_in_dim3A_1505 = vector.shape_cast %squeeze3A_1504 : vector<32x1024xf32> to vector<1x32x1024xf32>
    %slice3A_1506 = vector.extract_strided_slice %concatenate3A {offsets = [16, 0, 0], sizes = [1, 32, 1024], strides = [1, 1, 1]} : vector<27x32x1024xf32> to vector<1x32x1024xf32>
    %squeeze3A_1507 = vector.shape_cast %slice3A_1506 : vector<1x32x1024xf32> to vector<32x1024xf32>
    %broadcast_in_dim3A_1508 = vector.shape_cast %squeeze3A_1507 : vector<32x1024xf32> to vector<1x32x1024xf32>
    %slice3A_1509 = vector.extract_strided_slice %concatenate3A {offsets = [17, 0, 0], sizes = [1, 32, 1024], strides = [1, 1, 1]} : vector<27x32x1024xf32> to vector<1x32x1024xf32>
    %squeeze3A_1510 = vector.shape_cast %slice3A_1509 : vector<1x32x1024xf32> to vector<32x1024xf32>
    %broadcast_in_dim3A_1511 = vector.shape_cast %squeeze3A_1510 : vector<32x1024xf32> to vector<1x32x1024xf32>
    %slice3A_1512 = vector.extract_strided_slice %concatenate3A {offsets = [18, 0, 0], sizes = [1, 32, 1024], strides = [1, 1, 1]} : vector<27x32x1024xf32> to vector<1x32x1024xf32>
    %squeeze3A_1513 = vector.shape_cast %slice3A_1512 : vector<1x32x1024xf32> to vector<32x1024xf32>
    %broadcast_in_dim3A_1514 = vector.shape_cast %squeeze3A_1513 : vector<32x1024xf32> to vector<1x32x1024xf32>
    %slice3A_1515 = vector.extract_strided_slice %concatenate3A {offsets = [19, 0, 0], sizes = [1, 32, 1024], strides = [1, 1, 1]} : vector<27x32x1024xf32> to vector<1x32x1024xf32>
    %squeeze3A_1516 = vector.shape_cast %slice3A_1515 : vector<1x32x1024xf32> to vector<32x1024xf32>
    %broadcast_in_dim3A_1517 = vector.shape_cast %squeeze3A_1516 : vector<32x1024xf32> to vector<1x32x1024xf32>
    %concatenate3A_1518 = tpu.concatenate %broadcast_in_dim3A_1496, %broadcast_in_dim3A_1499, %broadcast_in_dim3A_1502, %broadcast_in_dim3A_1505, %broadcast_in_dim3A_1508, %broadcast_in_dim3A_1511, %broadcast_in_dim3A_1514, %broadcast_in_dim3A_1517 in 0 : vector<1x32x1024xf32>, vector<1x32x1024xf32>, vector<1x32x1024xf32>, vector<1x32x1024xf32>, vector<1x32x1024xf32>, vector<1x32x1024xf32>, vector<1x32x1024xf32>, vector<1x32x1024xf32> -> vector<8x32x1024xf32>
    %mul3A_1519 = arith.mulf %concatenate3A_1493, %concatenate3A_1518 : vector<8x32x1024xf32>
    %reduce_sum3A_1520 = arith.constant dense<0.000000e+00> : vector<8x1024xf32>
    %reduce_sum3A_1521 = vector.multi_reduction <add>, %mul3A_1519, %reduce_sum3A_1520 [1] : vector<8x32x1024xf32> to vector<8x1024xf32>
    %slice3A_1522 = vector.extract_strided_slice %concatenate3A {offsets = [10, 0, 0], sizes = [1, 32, 1024], strides = [1, 1, 1]} : vector<27x32x1024xf32> to vector<1x32x1024xf32>
    %squeeze3A_1523 = vector.shape_cast %slice3A_1522 : vector<1x32x1024xf32> to vector<32x1024xf32>
    %broadcast_in_dim3A_1524 = vector.shape_cast %squeeze3A_1523 : vector<32x1024xf32> to vector<1x32x1024xf32>
    %slice3A_1525 = vector.extract_strided_slice %concatenate3A {offsets = [10, 0, 0], sizes = [1, 32, 1024], strides = [1, 1, 1]} : vector<27x32x1024xf32> to vector<1x32x1024xf32>
    %squeeze3A_1526 = vector.shape_cast %slice3A_1525 : vector<1x32x1024xf32> to vector<32x1024xf32>
    %broadcast_in_dim3A_1527 = vector.shape_cast %squeeze3A_1526 : vector<32x1024xf32> to vector<1x32x1024xf32>
    %slice3A_1528 = vector.extract_strided_slice %concatenate3A {offsets = [10, 0, 0], sizes = [1, 32, 1024], strides = [1, 1, 1]} : vector<27x32x1024xf32> to vector<1x32x1024xf32>
    %squeeze3A_1529 = vector.shape_cast %slice3A_1528 : vector<1x32x1024xf32> to vector<32x1024xf32>
    %broadcast_in_dim3A_1530 = vector.shape_cast %squeeze3A_1529 : vector<32x1024xf32> to vector<1x32x1024xf32>
    %slice3A_1531 = vector.extract_strided_slice %concatenate3A {offsets = [10, 0, 0], sizes = [1, 32, 1024], strides = [1, 1, 1]} : vector<27x32x1024xf32> to vector<1x32x1024xf32>
    %squeeze3A_1532 = vector.shape_cast %slice3A_1531 : vector<1x32x1024xf32> to vector<32x1024xf32>
    %broadcast_in_dim3A_1533 = vector.shape_cast %squeeze3A_1532 : vector<32x1024xf32> to vector<1x32x1024xf32>
    %slice3A_1534 = vector.extract_strided_slice %concatenate3A {offsets = [10, 0, 0], sizes = [1, 32, 1024], strides = [1, 1, 1]} : vector<27x32x1024xf32> to vector<1x32x1024xf32>
    %squeeze3A_1535 = vector.shape_cast %slice3A_1534 : vector<1x32x1024xf32> to vector<32x1024xf32>
    %broadcast_in_dim3A_1536 = vector.shape_cast %squeeze3A_1535 : vector<32x1024xf32> to vector<1x32x1024xf32>
    %slice3A_1537 = vector.extract_strided_slice %concatenate3A {offsets = [10, 0, 0], sizes = [1, 32, 1024], strides = [1, 1, 1]} : vector<27x32x1024xf32> to vector<1x32x1024xf32>
    %squeeze3A_1538 = vector.shape_cast %slice3A_1537 : vector<1x32x1024xf32> to vector<32x1024xf32>
    %broadcast_in_dim3A_1539 = vector.shape_cast %squeeze3A_1538 : vector<32x1024xf32> to vector<1x32x1024xf32>
    %slice3A_1540 = vector.extract_strided_slice %concatenate3A {offsets = [10, 0, 0], sizes = [1, 32, 1024], strides = [1, 1, 1]} : vector<27x32x1024xf32> to vector<1x32x1024xf32>
    %squeeze3A_1541 = vector.shape_cast %slice3A_1540 : vector<1x32x1024xf32> to vector<32x1024xf32>
    %broadcast_in_dim3A_1542 = vector.shape_cast %squeeze3A_1541 : vector<32x1024xf32> to vector<1x32x1024xf32>
    %slice3A_1543 = vector.extract_strided_slice %concatenate3A {offsets = [11, 0, 0], sizes = [1, 32, 1024], strides = [1, 1, 1]} : vector<27x32x1024xf32> to vector<1x32x1024xf32>
    %squeeze3A_1544 = vector.shape_cast %slice3A_1543 : vector<1x32x1024xf32> to vector<32x1024xf32>
    %broadcast_in_dim3A_1545 = vector.shape_cast %squeeze3A_1544 : vector<32x1024xf32> to vector<1x32x1024xf32>
    %concatenate3A_1546 = tpu.concatenate %broadcast_in_dim3A_1524, %broadcast_in_dim3A_1527, %broadcast_in_dim3A_1530, %broadcast_in_dim3A_1533, %broadcast_in_dim3A_1536, %broadcast_in_dim3A_1539, %broadcast_in_dim3A_1542, %broadcast_in_dim3A_1545 in 0 : vector<1x32x1024xf32>, vector<1x32x1024xf32>, vector<1x32x1024xf32>, vector<1x32x1024xf32>, vector<1x32x1024xf32>, vector<1x32x1024xf32>, vector<1x32x1024xf32>, vector<1x32x1024xf32> -> vector<8x32x1024xf32>
    %slice3A_1547 = vector.extract_strided_slice %concatenate3A {offsets = [20, 0, 0], sizes = [1, 32, 1024], strides = [1, 1, 1]} : vector<27x32x1024xf32> to vector<1x32x1024xf32>
    %squeeze3A_1548 = vector.shape_cast %slice3A_1547 : vector<1x32x1024xf32> to vector<32x1024xf32>
    %broadcast_in_dim3A_1549 = vector.shape_cast %squeeze3A_1548 : vector<32x1024xf32> to vector<1x32x1024xf32>
    %slice3A_1550 = vector.extract_strided_slice %concatenate3A {offsets = [21, 0, 0], sizes = [1, 32, 1024], strides = [1, 1, 1]} : vector<27x32x1024xf32> to vector<1x32x1024xf32>
    %squeeze3A_1551 = vector.shape_cast %slice3A_1550 : vector<1x32x1024xf32> to vector<32x1024xf32>
    %broadcast_in_dim3A_1552 = vector.shape_cast %squeeze3A_1551 : vector<32x1024xf32> to vector<1x32x1024xf32>
    %slice3A_1553 = vector.extract_strided_slice %concatenate3A {offsets = [22, 0, 0], sizes = [1, 32, 1024], strides = [1, 1, 1]} : vector<27x32x1024xf32> to vector<1x32x1024xf32>
    %squeeze3A_1554 = vector.shape_cast %slice3A_1553 : vector<1x32x1024xf32> to vector<32x1024xf32>
    %broadcast_in_dim3A_1555 = vector.shape_cast %squeeze3A_1554 : vector<32x1024xf32> to vector<1x32x1024xf32>
    %slice3A_1556 = vector.extract_strided_slice %concatenate3A {offsets = [23, 0, 0], sizes = [1, 32, 1024], strides = [1, 1, 1]} : vector<27x32x1024xf32> to vector<1x32x1024xf32>
    %squeeze3A_1557 = vector.shape_cast %slice3A_1556 : vector<1x32x1024xf32> to vector<32x1024xf32>
    %broadcast_in_dim3A_1558 = vector.shape_cast %squeeze3A_1557 : vector<32x1024xf32> to vector<1x32x1024xf32>
    %slice3A_1559 = vector.extract_strided_slice %concatenate3A {offsets = [24, 0, 0], sizes = [1, 32, 1024], strides = [1, 1, 1]} : vector<27x32x1024xf32> to vector<1x32x1024xf32>
    %squeeze3A_1560 = vector.shape_cast %slice3A_1559 : vector<1x32x1024xf32> to vector<32x1024xf32>
    %broadcast_in_dim3A_1561 = vector.shape_cast %squeeze3A_1560 : vector<32x1024xf32> to vector<1x32x1024xf32>
    %slice3A_1562 = vector.extract_strided_slice %concatenate3A {offsets = [25, 0, 0], sizes = [1, 32, 1024], strides = [1, 1, 1]} : vector<27x32x1024xf32> to vector<1x32x1024xf32>
    %squeeze3A_1563 = vector.shape_cast %slice3A_1562 : vector<1x32x1024xf32> to vector<32x1024xf32>
    %broadcast_in_dim3A_1564 = vector.shape_cast %squeeze3A_1563 : vector<32x1024xf32> to vector<1x32x1024xf32>
    %slice3A_1565 = vector.extract_strided_slice %concatenate3A {offsets = [26, 0, 0], sizes = [1, 32, 1024], strides = [1, 1, 1]} : vector<27x32x1024xf32> to vector<1x32x1024xf32>
    %squeeze3A_1566 = vector.shape_cast %slice3A_1565 : vector<1x32x1024xf32> to vector<32x1024xf32>
    %broadcast_in_dim3A_1567 = vector.shape_cast %squeeze3A_1566 : vector<32x1024xf32> to vector<1x32x1024xf32>
    %slice3A_1568 = vector.extract_strided_slice %concatenate3A {offsets = [12, 0, 0], sizes = [1, 32, 1024], strides = [1, 1, 1]} : vector<27x32x1024xf32> to vector<1x32x1024xf32>
    %squeeze3A_1569 = vector.shape_cast %slice3A_1568 : vector<1x32x1024xf32> to vector<32x1024xf32>
    %broadcast_in_dim3A_1570 = vector.shape_cast %squeeze3A_1569 : vector<32x1024xf32> to vector<1x32x1024xf32>
    %concatenate3A_1571 = tpu.concatenate %broadcast_in_dim3A_1549, %broadcast_in_dim3A_1552, %broadcast_in_dim3A_1555, %broadcast_in_dim3A_1558, %broadcast_in_dim3A_1561, %broadcast_in_dim3A_1564, %broadcast_in_dim3A_1567, %broadcast_in_dim3A_1570 in 0 : vector<1x32x1024xf32>, vector<1x32x1024xf32>, vector<1x32x1024xf32>, vector<1x32x1024xf32>, vector<1x32x1024xf32>, vector<1x32x1024xf32>, vector<1x32x1024xf32>, vector<1x32x1024xf32> -> vector<8x32x1024xf32>
    %mul3A_1572 = arith.mulf %concatenate3A_1546, %concatenate3A_1571 : vector<8x32x1024xf32>
    %reduce_sum3A_1573 = arith.constant dense<0.000000e+00> : vector<8x1024xf32>
    %reduce_sum3A_1574 = vector.multi_reduction <add>, %mul3A_1572, %reduce_sum3A_1573 [1] : vector<8x32x1024xf32> to vector<8x1024xf32>
    %slice3A_1575 = vector.extract_strided_slice %concatenate3A {offsets = [11, 0, 0], sizes = [1, 32, 1024], strides = [1, 1, 1]} : vector<27x32x1024xf32> to vector<1x32x1024xf32>
    %squeeze3A_1576 = vector.shape_cast %slice3A_1575 : vector<1x32x1024xf32> to vector<32x1024xf32>
    %broadcast_in_dim3A_1577 = vector.shape_cast %squeeze3A_1576 : vector<32x1024xf32> to vector<1x32x1024xf32>
    %slice3A_1578 = vector.extract_strided_slice %concatenate3A {offsets = [11, 0, 0], sizes = [1, 32, 1024], strides = [1, 1, 1]} : vector<27x32x1024xf32> to vector<1x32x1024xf32>
    %squeeze3A_1579 = vector.shape_cast %slice3A_1578 : vector<1x32x1024xf32> to vector<32x1024xf32>
    %broadcast_in_dim3A_1580 = vector.shape_cast %squeeze3A_1579 : vector<32x1024xf32> to vector<1x32x1024xf32>
    %slice3A_1581 = vector.extract_strided_slice %concatenate3A {offsets = [11, 0, 0], sizes = [1, 32, 1024], strides = [1, 1, 1]} : vector<27x32x1024xf32> to vector<1x32x1024xf32>
    %squeeze3A_1582 = vector.shape_cast %slice3A_1581 : vector<1x32x1024xf32> to vector<32x1024xf32>
    %broadcast_in_dim3A_1583 = vector.shape_cast %squeeze3A_1582 : vector<32x1024xf32> to vector<1x32x1024xf32>
    %slice3A_1584 = vector.extract_strided_slice %concatenate3A {offsets = [11, 0, 0], sizes = [1, 32, 1024], strides = [1, 1, 1]} : vector<27x32x1024xf32> to vector<1x32x1024xf32>
    %squeeze3A_1585 = vector.shape_cast %slice3A_1584 : vector<1x32x1024xf32> to vector<32x1024xf32>
    %broadcast_in_dim3A_1586 = vector.shape_cast %squeeze3A_1585 : vector<32x1024xf32> to vector<1x32x1024xf32>
    %slice3A_1587 = vector.extract_strided_slice %concatenate3A {offsets = [11, 0, 0], sizes = [1, 32, 1024], strides = [1, 1, 1]} : vector<27x32x1024xf32> to vector<1x32x1024xf32>
    %squeeze3A_1588 = vector.shape_cast %slice3A_1587 : vector<1x32x1024xf32> to vector<32x1024xf32>
    %broadcast_in_dim3A_1589 = vector.shape_cast %squeeze3A_1588 : vector<32x1024xf32> to vector<1x32x1024xf32>
    %slice3A_1590 = vector.extract_strided_slice %concatenate3A {offsets = [11, 0, 0], sizes = [1, 32, 1024], strides = [1, 1, 1]} : vector<27x32x1024xf32> to vector<1x32x1024xf32>
    %squeeze3A_1591 = vector.shape_cast %slice3A_1590 : vector<1x32x1024xf32> to vector<32x1024xf32>
    %broadcast_in_dim3A_1592 = vector.shape_cast %squeeze3A_1591 : vector<32x1024xf32> to vector<1x32x1024xf32>
    %slice3A_1593 = vector.extract_strided_slice %concatenate3A {offsets = [11, 0, 0], sizes = [1, 32, 1024], strides = [1, 1, 1]} : vector<27x32x1024xf32> to vector<1x32x1024xf32>
    %squeeze3A_1594 = vector.shape_cast %slice3A_1593 : vector<1x32x1024xf32> to vector<32x1024xf32>
    %broadcast_in_dim3A_1595 = vector.shape_cast %squeeze3A_1594 : vector<32x1024xf32> to vector<1x32x1024xf32>
    %slice3A_1596 = vector.extract_strided_slice %concatenate3A {offsets = [11, 0, 0], sizes = [1, 32, 1024], strides = [1, 1, 1]} : vector<27x32x1024xf32> to vector<1x32x1024xf32>
    %squeeze3A_1597 = vector.shape_cast %slice3A_1596 : vector<1x32x1024xf32> to vector<32x1024xf32>
    %broadcast_in_dim3A_1598 = vector.shape_cast %squeeze3A_1597 : vector<32x1024xf32> to vector<1x32x1024xf32>
    %concatenate3A_1599 = tpu.concatenate %broadcast_in_dim3A_1577, %broadcast_in_dim3A_1580, %broadcast_in_dim3A_1583, %broadcast_in_dim3A_1586, %broadcast_in_dim3A_1589, %broadcast_in_dim3A_1592, %broadcast_in_dim3A_1595, %broadcast_in_dim3A_1598 in 0 : vector<1x32x1024xf32>, vector<1x32x1024xf32>, vector<1x32x1024xf32>, vector<1x32x1024xf32>, vector<1x32x1024xf32>, vector<1x32x1024xf32>, vector<1x32x1024xf32>, vector<1x32x1024xf32> -> vector<8x32x1024xf32>
    %slice3A_1600 = vector.extract_strided_slice %concatenate3A {offsets = [13, 0, 0], sizes = [1, 32, 1024], strides = [1, 1, 1]} : vector<27x32x1024xf32> to vector<1x32x1024xf32>
    %squeeze3A_1601 = vector.shape_cast %slice3A_1600 : vector<1x32x1024xf32> to vector<32x1024xf32>
    %broadcast_in_dim3A_1602 = vector.shape_cast %squeeze3A_1601 : vector<32x1024xf32> to vector<1x32x1024xf32>
    %slice3A_1603 = vector.extract_strided_slice %concatenate3A {offsets = [14, 0, 0], sizes = [1, 32, 1024], strides = [1, 1, 1]} : vector<27x32x1024xf32> to vector<1x32x1024xf32>
    %squeeze3A_1604 = vector.shape_cast %slice3A_1603 : vector<1x32x1024xf32> to vector<32x1024xf32>
    %broadcast_in_dim3A_1605 = vector.shape_cast %squeeze3A_1604 : vector<32x1024xf32> to vector<1x32x1024xf32>
    %slice3A_1606 = vector.extract_strided_slice %concatenate3A {offsets = [15, 0, 0], sizes = [1, 32, 1024], strides = [1, 1, 1]} : vector<27x32x1024xf32> to vector<1x32x1024xf32>
    %squeeze3A_1607 = vector.shape_cast %slice3A_1606 : vector<1x32x1024xf32> to vector<32x1024xf32>
    %broadcast_in_dim3A_1608 = vector.shape_cast %squeeze3A_1607 : vector<32x1024xf32> to vector<1x32x1024xf32>
    %slice3A_1609 = vector.extract_strided_slice %concatenate3A {offsets = [16, 0, 0], sizes = [1, 32, 1024], strides = [1, 1, 1]} : vector<27x32x1024xf32> to vector<1x32x1024xf32>
    %squeeze3A_1610 = vector.shape_cast %slice3A_1609 : vector<1x32x1024xf32> to vector<32x1024xf32>
    %broadcast_in_dim3A_1611 = vector.shape_cast %squeeze3A_1610 : vector<32x1024xf32> to vector<1x32x1024xf32>
    %slice3A_1612 = vector.extract_strided_slice %concatenate3A {offsets = [17, 0, 0], sizes = [1, 32, 1024], strides = [1, 1, 1]} : vector<27x32x1024xf32> to vector<1x32x1024xf32>
    %squeeze3A_1613 = vector.shape_cast %slice3A_1612 : vector<1x32x1024xf32> to vector<32x1024xf32>
    %broadcast_in_dim3A_1614 = vector.shape_cast %squeeze3A_1613 : vector<32x1024xf32> to vector<1x32x1024xf32>
    %slice3A_1615 = vector.extract_strided_slice %concatenate3A {offsets = [18, 0, 0], sizes = [1, 32, 1024], strides = [1, 1, 1]} : vector<27x32x1024xf32> to vector<1x32x1024xf32>
    %squeeze3A_1616 = vector.shape_cast %slice3A_1615 : vector<1x32x1024xf32> to vector<32x1024xf32>
    %broadcast_in_dim3A_1617 = vector.shape_cast %squeeze3A_1616 : vector<32x1024xf32> to vector<1x32x1024xf32>
    %slice3A_1618 = vector.extract_strided_slice %concatenate3A {offsets = [19, 0, 0], sizes = [1, 32, 1024], strides = [1, 1, 1]} : vector<27x32x1024xf32> to vector<1x32x1024xf32>
    %squeeze3A_1619 = vector.shape_cast %slice3A_1618 : vector<1x32x1024xf32> to vector<32x1024xf32>
    %broadcast_in_dim3A_1620 = vector.shape_cast %squeeze3A_1619 : vector<32x1024xf32> to vector<1x32x1024xf32>
    %slice3A_1621 = vector.extract_strided_slice %concatenate3A {offsets = [20, 0, 0], sizes = [1, 32, 1024], strides = [1, 1, 1]} : vector<27x32x1024xf32> to vector<1x32x1024xf32>
    %squeeze3A_1622 = vector.shape_cast %slice3A_1621 : vector<1x32x1024xf32> to vector<32x1024xf32>
    %broadcast_in_dim3A_1623 = vector.shape_cast %squeeze3A_1622 : vector<32x1024xf32> to vector<1x32x1024xf32>
    %concatenate3A_1624 = tpu.concatenate %broadcast_in_dim3A_1602, %broadcast_in_dim3A_1605, %broadcast_in_dim3A_1608, %broadcast_in_dim3A_1611, %broadcast_in_dim3A_1614, %broadcast_in_dim3A_1617, %broadcast_in_dim3A_1620, %broadcast_in_dim3A_1623 in 0 : vector<1x32x1024xf32>, vector<1x32x1024xf32>, vector<1x32x1024xf32>, vector<1x32x1024xf32>, vector<1x32x1024xf32>, vector<1x32x1024xf32>, vector<1x32x1024xf32>, vector<1x32x1024xf32> -> vector<8x32x1024xf32>
    %mul3A_1625 = arith.mulf %concatenate3A_1599, %concatenate3A_1624 : vector<8x32x1024xf32>
    %reduce_sum3A_1626 = arith.constant dense<0.000000e+00> : vector<8x1024xf32>
    %reduce_sum3A_1627 = vector.multi_reduction <add>, %mul3A_1625, %reduce_sum3A_1626 [1] : vector<8x32x1024xf32> to vector<8x1024xf32>
    %slice3A_1628 = vector.extract_strided_slice %concatenate3A {offsets = [11, 0, 0], sizes = [1, 32, 1024], strides = [1, 1, 1]} : vector<27x32x1024xf32> to vector<1x32x1024xf32>
    %squeeze3A_1629 = vector.shape_cast %slice3A_1628 : vector<1x32x1024xf32> to vector<32x1024xf32>
    %broadcast_in_dim3A_1630 = vector.shape_cast %squeeze3A_1629 : vector<32x1024xf32> to vector<1x32x1024xf32>
    %slice3A_1631 = vector.extract_strided_slice %concatenate3A {offsets = [11, 0, 0], sizes = [1, 32, 1024], strides = [1, 1, 1]} : vector<27x32x1024xf32> to vector<1x32x1024xf32>
    %squeeze3A_1632 = vector.shape_cast %slice3A_1631 : vector<1x32x1024xf32> to vector<32x1024xf32>
    %broadcast_in_dim3A_1633 = vector.shape_cast %squeeze3A_1632 : vector<32x1024xf32> to vector<1x32x1024xf32>
    %slice3A_1634 = vector.extract_strided_slice %concatenate3A {offsets = [11, 0, 0], sizes = [1, 32, 1024], strides = [1, 1, 1]} : vector<27x32x1024xf32> to vector<1x32x1024xf32>
    %squeeze3A_1635 = vector.shape_cast %slice3A_1634 : vector<1x32x1024xf32> to vector<32x1024xf32>
    %broadcast_in_dim3A_1636 = vector.shape_cast %squeeze3A_1635 : vector<32x1024xf32> to vector<1x32x1024xf32>
    %slice3A_1637 = vector.extract_strided_slice %concatenate3A {offsets = [11, 0, 0], sizes = [1, 32, 1024], strides = [1, 1, 1]} : vector<27x32x1024xf32> to vector<1x32x1024xf32>
    %squeeze3A_1638 = vector.shape_cast %slice3A_1637 : vector<1x32x1024xf32> to vector<32x1024xf32>
    %broadcast_in_dim3A_1639 = vector.shape_cast %squeeze3A_1638 : vector<32x1024xf32> to vector<1x32x1024xf32>
    %slice3A_1640 = vector.extract_strided_slice %concatenate3A {offsets = [11, 0, 0], sizes = [1, 32, 1024], strides = [1, 1, 1]} : vector<27x32x1024xf32> to vector<1x32x1024xf32>
    %squeeze3A_1641 = vector.shape_cast %slice3A_1640 : vector<1x32x1024xf32> to vector<32x1024xf32>
    %broadcast_in_dim3A_1642 = vector.shape_cast %squeeze3A_1641 : vector<32x1024xf32> to vector<1x32x1024xf32>
    %slice3A_1643 = vector.extract_strided_slice %concatenate3A {offsets = [11, 0, 0], sizes = [1, 32, 1024], strides = [1, 1, 1]} : vector<27x32x1024xf32> to vector<1x32x1024xf32>
    %squeeze3A_1644 = vector.shape_cast %slice3A_1643 : vector<1x32x1024xf32> to vector<32x1024xf32>
    %broadcast_in_dim3A_1645 = vector.shape_cast %squeeze3A_1644 : vector<32x1024xf32> to vector<1x32x1024xf32>
    %slice3A_1646 = vector.extract_strided_slice %concatenate3A {offsets = [12, 0, 0], sizes = [1, 32, 1024], strides = [1, 1, 1]} : vector<27x32x1024xf32> to vector<1x32x1024xf32>
    %squeeze3A_1647 = vector.shape_cast %slice3A_1646 : vector<1x32x1024xf32> to vector<32x1024xf32>
    %broadcast_in_dim3A_1648 = vector.shape_cast %squeeze3A_1647 : vector<32x1024xf32> to vector<1x32x1024xf32>
    %slice3A_1649 = vector.extract_strided_slice %concatenate3A {offsets = [12, 0, 0], sizes = [1, 32, 1024], strides = [1, 1, 1]} : vector<27x32x1024xf32> to vector<1x32x1024xf32>
    %squeeze3A_1650 = vector.shape_cast %slice3A_1649 : vector<1x32x1024xf32> to vector<32x1024xf32>
    %broadcast_in_dim3A_1651 = vector.shape_cast %squeeze3A_1650 : vector<32x1024xf32> to vector<1x32x1024xf32>
    %concatenate3A_1652 = tpu.concatenate %broadcast_in_dim3A_1630, %broadcast_in_dim3A_1633, %broadcast_in_dim3A_1636, %broadcast_in_dim3A_1639, %broadcast_in_dim3A_1642, %broadcast_in_dim3A_1645, %broadcast_in_dim3A_1648, %broadcast_in_dim3A_1651 in 0 : vector<1x32x1024xf32>, vector<1x32x1024xf32>, vector<1x32x1024xf32>, vector<1x32x1024xf32>, vector<1x32x1024xf32>, vector<1x32x1024xf32>, vector<1x32x1024xf32>, vector<1x32x1024xf32> -> vector<8x32x1024xf32>
    %slice3A_1653 = vector.extract_strided_slice %concatenate3A {offsets = [21, 0, 0], sizes = [1, 32, 1024], strides = [1, 1, 1]} : vector<27x32x1024xf32> to vector<1x32x1024xf32>
    %squeeze3A_1654 = vector.shape_cast %slice3A_1653 : vector<1x32x1024xf32> to vector<32x1024xf32>
    %broadcast_in_dim3A_1655 = vector.shape_cast %squeeze3A_1654 : vector<32x1024xf32> to vector<1x32x1024xf32>
    %slice3A_1656 = vector.extract_strided_slice %concatenate3A {offsets = [22, 0, 0], sizes = [1, 32, 1024], strides = [1, 1, 1]} : vector<27x32x1024xf32> to vector<1x32x1024xf32>
    %squeeze3A_1657 = vector.shape_cast %slice3A_1656 : vector<1x32x1024xf32> to vector<32x1024xf32>
    %broadcast_in_dim3A_1658 = vector.shape_cast %squeeze3A_1657 : vector<32x1024xf32> to vector<1x32x1024xf32>
    %slice3A_1659 = vector.extract_strided_slice %concatenate3A {offsets = [23, 0, 0], sizes = [1, 32, 1024], strides = [1, 1, 1]} : vector<27x32x1024xf32> to vector<1x32x1024xf32>
    %squeeze3A_1660 = vector.shape_cast %slice3A_1659 : vector<1x32x1024xf32> to vector<32x1024xf32>
    %broadcast_in_dim3A_1661 = vector.shape_cast %squeeze3A_1660 : vector<32x1024xf32> to vector<1x32x1024xf32>
    %slice3A_1662 = vector.extract_strided_slice %concatenate3A {offsets = [24, 0, 0], sizes = [1, 32, 1024], strides = [1, 1, 1]} : vector<27x32x1024xf32> to vector<1x32x1024xf32>
    %squeeze3A_1663 = vector.shape_cast %slice3A_1662 : vector<1x32x1024xf32> to vector<32x1024xf32>
    %broadcast_in_dim3A_1664 = vector.shape_cast %squeeze3A_1663 : vector<32x1024xf32> to vector<1x32x1024xf32>
    %slice3A_1665 = vector.extract_strided_slice %concatenate3A {offsets = [25, 0, 0], sizes = [1, 32, 1024], strides = [1, 1, 1]} : vector<27x32x1024xf32> to vector<1x32x1024xf32>
    %squeeze3A_1666 = vector.shape_cast %slice3A_1665 : vector<1x32x1024xf32> to vector<32x1024xf32>
    %broadcast_in_dim3A_1667 = vector.shape_cast %squeeze3A_1666 : vector<32x1024xf32> to vector<1x32x1024xf32>
    %slice3A_1668 = vector.extract_strided_slice %concatenate3A {offsets = [26, 0, 0], sizes = [1, 32, 1024], strides = [1, 1, 1]} : vector<27x32x1024xf32> to vector<1x32x1024xf32>
    %squeeze3A_1669 = vector.shape_cast %slice3A_1668 : vector<1x32x1024xf32> to vector<32x1024xf32>
    %broadcast_in_dim3A_1670 = vector.shape_cast %squeeze3A_1669 : vector<32x1024xf32> to vector<1x32x1024xf32>
    %slice3A_1671 = vector.extract_strided_slice %concatenate3A {offsets = [13, 0, 0], sizes = [1, 32, 1024], strides = [1, 1, 1]} : vector<27x32x1024xf32> to vector<1x32x1024xf32>
    %squeeze3A_1672 = vector.shape_cast %slice3A_1671 : vector<1x32x1024xf32> to vector<32x1024xf32>
    %broadcast_in_dim3A_1673 = vector.shape_cast %squeeze3A_1672 : vector<32x1024xf32> to vector<1x32x1024xf32>
    %slice3A_1674 = vector.extract_strided_slice %concatenate3A {offsets = [14, 0, 0], sizes = [1, 32, 1024], strides = [1, 1, 1]} : vector<27x32x1024xf32> to vector<1x32x1024xf32>
    %squeeze3A_1675 = vector.shape_cast %slice3A_1674 : vector<1x32x1024xf32> to vector<32x1024xf32>
    %broadcast_in_dim3A_1676 = vector.shape_cast %squeeze3A_1675 : vector<32x1024xf32> to vector<1x32x1024xf32>
    %concatenate3A_1677 = tpu.concatenate %broadcast_in_dim3A_1655, %broadcast_in_dim3A_1658, %broadcast_in_dim3A_1661, %broadcast_in_dim3A_1664, %broadcast_in_dim3A_1667, %broadcast_in_dim3A_1670, %broadcast_in_dim3A_1673, %broadcast_in_dim3A_1676 in 0 : vector<1x32x1024xf32>, vector<1x32x1024xf32>, vector<1x32x1024xf32>, vector<1x32x1024xf32>, vector<1x32x1024xf32>, vector<1x32x1024xf32>, vector<1x32x1024xf32>, vector<1x32x1024xf32> -> vector<8x32x1024xf32>
    %mul3A_1678 = arith.mulf %concatenate3A_1652, %concatenate3A_1677 : vector<8x32x1024xf32>
    %reduce_sum3A_1679 = arith.constant dense<0.000000e+00> : vector<8x1024xf32>
    %reduce_sum3A_1680 = vector.multi_reduction <add>, %mul3A_1678, %reduce_sum3A_1679 [1] : vector<8x32x1024xf32> to vector<8x1024xf32>
    %slice3A_1681 = vector.extract_strided_slice %concatenate3A {offsets = [12, 0, 0], sizes = [1, 32, 1024], strides = [1, 1, 1]} : vector<27x32x1024xf32> to vector<1x32x1024xf32>
    %squeeze3A_1682 = vector.shape_cast %slice3A_1681 : vector<1x32x1024xf32> to vector<32x1024xf32>
    %broadcast_in_dim3A_1683 = vector.shape_cast %squeeze3A_1682 : vector<32x1024xf32> to vector<1x32x1024xf32>
    %slice3A_1684 = vector.extract_strided_slice %concatenate3A {offsets = [12, 0, 0], sizes = [1, 32, 1024], strides = [1, 1, 1]} : vector<27x32x1024xf32> to vector<1x32x1024xf32>
    %squeeze3A_1685 = vector.shape_cast %slice3A_1684 : vector<1x32x1024xf32> to vector<32x1024xf32>
    %broadcast_in_dim3A_1686 = vector.shape_cast %squeeze3A_1685 : vector<32x1024xf32> to vector<1x32x1024xf32>
    %slice3A_1687 = vector.extract_strided_slice %concatenate3A {offsets = [12, 0, 0], sizes = [1, 32, 1024], strides = [1, 1, 1]} : vector<27x32x1024xf32> to vector<1x32x1024xf32>
    %squeeze3A_1688 = vector.shape_cast %slice3A_1687 : vector<1x32x1024xf32> to vector<32x1024xf32>
    %broadcast_in_dim3A_1689 = vector.shape_cast %squeeze3A_1688 : vector<32x1024xf32> to vector<1x32x1024xf32>
    %slice3A_1690 = vector.extract_strided_slice %concatenate3A {offsets = [12, 0, 0], sizes = [1, 32, 1024], strides = [1, 1, 1]} : vector<27x32x1024xf32> to vector<1x32x1024xf32>
    %squeeze3A_1691 = vector.shape_cast %slice3A_1690 : vector<1x32x1024xf32> to vector<32x1024xf32>
    %broadcast_in_dim3A_1692 = vector.shape_cast %squeeze3A_1691 : vector<32x1024xf32> to vector<1x32x1024xf32>
    %slice3A_1693 = vector.extract_strided_slice %concatenate3A {offsets = [12, 0, 0], sizes = [1, 32, 1024], strides = [1, 1, 1]} : vector<27x32x1024xf32> to vector<1x32x1024xf32>
    %squeeze3A_1694 = vector.shape_cast %slice3A_1693 : vector<1x32x1024xf32> to vector<32x1024xf32>
    %broadcast_in_dim3A_1695 = vector.shape_cast %squeeze3A_1694 : vector<32x1024xf32> to vector<1x32x1024xf32>
    %slice3A_1696 = vector.extract_strided_slice %concatenate3A {offsets = [12, 0, 0], sizes = [1, 32, 1024], strides = [1, 1, 1]} : vector<27x32x1024xf32> to vector<1x32x1024xf32>
    %squeeze3A_1697 = vector.shape_cast %slice3A_1696 : vector<1x32x1024xf32> to vector<32x1024xf32>
    %broadcast_in_dim3A_1698 = vector.shape_cast %squeeze3A_1697 : vector<32x1024xf32> to vector<1x32x1024xf32>
    %slice3A_1699 = vector.extract_strided_slice %concatenate3A {offsets = [12, 0, 0], sizes = [1, 32, 1024], strides = [1, 1, 1]} : vector<27x32x1024xf32> to vector<1x32x1024xf32>
    %squeeze3A_1700 = vector.shape_cast %slice3A_1699 : vector<1x32x1024xf32> to vector<32x1024xf32>
    %broadcast_in_dim3A_1701 = vector.shape_cast %squeeze3A_1700 : vector<32x1024xf32> to vector<1x32x1024xf32>
    %slice3A_1702 = vector.extract_strided_slice %concatenate3A {offsets = [12, 0, 0], sizes = [1, 32, 1024], strides = [1, 1, 1]} : vector<27x32x1024xf32> to vector<1x32x1024xf32>
    %squeeze3A_1703 = vector.shape_cast %slice3A_1702 : vector<1x32x1024xf32> to vector<32x1024xf32>
    %broadcast_in_dim3A_1704 = vector.shape_cast %squeeze3A_1703 : vector<32x1024xf32> to vector<1x32x1024xf32>
    %concatenate3A_1705 = tpu.concatenate %broadcast_in_dim3A_1683, %broadcast_in_dim3A_1686, %broadcast_in_dim3A_1689, %broadcast_in_dim3A_1692, %broadcast_in_dim3A_1695, %broadcast_in_dim3A_1698, %broadcast_in_dim3A_1701, %broadcast_in_dim3A_1704 in 0 : vector<1x32x1024xf32>, vector<1x32x1024xf32>, vector<1x32x1024xf32>, vector<1x32x1024xf32>, vector<1x32x1024xf32>, vector<1x32x1024xf32>, vector<1x32x1024xf32>, vector<1x32x1024xf32> -> vector<8x32x1024xf32>
    %slice3A_1706 = vector.extract_strided_slice %concatenate3A {offsets = [15, 0, 0], sizes = [1, 32, 1024], strides = [1, 1, 1]} : vector<27x32x1024xf32> to vector<1x32x1024xf32>
    %squeeze3A_1707 = vector.shape_cast %slice3A_1706 : vector<1x32x1024xf32> to vector<32x1024xf32>
    %broadcast_in_dim3A_1708 = vector.shape_cast %squeeze3A_1707 : vector<32x1024xf32> to vector<1x32x1024xf32>
    %slice3A_1709 = vector.extract_strided_slice %concatenate3A {offsets = [16, 0, 0], sizes = [1, 32, 1024], strides = [1, 1, 1]} : vector<27x32x1024xf32> to vector<1x32x1024xf32>
    %squeeze3A_1710 = vector.shape_cast %slice3A_1709 : vector<1x32x1024xf32> to vector<32x1024xf32>
    %broadcast_in_dim3A_1711 = vector.shape_cast %squeeze3A_1710 : vector<32x1024xf32> to vector<1x32x1024xf32>
    %slice3A_1712 = vector.extract_strided_slice %concatenate3A {offsets = [17, 0, 0], sizes = [1, 32, 1024], strides = [1, 1, 1]} : vector<27x32x1024xf32> to vector<1x32x1024xf32>
    %squeeze3A_1713 = vector.shape_cast %slice3A_1712 : vector<1x32x1024xf32> to vector<32x1024xf32>
    %broadcast_in_dim3A_1714 = vector.shape_cast %squeeze3A_1713 : vector<32x1024xf32> to vector<1x32x1024xf32>
    %slice3A_1715 = vector.extract_strided_slice %concatenate3A {offsets = [18, 0, 0], sizes = [1, 32, 1024], strides = [1, 1, 1]} : vector<27x32x1024xf32> to vector<1x32x1024xf32>
    %squeeze3A_1716 = vector.shape_cast %slice3A_1715 : vector<1x32x1024xf32> to vector<32x1024xf32>
    %broadcast_in_dim3A_1717 = vector.shape_cast %squeeze3A_1716 : vector<32x1024xf32> to vector<1x32x1024xf32>
    %slice3A_1718 = vector.extract_strided_slice %concatenate3A {offsets = [19, 0, 0], sizes = [1, 32, 1024], strides = [1, 1, 1]} : vector<27x32x1024xf32> to vector<1x32x1024xf32>
    %squeeze3A_1719 = vector.shape_cast %slice3A_1718 : vector<1x32x1024xf32> to vector<32x1024xf32>
    %broadcast_in_dim3A_1720 = vector.shape_cast %squeeze3A_1719 : vector<32x1024xf32> to vector<1x32x1024xf32>
    %slice3A_1721 = vector.extract_strided_slice %concatenate3A {offsets = [20, 0, 0], sizes = [1, 32, 1024], strides = [1, 1, 1]} : vector<27x32x1024xf32> to vector<1x32x1024xf32>
    %squeeze3A_1722 = vector.shape_cast %slice3A_1721 : vector<1x32x1024xf32> to vector<32x1024xf32>
    %broadcast_in_dim3A_1723 = vector.shape_cast %squeeze3A_1722 : vector<32x1024xf32> to vector<1x32x1024xf32>
    %slice3A_1724 = vector.extract_strided_slice %concatenate3A {offsets = [21, 0, 0], sizes = [1, 32, 1024], strides = [1, 1, 1]} : vector<27x32x1024xf32> to vector<1x32x1024xf32>
    %squeeze3A_1725 = vector.shape_cast %slice3A_1724 : vector<1x32x1024xf32> to vector<32x1024xf32>
    %broadcast_in_dim3A_1726 = vector.shape_cast %squeeze3A_1725 : vector<32x1024xf32> to vector<1x32x1024xf32>
    %slice3A_1727 = vector.extract_strided_slice %concatenate3A {offsets = [22, 0, 0], sizes = [1, 32, 1024], strides = [1, 1, 1]} : vector<27x32x1024xf32> to vector<1x32x1024xf32>
    %squeeze3A_1728 = vector.shape_cast %slice3A_1727 : vector<1x32x1024xf32> to vector<32x1024xf32>
    %broadcast_in_dim3A_1729 = vector.shape_cast %squeeze3A_1728 : vector<32x1024xf32> to vector<1x32x1024xf32>
    %concatenate3A_1730 = tpu.concatenate %broadcast_in_dim3A_1708, %broadcast_in_dim3A_1711, %broadcast_in_dim3A_1714, %broadcast_in_dim3A_1717, %broadcast_in_dim3A_1720, %broadcast_in_dim3A_1723, %broadcast_in_dim3A_1726, %broadcast_in_dim3A_1729 in 0 : vector<1x32x1024xf32>, vector<1x32x1024xf32>, vector<1x32x1024xf32>, vector<1x32x1024xf32>, vector<1x32x1024xf32>, vector<1x32x1024xf32>, vector<1x32x1024xf32>, vector<1x32x1024xf32> -> vector<8x32x1024xf32>
    %mul3A_1731 = arith.mulf %concatenate3A_1705, %concatenate3A_1730 : vector<8x32x1024xf32>
    %reduce_sum3A_1732 = arith.constant dense<0.000000e+00> : vector<8x1024xf32>
    %reduce_sum3A_1733 = vector.multi_reduction <add>, %mul3A_1731, %reduce_sum3A_1732 [1] : vector<8x32x1024xf32> to vector<8x1024xf32>
    %slice3A_1734 = vector.extract_strided_slice %concatenate3A {offsets = [12, 0, 0], sizes = [1, 32, 1024], strides = [1, 1, 1]} : vector<27x32x1024xf32> to vector<1x32x1024xf32>
    %squeeze3A_1735 = vector.shape_cast %slice3A_1734 : vector<1x32x1024xf32> to vector<32x1024xf32>
    %broadcast_in_dim3A_1736 = vector.shape_cast %squeeze3A_1735 : vector<32x1024xf32> to vector<1x32x1024xf32>
    %slice3A_1737 = vector.extract_strided_slice %concatenate3A {offsets = [12, 0, 0], sizes = [1, 32, 1024], strides = [1, 1, 1]} : vector<27x32x1024xf32> to vector<1x32x1024xf32>
    %squeeze3A_1738 = vector.shape_cast %slice3A_1737 : vector<1x32x1024xf32> to vector<32x1024xf32>
    %broadcast_in_dim3A_1739 = vector.shape_cast %squeeze3A_1738 : vector<32x1024xf32> to vector<1x32x1024xf32>
    %slice3A_1740 = vector.extract_strided_slice %concatenate3A {offsets = [12, 0, 0], sizes = [1, 32, 1024], strides = [1, 1, 1]} : vector<27x32x1024xf32> to vector<1x32x1024xf32>
    %squeeze3A_1741 = vector.shape_cast %slice3A_1740 : vector<1x32x1024xf32> to vector<32x1024xf32>
    %broadcast_in_dim3A_1742 = vector.shape_cast %squeeze3A_1741 : vector<32x1024xf32> to vector<1x32x1024xf32>
    %slice3A_1743 = vector.extract_strided_slice %concatenate3A {offsets = [12, 0, 0], sizes = [1, 32, 1024], strides = [1, 1, 1]} : vector<27x32x1024xf32> to vector<1x32x1024xf32>
    %squeeze3A_1744 = vector.shape_cast %slice3A_1743 : vector<1x32x1024xf32> to vector<32x1024xf32>
    %broadcast_in_dim3A_1745 = vector.shape_cast %squeeze3A_1744 : vector<32x1024xf32> to vector<1x32x1024xf32>
    %slice3A_1746 = vector.extract_strided_slice %concatenate3A {offsets = [13, 0, 0], sizes = [1, 32, 1024], strides = [1, 1, 1]} : vector<27x32x1024xf32> to vector<1x32x1024xf32>
    %squeeze3A_1747 = vector.shape_cast %slice3A_1746 : vector<1x32x1024xf32> to vector<32x1024xf32>
    %broadcast_in_dim3A_1748 = vector.shape_cast %squeeze3A_1747 : vector<32x1024xf32> to vector<1x32x1024xf32>
    %slice3A_1749 = vector.extract_strided_slice %concatenate3A {offsets = [13, 0, 0], sizes = [1, 32, 1024], strides = [1, 1, 1]} : vector<27x32x1024xf32> to vector<1x32x1024xf32>
    %squeeze3A_1750 = vector.shape_cast %slice3A_1749 : vector<1x32x1024xf32> to vector<32x1024xf32>
    %broadcast_in_dim3A_1751 = vector.shape_cast %squeeze3A_1750 : vector<32x1024xf32> to vector<1x32x1024xf32>
    %slice3A_1752 = vector.extract_strided_slice %concatenate3A {offsets = [13, 0, 0], sizes = [1, 32, 1024], strides = [1, 1, 1]} : vector<27x32x1024xf32> to vector<1x32x1024xf32>
    %squeeze3A_1753 = vector.shape_cast %slice3A_1752 : vector<1x32x1024xf32> to vector<32x1024xf32>
    %broadcast_in_dim3A_1754 = vector.shape_cast %squeeze3A_1753 : vector<32x1024xf32> to vector<1x32x1024xf32>
    %slice3A_1755 = vector.extract_strided_slice %concatenate3A {offsets = [13, 0, 0], sizes = [1, 32, 1024], strides = [1, 1, 1]} : vector<27x32x1024xf32> to vector<1x32x1024xf32>
    %squeeze3A_1756 = vector.shape_cast %slice3A_1755 : vector<1x32x1024xf32> to vector<32x1024xf32>
    %broadcast_in_dim3A_1757 = vector.shape_cast %squeeze3A_1756 : vector<32x1024xf32> to vector<1x32x1024xf32>
    %concatenate3A_1758 = tpu.concatenate %broadcast_in_dim3A_1736, %broadcast_in_dim3A_1739, %broadcast_in_dim3A_1742, %broadcast_in_dim3A_1745, %broadcast_in_dim3A_1748, %broadcast_in_dim3A_1751, %broadcast_in_dim3A_1754, %broadcast_in_dim3A_1757 in 0 : vector<1x32x1024xf32>, vector<1x32x1024xf32>, vector<1x32x1024xf32>, vector<1x32x1024xf32>, vector<1x32x1024xf32>, vector<1x32x1024xf32>, vector<1x32x1024xf32>, vector<1x32x1024xf32> -> vector<8x32x1024xf32>
    %slice3A_1759 = vector.extract_strided_slice %concatenate3A {offsets = [23, 0, 0], sizes = [1, 32, 1024], strides = [1, 1, 1]} : vector<27x32x1024xf32> to vector<1x32x1024xf32>
    %squeeze3A_1760 = vector.shape_cast %slice3A_1759 : vector<1x32x1024xf32> to vector<32x1024xf32>
    %broadcast_in_dim3A_1761 = vector.shape_cast %squeeze3A_1760 : vector<32x1024xf32> to vector<1x32x1024xf32>
    %slice3A_1762 = vector.extract_strided_slice %concatenate3A {offsets = [24, 0, 0], sizes = [1, 32, 1024], strides = [1, 1, 1]} : vector<27x32x1024xf32> to vector<1x32x1024xf32>
    %squeeze3A_1763 = vector.shape_cast %slice3A_1762 : vector<1x32x1024xf32> to vector<32x1024xf32>
    %broadcast_in_dim3A_1764 = vector.shape_cast %squeeze3A_1763 : vector<32x1024xf32> to vector<1x32x1024xf32>
    %slice3A_1765 = vector.extract_strided_slice %concatenate3A {offsets = [25, 0, 0], sizes = [1, 32, 1024], strides = [1, 1, 1]} : vector<27x32x1024xf32> to vector<1x32x1024xf32>
    %squeeze3A_1766 = vector.shape_cast %slice3A_1765 : vector<1x32x1024xf32> to vector<32x1024xf32>
    %broadcast_in_dim3A_1767 = vector.shape_cast %squeeze3A_1766 : vector<32x1024xf32> to vector<1x32x1024xf32>
    %slice3A_1768 = vector.extract_strided_slice %concatenate3A {offsets = [26, 0, 0], sizes = [1, 32, 1024], strides = [1, 1, 1]} : vector<27x32x1024xf32> to vector<1x32x1024xf32>
    %squeeze3A_1769 = vector.shape_cast %slice3A_1768 : vector<1x32x1024xf32> to vector<32x1024xf32>
    %broadcast_in_dim3A_1770 = vector.shape_cast %squeeze3A_1769 : vector<32x1024xf32> to vector<1x32x1024xf32>
    %slice3A_1771 = vector.extract_strided_slice %concatenate3A {offsets = [14, 0, 0], sizes = [1, 32, 1024], strides = [1, 1, 1]} : vector<27x32x1024xf32> to vector<1x32x1024xf32>
    %squeeze3A_1772 = vector.shape_cast %slice3A_1771 : vector<1x32x1024xf32> to vector<32x1024xf32>
    %broadcast_in_dim3A_1773 = vector.shape_cast %squeeze3A_1772 : vector<32x1024xf32> to vector<1x32x1024xf32>
    %slice3A_1774 = vector.extract_strided_slice %concatenate3A {offsets = [15, 0, 0], sizes = [1, 32, 1024], strides = [1, 1, 1]} : vector<27x32x1024xf32> to vector<1x32x1024xf32>
    %squeeze3A_1775 = vector.shape_cast %slice3A_1774 : vector<1x32x1024xf32> to vector<32x1024xf32>
    %broadcast_in_dim3A_1776 = vector.shape_cast %squeeze3A_1775 : vector<32x1024xf32> to vector<1x32x1024xf32>
    %slice3A_1777 = vector.extract_strided_slice %concatenate3A {offsets = [16, 0, 0], sizes = [1, 32, 1024], strides = [1, 1, 1]} : vector<27x32x1024xf32> to vector<1x32x1024xf32>
    %squeeze3A_1778 = vector.shape_cast %slice3A_1777 : vector<1x32x1024xf32> to vector<32x1024xf32>
    %broadcast_in_dim3A_1779 = vector.shape_cast %squeeze3A_1778 : vector<32x1024xf32> to vector<1x32x1024xf32>
    %slice3A_1780 = vector.extract_strided_slice %concatenate3A {offsets = [17, 0, 0], sizes = [1, 32, 1024], strides = [1, 1, 1]} : vector<27x32x1024xf32> to vector<1x32x1024xf32>
    %squeeze3A_1781 = vector.shape_cast %slice3A_1780 : vector<1x32x1024xf32> to vector<32x1024xf32>
    %broadcast_in_dim3A_1782 = vector.shape_cast %squeeze3A_1781 : vector<32x1024xf32> to vector<1x32x1024xf32>
    %concatenate3A_1783 = tpu.concatenate %broadcast_in_dim3A_1761, %broadcast_in_dim3A_1764, %broadcast_in_dim3A_1767, %broadcast_in_dim3A_1770, %broadcast_in_dim3A_1773, %broadcast_in_dim3A_1776, %broadcast_in_dim3A_1779, %broadcast_in_dim3A_1782 in 0 : vector<1x32x1024xf32>, vector<1x32x1024xf32>, vector<1x32x1024xf32>, vector<1x32x1024xf32>, vector<1x32x1024xf32>, vector<1x32x1024xf32>, vector<1x32x1024xf32>, vector<1x32x1024xf32> -> vector<8x32x1024xf32>
    %mul3A_1784 = arith.mulf %concatenate3A_1758, %concatenate3A_1783 : vector<8x32x1024xf32>
    %reduce_sum3A_1785 = arith.constant dense<0.000000e+00> : vector<8x1024xf32>
    %reduce_sum3A_1786 = vector.multi_reduction <add>, %mul3A_1784, %reduce_sum3A_1785 [1] : vector<8x32x1024xf32> to vector<8x1024xf32>
    %slice3A_1787 = vector.extract_strided_slice %concatenate3A {offsets = [13, 0, 0], sizes = [1, 32, 1024], strides = [1, 1, 1]} : vector<27x32x1024xf32> to vector<1x32x1024xf32>
    %squeeze3A_1788 = vector.shape_cast %slice3A_1787 : vector<1x32x1024xf32> to vector<32x1024xf32>
    %broadcast_in_dim3A_1789 = vector.shape_cast %squeeze3A_1788 : vector<32x1024xf32> to vector<1x32x1024xf32>
    %slice3A_1790 = vector.extract_strided_slice %concatenate3A {offsets = [13, 0, 0], sizes = [1, 32, 1024], strides = [1, 1, 1]} : vector<27x32x1024xf32> to vector<1x32x1024xf32>
    %squeeze3A_1791 = vector.shape_cast %slice3A_1790 : vector<1x32x1024xf32> to vector<32x1024xf32>
    %broadcast_in_dim3A_1792 = vector.shape_cast %squeeze3A_1791 : vector<32x1024xf32> to vector<1x32x1024xf32>
    %slice3A_1793 = vector.extract_strided_slice %concatenate3A {offsets = [13, 0, 0], sizes = [1, 32, 1024], strides = [1, 1, 1]} : vector<27x32x1024xf32> to vector<1x32x1024xf32>
    %squeeze3A_1794 = vector.shape_cast %slice3A_1793 : vector<1x32x1024xf32> to vector<32x1024xf32>
    %broadcast_in_dim3A_1795 = vector.shape_cast %squeeze3A_1794 : vector<32x1024xf32> to vector<1x32x1024xf32>
    %slice3A_1796 = vector.extract_strided_slice %concatenate3A {offsets = [13, 0, 0], sizes = [1, 32, 1024], strides = [1, 1, 1]} : vector<27x32x1024xf32> to vector<1x32x1024xf32>
    %squeeze3A_1797 = vector.shape_cast %slice3A_1796 : vector<1x32x1024xf32> to vector<32x1024xf32>
    %broadcast_in_dim3A_1798 = vector.shape_cast %squeeze3A_1797 : vector<32x1024xf32> to vector<1x32x1024xf32>
    %slice3A_1799 = vector.extract_strided_slice %concatenate3A {offsets = [13, 0, 0], sizes = [1, 32, 1024], strides = [1, 1, 1]} : vector<27x32x1024xf32> to vector<1x32x1024xf32>
    %squeeze3A_1800 = vector.shape_cast %slice3A_1799 : vector<1x32x1024xf32> to vector<32x1024xf32>
    %broadcast_in_dim3A_1801 = vector.shape_cast %squeeze3A_1800 : vector<32x1024xf32> to vector<1x32x1024xf32>
    %slice3A_1802 = vector.extract_strided_slice %concatenate3A {offsets = [13, 0, 0], sizes = [1, 32, 1024], strides = [1, 1, 1]} : vector<27x32x1024xf32> to vector<1x32x1024xf32>
    %squeeze3A_1803 = vector.shape_cast %slice3A_1802 : vector<1x32x1024xf32> to vector<32x1024xf32>
    %broadcast_in_dim3A_1804 = vector.shape_cast %squeeze3A_1803 : vector<32x1024xf32> to vector<1x32x1024xf32>
    %slice3A_1805 = vector.extract_strided_slice %concatenate3A {offsets = [13, 0, 0], sizes = [1, 32, 1024], strides = [1, 1, 1]} : vector<27x32x1024xf32> to vector<1x32x1024xf32>
    %squeeze3A_1806 = vector.shape_cast %slice3A_1805 : vector<1x32x1024xf32> to vector<32x1024xf32>
    %broadcast_in_dim3A_1807 = vector.shape_cast %squeeze3A_1806 : vector<32x1024xf32> to vector<1x32x1024xf32>
    %slice3A_1808 = vector.extract_strided_slice %concatenate3A {offsets = [13, 0, 0], sizes = [1, 32, 1024], strides = [1, 1, 1]} : vector<27x32x1024xf32> to vector<1x32x1024xf32>
    %squeeze3A_1809 = vector.shape_cast %slice3A_1808 : vector<1x32x1024xf32> to vector<32x1024xf32>
    %broadcast_in_dim3A_1810 = vector.shape_cast %squeeze3A_1809 : vector<32x1024xf32> to vector<1x32x1024xf32>
    %concatenate3A_1811 = tpu.concatenate %broadcast_in_dim3A_1789, %broadcast_in_dim3A_1792, %broadcast_in_dim3A_1795, %broadcast_in_dim3A_1798, %broadcast_in_dim3A_1801, %broadcast_in_dim3A_1804, %broadcast_in_dim3A_1807, %broadcast_in_dim3A_1810 in 0 : vector<1x32x1024xf32>, vector<1x32x1024xf32>, vector<1x32x1024xf32>, vector<1x32x1024xf32>, vector<1x32x1024xf32>, vector<1x32x1024xf32>, vector<1x32x1024xf32>, vector<1x32x1024xf32> -> vector<8x32x1024xf32>
    %slice3A_1812 = vector.extract_strided_slice %concatenate3A {offsets = [18, 0, 0], sizes = [1, 32, 1024], strides = [1, 1, 1]} : vector<27x32x1024xf32> to vector<1x32x1024xf32>
    %squeeze3A_1813 = vector.shape_cast %slice3A_1812 : vector<1x32x1024xf32> to vector<32x1024xf32>
    %broadcast_in_dim3A_1814 = vector.shape_cast %squeeze3A_1813 : vector<32x1024xf32> to vector<1x32x1024xf32>
    %slice3A_1815 = vector.extract_strided_slice %concatenate3A {offsets = [19, 0, 0], sizes = [1, 32, 1024], strides = [1, 1, 1]} : vector<27x32x1024xf32> to vector<1x32x1024xf32>
    %squeeze3A_1816 = vector.shape_cast %slice3A_1815 : vector<1x32x1024xf32> to vector<32x1024xf32>
    %broadcast_in_dim3A_1817 = vector.shape_cast %squeeze3A_1816 : vector<32x1024xf32> to vector<1x32x1024xf32>
    %slice3A_1818 = vector.extract_strided_slice %concatenate3A {offsets = [20, 0, 0], sizes = [1, 32, 1024], strides = [1, 1, 1]} : vector<27x32x1024xf32> to vector<1x32x1024xf32>
    %squeeze3A_1819 = vector.shape_cast %slice3A_1818 : vector<1x32x1024xf32> to vector<32x1024xf32>
    %broadcast_in_dim3A_1820 = vector.shape_cast %squeeze3A_1819 : vector<32x1024xf32> to vector<1x32x1024xf32>
    %slice3A_1821 = vector.extract_strided_slice %concatenate3A {offsets = [21, 0, 0], sizes = [1, 32, 1024], strides = [1, 1, 1]} : vector<27x32x1024xf32> to vector<1x32x1024xf32>
    %squeeze3A_1822 = vector.shape_cast %slice3A_1821 : vector<1x32x1024xf32> to vector<32x1024xf32>
    %broadcast_in_dim3A_1823 = vector.shape_cast %squeeze3A_1822 : vector<32x1024xf32> to vector<1x32x1024xf32>
    %slice3A_1824 = vector.extract_strided_slice %concatenate3A {offsets = [22, 0, 0], sizes = [1, 32, 1024], strides = [1, 1, 1]} : vector<27x32x1024xf32> to vector<1x32x1024xf32>
    %squeeze3A_1825 = vector.shape_cast %slice3A_1824 : vector<1x32x1024xf32> to vector<32x1024xf32>
    %broadcast_in_dim3A_1826 = vector.shape_cast %squeeze3A_1825 : vector<32x1024xf32> to vector<1x32x1024xf32>
    %slice3A_1827 = vector.extract_strided_slice %concatenate3A {offsets = [23, 0, 0], sizes = [1, 32, 1024], strides = [1, 1, 1]} : vector<27x32x1024xf32> to vector<1x32x1024xf32>
    %squeeze3A_1828 = vector.shape_cast %slice3A_1827 : vector<1x32x1024xf32> to vector<32x1024xf32>
    %broadcast_in_dim3A_1829 = vector.shape_cast %squeeze3A_1828 : vector<32x1024xf32> to vector<1x32x1024xf32>
    %slice3A_1830 = vector.extract_strided_slice %concatenate3A {offsets = [24, 0, 0], sizes = [1, 32, 1024], strides = [1, 1, 1]} : vector<27x32x1024xf32> to vector<1x32x1024xf32>
    %squeeze3A_1831 = vector.shape_cast %slice3A_1830 : vector<1x32x1024xf32> to vector<32x1024xf32>
    %broadcast_in_dim3A_1832 = vector.shape_cast %squeeze3A_1831 : vector<32x1024xf32> to vector<1x32x1024xf32>
    %slice3A_1833 = vector.extract_strided_slice %concatenate3A {offsets = [25, 0, 0], sizes = [1, 32, 1024], strides = [1, 1, 1]} : vector<27x32x1024xf32> to vector<1x32x1024xf32>
    %squeeze3A_1834 = vector.shape_cast %slice3A_1833 : vector<1x32x1024xf32> to vector<32x1024xf32>
    %broadcast_in_dim3A_1835 = vector.shape_cast %squeeze3A_1834 : vector<32x1024xf32> to vector<1x32x1024xf32>
    %concatenate3A_1836 = tpu.concatenate %broadcast_in_dim3A_1814, %broadcast_in_dim3A_1817, %broadcast_in_dim3A_1820, %broadcast_in_dim3A_1823, %broadcast_in_dim3A_1826, %broadcast_in_dim3A_1829, %broadcast_in_dim3A_1832, %broadcast_in_dim3A_1835 in 0 : vector<1x32x1024xf32>, vector<1x32x1024xf32>, vector<1x32x1024xf32>, vector<1x32x1024xf32>, vector<1x32x1024xf32>, vector<1x32x1024xf32>, vector<1x32x1024xf32>, vector<1x32x1024xf32> -> vector<8x32x1024xf32>
    %mul3A_1837 = arith.mulf %concatenate3A_1811, %concatenate3A_1836 : vector<8x32x1024xf32>
    %reduce_sum3A_1838 = arith.constant dense<0.000000e+00> : vector<8x1024xf32>
    %reduce_sum3A_1839 = vector.multi_reduction <add>, %mul3A_1837, %reduce_sum3A_1838 [1] : vector<8x32x1024xf32> to vector<8x1024xf32>
    %slice3A_1840 = vector.extract_strided_slice %concatenate3A {offsets = [13, 0, 0], sizes = [1, 32, 1024], strides = [1, 1, 1]} : vector<27x32x1024xf32> to vector<1x32x1024xf32>
    %squeeze3A_1841 = vector.shape_cast %slice3A_1840 : vector<1x32x1024xf32> to vector<32x1024xf32>
    %broadcast_in_dim3A_1842 = vector.shape_cast %squeeze3A_1841 : vector<32x1024xf32> to vector<1x32x1024xf32>
    %slice3A_1843 = vector.extract_strided_slice %concatenate3A {offsets = [14, 0, 0], sizes = [1, 32, 1024], strides = [1, 1, 1]} : vector<27x32x1024xf32> to vector<1x32x1024xf32>
    %squeeze3A_1844 = vector.shape_cast %slice3A_1843 : vector<1x32x1024xf32> to vector<32x1024xf32>
    %broadcast_in_dim3A_1845 = vector.shape_cast %squeeze3A_1844 : vector<32x1024xf32> to vector<1x32x1024xf32>
    %slice3A_1846 = vector.extract_strided_slice %concatenate3A {offsets = [14, 0, 0], sizes = [1, 32, 1024], strides = [1, 1, 1]} : vector<27x32x1024xf32> to vector<1x32x1024xf32>
    %squeeze3A_1847 = vector.shape_cast %slice3A_1846 : vector<1x32x1024xf32> to vector<32x1024xf32>
    %broadcast_in_dim3A_1848 = vector.shape_cast %squeeze3A_1847 : vector<32x1024xf32> to vector<1x32x1024xf32>
    %slice3A_1849 = vector.extract_strided_slice %concatenate3A {offsets = [14, 0, 0], sizes = [1, 32, 1024], strides = [1, 1, 1]} : vector<27x32x1024xf32> to vector<1x32x1024xf32>
    %squeeze3A_1850 = vector.shape_cast %slice3A_1849 : vector<1x32x1024xf32> to vector<32x1024xf32>
    %broadcast_in_dim3A_1851 = vector.shape_cast %squeeze3A_1850 : vector<32x1024xf32> to vector<1x32x1024xf32>
    %slice3A_1852 = vector.extract_strided_slice %concatenate3A {offsets = [14, 0, 0], sizes = [1, 32, 1024], strides = [1, 1, 1]} : vector<27x32x1024xf32> to vector<1x32x1024xf32>
    %squeeze3A_1853 = vector.shape_cast %slice3A_1852 : vector<1x32x1024xf32> to vector<32x1024xf32>
    %broadcast_in_dim3A_1854 = vector.shape_cast %squeeze3A_1853 : vector<32x1024xf32> to vector<1x32x1024xf32>
    %slice3A_1855 = vector.extract_strided_slice %concatenate3A {offsets = [14, 0, 0], sizes = [1, 32, 1024], strides = [1, 1, 1]} : vector<27x32x1024xf32> to vector<1x32x1024xf32>
    %squeeze3A_1856 = vector.shape_cast %slice3A_1855 : vector<1x32x1024xf32> to vector<32x1024xf32>
    %broadcast_in_dim3A_1857 = vector.shape_cast %squeeze3A_1856 : vector<32x1024xf32> to vector<1x32x1024xf32>
    %slice3A_1858 = vector.extract_strided_slice %concatenate3A {offsets = [14, 0, 0], sizes = [1, 32, 1024], strides = [1, 1, 1]} : vector<27x32x1024xf32> to vector<1x32x1024xf32>
    %squeeze3A_1859 = vector.shape_cast %slice3A_1858 : vector<1x32x1024xf32> to vector<32x1024xf32>
    %broadcast_in_dim3A_1860 = vector.shape_cast %squeeze3A_1859 : vector<32x1024xf32> to vector<1x32x1024xf32>
    %slice3A_1861 = vector.extract_strided_slice %concatenate3A {offsets = [14, 0, 0], sizes = [1, 32, 1024], strides = [1, 1, 1]} : vector<27x32x1024xf32> to vector<1x32x1024xf32>
    %squeeze3A_1862 = vector.shape_cast %slice3A_1861 : vector<1x32x1024xf32> to vector<32x1024xf32>
    %broadcast_in_dim3A_1863 = vector.shape_cast %squeeze3A_1862 : vector<32x1024xf32> to vector<1x32x1024xf32>
    %concatenate3A_1864 = tpu.concatenate %broadcast_in_dim3A_1842, %broadcast_in_dim3A_1845, %broadcast_in_dim3A_1848, %broadcast_in_dim3A_1851, %broadcast_in_dim3A_1854, %broadcast_in_dim3A_1857, %broadcast_in_dim3A_1860, %broadcast_in_dim3A_1863 in 0 : vector<1x32x1024xf32>, vector<1x32x1024xf32>, vector<1x32x1024xf32>, vector<1x32x1024xf32>, vector<1x32x1024xf32>, vector<1x32x1024xf32>, vector<1x32x1024xf32>, vector<1x32x1024xf32> -> vector<8x32x1024xf32>
    %slice3A_1865 = vector.extract_strided_slice %concatenate3A {offsets = [26, 0, 0], sizes = [1, 32, 1024], strides = [1, 1, 1]} : vector<27x32x1024xf32> to vector<1x32x1024xf32>
    %squeeze3A_1866 = vector.shape_cast %slice3A_1865 : vector<1x32x1024xf32> to vector<32x1024xf32>
    %broadcast_in_dim3A_1867 = vector.shape_cast %squeeze3A_1866 : vector<32x1024xf32> to vector<1x32x1024xf32>
    %slice3A_1868 = vector.extract_strided_slice %concatenate3A {offsets = [15, 0, 0], sizes = [1, 32, 1024], strides = [1, 1, 1]} : vector<27x32x1024xf32> to vector<1x32x1024xf32>
    %squeeze3A_1869 = vector.shape_cast %slice3A_1868 : vector<1x32x1024xf32> to vector<32x1024xf32>
    %broadcast_in_dim3A_1870 = vector.shape_cast %squeeze3A_1869 : vector<32x1024xf32> to vector<1x32x1024xf32>
    %slice3A_1871 = vector.extract_strided_slice %concatenate3A {offsets = [16, 0, 0], sizes = [1, 32, 1024], strides = [1, 1, 1]} : vector<27x32x1024xf32> to vector<1x32x1024xf32>
    %squeeze3A_1872 = vector.shape_cast %slice3A_1871 : vector<1x32x1024xf32> to vector<32x1024xf32>
    %broadcast_in_dim3A_1873 = vector.shape_cast %squeeze3A_1872 : vector<32x1024xf32> to vector<1x32x1024xf32>
    %slice3A_1874 = vector.extract_strided_slice %concatenate3A {offsets = [17, 0, 0], sizes = [1, 32, 1024], strides = [1, 1, 1]} : vector<27x32x1024xf32> to vector<1x32x1024xf32>
    %squeeze3A_1875 = vector.shape_cast %slice3A_1874 : vector<1x32x1024xf32> to vector<32x1024xf32>
    %broadcast_in_dim3A_1876 = vector.shape_cast %squeeze3A_1875 : vector<32x1024xf32> to vector<1x32x1024xf32>
    %slice3A_1877 = vector.extract_strided_slice %concatenate3A {offsets = [18, 0, 0], sizes = [1, 32, 1024], strides = [1, 1, 1]} : vector<27x32x1024xf32> to vector<1x32x1024xf32>
    %squeeze3A_1878 = vector.shape_cast %slice3A_1877 : vector<1x32x1024xf32> to vector<32x1024xf32>
    %broadcast_in_dim3A_1879 = vector.shape_cast %squeeze3A_1878 : vector<32x1024xf32> to vector<1x32x1024xf32>
    %slice3A_1880 = vector.extract_strided_slice %concatenate3A {offsets = [19, 0, 0], sizes = [1, 32, 1024], strides = [1, 1, 1]} : vector<27x32x1024xf32> to vector<1x32x1024xf32>
    %squeeze3A_1881 = vector.shape_cast %slice3A_1880 : vector<1x32x1024xf32> to vector<32x1024xf32>
    %broadcast_in_dim3A_1882 = vector.shape_cast %squeeze3A_1881 : vector<32x1024xf32> to vector<1x32x1024xf32>
    %slice3A_1883 = vector.extract_strided_slice %concatenate3A {offsets = [20, 0, 0], sizes = [1, 32, 1024], strides = [1, 1, 1]} : vector<27x32x1024xf32> to vector<1x32x1024xf32>
    %squeeze3A_1884 = vector.shape_cast %slice3A_1883 : vector<1x32x1024xf32> to vector<32x1024xf32>
    %broadcast_in_dim3A_1885 = vector.shape_cast %squeeze3A_1884 : vector<32x1024xf32> to vector<1x32x1024xf32>
    %slice3A_1886 = vector.extract_strided_slice %concatenate3A {offsets = [21, 0, 0], sizes = [1, 32, 1024], strides = [1, 1, 1]} : vector<27x32x1024xf32> to vector<1x32x1024xf32>
    %squeeze3A_1887 = vector.shape_cast %slice3A_1886 : vector<1x32x1024xf32> to vector<32x1024xf32>
    %broadcast_in_dim3A_1888 = vector.shape_cast %squeeze3A_1887 : vector<32x1024xf32> to vector<1x32x1024xf32>
    %concatenate3A_1889 = tpu.concatenate %broadcast_in_dim3A_1867, %broadcast_in_dim3A_1870, %broadcast_in_dim3A_1873, %broadcast_in_dim3A_1876, %broadcast_in_dim3A_1879, %broadcast_in_dim3A_1882, %broadcast_in_dim3A_1885, %broadcast_in_dim3A_1888 in 0 : vector<1x32x1024xf32>, vector<1x32x1024xf32>, vector<1x32x1024xf32>, vector<1x32x1024xf32>, vector<1x32x1024xf32>, vector<1x32x1024xf32>, vector<1x32x1024xf32>, vector<1x32x1024xf32> -> vector<8x32x1024xf32>
    %mul3A_1890 = arith.mulf %concatenate3A_1864, %concatenate3A_1889 : vector<8x32x1024xf32>
    %reduce_sum3A_1891 = arith.constant dense<0.000000e+00> : vector<8x1024xf32>
    %reduce_sum3A_1892 = vector.multi_reduction <add>, %mul3A_1890, %reduce_sum3A_1891 [1] : vector<8x32x1024xf32> to vector<8x1024xf32>
    %slice3A_1893 = vector.extract_strided_slice %concatenate3A {offsets = [14, 0, 0], sizes = [1, 32, 1024], strides = [1, 1, 1]} : vector<27x32x1024xf32> to vector<1x32x1024xf32>
    %squeeze3A_1894 = vector.shape_cast %slice3A_1893 : vector<1x32x1024xf32> to vector<32x1024xf32>
    %broadcast_in_dim3A_1895 = vector.shape_cast %squeeze3A_1894 : vector<32x1024xf32> to vector<1x32x1024xf32>
    %slice3A_1896 = vector.extract_strided_slice %concatenate3A {offsets = [14, 0, 0], sizes = [1, 32, 1024], strides = [1, 1, 1]} : vector<27x32x1024xf32> to vector<1x32x1024xf32>
    %squeeze3A_1897 = vector.shape_cast %slice3A_1896 : vector<1x32x1024xf32> to vector<32x1024xf32>
    %broadcast_in_dim3A_1898 = vector.shape_cast %squeeze3A_1897 : vector<32x1024xf32> to vector<1x32x1024xf32>
    %slice3A_1899 = vector.extract_strided_slice %concatenate3A {offsets = [14, 0, 0], sizes = [1, 32, 1024], strides = [1, 1, 1]} : vector<27x32x1024xf32> to vector<1x32x1024xf32>
    %squeeze3A_1900 = vector.shape_cast %slice3A_1899 : vector<1x32x1024xf32> to vector<32x1024xf32>
    %broadcast_in_dim3A_1901 = vector.shape_cast %squeeze3A_1900 : vector<32x1024xf32> to vector<1x32x1024xf32>
    %slice3A_1902 = vector.extract_strided_slice %concatenate3A {offsets = [14, 0, 0], sizes = [1, 32, 1024], strides = [1, 1, 1]} : vector<27x32x1024xf32> to vector<1x32x1024xf32>
    %squeeze3A_1903 = vector.shape_cast %slice3A_1902 : vector<1x32x1024xf32> to vector<32x1024xf32>
    %broadcast_in_dim3A_1904 = vector.shape_cast %squeeze3A_1903 : vector<32x1024xf32> to vector<1x32x1024xf32>
    %slice3A_1905 = vector.extract_strided_slice %concatenate3A {offsets = [14, 0, 0], sizes = [1, 32, 1024], strides = [1, 1, 1]} : vector<27x32x1024xf32> to vector<1x32x1024xf32>
    %squeeze3A_1906 = vector.shape_cast %slice3A_1905 : vector<1x32x1024xf32> to vector<32x1024xf32>
    %broadcast_in_dim3A_1907 = vector.shape_cast %squeeze3A_1906 : vector<32x1024xf32> to vector<1x32x1024xf32>
    %slice3A_1908 = vector.extract_strided_slice %concatenate3A {offsets = [15, 0, 0], sizes = [1, 32, 1024], strides = [1, 1, 1]} : vector<27x32x1024xf32> to vector<1x32x1024xf32>
    %squeeze3A_1909 = vector.shape_cast %slice3A_1908 : vector<1x32x1024xf32> to vector<32x1024xf32>
    %broadcast_in_dim3A_1910 = vector.shape_cast %squeeze3A_1909 : vector<32x1024xf32> to vector<1x32x1024xf32>
    %slice3A_1911 = vector.extract_strided_slice %concatenate3A {offsets = [15, 0, 0], sizes = [1, 32, 1024], strides = [1, 1, 1]} : vector<27x32x1024xf32> to vector<1x32x1024xf32>
    %squeeze3A_1912 = vector.shape_cast %slice3A_1911 : vector<1x32x1024xf32> to vector<32x1024xf32>
    %broadcast_in_dim3A_1913 = vector.shape_cast %squeeze3A_1912 : vector<32x1024xf32> to vector<1x32x1024xf32>
    %slice3A_1914 = vector.extract_strided_slice %concatenate3A {offsets = [15, 0, 0], sizes = [1, 32, 1024], strides = [1, 1, 1]} : vector<27x32x1024xf32> to vector<1x32x1024xf32>
    %squeeze3A_1915 = vector.shape_cast %slice3A_1914 : vector<1x32x1024xf32> to vector<32x1024xf32>
    %broadcast_in_dim3A_1916 = vector.shape_cast %squeeze3A_1915 : vector<32x1024xf32> to vector<1x32x1024xf32>
    %concatenate3A_1917 = tpu.concatenate %broadcast_in_dim3A_1895, %broadcast_in_dim3A_1898, %broadcast_in_dim3A_1901, %broadcast_in_dim3A_1904, %broadcast_in_dim3A_1907, %broadcast_in_dim3A_1910, %broadcast_in_dim3A_1913, %broadcast_in_dim3A_1916 in 0 : vector<1x32x1024xf32>, vector<1x32x1024xf32>, vector<1x32x1024xf32>, vector<1x32x1024xf32>, vector<1x32x1024xf32>, vector<1x32x1024xf32>, vector<1x32x1024xf32>, vector<1x32x1024xf32> -> vector<8x32x1024xf32>
    %slice3A_1918 = vector.extract_strided_slice %concatenate3A {offsets = [22, 0, 0], sizes = [1, 32, 1024], strides = [1, 1, 1]} : vector<27x32x1024xf32> to vector<1x32x1024xf32>
    %squeeze3A_1919 = vector.shape_cast %slice3A_1918 : vector<1x32x1024xf32> to vector<32x1024xf32>
    %broadcast_in_dim3A_1920 = vector.shape_cast %squeeze3A_1919 : vector<32x1024xf32> to vector<1x32x1024xf32>
    %slice3A_1921 = vector.extract_strided_slice %concatenate3A {offsets = [23, 0, 0], sizes = [1, 32, 1024], strides = [1, 1, 1]} : vector<27x32x1024xf32> to vector<1x32x1024xf32>
    %squeeze3A_1922 = vector.shape_cast %slice3A_1921 : vector<1x32x1024xf32> to vector<32x1024xf32>
    %broadcast_in_dim3A_1923 = vector.shape_cast %squeeze3A_1922 : vector<32x1024xf32> to vector<1x32x1024xf32>
    %slice3A_1924 = vector.extract_strided_slice %concatenate3A {offsets = [24, 0, 0], sizes = [1, 32, 1024], strides = [1, 1, 1]} : vector<27x32x1024xf32> to vector<1x32x1024xf32>
    %squeeze3A_1925 = vector.shape_cast %slice3A_1924 : vector<1x32x1024xf32> to vector<32x1024xf32>
    %broadcast_in_dim3A_1926 = vector.shape_cast %squeeze3A_1925 : vector<32x1024xf32> to vector<1x32x1024xf32>
    %slice3A_1927 = vector.extract_strided_slice %concatenate3A {offsets = [25, 0, 0], sizes = [1, 32, 1024], strides = [1, 1, 1]} : vector<27x32x1024xf32> to vector<1x32x1024xf32>
    %squeeze3A_1928 = vector.shape_cast %slice3A_1927 : vector<1x32x1024xf32> to vector<32x1024xf32>
    %broadcast_in_dim3A_1929 = vector.shape_cast %squeeze3A_1928 : vector<32x1024xf32> to vector<1x32x1024xf32>
    %slice3A_1930 = vector.extract_strided_slice %concatenate3A {offsets = [26, 0, 0], sizes = [1, 32, 1024], strides = [1, 1, 1]} : vector<27x32x1024xf32> to vector<1x32x1024xf32>
    %squeeze3A_1931 = vector.shape_cast %slice3A_1930 : vector<1x32x1024xf32> to vector<32x1024xf32>
    %broadcast_in_dim3A_1932 = vector.shape_cast %squeeze3A_1931 : vector<32x1024xf32> to vector<1x32x1024xf32>
    %slice3A_1933 = vector.extract_strided_slice %concatenate3A {offsets = [16, 0, 0], sizes = [1, 32, 1024], strides = [1, 1, 1]} : vector<27x32x1024xf32> to vector<1x32x1024xf32>
    %squeeze3A_1934 = vector.shape_cast %slice3A_1933 : vector<1x32x1024xf32> to vector<32x1024xf32>
    %broadcast_in_dim3A_1935 = vector.shape_cast %squeeze3A_1934 : vector<32x1024xf32> to vector<1x32x1024xf32>
    %slice3A_1936 = vector.extract_strided_slice %concatenate3A {offsets = [17, 0, 0], sizes = [1, 32, 1024], strides = [1, 1, 1]} : vector<27x32x1024xf32> to vector<1x32x1024xf32>
    %squeeze3A_1937 = vector.shape_cast %slice3A_1936 : vector<1x32x1024xf32> to vector<32x1024xf32>
    %broadcast_in_dim3A_1938 = vector.shape_cast %squeeze3A_1937 : vector<32x1024xf32> to vector<1x32x1024xf32>
    %slice3A_1939 = vector.extract_strided_slice %concatenate3A {offsets = [18, 0, 0], sizes = [1, 32, 1024], strides = [1, 1, 1]} : vector<27x32x1024xf32> to vector<1x32x1024xf32>
    %squeeze3A_1940 = vector.shape_cast %slice3A_1939 : vector<1x32x1024xf32> to vector<32x1024xf32>
    %broadcast_in_dim3A_1941 = vector.shape_cast %squeeze3A_1940 : vector<32x1024xf32> to vector<1x32x1024xf32>
    %concatenate3A_1942 = tpu.concatenate %broadcast_in_dim3A_1920, %broadcast_in_dim3A_1923, %broadcast_in_dim3A_1926, %broadcast_in_dim3A_1929, %broadcast_in_dim3A_1932, %broadcast_in_dim3A_1935, %broadcast_in_dim3A_1938, %broadcast_in_dim3A_1941 in 0 : vector<1x32x1024xf32>, vector<1x32x1024xf32>, vector<1x32x1024xf32>, vector<1x32x1024xf32>, vector<1x32x1024xf32>, vector<1x32x1024xf32>, vector<1x32x1024xf32>, vector<1x32x1024xf32> -> vector<8x32x1024xf32>
    %mul3A_1943 = arith.mulf %concatenate3A_1917, %concatenate3A_1942 : vector<8x32x1024xf32>
    %reduce_sum3A_1944 = arith.constant dense<0.000000e+00> : vector<8x1024xf32>
    %reduce_sum3A_1945 = vector.multi_reduction <add>, %mul3A_1943, %reduce_sum3A_1944 [1] : vector<8x32x1024xf32> to vector<8x1024xf32>
    %slice3A_1946 = vector.extract_strided_slice %concatenate3A {offsets = [15, 0, 0], sizes = [1, 32, 1024], strides = [1, 1, 1]} : vector<27x32x1024xf32> to vector<1x32x1024xf32>
    %squeeze3A_1947 = vector.shape_cast %slice3A_1946 : vector<1x32x1024xf32> to vector<32x1024xf32>
    %broadcast_in_dim3A_1948 = vector.shape_cast %squeeze3A_1947 : vector<32x1024xf32> to vector<1x32x1024xf32>
    %slice3A_1949 = vector.extract_strided_slice %concatenate3A {offsets = [15, 0, 0], sizes = [1, 32, 1024], strides = [1, 1, 1]} : vector<27x32x1024xf32> to vector<1x32x1024xf32>
    %squeeze3A_1950 = vector.shape_cast %slice3A_1949 : vector<1x32x1024xf32> to vector<32x1024xf32>
    %broadcast_in_dim3A_1951 = vector.shape_cast %squeeze3A_1950 : vector<32x1024xf32> to vector<1x32x1024xf32>
    %slice3A_1952 = vector.extract_strided_slice %concatenate3A {offsets = [15, 0, 0], sizes = [1, 32, 1024], strides = [1, 1, 1]} : vector<27x32x1024xf32> to vector<1x32x1024xf32>
    %squeeze3A_1953 = vector.shape_cast %slice3A_1952 : vector<1x32x1024xf32> to vector<32x1024xf32>
    %broadcast_in_dim3A_1954 = vector.shape_cast %squeeze3A_1953 : vector<32x1024xf32> to vector<1x32x1024xf32>
    %slice3A_1955 = vector.extract_strided_slice %concatenate3A {offsets = [15, 0, 0], sizes = [1, 32, 1024], strides = [1, 1, 1]} : vector<27x32x1024xf32> to vector<1x32x1024xf32>
    %squeeze3A_1956 = vector.shape_cast %slice3A_1955 : vector<1x32x1024xf32> to vector<32x1024xf32>
    %broadcast_in_dim3A_1957 = vector.shape_cast %squeeze3A_1956 : vector<32x1024xf32> to vector<1x32x1024xf32>
    %slice3A_1958 = vector.extract_strided_slice %concatenate3A {offsets = [15, 0, 0], sizes = [1, 32, 1024], strides = [1, 1, 1]} : vector<27x32x1024xf32> to vector<1x32x1024xf32>
    %squeeze3A_1959 = vector.shape_cast %slice3A_1958 : vector<1x32x1024xf32> to vector<32x1024xf32>
    %broadcast_in_dim3A_1960 = vector.shape_cast %squeeze3A_1959 : vector<32x1024xf32> to vector<1x32x1024xf32>
    %slice3A_1961 = vector.extract_strided_slice %concatenate3A {offsets = [15, 0, 0], sizes = [1, 32, 1024], strides = [1, 1, 1]} : vector<27x32x1024xf32> to vector<1x32x1024xf32>
    %squeeze3A_1962 = vector.shape_cast %slice3A_1961 : vector<1x32x1024xf32> to vector<32x1024xf32>
    %broadcast_in_dim3A_1963 = vector.shape_cast %squeeze3A_1962 : vector<32x1024xf32> to vector<1x32x1024xf32>
    %slice3A_1964 = vector.extract_strided_slice %concatenate3A {offsets = [15, 0, 0], sizes = [1, 32, 1024], strides = [1, 1, 1]} : vector<27x32x1024xf32> to vector<1x32x1024xf32>
    %squeeze3A_1965 = vector.shape_cast %slice3A_1964 : vector<1x32x1024xf32> to vector<32x1024xf32>
    %broadcast_in_dim3A_1966 = vector.shape_cast %squeeze3A_1965 : vector<32x1024xf32> to vector<1x32x1024xf32>
    %slice3A_1967 = vector.extract_strided_slice %concatenate3A {offsets = [15, 0, 0], sizes = [1, 32, 1024], strides = [1, 1, 1]} : vector<27x32x1024xf32> to vector<1x32x1024xf32>
    %squeeze3A_1968 = vector.shape_cast %slice3A_1967 : vector<1x32x1024xf32> to vector<32x1024xf32>
    %broadcast_in_dim3A_1969 = vector.shape_cast %squeeze3A_1968 : vector<32x1024xf32> to vector<1x32x1024xf32>
    %concatenate3A_1970 = tpu.concatenate %broadcast_in_dim3A_1948, %broadcast_in_dim3A_1951, %broadcast_in_dim3A_1954, %broadcast_in_dim3A_1957, %broadcast_in_dim3A_1960, %broadcast_in_dim3A_1963, %broadcast_in_dim3A_1966, %broadcast_in_dim3A_1969 in 0 : vector<1x32x1024xf32>, vector<1x32x1024xf32>, vector<1x32x1024xf32>, vector<1x32x1024xf32>, vector<1x32x1024xf32>, vector<1x32x1024xf32>, vector<1x32x1024xf32>, vector<1x32x1024xf32> -> vector<8x32x1024xf32>
    %slice3A_1971 = vector.extract_strided_slice %concatenate3A {offsets = [19, 0, 0], sizes = [1, 32, 1024], strides = [1, 1, 1]} : vector<27x32x1024xf32> to vector<1x32x1024xf32>
    %squeeze3A_1972 = vector.shape_cast %slice3A_1971 : vector<1x32x1024xf32> to vector<32x1024xf32>
    %broadcast_in_dim3A_1973 = vector.shape_cast %squeeze3A_1972 : vector<32x1024xf32> to vector<1x32x1024xf32>
    %slice3A_1974 = vector.extract_strided_slice %concatenate3A {offsets = [20, 0, 0], sizes = [1, 32, 1024], strides = [1, 1, 1]} : vector<27x32x1024xf32> to vector<1x32x1024xf32>
    %squeeze3A_1975 = vector.shape_cast %slice3A_1974 : vector<1x32x1024xf32> to vector<32x1024xf32>
    %broadcast_in_dim3A_1976 = vector.shape_cast %squeeze3A_1975 : vector<32x1024xf32> to vector<1x32x1024xf32>
    %slice3A_1977 = vector.extract_strided_slice %concatenate3A {offsets = [21, 0, 0], sizes = [1, 32, 1024], strides = [1, 1, 1]} : vector<27x32x1024xf32> to vector<1x32x1024xf32>
    %squeeze3A_1978 = vector.shape_cast %slice3A_1977 : vector<1x32x1024xf32> to vector<32x1024xf32>
    %broadcast_in_dim3A_1979 = vector.shape_cast %squeeze3A_1978 : vector<32x1024xf32> to vector<1x32x1024xf32>
    %slice3A_1980 = vector.extract_strided_slice %concatenate3A {offsets = [22, 0, 0], sizes = [1, 32, 1024], strides = [1, 1, 1]} : vector<27x32x1024xf32> to vector<1x32x1024xf32>
    %squeeze3A_1981 = vector.shape_cast %slice3A_1980 : vector<1x32x1024xf32> to vector<32x1024xf32>
    %broadcast_in_dim3A_1982 = vector.shape_cast %squeeze3A_1981 : vector<32x1024xf32> to vector<1x32x1024xf32>
    %slice3A_1983 = vector.extract_strided_slice %concatenate3A {offsets = [23, 0, 0], sizes = [1, 32, 1024], strides = [1, 1, 1]} : vector<27x32x1024xf32> to vector<1x32x1024xf32>
    %squeeze3A_1984 = vector.shape_cast %slice3A_1983 : vector<1x32x1024xf32> to vector<32x1024xf32>
    %broadcast_in_dim3A_1985 = vector.shape_cast %squeeze3A_1984 : vector<32x1024xf32> to vector<1x32x1024xf32>
    %slice3A_1986 = vector.extract_strided_slice %concatenate3A {offsets = [24, 0, 0], sizes = [1, 32, 1024], strides = [1, 1, 1]} : vector<27x32x1024xf32> to vector<1x32x1024xf32>
    %squeeze3A_1987 = vector.shape_cast %slice3A_1986 : vector<1x32x1024xf32> to vector<32x1024xf32>
    %broadcast_in_dim3A_1988 = vector.shape_cast %squeeze3A_1987 : vector<32x1024xf32> to vector<1x32x1024xf32>
    %slice3A_1989 = vector.extract_strided_slice %concatenate3A {offsets = [25, 0, 0], sizes = [1, 32, 1024], strides = [1, 1, 1]} : vector<27x32x1024xf32> to vector<1x32x1024xf32>
    %squeeze3A_1990 = vector.shape_cast %slice3A_1989 : vector<1x32x1024xf32> to vector<32x1024xf32>
    %broadcast_in_dim3A_1991 = vector.shape_cast %squeeze3A_1990 : vector<32x1024xf32> to vector<1x32x1024xf32>
    %slice3A_1992 = vector.extract_strided_slice %concatenate3A {offsets = [26, 0, 0], sizes = [1, 32, 1024], strides = [1, 1, 1]} : vector<27x32x1024xf32> to vector<1x32x1024xf32>
    %squeeze3A_1993 = vector.shape_cast %slice3A_1992 : vector<1x32x1024xf32> to vector<32x1024xf32>
    %broadcast_in_dim3A_1994 = vector.shape_cast %squeeze3A_1993 : vector<32x1024xf32> to vector<1x32x1024xf32>
    %concatenate3A_1995 = tpu.concatenate %broadcast_in_dim3A_1973, %broadcast_in_dim3A_1976, %broadcast_in_dim3A_1979, %broadcast_in_dim3A_1982, %broadcast_in_dim3A_1985, %broadcast_in_dim3A_1988, %broadcast_in_dim3A_1991, %broadcast_in_dim3A_1994 in 0 : vector<1x32x1024xf32>, vector<1x32x1024xf32>, vector<1x32x1024xf32>, vector<1x32x1024xf32>, vector<1x32x1024xf32>, vector<1x32x1024xf32>, vector<1x32x1024xf32>, vector<1x32x1024xf32> -> vector<8x32x1024xf32>
    %mul3A_1996 = arith.mulf %concatenate3A_1970, %concatenate3A_1995 : vector<8x32x1024xf32>
    %reduce_sum3A_1997 = arith.constant dense<0.000000e+00> : vector<8x1024xf32>
    %reduce_sum3A_1998 = vector.multi_reduction <add>, %mul3A_1996, %reduce_sum3A_1997 [1] : vector<8x32x1024xf32> to vector<8x1024xf32>
    %slice3A_1999 = vector.extract_strided_slice %concatenate3A {offsets = [16, 0, 0], sizes = [1, 32, 1024], strides = [1, 1, 1]} : vector<27x32x1024xf32> to vector<1x32x1024xf32>
    %squeeze3A_2000 = vector.shape_cast %slice3A_1999 : vector<1x32x1024xf32> to vector<32x1024xf32>
    %broadcast_in_dim3A_2001 = vector.shape_cast %squeeze3A_2000 : vector<32x1024xf32> to vector<1x32x1024xf32>
    %slice3A_2002 = vector.extract_strided_slice %concatenate3A {offsets = [16, 0, 0], sizes = [1, 32, 1024], strides = [1, 1, 1]} : vector<27x32x1024xf32> to vector<1x32x1024xf32>
    %squeeze3A_2003 = vector.shape_cast %slice3A_2002 : vector<1x32x1024xf32> to vector<32x1024xf32>
    %broadcast_in_dim3A_2004 = vector.shape_cast %squeeze3A_2003 : vector<32x1024xf32> to vector<1x32x1024xf32>
    %slice3A_2005 = vector.extract_strided_slice %concatenate3A {offsets = [16, 0, 0], sizes = [1, 32, 1024], strides = [1, 1, 1]} : vector<27x32x1024xf32> to vector<1x32x1024xf32>
    %squeeze3A_2006 = vector.shape_cast %slice3A_2005 : vector<1x32x1024xf32> to vector<32x1024xf32>
    %broadcast_in_dim3A_2007 = vector.shape_cast %squeeze3A_2006 : vector<32x1024xf32> to vector<1x32x1024xf32>
    %slice3A_2008 = vector.extract_strided_slice %concatenate3A {offsets = [16, 0, 0], sizes = [1, 32, 1024], strides = [1, 1, 1]} : vector<27x32x1024xf32> to vector<1x32x1024xf32>
    %squeeze3A_2009 = vector.shape_cast %slice3A_2008 : vector<1x32x1024xf32> to vector<32x1024xf32>
    %broadcast_in_dim3A_2010 = vector.shape_cast %squeeze3A_2009 : vector<32x1024xf32> to vector<1x32x1024xf32>
    %slice3A_2011 = vector.extract_strided_slice %concatenate3A {offsets = [16, 0, 0], sizes = [1, 32, 1024], strides = [1, 1, 1]} : vector<27x32x1024xf32> to vector<1x32x1024xf32>
    %squeeze3A_2012 = vector.shape_cast %slice3A_2011 : vector<1x32x1024xf32> to vector<32x1024xf32>
    %broadcast_in_dim3A_2013 = vector.shape_cast %squeeze3A_2012 : vector<32x1024xf32> to vector<1x32x1024xf32>
    %slice3A_2014 = vector.extract_strided_slice %concatenate3A {offsets = [16, 0, 0], sizes = [1, 32, 1024], strides = [1, 1, 1]} : vector<27x32x1024xf32> to vector<1x32x1024xf32>
    %squeeze3A_2015 = vector.shape_cast %slice3A_2014 : vector<1x32x1024xf32> to vector<32x1024xf32>
    %broadcast_in_dim3A_2016 = vector.shape_cast %squeeze3A_2015 : vector<32x1024xf32> to vector<1x32x1024xf32>
    %slice3A_2017 = vector.extract_strided_slice %concatenate3A {offsets = [16, 0, 0], sizes = [1, 32, 1024], strides = [1, 1, 1]} : vector<27x32x1024xf32> to vector<1x32x1024xf32>
    %squeeze3A_2018 = vector.shape_cast %slice3A_2017 : vector<1x32x1024xf32> to vector<32x1024xf32>
    %broadcast_in_dim3A_2019 = vector.shape_cast %squeeze3A_2018 : vector<32x1024xf32> to vector<1x32x1024xf32>
    %slice3A_2020 = vector.extract_strided_slice %concatenate3A {offsets = [16, 0, 0], sizes = [1, 32, 1024], strides = [1, 1, 1]} : vector<27x32x1024xf32> to vector<1x32x1024xf32>
    %squeeze3A_2021 = vector.shape_cast %slice3A_2020 : vector<1x32x1024xf32> to vector<32x1024xf32>
    %broadcast_in_dim3A_2022 = vector.shape_cast %squeeze3A_2021 : vector<32x1024xf32> to vector<1x32x1024xf32>
    %concatenate3A_2023 = tpu.concatenate %broadcast_in_dim3A_2001, %broadcast_in_dim3A_2004, %broadcast_in_dim3A_2007, %broadcast_in_dim3A_2010, %broadcast_in_dim3A_2013, %broadcast_in_dim3A_2016, %broadcast_in_dim3A_2019, %broadcast_in_dim3A_2022 in 0 : vector<1x32x1024xf32>, vector<1x32x1024xf32>, vector<1x32x1024xf32>, vector<1x32x1024xf32>, vector<1x32x1024xf32>, vector<1x32x1024xf32>, vector<1x32x1024xf32>, vector<1x32x1024xf32> -> vector<8x32x1024xf32>
    %slice3A_2024 = vector.extract_strided_slice %concatenate3A {offsets = [17, 0, 0], sizes = [1, 32, 1024], strides = [1, 1, 1]} : vector<27x32x1024xf32> to vector<1x32x1024xf32>
    %squeeze3A_2025 = vector.shape_cast %slice3A_2024 : vector<1x32x1024xf32> to vector<32x1024xf32>
    %broadcast_in_dim3A_2026 = vector.shape_cast %squeeze3A_2025 : vector<32x1024xf32> to vector<1x32x1024xf32>
    %slice3A_2027 = vector.extract_strided_slice %concatenate3A {offsets = [18, 0, 0], sizes = [1, 32, 1024], strides = [1, 1, 1]} : vector<27x32x1024xf32> to vector<1x32x1024xf32>
    %squeeze3A_2028 = vector.shape_cast %slice3A_2027 : vector<1x32x1024xf32> to vector<32x1024xf32>
    %broadcast_in_dim3A_2029 = vector.shape_cast %squeeze3A_2028 : vector<32x1024xf32> to vector<1x32x1024xf32>
    %slice3A_2030 = vector.extract_strided_slice %concatenate3A {offsets = [19, 0, 0], sizes = [1, 32, 1024], strides = [1, 1, 1]} : vector<27x32x1024xf32> to vector<1x32x1024xf32>
    %squeeze3A_2031 = vector.shape_cast %slice3A_2030 : vector<1x32x1024xf32> to vector<32x1024xf32>
    %broadcast_in_dim3A_2032 = vector.shape_cast %squeeze3A_2031 : vector<32x1024xf32> to vector<1x32x1024xf32>
    %slice3A_2033 = vector.extract_strided_slice %concatenate3A {offsets = [20, 0, 0], sizes = [1, 32, 1024], strides = [1, 1, 1]} : vector<27x32x1024xf32> to vector<1x32x1024xf32>
    %squeeze3A_2034 = vector.shape_cast %slice3A_2033 : vector<1x32x1024xf32> to vector<32x1024xf32>
    %broadcast_in_dim3A_2035 = vector.shape_cast %squeeze3A_2034 : vector<32x1024xf32> to vector<1x32x1024xf32>
    %slice3A_2036 = vector.extract_strided_slice %concatenate3A {offsets = [21, 0, 0], sizes = [1, 32, 1024], strides = [1, 1, 1]} : vector<27x32x1024xf32> to vector<1x32x1024xf32>
    %squeeze3A_2037 = vector.shape_cast %slice3A_2036 : vector<1x32x1024xf32> to vector<32x1024xf32>
    %broadcast_in_dim3A_2038 = vector.shape_cast %squeeze3A_2037 : vector<32x1024xf32> to vector<1x32x1024xf32>
    %slice3A_2039 = vector.extract_strided_slice %concatenate3A {offsets = [22, 0, 0], sizes = [1, 32, 1024], strides = [1, 1, 1]} : vector<27x32x1024xf32> to vector<1x32x1024xf32>
    %squeeze3A_2040 = vector.shape_cast %slice3A_2039 : vector<1x32x1024xf32> to vector<32x1024xf32>
    %broadcast_in_dim3A_2041 = vector.shape_cast %squeeze3A_2040 : vector<32x1024xf32> to vector<1x32x1024xf32>
    %slice3A_2042 = vector.extract_strided_slice %concatenate3A {offsets = [23, 0, 0], sizes = [1, 32, 1024], strides = [1, 1, 1]} : vector<27x32x1024xf32> to vector<1x32x1024xf32>
    %squeeze3A_2043 = vector.shape_cast %slice3A_2042 : vector<1x32x1024xf32> to vector<32x1024xf32>
    %broadcast_in_dim3A_2044 = vector.shape_cast %squeeze3A_2043 : vector<32x1024xf32> to vector<1x32x1024xf32>
    %slice3A_2045 = vector.extract_strided_slice %concatenate3A {offsets = [24, 0, 0], sizes = [1, 32, 1024], strides = [1, 1, 1]} : vector<27x32x1024xf32> to vector<1x32x1024xf32>
    %squeeze3A_2046 = vector.shape_cast %slice3A_2045 : vector<1x32x1024xf32> to vector<32x1024xf32>
    %broadcast_in_dim3A_2047 = vector.shape_cast %squeeze3A_2046 : vector<32x1024xf32> to vector<1x32x1024xf32>
    %concatenate3A_2048 = tpu.concatenate %broadcast_in_dim3A_2026, %broadcast_in_dim3A_2029, %broadcast_in_dim3A_2032, %broadcast_in_dim3A_2035, %broadcast_in_dim3A_2038, %broadcast_in_dim3A_2041, %broadcast_in_dim3A_2044, %broadcast_in_dim3A_2047 in 0 : vector<1x32x1024xf32>, vector<1x32x1024xf32>, vector<1x32x1024xf32>, vector<1x32x1024xf32>, vector<1x32x1024xf32>, vector<1x32x1024xf32>, vector<1x32x1024xf32>, vector<1x32x1024xf32> -> vector<8x32x1024xf32>
    %mul3A_2049 = arith.mulf %concatenate3A_2023, %concatenate3A_2048 : vector<8x32x1024xf32>
    %reduce_sum3A_2050 = arith.constant dense<0.000000e+00> : vector<8x1024xf32>
    %reduce_sum3A_2051 = vector.multi_reduction <add>, %mul3A_2049, %reduce_sum3A_2050 [1] : vector<8x32x1024xf32> to vector<8x1024xf32>
    %slice3A_2052 = vector.extract_strided_slice %concatenate3A {offsets = [16, 0, 0], sizes = [1, 32, 1024], strides = [1, 1, 1]} : vector<27x32x1024xf32> to vector<1x32x1024xf32>
    %squeeze3A_2053 = vector.shape_cast %slice3A_2052 : vector<1x32x1024xf32> to vector<32x1024xf32>
    %broadcast_in_dim3A_2054 = vector.shape_cast %squeeze3A_2053 : vector<32x1024xf32> to vector<1x32x1024xf32>
    %slice3A_2055 = vector.extract_strided_slice %concatenate3A {offsets = [16, 0, 0], sizes = [1, 32, 1024], strides = [1, 1, 1]} : vector<27x32x1024xf32> to vector<1x32x1024xf32>
    %squeeze3A_2056 = vector.shape_cast %slice3A_2055 : vector<1x32x1024xf32> to vector<32x1024xf32>
    %broadcast_in_dim3A_2057 = vector.shape_cast %squeeze3A_2056 : vector<32x1024xf32> to vector<1x32x1024xf32>
    %slice3A_2058 = vector.extract_strided_slice %concatenate3A {offsets = [17, 0, 0], sizes = [1, 32, 1024], strides = [1, 1, 1]} : vector<27x32x1024xf32> to vector<1x32x1024xf32>
    %squeeze3A_2059 = vector.shape_cast %slice3A_2058 : vector<1x32x1024xf32> to vector<32x1024xf32>
    %broadcast_in_dim3A_2060 = vector.shape_cast %squeeze3A_2059 : vector<32x1024xf32> to vector<1x32x1024xf32>
    %slice3A_2061 = vector.extract_strided_slice %concatenate3A {offsets = [17, 0, 0], sizes = [1, 32, 1024], strides = [1, 1, 1]} : vector<27x32x1024xf32> to vector<1x32x1024xf32>
    %squeeze3A_2062 = vector.shape_cast %slice3A_2061 : vector<1x32x1024xf32> to vector<32x1024xf32>
    %broadcast_in_dim3A_2063 = vector.shape_cast %squeeze3A_2062 : vector<32x1024xf32> to vector<1x32x1024xf32>
    %slice3A_2064 = vector.extract_strided_slice %concatenate3A {offsets = [17, 0, 0], sizes = [1, 32, 1024], strides = [1, 1, 1]} : vector<27x32x1024xf32> to vector<1x32x1024xf32>
    %squeeze3A_2065 = vector.shape_cast %slice3A_2064 : vector<1x32x1024xf32> to vector<32x1024xf32>
    %broadcast_in_dim3A_2066 = vector.shape_cast %squeeze3A_2065 : vector<32x1024xf32> to vector<1x32x1024xf32>
    %slice3A_2067 = vector.extract_strided_slice %concatenate3A {offsets = [17, 0, 0], sizes = [1, 32, 1024], strides = [1, 1, 1]} : vector<27x32x1024xf32> to vector<1x32x1024xf32>
    %squeeze3A_2068 = vector.shape_cast %slice3A_2067 : vector<1x32x1024xf32> to vector<32x1024xf32>
    %broadcast_in_dim3A_2069 = vector.shape_cast %squeeze3A_2068 : vector<32x1024xf32> to vector<1x32x1024xf32>
    %slice3A_2070 = vector.extract_strided_slice %concatenate3A {offsets = [17, 0, 0], sizes = [1, 32, 1024], strides = [1, 1, 1]} : vector<27x32x1024xf32> to vector<1x32x1024xf32>
    %squeeze3A_2071 = vector.shape_cast %slice3A_2070 : vector<1x32x1024xf32> to vector<32x1024xf32>
    %broadcast_in_dim3A_2072 = vector.shape_cast %squeeze3A_2071 : vector<32x1024xf32> to vector<1x32x1024xf32>
    %slice3A_2073 = vector.extract_strided_slice %concatenate3A {offsets = [17, 0, 0], sizes = [1, 32, 1024], strides = [1, 1, 1]} : vector<27x32x1024xf32> to vector<1x32x1024xf32>
    %squeeze3A_2074 = vector.shape_cast %slice3A_2073 : vector<1x32x1024xf32> to vector<32x1024xf32>
    %broadcast_in_dim3A_2075 = vector.shape_cast %squeeze3A_2074 : vector<32x1024xf32> to vector<1x32x1024xf32>
    %concatenate3A_2076 = tpu.concatenate %broadcast_in_dim3A_2054, %broadcast_in_dim3A_2057, %broadcast_in_dim3A_2060, %broadcast_in_dim3A_2063, %broadcast_in_dim3A_2066, %broadcast_in_dim3A_2069, %broadcast_in_dim3A_2072, %broadcast_in_dim3A_2075 in 0 : vector<1x32x1024xf32>, vector<1x32x1024xf32>, vector<1x32x1024xf32>, vector<1x32x1024xf32>, vector<1x32x1024xf32>, vector<1x32x1024xf32>, vector<1x32x1024xf32>, vector<1x32x1024xf32> -> vector<8x32x1024xf32>
    %slice3A_2077 = vector.extract_strided_slice %concatenate3A {offsets = [25, 0, 0], sizes = [1, 32, 1024], strides = [1, 1, 1]} : vector<27x32x1024xf32> to vector<1x32x1024xf32>
    %squeeze3A_2078 = vector.shape_cast %slice3A_2077 : vector<1x32x1024xf32> to vector<32x1024xf32>
    %broadcast_in_dim3A_2079 = vector.shape_cast %squeeze3A_2078 : vector<32x1024xf32> to vector<1x32x1024xf32>
    %slice3A_2080 = vector.extract_strided_slice %concatenate3A {offsets = [26, 0, 0], sizes = [1, 32, 1024], strides = [1, 1, 1]} : vector<27x32x1024xf32> to vector<1x32x1024xf32>
    %squeeze3A_2081 = vector.shape_cast %slice3A_2080 : vector<1x32x1024xf32> to vector<32x1024xf32>
    %broadcast_in_dim3A_2082 = vector.shape_cast %squeeze3A_2081 : vector<32x1024xf32> to vector<1x32x1024xf32>
    %slice3A_2083 = vector.extract_strided_slice %concatenate3A {offsets = [18, 0, 0], sizes = [1, 32, 1024], strides = [1, 1, 1]} : vector<27x32x1024xf32> to vector<1x32x1024xf32>
    %squeeze3A_2084 = vector.shape_cast %slice3A_2083 : vector<1x32x1024xf32> to vector<32x1024xf32>
    %broadcast_in_dim3A_2085 = vector.shape_cast %squeeze3A_2084 : vector<32x1024xf32> to vector<1x32x1024xf32>
    %slice3A_2086 = vector.extract_strided_slice %concatenate3A {offsets = [19, 0, 0], sizes = [1, 32, 1024], strides = [1, 1, 1]} : vector<27x32x1024xf32> to vector<1x32x1024xf32>
    %squeeze3A_2087 = vector.shape_cast %slice3A_2086 : vector<1x32x1024xf32> to vector<32x1024xf32>
    %broadcast_in_dim3A_2088 = vector.shape_cast %squeeze3A_2087 : vector<32x1024xf32> to vector<1x32x1024xf32>
    %slice3A_2089 = vector.extract_strided_slice %concatenate3A {offsets = [20, 0, 0], sizes = [1, 32, 1024], strides = [1, 1, 1]} : vector<27x32x1024xf32> to vector<1x32x1024xf32>
    %squeeze3A_2090 = vector.shape_cast %slice3A_2089 : vector<1x32x1024xf32> to vector<32x1024xf32>
    %broadcast_in_dim3A_2091 = vector.shape_cast %squeeze3A_2090 : vector<32x1024xf32> to vector<1x32x1024xf32>
    %slice3A_2092 = vector.extract_strided_slice %concatenate3A {offsets = [21, 0, 0], sizes = [1, 32, 1024], strides = [1, 1, 1]} : vector<27x32x1024xf32> to vector<1x32x1024xf32>
    %squeeze3A_2093 = vector.shape_cast %slice3A_2092 : vector<1x32x1024xf32> to vector<32x1024xf32>
    %broadcast_in_dim3A_2094 = vector.shape_cast %squeeze3A_2093 : vector<32x1024xf32> to vector<1x32x1024xf32>
    %slice3A_2095 = vector.extract_strided_slice %concatenate3A {offsets = [22, 0, 0], sizes = [1, 32, 1024], strides = [1, 1, 1]} : vector<27x32x1024xf32> to vector<1x32x1024xf32>
    %squeeze3A_2096 = vector.shape_cast %slice3A_2095 : vector<1x32x1024xf32> to vector<32x1024xf32>
    %broadcast_in_dim3A_2097 = vector.shape_cast %squeeze3A_2096 : vector<32x1024xf32> to vector<1x32x1024xf32>
    %slice3A_2098 = vector.extract_strided_slice %concatenate3A {offsets = [23, 0, 0], sizes = [1, 32, 1024], strides = [1, 1, 1]} : vector<27x32x1024xf32> to vector<1x32x1024xf32>
    %squeeze3A_2099 = vector.shape_cast %slice3A_2098 : vector<1x32x1024xf32> to vector<32x1024xf32>
    %broadcast_in_dim3A_2100 = vector.shape_cast %squeeze3A_2099 : vector<32x1024xf32> to vector<1x32x1024xf32>
    %concatenate3A_2101 = tpu.concatenate %broadcast_in_dim3A_2079, %broadcast_in_dim3A_2082, %broadcast_in_dim3A_2085, %broadcast_in_dim3A_2088, %broadcast_in_dim3A_2091, %broadcast_in_dim3A_2094, %broadcast_in_dim3A_2097, %broadcast_in_dim3A_2100 in 0 : vector<1x32x1024xf32>, vector<1x32x1024xf32>, vector<1x32x1024xf32>, vector<1x32x1024xf32>, vector<1x32x1024xf32>, vector<1x32x1024xf32>, vector<1x32x1024xf32>, vector<1x32x1024xf32> -> vector<8x32x1024xf32>
    %mul3A_2102 = arith.mulf %concatenate3A_2076, %concatenate3A_2101 : vector<8x32x1024xf32>
    %reduce_sum3A_2103 = arith.constant dense<0.000000e+00> : vector<8x1024xf32>
    %reduce_sum3A_2104 = vector.multi_reduction <add>, %mul3A_2102, %reduce_sum3A_2103 [1] : vector<8x32x1024xf32> to vector<8x1024xf32>
    %slice3A_2105 = vector.extract_strided_slice %concatenate3A {offsets = [17, 0, 0], sizes = [1, 32, 1024], strides = [1, 1, 1]} : vector<27x32x1024xf32> to vector<1x32x1024xf32>
    %squeeze3A_2106 = vector.shape_cast %slice3A_2105 : vector<1x32x1024xf32> to vector<32x1024xf32>
    %broadcast_in_dim3A_2107 = vector.shape_cast %squeeze3A_2106 : vector<32x1024xf32> to vector<1x32x1024xf32>
    %slice3A_2108 = vector.extract_strided_slice %concatenate3A {offsets = [17, 0, 0], sizes = [1, 32, 1024], strides = [1, 1, 1]} : vector<27x32x1024xf32> to vector<1x32x1024xf32>
    %squeeze3A_2109 = vector.shape_cast %slice3A_2108 : vector<1x32x1024xf32> to vector<32x1024xf32>
    %broadcast_in_dim3A_2110 = vector.shape_cast %squeeze3A_2109 : vector<32x1024xf32> to vector<1x32x1024xf32>
    %slice3A_2111 = vector.extract_strided_slice %concatenate3A {offsets = [17, 0, 0], sizes = [1, 32, 1024], strides = [1, 1, 1]} : vector<27x32x1024xf32> to vector<1x32x1024xf32>
    %squeeze3A_2112 = vector.shape_cast %slice3A_2111 : vector<1x32x1024xf32> to vector<32x1024xf32>
    %broadcast_in_dim3A_2113 = vector.shape_cast %squeeze3A_2112 : vector<32x1024xf32> to vector<1x32x1024xf32>
    %slice3A_2114 = vector.extract_strided_slice %concatenate3A {offsets = [18, 0, 0], sizes = [1, 32, 1024], strides = [1, 1, 1]} : vector<27x32x1024xf32> to vector<1x32x1024xf32>
    %squeeze3A_2115 = vector.shape_cast %slice3A_2114 : vector<1x32x1024xf32> to vector<32x1024xf32>
    %broadcast_in_dim3A_2116 = vector.shape_cast %squeeze3A_2115 : vector<32x1024xf32> to vector<1x32x1024xf32>
    %slice3A_2117 = vector.extract_strided_slice %concatenate3A {offsets = [18, 0, 0], sizes = [1, 32, 1024], strides = [1, 1, 1]} : vector<27x32x1024xf32> to vector<1x32x1024xf32>
    %squeeze3A_2118 = vector.shape_cast %slice3A_2117 : vector<1x32x1024xf32> to vector<32x1024xf32>
    %broadcast_in_dim3A_2119 = vector.shape_cast %squeeze3A_2118 : vector<32x1024xf32> to vector<1x32x1024xf32>
    %slice3A_2120 = vector.extract_strided_slice %concatenate3A {offsets = [18, 0, 0], sizes = [1, 32, 1024], strides = [1, 1, 1]} : vector<27x32x1024xf32> to vector<1x32x1024xf32>
    %squeeze3A_2121 = vector.shape_cast %slice3A_2120 : vector<1x32x1024xf32> to vector<32x1024xf32>
    %broadcast_in_dim3A_2122 = vector.shape_cast %squeeze3A_2121 : vector<32x1024xf32> to vector<1x32x1024xf32>
    %slice3A_2123 = vector.extract_strided_slice %concatenate3A {offsets = [18, 0, 0], sizes = [1, 32, 1024], strides = [1, 1, 1]} : vector<27x32x1024xf32> to vector<1x32x1024xf32>
    %squeeze3A_2124 = vector.shape_cast %slice3A_2123 : vector<1x32x1024xf32> to vector<32x1024xf32>
    %broadcast_in_dim3A_2125 = vector.shape_cast %squeeze3A_2124 : vector<32x1024xf32> to vector<1x32x1024xf32>
    %slice3A_2126 = vector.extract_strided_slice %concatenate3A {offsets = [18, 0, 0], sizes = [1, 32, 1024], strides = [1, 1, 1]} : vector<27x32x1024xf32> to vector<1x32x1024xf32>
    %squeeze3A_2127 = vector.shape_cast %slice3A_2126 : vector<1x32x1024xf32> to vector<32x1024xf32>
    %broadcast_in_dim3A_2128 = vector.shape_cast %squeeze3A_2127 : vector<32x1024xf32> to vector<1x32x1024xf32>
    %concatenate3A_2129 = tpu.concatenate %broadcast_in_dim3A_2107, %broadcast_in_dim3A_2110, %broadcast_in_dim3A_2113, %broadcast_in_dim3A_2116, %broadcast_in_dim3A_2119, %broadcast_in_dim3A_2122, %broadcast_in_dim3A_2125, %broadcast_in_dim3A_2128 in 0 : vector<1x32x1024xf32>, vector<1x32x1024xf32>, vector<1x32x1024xf32>, vector<1x32x1024xf32>, vector<1x32x1024xf32>, vector<1x32x1024xf32>, vector<1x32x1024xf32>, vector<1x32x1024xf32> -> vector<8x32x1024xf32>
    %slice3A_2130 = vector.extract_strided_slice %concatenate3A {offsets = [24, 0, 0], sizes = [1, 32, 1024], strides = [1, 1, 1]} : vector<27x32x1024xf32> to vector<1x32x1024xf32>
    %squeeze3A_2131 = vector.shape_cast %slice3A_2130 : vector<1x32x1024xf32> to vector<32x1024xf32>
    %broadcast_in_dim3A_2132 = vector.shape_cast %squeeze3A_2131 : vector<32x1024xf32> to vector<1x32x1024xf32>
    %slice3A_2133 = vector.extract_strided_slice %concatenate3A {offsets = [25, 0, 0], sizes = [1, 32, 1024], strides = [1, 1, 1]} : vector<27x32x1024xf32> to vector<1x32x1024xf32>
    %squeeze3A_2134 = vector.shape_cast %slice3A_2133 : vector<1x32x1024xf32> to vector<32x1024xf32>
    %broadcast_in_dim3A_2135 = vector.shape_cast %squeeze3A_2134 : vector<32x1024xf32> to vector<1x32x1024xf32>
    %slice3A_2136 = vector.extract_strided_slice %concatenate3A {offsets = [26, 0, 0], sizes = [1, 32, 1024], strides = [1, 1, 1]} : vector<27x32x1024xf32> to vector<1x32x1024xf32>
    %squeeze3A_2137 = vector.shape_cast %slice3A_2136 : vector<1x32x1024xf32> to vector<32x1024xf32>
    %broadcast_in_dim3A_2138 = vector.shape_cast %squeeze3A_2137 : vector<32x1024xf32> to vector<1x32x1024xf32>
    %slice3A_2139 = vector.extract_strided_slice %concatenate3A {offsets = [19, 0, 0], sizes = [1, 32, 1024], strides = [1, 1, 1]} : vector<27x32x1024xf32> to vector<1x32x1024xf32>
    %squeeze3A_2140 = vector.shape_cast %slice3A_2139 : vector<1x32x1024xf32> to vector<32x1024xf32>
    %broadcast_in_dim3A_2141 = vector.shape_cast %squeeze3A_2140 : vector<32x1024xf32> to vector<1x32x1024xf32>
    %slice3A_2142 = vector.extract_strided_slice %concatenate3A {offsets = [20, 0, 0], sizes = [1, 32, 1024], strides = [1, 1, 1]} : vector<27x32x1024xf32> to vector<1x32x1024xf32>
    %squeeze3A_2143 = vector.shape_cast %slice3A_2142 : vector<1x32x1024xf32> to vector<32x1024xf32>
    %broadcast_in_dim3A_2144 = vector.shape_cast %squeeze3A_2143 : vector<32x1024xf32> to vector<1x32x1024xf32>
    %slice3A_2145 = vector.extract_strided_slice %concatenate3A {offsets = [21, 0, 0], sizes = [1, 32, 1024], strides = [1, 1, 1]} : vector<27x32x1024xf32> to vector<1x32x1024xf32>
    %squeeze3A_2146 = vector.shape_cast %slice3A_2145 : vector<1x32x1024xf32> to vector<32x1024xf32>
    %broadcast_in_dim3A_2147 = vector.shape_cast %squeeze3A_2146 : vector<32x1024xf32> to vector<1x32x1024xf32>
    %slice3A_2148 = vector.extract_strided_slice %concatenate3A {offsets = [22, 0, 0], sizes = [1, 32, 1024], strides = [1, 1, 1]} : vector<27x32x1024xf32> to vector<1x32x1024xf32>
    %squeeze3A_2149 = vector.shape_cast %slice3A_2148 : vector<1x32x1024xf32> to vector<32x1024xf32>
    %broadcast_in_dim3A_2150 = vector.shape_cast %squeeze3A_2149 : vector<32x1024xf32> to vector<1x32x1024xf32>
    %slice3A_2151 = vector.extract_strided_slice %concatenate3A {offsets = [23, 0, 0], sizes = [1, 32, 1024], strides = [1, 1, 1]} : vector<27x32x1024xf32> to vector<1x32x1024xf32>
    %squeeze3A_2152 = vector.shape_cast %slice3A_2151 : vector<1x32x1024xf32> to vector<32x1024xf32>
    %broadcast_in_dim3A_2153 = vector.shape_cast %squeeze3A_2152 : vector<32x1024xf32> to vector<1x32x1024xf32>
    %concatenate3A_2154 = tpu.concatenate %broadcast_in_dim3A_2132, %broadcast_in_dim3A_2135, %broadcast_in_dim3A_2138, %broadcast_in_dim3A_2141, %broadcast_in_dim3A_2144, %broadcast_in_dim3A_2147, %broadcast_in_dim3A_2150, %broadcast_in_dim3A_2153 in 0 : vector<1x32x1024xf32>, vector<1x32x1024xf32>, vector<1x32x1024xf32>, vector<1x32x1024xf32>, vector<1x32x1024xf32>, vector<1x32x1024xf32>, vector<1x32x1024xf32>, vector<1x32x1024xf32> -> vector<8x32x1024xf32>
    %mul3A_2155 = arith.mulf %concatenate3A_2129, %concatenate3A_2154 : vector<8x32x1024xf32>
    %reduce_sum3A_2156 = arith.constant dense<0.000000e+00> : vector<8x1024xf32>
    %reduce_sum3A_2157 = vector.multi_reduction <add>, %mul3A_2155, %reduce_sum3A_2156 [1] : vector<8x32x1024xf32> to vector<8x1024xf32>
    %slice3A_2158 = vector.extract_strided_slice %concatenate3A {offsets = [18, 0, 0], sizes = [1, 32, 1024], strides = [1, 1, 1]} : vector<27x32x1024xf32> to vector<1x32x1024xf32>
    %squeeze3A_2159 = vector.shape_cast %slice3A_2158 : vector<1x32x1024xf32> to vector<32x1024xf32>
    %broadcast_in_dim3A_2160 = vector.shape_cast %squeeze3A_2159 : vector<32x1024xf32> to vector<1x32x1024xf32>
    %slice3A_2161 = vector.extract_strided_slice %concatenate3A {offsets = [18, 0, 0], sizes = [1, 32, 1024], strides = [1, 1, 1]} : vector<27x32x1024xf32> to vector<1x32x1024xf32>
    %squeeze3A_2162 = vector.shape_cast %slice3A_2161 : vector<1x32x1024xf32> to vector<32x1024xf32>
    %broadcast_in_dim3A_2163 = vector.shape_cast %squeeze3A_2162 : vector<32x1024xf32> to vector<1x32x1024xf32>
    %slice3A_2164 = vector.extract_strided_slice %concatenate3A {offsets = [18, 0, 0], sizes = [1, 32, 1024], strides = [1, 1, 1]} : vector<27x32x1024xf32> to vector<1x32x1024xf32>
    %squeeze3A_2165 = vector.shape_cast %slice3A_2164 : vector<1x32x1024xf32> to vector<32x1024xf32>
    %broadcast_in_dim3A_2166 = vector.shape_cast %squeeze3A_2165 : vector<32x1024xf32> to vector<1x32x1024xf32>
    %slice3A_2167 = vector.extract_strided_slice %concatenate3A {offsets = [19, 0, 0], sizes = [1, 32, 1024], strides = [1, 1, 1]} : vector<27x32x1024xf32> to vector<1x32x1024xf32>
    %squeeze3A_2168 = vector.shape_cast %slice3A_2167 : vector<1x32x1024xf32> to vector<32x1024xf32>
    %broadcast_in_dim3A_2169 = vector.shape_cast %squeeze3A_2168 : vector<32x1024xf32> to vector<1x32x1024xf32>
    %slice3A_2170 = vector.extract_strided_slice %concatenate3A {offsets = [19, 0, 0], sizes = [1, 32, 1024], strides = [1, 1, 1]} : vector<27x32x1024xf32> to vector<1x32x1024xf32>
    %squeeze3A_2171 = vector.shape_cast %slice3A_2170 : vector<1x32x1024xf32> to vector<32x1024xf32>
    %broadcast_in_dim3A_2172 = vector.shape_cast %squeeze3A_2171 : vector<32x1024xf32> to vector<1x32x1024xf32>
    %slice3A_2173 = vector.extract_strided_slice %concatenate3A {offsets = [19, 0, 0], sizes = [1, 32, 1024], strides = [1, 1, 1]} : vector<27x32x1024xf32> to vector<1x32x1024xf32>
    %squeeze3A_2174 = vector.shape_cast %slice3A_2173 : vector<1x32x1024xf32> to vector<32x1024xf32>
    %broadcast_in_dim3A_2175 = vector.shape_cast %squeeze3A_2174 : vector<32x1024xf32> to vector<1x32x1024xf32>
    %slice3A_2176 = vector.extract_strided_slice %concatenate3A {offsets = [19, 0, 0], sizes = [1, 32, 1024], strides = [1, 1, 1]} : vector<27x32x1024xf32> to vector<1x32x1024xf32>
    %squeeze3A_2177 = vector.shape_cast %slice3A_2176 : vector<1x32x1024xf32> to vector<32x1024xf32>
    %broadcast_in_dim3A_2178 = vector.shape_cast %squeeze3A_2177 : vector<32x1024xf32> to vector<1x32x1024xf32>
    %slice3A_2179 = vector.extract_strided_slice %concatenate3A {offsets = [19, 0, 0], sizes = [1, 32, 1024], strides = [1, 1, 1]} : vector<27x32x1024xf32> to vector<1x32x1024xf32>
    %squeeze3A_2180 = vector.shape_cast %slice3A_2179 : vector<1x32x1024xf32> to vector<32x1024xf32>
    %broadcast_in_dim3A_2181 = vector.shape_cast %squeeze3A_2180 : vector<32x1024xf32> to vector<1x32x1024xf32>
    %concatenate3A_2182 = tpu.concatenate %broadcast_in_dim3A_2160, %broadcast_in_dim3A_2163, %broadcast_in_dim3A_2166, %broadcast_in_dim3A_2169, %broadcast_in_dim3A_2172, %broadcast_in_dim3A_2175, %broadcast_in_dim3A_2178, %broadcast_in_dim3A_2181 in 0 : vector<1x32x1024xf32>, vector<1x32x1024xf32>, vector<1x32x1024xf32>, vector<1x32x1024xf32>, vector<1x32x1024xf32>, vector<1x32x1024xf32>, vector<1x32x1024xf32>, vector<1x32x1024xf32> -> vector<8x32x1024xf32>
    %slice3A_2183 = vector.extract_strided_slice %concatenate3A {offsets = [24, 0, 0], sizes = [1, 32, 1024], strides = [1, 1, 1]} : vector<27x32x1024xf32> to vector<1x32x1024xf32>
    %squeeze3A_2184 = vector.shape_cast %slice3A_2183 : vector<1x32x1024xf32> to vector<32x1024xf32>
    %broadcast_in_dim3A_2185 = vector.shape_cast %squeeze3A_2184 : vector<32x1024xf32> to vector<1x32x1024xf32>
    %slice3A_2186 = vector.extract_strided_slice %concatenate3A {offsets = [25, 0, 0], sizes = [1, 32, 1024], strides = [1, 1, 1]} : vector<27x32x1024xf32> to vector<1x32x1024xf32>
    %squeeze3A_2187 = vector.shape_cast %slice3A_2186 : vector<1x32x1024xf32> to vector<32x1024xf32>
    %broadcast_in_dim3A_2188 = vector.shape_cast %squeeze3A_2187 : vector<32x1024xf32> to vector<1x32x1024xf32>
    %slice3A_2189 = vector.extract_strided_slice %concatenate3A {offsets = [26, 0, 0], sizes = [1, 32, 1024], strides = [1, 1, 1]} : vector<27x32x1024xf32> to vector<1x32x1024xf32>
    %squeeze3A_2190 = vector.shape_cast %slice3A_2189 : vector<1x32x1024xf32> to vector<32x1024xf32>
    %broadcast_in_dim3A_2191 = vector.shape_cast %squeeze3A_2190 : vector<32x1024xf32> to vector<1x32x1024xf32>
    %slice3A_2192 = vector.extract_strided_slice %concatenate3A {offsets = [20, 0, 0], sizes = [1, 32, 1024], strides = [1, 1, 1]} : vector<27x32x1024xf32> to vector<1x32x1024xf32>
    %squeeze3A_2193 = vector.shape_cast %slice3A_2192 : vector<1x32x1024xf32> to vector<32x1024xf32>
    %broadcast_in_dim3A_2194 = vector.shape_cast %squeeze3A_2193 : vector<32x1024xf32> to vector<1x32x1024xf32>
    %slice3A_2195 = vector.extract_strided_slice %concatenate3A {offsets = [21, 0, 0], sizes = [1, 32, 1024], strides = [1, 1, 1]} : vector<27x32x1024xf32> to vector<1x32x1024xf32>
    %squeeze3A_2196 = vector.shape_cast %slice3A_2195 : vector<1x32x1024xf32> to vector<32x1024xf32>
    %broadcast_in_dim3A_2197 = vector.shape_cast %squeeze3A_2196 : vector<32x1024xf32> to vector<1x32x1024xf32>
    %slice3A_2198 = vector.extract_strided_slice %concatenate3A {offsets = [22, 0, 0], sizes = [1, 32, 1024], strides = [1, 1, 1]} : vector<27x32x1024xf32> to vector<1x32x1024xf32>
    %squeeze3A_2199 = vector.shape_cast %slice3A_2198 : vector<1x32x1024xf32> to vector<32x1024xf32>
    %broadcast_in_dim3A_2200 = vector.shape_cast %squeeze3A_2199 : vector<32x1024xf32> to vector<1x32x1024xf32>
    %slice3A_2201 = vector.extract_strided_slice %concatenate3A {offsets = [23, 0, 0], sizes = [1, 32, 1024], strides = [1, 1, 1]} : vector<27x32x1024xf32> to vector<1x32x1024xf32>
    %squeeze3A_2202 = vector.shape_cast %slice3A_2201 : vector<1x32x1024xf32> to vector<32x1024xf32>
    %broadcast_in_dim3A_2203 = vector.shape_cast %squeeze3A_2202 : vector<32x1024xf32> to vector<1x32x1024xf32>
    %slice3A_2204 = vector.extract_strided_slice %concatenate3A {offsets = [24, 0, 0], sizes = [1, 32, 1024], strides = [1, 1, 1]} : vector<27x32x1024xf32> to vector<1x32x1024xf32>
    %squeeze3A_2205 = vector.shape_cast %slice3A_2204 : vector<1x32x1024xf32> to vector<32x1024xf32>
    %broadcast_in_dim3A_2206 = vector.shape_cast %squeeze3A_2205 : vector<32x1024xf32> to vector<1x32x1024xf32>
    %concatenate3A_2207 = tpu.concatenate %broadcast_in_dim3A_2185, %broadcast_in_dim3A_2188, %broadcast_in_dim3A_2191, %broadcast_in_dim3A_2194, %broadcast_in_dim3A_2197, %broadcast_in_dim3A_2200, %broadcast_in_dim3A_2203, %broadcast_in_dim3A_2206 in 0 : vector<1x32x1024xf32>, vector<1x32x1024xf32>, vector<1x32x1024xf32>, vector<1x32x1024xf32>, vector<1x32x1024xf32>, vector<1x32x1024xf32>, vector<1x32x1024xf32>, vector<1x32x1024xf32> -> vector<8x32x1024xf32>
    %mul3A_2208 = arith.mulf %concatenate3A_2182, %concatenate3A_2207 : vector<8x32x1024xf32>
    %reduce_sum3A_2209 = arith.constant dense<0.000000e+00> : vector<8x1024xf32>
    %reduce_sum3A_2210 = vector.multi_reduction <add>, %mul3A_2208, %reduce_sum3A_2209 [1] : vector<8x32x1024xf32> to vector<8x1024xf32>
    %slice3A_2211 = vector.extract_strided_slice %concatenate3A {offsets = [19, 0, 0], sizes = [1, 32, 1024], strides = [1, 1, 1]} : vector<27x32x1024xf32> to vector<1x32x1024xf32>
    %squeeze3A_2212 = vector.shape_cast %slice3A_2211 : vector<1x32x1024xf32> to vector<32x1024xf32>
    %broadcast_in_dim3A_2213 = vector.shape_cast %squeeze3A_2212 : vector<32x1024xf32> to vector<1x32x1024xf32>
    %slice3A_2214 = vector.extract_strided_slice %concatenate3A {offsets = [19, 0, 0], sizes = [1, 32, 1024], strides = [1, 1, 1]} : vector<27x32x1024xf32> to vector<1x32x1024xf32>
    %squeeze3A_2215 = vector.shape_cast %slice3A_2214 : vector<1x32x1024xf32> to vector<32x1024xf32>
    %broadcast_in_dim3A_2216 = vector.shape_cast %squeeze3A_2215 : vector<32x1024xf32> to vector<1x32x1024xf32>
    %slice3A_2217 = vector.extract_strided_slice %concatenate3A {offsets = [20, 0, 0], sizes = [1, 32, 1024], strides = [1, 1, 1]} : vector<27x32x1024xf32> to vector<1x32x1024xf32>
    %squeeze3A_2218 = vector.shape_cast %slice3A_2217 : vector<1x32x1024xf32> to vector<32x1024xf32>
    %broadcast_in_dim3A_2219 = vector.shape_cast %squeeze3A_2218 : vector<32x1024xf32> to vector<1x32x1024xf32>
    %slice3A_2220 = vector.extract_strided_slice %concatenate3A {offsets = [20, 0, 0], sizes = [1, 32, 1024], strides = [1, 1, 1]} : vector<27x32x1024xf32> to vector<1x32x1024xf32>
    %squeeze3A_2221 = vector.shape_cast %slice3A_2220 : vector<1x32x1024xf32> to vector<32x1024xf32>
    %broadcast_in_dim3A_2222 = vector.shape_cast %squeeze3A_2221 : vector<32x1024xf32> to vector<1x32x1024xf32>
    %slice3A_2223 = vector.extract_strided_slice %concatenate3A {offsets = [20, 0, 0], sizes = [1, 32, 1024], strides = [1, 1, 1]} : vector<27x32x1024xf32> to vector<1x32x1024xf32>
    %squeeze3A_2224 = vector.shape_cast %slice3A_2223 : vector<1x32x1024xf32> to vector<32x1024xf32>
    %broadcast_in_dim3A_2225 = vector.shape_cast %squeeze3A_2224 : vector<32x1024xf32> to vector<1x32x1024xf32>
    %slice3A_2226 = vector.extract_strided_slice %concatenate3A {offsets = [20, 0, 0], sizes = [1, 32, 1024], strides = [1, 1, 1]} : vector<27x32x1024xf32> to vector<1x32x1024xf32>
    %squeeze3A_2227 = vector.shape_cast %slice3A_2226 : vector<1x32x1024xf32> to vector<32x1024xf32>
    %broadcast_in_dim3A_2228 = vector.shape_cast %squeeze3A_2227 : vector<32x1024xf32> to vector<1x32x1024xf32>
    %slice3A_2229 = vector.extract_strided_slice %concatenate3A {offsets = [20, 0, 0], sizes = [1, 32, 1024], strides = [1, 1, 1]} : vector<27x32x1024xf32> to vector<1x32x1024xf32>
    %squeeze3A_2230 = vector.shape_cast %slice3A_2229 : vector<1x32x1024xf32> to vector<32x1024xf32>
    %broadcast_in_dim3A_2231 = vector.shape_cast %squeeze3A_2230 : vector<32x1024xf32> to vector<1x32x1024xf32>
    %slice3A_2232 = vector.extract_strided_slice %concatenate3A {offsets = [20, 0, 0], sizes = [1, 32, 1024], strides = [1, 1, 1]} : vector<27x32x1024xf32> to vector<1x32x1024xf32>
    %squeeze3A_2233 = vector.shape_cast %slice3A_2232 : vector<1x32x1024xf32> to vector<32x1024xf32>
    %broadcast_in_dim3A_2234 = vector.shape_cast %squeeze3A_2233 : vector<32x1024xf32> to vector<1x32x1024xf32>
    %concatenate3A_2235 = tpu.concatenate %broadcast_in_dim3A_2213, %broadcast_in_dim3A_2216, %broadcast_in_dim3A_2219, %broadcast_in_dim3A_2222, %broadcast_in_dim3A_2225, %broadcast_in_dim3A_2228, %broadcast_in_dim3A_2231, %broadcast_in_dim3A_2234 in 0 : vector<1x32x1024xf32>, vector<1x32x1024xf32>, vector<1x32x1024xf32>, vector<1x32x1024xf32>, vector<1x32x1024xf32>, vector<1x32x1024xf32>, vector<1x32x1024xf32>, vector<1x32x1024xf32> -> vector<8x32x1024xf32>
    %slice3A_2236 = vector.extract_strided_slice %concatenate3A {offsets = [25, 0, 0], sizes = [1, 32, 1024], strides = [1, 1, 1]} : vector<27x32x1024xf32> to vector<1x32x1024xf32>
    %squeeze3A_2237 = vector.shape_cast %slice3A_2236 : vector<1x32x1024xf32> to vector<32x1024xf32>
    %broadcast_in_dim3A_2238 = vector.shape_cast %squeeze3A_2237 : vector<32x1024xf32> to vector<1x32x1024xf32>
    %slice3A_2239 = vector.extract_strided_slice %concatenate3A {offsets = [26, 0, 0], sizes = [1, 32, 1024], strides = [1, 1, 1]} : vector<27x32x1024xf32> to vector<1x32x1024xf32>
    %squeeze3A_2240 = vector.shape_cast %slice3A_2239 : vector<1x32x1024xf32> to vector<32x1024xf32>
    %broadcast_in_dim3A_2241 = vector.shape_cast %squeeze3A_2240 : vector<32x1024xf32> to vector<1x32x1024xf32>
    %slice3A_2242 = vector.extract_strided_slice %concatenate3A {offsets = [21, 0, 0], sizes = [1, 32, 1024], strides = [1, 1, 1]} : vector<27x32x1024xf32> to vector<1x32x1024xf32>
    %squeeze3A_2243 = vector.shape_cast %slice3A_2242 : vector<1x32x1024xf32> to vector<32x1024xf32>
    %broadcast_in_dim3A_2244 = vector.shape_cast %squeeze3A_2243 : vector<32x1024xf32> to vector<1x32x1024xf32>
    %slice3A_2245 = vector.extract_strided_slice %concatenate3A {offsets = [22, 0, 0], sizes = [1, 32, 1024], strides = [1, 1, 1]} : vector<27x32x1024xf32> to vector<1x32x1024xf32>
    %squeeze3A_2246 = vector.shape_cast %slice3A_2245 : vector<1x32x1024xf32> to vector<32x1024xf32>
    %broadcast_in_dim3A_2247 = vector.shape_cast %squeeze3A_2246 : vector<32x1024xf32> to vector<1x32x1024xf32>
    %slice3A_2248 = vector.extract_strided_slice %concatenate3A {offsets = [23, 0, 0], sizes = [1, 32, 1024], strides = [1, 1, 1]} : vector<27x32x1024xf32> to vector<1x32x1024xf32>
    %squeeze3A_2249 = vector.shape_cast %slice3A_2248 : vector<1x32x1024xf32> to vector<32x1024xf32>
    %broadcast_in_dim3A_2250 = vector.shape_cast %squeeze3A_2249 : vector<32x1024xf32> to vector<1x32x1024xf32>
    %slice3A_2251 = vector.extract_strided_slice %concatenate3A {offsets = [24, 0, 0], sizes = [1, 32, 1024], strides = [1, 1, 1]} : vector<27x32x1024xf32> to vector<1x32x1024xf32>
    %squeeze3A_2252 = vector.shape_cast %slice3A_2251 : vector<1x32x1024xf32> to vector<32x1024xf32>
    %broadcast_in_dim3A_2253 = vector.shape_cast %squeeze3A_2252 : vector<32x1024xf32> to vector<1x32x1024xf32>
    %slice3A_2254 = vector.extract_strided_slice %concatenate3A {offsets = [25, 0, 0], sizes = [1, 32, 1024], strides = [1, 1, 1]} : vector<27x32x1024xf32> to vector<1x32x1024xf32>
    %squeeze3A_2255 = vector.shape_cast %slice3A_2254 : vector<1x32x1024xf32> to vector<32x1024xf32>
    %broadcast_in_dim3A_2256 = vector.shape_cast %squeeze3A_2255 : vector<32x1024xf32> to vector<1x32x1024xf32>
    %slice3A_2257 = vector.extract_strided_slice %concatenate3A {offsets = [26, 0, 0], sizes = [1, 32, 1024], strides = [1, 1, 1]} : vector<27x32x1024xf32> to vector<1x32x1024xf32>
    %squeeze3A_2258 = vector.shape_cast %slice3A_2257 : vector<1x32x1024xf32> to vector<32x1024xf32>
    %broadcast_in_dim3A_2259 = vector.shape_cast %squeeze3A_2258 : vector<32x1024xf32> to vector<1x32x1024xf32>
    %concatenate3A_2260 = tpu.concatenate %broadcast_in_dim3A_2238, %broadcast_in_dim3A_2241, %broadcast_in_dim3A_2244, %broadcast_in_dim3A_2247, %broadcast_in_dim3A_2250, %broadcast_in_dim3A_2253, %broadcast_in_dim3A_2256, %broadcast_in_dim3A_2259 in 0 : vector<1x32x1024xf32>, vector<1x32x1024xf32>, vector<1x32x1024xf32>, vector<1x32x1024xf32>, vector<1x32x1024xf32>, vector<1x32x1024xf32>, vector<1x32x1024xf32>, vector<1x32x1024xf32> -> vector<8x32x1024xf32>
    %mul3A_2261 = arith.mulf %concatenate3A_2235, %concatenate3A_2260 : vector<8x32x1024xf32>
    %reduce_sum3A_2262 = arith.constant dense<0.000000e+00> : vector<8x1024xf32>
    %reduce_sum3A_2263 = vector.multi_reduction <add>, %mul3A_2261, %reduce_sum3A_2262 [1] : vector<8x32x1024xf32> to vector<8x1024xf32>
    %slice3A_2264 = vector.extract_strided_slice %concatenate3A {offsets = [21, 0, 0], sizes = [1, 32, 1024], strides = [1, 1, 1]} : vector<27x32x1024xf32> to vector<1x32x1024xf32>
    %squeeze3A_2265 = vector.shape_cast %slice3A_2264 : vector<1x32x1024xf32> to vector<32x1024xf32>
    %broadcast_in_dim3A_2266 = vector.shape_cast %squeeze3A_2265 : vector<32x1024xf32> to vector<1x32x1024xf32>
    %slice3A_2267 = vector.extract_strided_slice %concatenate3A {offsets = [21, 0, 0], sizes = [1, 32, 1024], strides = [1, 1, 1]} : vector<27x32x1024xf32> to vector<1x32x1024xf32>
    %squeeze3A_2268 = vector.shape_cast %slice3A_2267 : vector<1x32x1024xf32> to vector<32x1024xf32>
    %broadcast_in_dim3A_2269 = vector.shape_cast %squeeze3A_2268 : vector<32x1024xf32> to vector<1x32x1024xf32>
    %slice3A_2270 = vector.extract_strided_slice %concatenate3A {offsets = [21, 0, 0], sizes = [1, 32, 1024], strides = [1, 1, 1]} : vector<27x32x1024xf32> to vector<1x32x1024xf32>
    %squeeze3A_2271 = vector.shape_cast %slice3A_2270 : vector<1x32x1024xf32> to vector<32x1024xf32>
    %broadcast_in_dim3A_2272 = vector.shape_cast %squeeze3A_2271 : vector<32x1024xf32> to vector<1x32x1024xf32>
    %slice3A_2273 = vector.extract_strided_slice %concatenate3A {offsets = [21, 0, 0], sizes = [1, 32, 1024], strides = [1, 1, 1]} : vector<27x32x1024xf32> to vector<1x32x1024xf32>
    %squeeze3A_2274 = vector.shape_cast %slice3A_2273 : vector<1x32x1024xf32> to vector<32x1024xf32>
    %broadcast_in_dim3A_2275 = vector.shape_cast %squeeze3A_2274 : vector<32x1024xf32> to vector<1x32x1024xf32>
    %slice3A_2276 = vector.extract_strided_slice %concatenate3A {offsets = [21, 0, 0], sizes = [1, 32, 1024], strides = [1, 1, 1]} : vector<27x32x1024xf32> to vector<1x32x1024xf32>
    %squeeze3A_2277 = vector.shape_cast %slice3A_2276 : vector<1x32x1024xf32> to vector<32x1024xf32>
    %broadcast_in_dim3A_2278 = vector.shape_cast %squeeze3A_2277 : vector<32x1024xf32> to vector<1x32x1024xf32>
    %slice3A_2279 = vector.extract_strided_slice %concatenate3A {offsets = [22, 0, 0], sizes = [1, 32, 1024], strides = [1, 1, 1]} : vector<27x32x1024xf32> to vector<1x32x1024xf32>
    %squeeze3A_2280 = vector.shape_cast %slice3A_2279 : vector<1x32x1024xf32> to vector<32x1024xf32>
    %broadcast_in_dim3A_2281 = vector.shape_cast %squeeze3A_2280 : vector<32x1024xf32> to vector<1x32x1024xf32>
    %slice3A_2282 = vector.extract_strided_slice %concatenate3A {offsets = [22, 0, 0], sizes = [1, 32, 1024], strides = [1, 1, 1]} : vector<27x32x1024xf32> to vector<1x32x1024xf32>
    %squeeze3A_2283 = vector.shape_cast %slice3A_2282 : vector<1x32x1024xf32> to vector<32x1024xf32>
    %broadcast_in_dim3A_2284 = vector.shape_cast %squeeze3A_2283 : vector<32x1024xf32> to vector<1x32x1024xf32>
    %slice3A_2285 = vector.extract_strided_slice %concatenate3A {offsets = [22, 0, 0], sizes = [1, 32, 1024], strides = [1, 1, 1]} : vector<27x32x1024xf32> to vector<1x32x1024xf32>
    %squeeze3A_2286 = vector.shape_cast %slice3A_2285 : vector<1x32x1024xf32> to vector<32x1024xf32>
    %broadcast_in_dim3A_2287 = vector.shape_cast %squeeze3A_2286 : vector<32x1024xf32> to vector<1x32x1024xf32>
    %concatenate3A_2288 = tpu.concatenate %broadcast_in_dim3A_2266, %broadcast_in_dim3A_2269, %broadcast_in_dim3A_2272, %broadcast_in_dim3A_2275, %broadcast_in_dim3A_2278, %broadcast_in_dim3A_2281, %broadcast_in_dim3A_2284, %broadcast_in_dim3A_2287 in 0 : vector<1x32x1024xf32>, vector<1x32x1024xf32>, vector<1x32x1024xf32>, vector<1x32x1024xf32>, vector<1x32x1024xf32>, vector<1x32x1024xf32>, vector<1x32x1024xf32>, vector<1x32x1024xf32> -> vector<8x32x1024xf32>
    %slice3A_2289 = vector.extract_strided_slice %concatenate3A {offsets = [22, 0, 0], sizes = [1, 32, 1024], strides = [1, 1, 1]} : vector<27x32x1024xf32> to vector<1x32x1024xf32>
    %squeeze3A_2290 = vector.shape_cast %slice3A_2289 : vector<1x32x1024xf32> to vector<32x1024xf32>
    %broadcast_in_dim3A_2291 = vector.shape_cast %squeeze3A_2290 : vector<32x1024xf32> to vector<1x32x1024xf32>
    %slice3A_2292 = vector.extract_strided_slice %concatenate3A {offsets = [23, 0, 0], sizes = [1, 32, 1024], strides = [1, 1, 1]} : vector<27x32x1024xf32> to vector<1x32x1024xf32>
    %squeeze3A_2293 = vector.shape_cast %slice3A_2292 : vector<1x32x1024xf32> to vector<32x1024xf32>
    %broadcast_in_dim3A_2294 = vector.shape_cast %squeeze3A_2293 : vector<32x1024xf32> to vector<1x32x1024xf32>
    %slice3A_2295 = vector.extract_strided_slice %concatenate3A {offsets = [24, 0, 0], sizes = [1, 32, 1024], strides = [1, 1, 1]} : vector<27x32x1024xf32> to vector<1x32x1024xf32>
    %squeeze3A_2296 = vector.shape_cast %slice3A_2295 : vector<1x32x1024xf32> to vector<32x1024xf32>
    %broadcast_in_dim3A_2297 = vector.shape_cast %squeeze3A_2296 : vector<32x1024xf32> to vector<1x32x1024xf32>
    %slice3A_2298 = vector.extract_strided_slice %concatenate3A {offsets = [25, 0, 0], sizes = [1, 32, 1024], strides = [1, 1, 1]} : vector<27x32x1024xf32> to vector<1x32x1024xf32>
    %squeeze3A_2299 = vector.shape_cast %slice3A_2298 : vector<1x32x1024xf32> to vector<32x1024xf32>
    %broadcast_in_dim3A_2300 = vector.shape_cast %squeeze3A_2299 : vector<32x1024xf32> to vector<1x32x1024xf32>
    %slice3A_2301 = vector.extract_strided_slice %concatenate3A {offsets = [26, 0, 0], sizes = [1, 32, 1024], strides = [1, 1, 1]} : vector<27x32x1024xf32> to vector<1x32x1024xf32>
    %squeeze3A_2302 = vector.shape_cast %slice3A_2301 : vector<1x32x1024xf32> to vector<32x1024xf32>
    %broadcast_in_dim3A_2303 = vector.shape_cast %squeeze3A_2302 : vector<32x1024xf32> to vector<1x32x1024xf32>
    %slice3A_2304 = vector.extract_strided_slice %concatenate3A {offsets = [23, 0, 0], sizes = [1, 32, 1024], strides = [1, 1, 1]} : vector<27x32x1024xf32> to vector<1x32x1024xf32>
    %squeeze3A_2305 = vector.shape_cast %slice3A_2304 : vector<1x32x1024xf32> to vector<32x1024xf32>
    %broadcast_in_dim3A_2306 = vector.shape_cast %squeeze3A_2305 : vector<32x1024xf32> to vector<1x32x1024xf32>
    %slice3A_2307 = vector.extract_strided_slice %concatenate3A {offsets = [24, 0, 0], sizes = [1, 32, 1024], strides = [1, 1, 1]} : vector<27x32x1024xf32> to vector<1x32x1024xf32>
    %squeeze3A_2308 = vector.shape_cast %slice3A_2307 : vector<1x32x1024xf32> to vector<32x1024xf32>
    %broadcast_in_dim3A_2309 = vector.shape_cast %squeeze3A_2308 : vector<32x1024xf32> to vector<1x32x1024xf32>
    %slice3A_2310 = vector.extract_strided_slice %concatenate3A {offsets = [25, 0, 0], sizes = [1, 32, 1024], strides = [1, 1, 1]} : vector<27x32x1024xf32> to vector<1x32x1024xf32>
    %squeeze3A_2311 = vector.shape_cast %slice3A_2310 : vector<1x32x1024xf32> to vector<32x1024xf32>
    %broadcast_in_dim3A_2312 = vector.shape_cast %squeeze3A_2311 : vector<32x1024xf32> to vector<1x32x1024xf32>
    %concatenate3A_2313 = tpu.concatenate %broadcast_in_dim3A_2291, %broadcast_in_dim3A_2294, %broadcast_in_dim3A_2297, %broadcast_in_dim3A_2300, %broadcast_in_dim3A_2303, %broadcast_in_dim3A_2306, %broadcast_in_dim3A_2309, %broadcast_in_dim3A_2312 in 0 : vector<1x32x1024xf32>, vector<1x32x1024xf32>, vector<1x32x1024xf32>, vector<1x32x1024xf32>, vector<1x32x1024xf32>, vector<1x32x1024xf32>, vector<1x32x1024xf32>, vector<1x32x1024xf32> -> vector<8x32x1024xf32>
    %mul3A_2314 = arith.mulf %concatenate3A_2288, %concatenate3A_2313 : vector<8x32x1024xf32>
    %reduce_sum3A_2315 = arith.constant dense<0.000000e+00> : vector<8x1024xf32>
    %reduce_sum3A_2316 = vector.multi_reduction <add>, %mul3A_2314, %reduce_sum3A_2315 [1] : vector<8x32x1024xf32> to vector<8x1024xf32>
    %slice3A_2317 = vector.extract_strided_slice %concatenate3A {offsets = [22, 0, 0], sizes = [1, 32, 1024], strides = [1, 1, 1]} : vector<27x32x1024xf32> to vector<1x32x1024xf32>
    %squeeze3A_2318 = vector.shape_cast %slice3A_2317 : vector<1x32x1024xf32> to vector<32x1024xf32>
    %broadcast_in_dim3A_2319 = vector.shape_cast %squeeze3A_2318 : vector<32x1024xf32> to vector<1x32x1024xf32>
    %slice3A_2320 = vector.extract_strided_slice %concatenate3A {offsets = [23, 0, 0], sizes = [1, 32, 1024], strides = [1, 1, 1]} : vector<27x32x1024xf32> to vector<1x32x1024xf32>
    %squeeze3A_2321 = vector.shape_cast %slice3A_2320 : vector<1x32x1024xf32> to vector<32x1024xf32>
    %broadcast_in_dim3A_2322 = vector.shape_cast %squeeze3A_2321 : vector<32x1024xf32> to vector<1x32x1024xf32>
    %slice3A_2323 = vector.extract_strided_slice %concatenate3A {offsets = [23, 0, 0], sizes = [1, 32, 1024], strides = [1, 1, 1]} : vector<27x32x1024xf32> to vector<1x32x1024xf32>
    %squeeze3A_2324 = vector.shape_cast %slice3A_2323 : vector<1x32x1024xf32> to vector<32x1024xf32>
    %broadcast_in_dim3A_2325 = vector.shape_cast %squeeze3A_2324 : vector<32x1024xf32> to vector<1x32x1024xf32>
    %slice3A_2326 = vector.extract_strided_slice %concatenate3A {offsets = [23, 0, 0], sizes = [1, 32, 1024], strides = [1, 1, 1]} : vector<27x32x1024xf32> to vector<1x32x1024xf32>
    %squeeze3A_2327 = vector.shape_cast %slice3A_2326 : vector<1x32x1024xf32> to vector<32x1024xf32>
    %broadcast_in_dim3A_2328 = vector.shape_cast %squeeze3A_2327 : vector<32x1024xf32> to vector<1x32x1024xf32>
    %slice3A_2329 = vector.extract_strided_slice %concatenate3A {offsets = [24, 0, 0], sizes = [1, 32, 1024], strides = [1, 1, 1]} : vector<27x32x1024xf32> to vector<1x32x1024xf32>
    %squeeze3A_2330 = vector.shape_cast %slice3A_2329 : vector<1x32x1024xf32> to vector<32x1024xf32>
    %broadcast_in_dim3A_2331 = vector.shape_cast %squeeze3A_2330 : vector<32x1024xf32> to vector<1x32x1024xf32>
    %slice3A_2332 = vector.extract_strided_slice %concatenate3A {offsets = [24, 0, 0], sizes = [1, 32, 1024], strides = [1, 1, 1]} : vector<27x32x1024xf32> to vector<1x32x1024xf32>
    %squeeze3A_2333 = vector.shape_cast %slice3A_2332 : vector<1x32x1024xf32> to vector<32x1024xf32>
    %broadcast_in_dim3A_2334 = vector.shape_cast %squeeze3A_2333 : vector<32x1024xf32> to vector<1x32x1024xf32>
    %slice3A_2335 = vector.extract_strided_slice %concatenate3A {offsets = [25, 0, 0], sizes = [1, 32, 1024], strides = [1, 1, 1]} : vector<27x32x1024xf32> to vector<1x32x1024xf32>
    %squeeze3A_2336 = vector.shape_cast %slice3A_2335 : vector<1x32x1024xf32> to vector<32x1024xf32>
    %broadcast_in_dim3A_2337 = vector.shape_cast %squeeze3A_2336 : vector<32x1024xf32> to vector<1x32x1024xf32>
    %concatenate3A_2338 = tpu.concatenate %broadcast_in_dim3A_2319, %broadcast_in_dim3A_2322, %broadcast_in_dim3A_2325, %broadcast_in_dim3A_2328, %broadcast_in_dim3A_2331, %broadcast_in_dim3A_2334, %broadcast_in_dim3A_2337 in 0 : vector<1x32x1024xf32>, vector<1x32x1024xf32>, vector<1x32x1024xf32>, vector<1x32x1024xf32>, vector<1x32x1024xf32>, vector<1x32x1024xf32>, vector<1x32x1024xf32> -> vector<7x32x1024xf32>
    %slice3A_2339 = vector.extract_strided_slice %concatenate3A {offsets = [26, 0, 0], sizes = [1, 32, 1024], strides = [1, 1, 1]} : vector<27x32x1024xf32> to vector<1x32x1024xf32>
    %squeeze3A_2340 = vector.shape_cast %slice3A_2339 : vector<1x32x1024xf32> to vector<32x1024xf32>
    %broadcast_in_dim3A_2341 = vector.shape_cast %squeeze3A_2340 : vector<32x1024xf32> to vector<1x32x1024xf32>
    %slice3A_2342 = vector.extract_strided_slice %concatenate3A {offsets = [24, 0, 0], sizes = [1, 32, 1024], strides = [1, 1, 1]} : vector<27x32x1024xf32> to vector<1x32x1024xf32>
    %squeeze3A_2343 = vector.shape_cast %slice3A_2342 : vector<1x32x1024xf32> to vector<32x1024xf32>
    %broadcast_in_dim3A_2344 = vector.shape_cast %squeeze3A_2343 : vector<32x1024xf32> to vector<1x32x1024xf32>
    %slice3A_2345 = vector.extract_strided_slice %concatenate3A {offsets = [25, 0, 0], sizes = [1, 32, 1024], strides = [1, 1, 1]} : vector<27x32x1024xf32> to vector<1x32x1024xf32>
    %squeeze3A_2346 = vector.shape_cast %slice3A_2345 : vector<1x32x1024xf32> to vector<32x1024xf32>
    %broadcast_in_dim3A_2347 = vector.shape_cast %squeeze3A_2346 : vector<32x1024xf32> to vector<1x32x1024xf32>
    %slice3A_2348 = vector.extract_strided_slice %concatenate3A {offsets = [26, 0, 0], sizes = [1, 32, 1024], strides = [1, 1, 1]} : vector<27x32x1024xf32> to vector<1x32x1024xf32>
    %squeeze3A_2349 = vector.shape_cast %slice3A_2348 : vector<1x32x1024xf32> to vector<32x1024xf32>
    %broadcast_in_dim3A_2350 = vector.shape_cast %squeeze3A_2349 : vector<32x1024xf32> to vector<1x32x1024xf32>
    %slice3A_2351 = vector.extract_strided_slice %concatenate3A {offsets = [25, 0, 0], sizes = [1, 32, 1024], strides = [1, 1, 1]} : vector<27x32x1024xf32> to vector<1x32x1024xf32>
    %squeeze3A_2352 = vector.shape_cast %slice3A_2351 : vector<1x32x1024xf32> to vector<32x1024xf32>
    %broadcast_in_dim3A_2353 = vector.shape_cast %squeeze3A_2352 : vector<32x1024xf32> to vector<1x32x1024xf32>
    %slice3A_2354 = vector.extract_strided_slice %concatenate3A {offsets = [26, 0, 0], sizes = [1, 32, 1024], strides = [1, 1, 1]} : vector<27x32x1024xf32> to vector<1x32x1024xf32>
    %squeeze3A_2355 = vector.shape_cast %slice3A_2354 : vector<1x32x1024xf32> to vector<32x1024xf32>
    %broadcast_in_dim3A_2356 = vector.shape_cast %squeeze3A_2355 : vector<32x1024xf32> to vector<1x32x1024xf32>
    %slice3A_2357 = vector.extract_strided_slice %concatenate3A {offsets = [26, 0, 0], sizes = [1, 32, 1024], strides = [1, 1, 1]} : vector<27x32x1024xf32> to vector<1x32x1024xf32>
    %squeeze3A_2358 = vector.shape_cast %slice3A_2357 : vector<1x32x1024xf32> to vector<32x1024xf32>
    %broadcast_in_dim3A_2359 = vector.shape_cast %squeeze3A_2358 : vector<32x1024xf32> to vector<1x32x1024xf32>
    %concatenate3A_2360 = tpu.concatenate %broadcast_in_dim3A_2341, %broadcast_in_dim3A_2344, %broadcast_in_dim3A_2347, %broadcast_in_dim3A_2350, %broadcast_in_dim3A_2353, %broadcast_in_dim3A_2356, %broadcast_in_dim3A_2359 in 0 : vector<1x32x1024xf32>, vector<1x32x1024xf32>, vector<1x32x1024xf32>, vector<1x32x1024xf32>, vector<1x32x1024xf32>, vector<1x32x1024xf32>, vector<1x32x1024xf32> -> vector<7x32x1024xf32>
    %mul3A_2361 = arith.mulf %concatenate3A_2338, %concatenate3A_2360 : vector<7x32x1024xf32>
    %reduce_sum3A_2362 = arith.constant dense<0.000000e+00> : vector<7x1024xf32>
    %reduce_sum3A_2363 = vector.multi_reduction <add>, %mul3A_2361, %reduce_sum3A_2362 [1] : vector<7x32x1024xf32> to vector<7x1024xf32>
    %concatenate3A_2364 = tpu.concatenate %reduce_sum3A_90, %reduce_sum3A_143, %reduce_sum3A_196, %reduce_sum3A_249, %reduce_sum3A_302, %reduce_sum3A_355, %reduce_sum3A_408, %reduce_sum3A_461, %reduce_sum3A_514, %reduce_sum3A_567, %reduce_sum3A_620, %reduce_sum3A_673, %reduce_sum3A_726, %reduce_sum3A_779, %reduce_sum3A_832, %reduce_sum3A_885, %reduce_sum3A_938, %reduce_sum3A_991, %reduce_sum3A_1044, %reduce_sum3A_1097, %reduce_sum3A_1150, %reduce_sum3A_1203, %reduce_sum3A_1256, %reduce_sum3A_1309, %reduce_sum3A_1362, %reduce_sum3A_1415, %reduce_sum3A_1468, %reduce_sum3A_1521, %reduce_sum3A_1574, %reduce_sum3A_1627, %reduce_sum3A_1680, %reduce_sum3A_1733, %reduce_sum3A_1786, %reduce_sum3A_1839, %reduce_sum3A_1892, %reduce_sum3A_1945, %reduce_sum3A_1998, %reduce_sum3A_2051, %reduce_sum3A_2104, %reduce_sum3A_2157, %reduce_sum3A_2210, %reduce_sum3A_2263, %reduce_sum3A_2316, %reduce_sum3A_2363 in 0 : vector<8x1024xf32>, vector<8x1024xf32>, vector<8x1024xf32>, vector<8x1024xf32>, vector<8x1024xf32>, vector<8x1024xf32>, vector<8x1024xf32>, vector<8x1024xf32>, vector<8x1024xf32>, vector<8x1024xf32>, vector<8x1024xf32>, vector<8x1024xf32>, vector<8x1024xf32>, vector<8x1024xf32>, vector<8x1024xf32>, vector<8x1024xf32>, vector<8x1024xf32>, vector<8x1024xf32>, vector<8x1024xf32>, vector<8x1024xf32>, vector<8x1024xf32>, vector<8x1024xf32>, vector<8x1024xf32>, vector<8x1024xf32>, vector<8x1024xf32>, vector<8x1024xf32>, vector<8x1024xf32>, vector<8x1024xf32>, vector<8x1024xf32>, vector<8x1024xf32>, vector<8x1024xf32>, vector<8x1024xf32>, vector<8x1024xf32>, vector<8x1024xf32>, vector<8x1024xf32>, vector<8x1024xf32>, vector<8x1024xf32>, vector<8x1024xf32>, vector<8x1024xf32>, vector<8x1024xf32>, vector<8x1024xf32>, vector<8x1024xf32>, vector<8x1024xf32>, vector<7x1024xf32> -> vector<351x1024xf32>
    %get3A_2365 = arith.constant 0 : index
    %get3A_2366 = arith.constant 0 : index
    %get3A_2367 = vector.load %arg9[%get3A_2365, %get3A_2366] : memref<512x32xf32, #tpu.memory_space<vmem>>, vector<512x32xf32>
    %dot_general3A_2368 = arith.constant dense<0.000000e+00> : vector<512x1024xf32>
    %dot_general3A_2369 = tpu.matmul %get3A_2367, %max3A_37, %dot_general3A_2368 {dimension_numbers = #tpu.dot_dimension_numbers<[1], [0], [0], [1], [0, 0, 1, 1], [], []>, transpose_lhs_hint = false} : vector<512x32xf32>, vector<32x1024xf32>, vector<512x1024xf32> -> vector<512x1024xf32>
    %get3A_2370 = arith.constant 0 : index
    %get3A_2371 = arith.constant 0 : index
    %get3A_2372 = vector.load %arg10[%get3A_2370, %get3A_2371] : memref<512x351xf32, #tpu.memory_space<vmem>>, vector<512x351xf32>
    %dot_general3A_2373 = arith.constant dense<0.000000e+00> : vector<512x1024xf32>
    %dot_general3A_2374 = tpu.matmul %get3A_2372, %concatenate3A_2364, %dot_general3A_2373 {dimension_numbers = #tpu.dot_dimension_numbers<[1], [0], [0], [1], [0, 0, 1, 1], [], []>, transpose_lhs_hint = false} : vector<512x351xf32>, vector<351x1024xf32>, vector<512x1024xf32> -> vector<512x1024xf32>
    %add3A_2375 = arith.addf %dot_general3A_2369, %dot_general3A_2374 : vector<512x1024xf32>
    %get3A_2376 = arith.constant 0 : index
    %get3A_2377 = arith.constant 0 : index
    %get3A_2378 = vector.load %arg11[%get3A_2376, %get3A_2377] : memref<512x1xf32, #tpu.memory_space<vmem>>, vector<512x1xf32>
    %add3A_2379 = vector.broadcast %get3A_2378 : vector<512x1xf32> to vector<512x1024xf32>
    %add3A_2380 = arith.addf %add3A_2375, %add3A_2379 : vector<512x1024xf32>
    %max3A_2381 = arith.constant 0.000000e+00 : f32
    %max3A_2382 = vector.broadcast %max3A_2381 : f32 to vector<512x1024xf32>
    %max3A_2383 = arith.maximumf %add3A_2380, %max3A_2382 : vector<512x1024xf32>
    %get3A_2384 = arith.constant 0 : index
    %get3A_2385 = arith.constant 0 : index
    %get3A_2386 = vector.load %arg12[%get3A_2384, %get3A_2385] : memref<512x512xf32, #tpu.memory_space<vmem>>, vector<512x512xf32>
    %dot_general3A_2387 = arith.constant dense<0.000000e+00> : vector<512x1024xf32>
    %dot_general3A_2388 = tpu.matmul %get3A_2386, %max3A_2383, %dot_general3A_2387 {dimension_numbers = #tpu.dot_dimension_numbers<[1], [0], [0], [1], [0, 0, 1, 1], [], []>, transpose_lhs_hint = false} : vector<512x512xf32>, vector<512x1024xf32>, vector<512x1024xf32> -> vector<512x1024xf32>
    %get3A_2389 = arith.constant 0 : index
    %get3A_2390 = arith.constant 0 : index
    %get3A_2391 = vector.load %arg13[%get3A_2389, %get3A_2390] : memref<512x1xf32, #tpu.memory_space<vmem>>, vector<512x1xf32>
    %add3A_2392 = vector.broadcast %get3A_2391 : vector<512x1xf32> to vector<512x1024xf32>
    %add3A_2393 = arith.addf %dot_general3A_2388, %add3A_2392 : vector<512x1024xf32>
    %max3A_2394 = arith.constant 0.000000e+00 : f32
    %max3A_2395 = vector.broadcast %max3A_2394 : f32 to vector<512x1024xf32>
    %max3A_2396 = arith.maximumf %add3A_2393, %max3A_2395 : vector<512x1024xf32>
    %get3A_2397 = arith.constant 0 : index
    %get3A_2398 = arith.constant 0 : index
    %get3A_2399 = vector.load %arg14[%get3A_2397, %get3A_2398] : memref<256x512xf32, #tpu.memory_space<vmem>>, vector<256x512xf32>
    %dot_general3A_2400 = arith.constant dense<0.000000e+00> : vector<256x1024xf32>
    %dot_general3A_2401 = tpu.matmul %get3A_2399, %max3A_2396, %dot_general3A_2400 {dimension_numbers = #tpu.dot_dimension_numbers<[1], [0], [0], [1], [0, 0, 1, 1], [], []>, transpose_lhs_hint = false} : vector<256x512xf32>, vector<512x1024xf32>, vector<256x1024xf32> -> vector<256x1024xf32>
    %get3A_2402 = arith.constant 0 : index
    %get3A_2403 = arith.constant 0 : index
    %get3A_2404 = vector.load %arg15[%get3A_2402, %get3A_2403] : memref<256x1xf32, #tpu.memory_space<vmem>>, vector<256x1xf32>
    %add3A_2405 = vector.broadcast %get3A_2404 : vector<256x1xf32> to vector<256x1024xf32>
    %add3A_2406 = arith.addf %dot_general3A_2401, %add3A_2405 : vector<256x1024xf32>
    %max3A_2407 = arith.constant 0.000000e+00 : f32
    %max3A_2408 = vector.broadcast %max3A_2407 : f32 to vector<256x1024xf32>
    %max3A_2409 = arith.maximumf %add3A_2406, %max3A_2408 : vector<256x1024xf32>
    %get3A_2410 = arith.constant 0 : index
    %get3A_2411 = arith.constant 0 : index
    %get3A_2412 = vector.load %arg16[%get3A_2410, %get3A_2411] : memref<1x256xf32, #tpu.memory_space<vmem>>, vector<1x256xf32>
    %dot_general3A_2413 = arith.constant dense<0.000000e+00> : vector<1x1024xf32>
    %dot_general3A_2414 = tpu.matmul %get3A_2412, %max3A_2409, %dot_general3A_2413 {dimension_numbers = #tpu.dot_dimension_numbers<[1], [0], [0], [1], [0, 0, 1, 1], [], []>, transpose_lhs_hint = false} : vector<1x256xf32>, vector<256x1024xf32>, vector<1x1024xf32> -> vector<1x1024xf32>
    %get3A_2415 = arith.constant 0 : index
    %get3A_2416 = arith.constant 0 : index
    %get3A_2417 = vector.load %arg17[%get3A_2415, %get3A_2416] : memref<1x1xf32, #tpu.memory_space<vmem>>, vector<1x1xf32>
    %add3A_2418 = vector.broadcast %get3A_2417 : vector<1x1xf32> to vector<1x1024xf32>
    %add3A_2419 = arith.addf %dot_general3A_2414, %add3A_2418 : vector<1x1024xf32>
    %swap3A = arith.constant 0 : index
    %swap3A_2420 = arith.constant 0 : index
    %swap3A_2421 = vector.load %arg18[%swap3A, %swap3A_2420] : memref<1x1024xf32, #tpu.memory_space<vmem>>, vector<1x1024xf32>
    tpu.vector_store %arg18[%swap3A, %swap3A_2420], %add3A_2419 {strides = array<i32>} : memref<1x1024xf32, #tpu.memory_space<vmem>>, vector<1x1024xf32>,
    return
  }
  func.func @transform_0(%arg0: i32) -> (i32, i32) {
    %c0_i32 = arith.constant 0 : i32
    %c0_i32_0 = arith.constant 0 : i32
    return %c0_i32, %arg0 : i32, i32
  }
  func.func @transform_1(%arg0: i32) -> (i32, i32, i32) {
    %c0_i32 = arith.constant 0 : i32
    %c0_i32_0 = arith.constant 0 : i32
    %c0_i32_1 = arith.constant 0 : i32
    return %c0_i32, %arg0, %c0_i32_0 : i32, i32, i32
  }
  func.func @transform_2(%arg0: i32) -> (i32, i32) {
    %c0_i32 = arith.constant 0 : i32
    %c0_i32_0 = arith.constant 0 : i32
    %c0_i32_1 = arith.constant 0 : i32
    return %c0_i32, %c0_i32_0 : i32, i32
  }
  func.func @transform_3(%arg0: i32) -> (i32, i32) {
    %c0_i32 = arith.constant 0 : i32
    %c0_i32_0 = arith.constant 0 : i32
    %c0_i32_1 = arith.constant 0 : i32
    return %c0_i32, %c0_i32_0 : i32, i32
  }
  func.func @transform_4(%arg0: i32) -> (i32, i32) {
    %c0_i32 = arith.constant 0 : i32
    %c0_i32_0 = arith.constant 0 : i32
    %c0_i32_1 = arith.constant 0 : i32
    return %c0_i32, %c0_i32_0 : i32, i32
  }
  func.func @transform_5(%arg0: i32) -> (i32, i32) {
    %c0_i32 = arith.constant 0 : i32
    %c0_i32_0 = arith.constant 0 : i32
    %c0_i32_1 = arith.constant 0 : i32
    return %c0_i32, %c0_i32_0 : i32, i32
  }
  func.func @transform_6(%arg0: i32) -> (i32, i32) {
    %c0_i32 = arith.constant 0 : i32
    %c0_i32_0 = arith.constant 0 : i32
    %c0_i32_1 = arith.constant 0 : i32
    return %c0_i32, %c0_i32_0 : i32, i32
  }
  func.func @transform_7(%arg0: i32) -> (i32, i32) {
    %c0_i32 = arith.constant 0 : i32
    %c0_i32_0 = arith.constant 0 : i32
    %c0_i32_1 = arith.constant 0 : i32
    return %c0_i32, %c0_i32_0 : i32, i32
  }
  func.func @transform_8(%arg0: i32) -> (i32, i32) {
    %c0_i32 = arith.constant 0 : i32
    %c0_i32_0 = arith.constant 0 : i32
    %c0_i32_1 = arith.constant 0 : i32
    return %c0_i32, %c0_i32_0 : i32, i32
  }
  func.func @transform_9(%arg0: i32) -> (i32, i32) {
    %c0_i32 = arith.constant 0 : i32
    %c0_i32_0 = arith.constant 0 : i32
    %c0_i32_1 = arith.constant 0 : i32
    return %c0_i32, %c0_i32_0 : i32, i32
  }
  func.func @transform_10(%arg0: i32) -> (i32, i32) {
    %c0_i32 = arith.constant 0 : i32
    %c0_i32_0 = arith.constant 0 : i32
    %c0_i32_1 = arith.constant 0 : i32
    return %c0_i32, %c0_i32_0 : i32, i32
  }
  func.func @transform_11(%arg0: i32) -> (i32, i32) {
    %c0_i32 = arith.constant 0 : i32
    %c0_i32_0 = arith.constant 0 : i32
    %c0_i32_1 = arith.constant 0 : i32
    return %c0_i32, %c0_i32_0 : i32, i32
  }
  func.func @transform_12(%arg0: i32) -> (i32, i32) {
    %c0_i32 = arith.constant 0 : i32
    %c0_i32_0 = arith.constant 0 : i32
    %c0_i32_1 = arith.constant 0 : i32
    return %c0_i32, %c0_i32_0 : i32, i32
  }
  func.func @transform_13(%arg0: i32) -> (i32, i32) {
    %c0_i32 = arith.constant 0 : i32
    %c0_i32_0 = arith.constant 0 : i32
    %c0_i32_1 = arith.constant 0 : i32
    return %c0_i32, %c0_i32_0 : i32, i32
  }
  func.func @transform_14(%arg0: i32) -> (i32, i32) {
    %c0_i32 = arith.constant 0 : i32
    %c0_i32_0 = arith.constant 0 : i32
    %c0_i32_1 = arith.constant 0 : i32
    return %c0_i32, %c0_i32_0 : i32, i32
  }
  func.func @transform_15(%arg0: i32) -> (i32, i32) {
    %c0_i32 = arith.constant 0 : i32
    %c0_i32_0 = arith.constant 0 : i32
    %c0_i32_1 = arith.constant 0 : i32
    return %c0_i32, %c0_i32_0 : i32, i32
  }
  func.func @transform_16(%arg0: i32) -> (i32, i32) {
    %c0_i32 = arith.constant 0 : i32
    %c0_i32_0 = arith.constant 0 : i32
    %c0_i32_1 = arith.constant 0 : i32
    return %c0_i32, %c0_i32_0 : i32, i32
  }
  func.func @transform_17(%arg0: i32) -> (i32, i32) {
    %c0_i32 = arith.constant 0 : i32
    %c0_i32_0 = arith.constant 0 : i32
    return %c0_i32, %arg0 : i32, i32
  }
}

</mosaic_0001>

<sc_bundles>
// kernel: kernel.4.cloned.1.call-start
scs
__scs_entry_jumppad:
0x0: {  	(pc) =	sbr.rel $0x88, $3  }
0x1: {  	(tag) =	ssettag $0x0;
	lr =	simm.s32 $0x1  }
0x2: {  	[smem:$0x3F90] =	sst lr;
	_ =	strace $0xD0000000  }
0x3: {  	_ = 	snop  }
0x4: {  	_ = 	snop  }
0x5: {  	_ = 	snop  }
0x6: {  	_ = 	snop  }
0x7: {  	_ = 	snop  }
__scs_overlays_trampoline_lowered:
0x8: {  	[smem:$0x3F9F] =	sst s0  }
0x9: {  	[smem:$0x3FA0] =	sst s1  }
0xa: {  	[smem:$0x3FA1] =	sst s2  }
0xb: {  	[smem:$0x3FA2] =	sst s3  }
0xc: {  	[smem:$0x3FA3] =	sst s4  }
0xd: {  	[smem:$0x3FA4] =	sst s5  }
0xe: {  	[smem:$0x3FA5] =	sst s6  }
0xf: {  	[smem:$0x3FA6] =	sst s7  }
0x10: {  	[smem:$0x3FA7] =	sst s8  }
0x11: {  	[smem:$0x3FA8] =	sst s9;
	s0 =	simm.s32 @!p0 $0x0  }
0x12: {  	s1 =	sld [smem:$0x3F8E];
	s0 =	simm.s32 @p0 $0x1  }
0x13: {  	[smem:$0x3FA9] =	sst s0;
	s0 =	simm.s32 @!p1 $0x0  }
0x14: {  	s2 =	sld [smem:$0x3F8D];
	s0 =	simm.s32 @p1 $0x1  }
0x15: {  	[smem:$0x3FAA] =	sst s0;
	s0 =	simm.s32 @!p2 $0x0  }
0x16: {  	s3 =	sld [smem:$0x3FDB];
	s0 =	simm.s32 @p2 $0x1  }
0x17: {  	s4 =	simm.s32 $0x1BF5;
	[smem:$0x3FAC] =	sst s0  }
0x18: {  	s0 =	sld [smem:$0x3F8F];
	_ =	swait.ge [sflag:s4], $0x0  }
0x19: {  	s7 =	sld [smem:$0x3F90]  }
0x1a: {  	s8 =	sadd.s32 $0xFFFFE003, lr  }
0x1b: {  	s9 =	sadd.s32 $0xFFFFFEF7, lr;
	s5 =	simm.s32 $0xFFFFFFFF;
	p2 =	slt.u32 s8, $0xFFFFF086  }
0x1c: {  	p1 =	slt.u32 s9, $0xF7A;
	s5 =	simm.s32 @!p2 $0x0  }
0x1d: {  	s5 =	simm.s32 @p1 $0x1;
	p0 =	seq.s32 s7, s2  }
0x1e: {  	s7 =	smul.u32 @!p0 $0xF7A, s2;
	p2 =	seq.s32 @!p0 s5, $0x0  }
0x1f: {  	s9 =	smul.u32 $0xF7A, s1;
	s8 =	simm.s32 @!p0 $0x1BF5;
	p2 =	por !p2, p0  }
0x20: {  	[sflag:s8] =	ssyncset.s32 @!p0 $0xFFFFF086;
	s6 =	sadd.s32 @!p0 s3, s7;
	s7 =	simm.s32 @!p0 $0x108  }
0x21: {  	s3 =	sadd.s32 s3, s9;
	s6 =	sadd.s32 @!p0 $0x88, s6;
	s7 =	simm.s32 @p2 $0x1082  }
0x22: {  	[simem:s7], [sflag:s8] =	dma.local @!p0 [hbm:s6], $0xF7A  }
0x23: {  	s9 =	sor.u32 $0xD0000000, s2;
	s6 =	simm.s32 $0x108;
	_ =	swait.ge @!p0 [sflag:s8], $0x0  }
0x24: {  	s3 =	sadd.s32 $0x88, s3;
	s6 =	simm.s32 @!p1 $0x1082;
	[sflag:s4] =	ssyncset.s32 $0xFFFFF086  }
0x25: {  	[simem:s6], [sflag:s4] =	dma.local [hbm:s3], $0xF7A  }
0x26: {  	[smem:$0x3F90] =	sst s1;
	(tag) =	ssettag s2;
	_ =	strace s9  }
0x27: {  	s1 =	sld [smem:$0x3FA0]  }
0x28: {  	s2 =	sld [smem:$0x3FA1]  }
0x29: {  	s4 =	sld [smem:$0x3FA3]  }
0x2a: {  	p0 =	seq.s32 s5, $0x0;
	s5 =	sld [smem:$0x3FA4]  }
0x2b: {  	s6 =	sld [smem:$0x3FA5]  }
0x2c: {  	s7 =	sld [smem:$0x3FA6]  }
0x2d: {  	s3 =	simm.s32 $0x108;
	s8 =	sld [smem:$0x3FA7]  }
0x2e: {  	s3 =	simm.s32 @!p0 $0x1082;
	s9 =	sld [smem:$0x3FA8]  }
0x2f: {  	lr =	sadd.s32 s0, s3;
	s0 =	sld [smem:$0x3F9F]  }
0x30: {  	s3 =	sld [smem:$0x3FA2]  }
0x31: {  	[smem:$0x3FAB] =	sst s10  }
0x32: {  	s10 =	sld [smem:$0x3FA9];
	_ =	sdelay $0x3  }
0x33: {  	p0 =	seq.s32 s10, $0x1;
	s10 =	sld [smem:$0x3FAB];
	_ =	sdelay $0x3  }
0x34: {  	[smem:$0x3FAB] =	sst s10  }
0x35: {  	s10 =	sld [smem:$0x3FAA];
	_ =	sdelay $0x3  }
0x36: {  	p1 =	seq.s32 s10, $0x1;
	s10 =	sld [smem:$0x3FAB];
	_ =	sdelay $0x3  }
0x37: {  	[smem:$0x3FAB] =	sst s10  }
0x38: {  	s10 =	sld [smem:$0x3FAC]  }
0x39: {  	_ = 	snop;
	(pc) =	sbr.ind lr, $3  }
0x3a: {  	_ = 	snop  }
0x3b: {  	_ = 	snop  }
0x3c: {  	p2 =	seq.s32 s10, $0x1;
	s10 =	sld [smem:$0x3FAB]  }
0x3d: {  	_ =	shalt  }
0x3e: {  	_ =	shalt  }
0x3f: {  	_ =	shalt  }
0x40: {  	_ =	shalt  }
0x41: {  	_ =	shalt  }
0x42: {  	_ =	shalt  }
0x43: {  	_ =	shalt  }
0x44: {  	_ =	shalt  }
0x45: {  	_ =	shalt  }
0x46: {  	_ =	shalt  }
0x47: {  	_ =	shalt  }
0x48: {  	_ =	shalt  }
0x49: {  	_ =	shalt  }
0x4a: {  	_ =	shalt  }
0x4b: {  	_ =	shalt  }
0x4c: {  	_ =	shalt  }
0x4d: {  	_ =	shalt  }
0x4e: {  	_ =	shalt  }
0x4f: {  	_ =	shalt  }
0x50: {  	_ =	shalt  }
0x51: {  	_ =	shalt  }
0x52: {  	_ =	shalt  }
0x53: {  	_ =	shalt  }
0x54: {  	_ =	shalt  }
0x55: {  	_ =	shalt  }
0x56: {  	_ =	shalt  }
0x57: {  	_ =	shalt  }
0x58: {  	_ =	shalt  }
0x59: {  	_ =	shalt  }
0x5a: {  	_ =	shalt  }
0x5b: {  	_ =	shalt  }
0x5c: {  	_ =	shalt  }
0x5d: {  	_ =	shalt  }
0x5e: {  	_ =	shalt  }
0x5f: {  	_ =	shalt  }
0x60: {  	_ =	shalt  }
0x61: {  	_ =	shalt  }
0x62: {  	_ =	shalt  }
0x63: {  	_ =	shalt  }
0x64: {  	_ =	shalt  }
0x65: {  	_ =	shalt  }
0x66: {  	_ =	shalt  }
0x67: {  	_ =	shalt  }
0x68: {  	_ =	shalt  }
0x69: {  	_ =	shalt  }
0x6a: {  	_ =	shalt  }
0x6b: {  	_ =	shalt  }
0x6c: {  	_ =	shalt  }
0x6d: {  	_ =	shalt  }
0x6e: {  	_ =	shalt  }
0x6f: {  	_ =	shalt  }
0x70: {  	_ =	shalt  }
0x71: {  	_ =	shalt  }
0x72: {  	_ =	shalt  }
0x73: {  	_ =	shalt  }
0x74: {  	_ =	shalt  }
0x75: {  	_ =	shalt  }
0x76: {  	_ =	shalt  }
0x77: {  	_ =	shalt  }
0x78: {  	_ =	shalt  }
0x79: {  	_ =	shalt  }
0x7a: {  	_ =	shalt  }
0x7b: {  	_ =	shalt  }
0x7c: {  	_ =	shalt  }
0x7d: {  	_ =	shalt  }
0x7e: {  	_ =	shalt  }
0x7f: {  	_ =	shalt  }
0x80: {  	_ =	shalt  }
0x81: {  	_ =	shalt  }
0x82: {  	_ =	shalt  }
0x83: {  	_ =	shalt  }
0x84: {  	_ =	shalt  }
0x85: {  	_ =	shalt  }
0x86: {  	_ =	shalt  }
0x87: {  	_ =	shalt  }
.Lfunc_end0:
.L_simem_size_0:
called_computation_lowered:
.L_overlay_start_0:
0x88: {  	s2 =	sld [smem:$0x3FD9]  }
0x89: {  	s3 =	sld [smem:$0x3FFE];
	_ =	sdelay $0x1  }
0x8a: {  	s1 =	srdreg.scid  }
0x8b: {  	s0 =	sand.u32 $0x1, s1  }
0x8c: {  	s17 =	sshll.u32 s0, $0xA;
	s2 =	sadd.s32 s3, s2  }
0x8d: {  	s2 =	sadd.s32 s2, s17  }
0x8e: {  	[smem:$0x3FB7] =	sst s2  }
0x8f: {  	_ = 	snop  }
0x90: {  	s2 =	sld [smem:$0x3FC8];
	(tm) =	ssettm $0x1  }
0x91: {  	s18 =	sld [smem:$0x3FFB];
	_ =	sdelay $0x3  }
0x92: {  	_ =	strace s18  }
0x93: {  	s3 =	sld [smem:$0x3FFC];
	_ =	sdelay $0x3  }
0x94: {  	_ =	strace s3  }
0x95: {  	s3 =	sld [smem:$0x3FFD];
	_ =	sdelay $0x3  }
0x96: {  	_ =	strace s3  }
0x97: {  	_ =	strace $0x8FFFFFFF  }
0x98: {  	s19 =	sld [smem:$0x3FDB];
	_ =	sdelay $0x1  }
0x99: {  	s4 =	simm.s32 $_scs_section_size  }
0x9a: {  	s5 =	simm.s32 $_size__tile_overlayer_lowered;
	s6 =	simm.s32 $_tile_overlayer_lowered  }
0x9b: {  	s22 =	simm.s32 $0x1BFF;
	s21 =	sshll.u32 s6, $0x1;
	s3 =	sadd.s32 s4, s19  }
0x9c: {  	s7 =	simm.s32 $0x0;
	s20 =	sshll.u32 s5, $0x1;
	s5 =	sadd.s32 s21, s3  }
0x9d: {  	[timem:s7], [sflag:s22] =	dma.local [hbm:s5], s20  }
0x9e: {  	_ =	swait.ge [sflag:s22], s20  }
0x9f: {  	s4 =	ssub.s32 $0x0, s20;
	[sflag:s22] =	ssyncset.done $0x0  }
0xa0: {  	[sflag:s22] =	ssyncadd.s32 s4;
	_ =	sdelay $0x1  }
0xa1: {  	s23 =	simm.s32 $0x1B8B  }
0xa2: {  	_ =	swait.ge [sflag:s23], $0x1  }
0xa3: {  	[sflag:s23] =	ssyncset.done $0x0  }
0xa4: {  	s25 =	simm.s32 $0x1B8E;
	s24 =	sld [smem:$0x3FFE];
	[sflag:s23] =	ssyncadd.s32 $0xFFFFFFFF  }
0xa5: {  	s26 =	simm.s32 $execute0_lowered;
	[smem:$0x3FD2] =	sst s25  }
0xa6: {  	s5 =	sshll.u32 s26, $0x1;
	_ =	strace $0x80000046;
	[dreg:$0x1] =	wrdreg $0xFFFFFFFF  }
0xa7: {  	s28 =	simm.s32 $_size_execute0_lowered;
	s3 =	sadd.s32 s3, s5;
	[dreg:$0x0] =	wrdreg $0x0  }
0xa8: {  	s5 =	sshll.u32 s28, $0x1;
	[dreg:$0x2] =	wrdreg s3  }
0xa9: {  	[dreg:$0x3] =	wrdreg s5  }
0xaa: {  	[dreg:$0x4] =	wrdreg $0xC0  }
0xab: {  	_ =	task [dreg:s7], $0x5FFFF  }
0xac: {  	[dreg:$0x1] =	wrdreg $0xFFFFFFFF  }
0xad: {  	[dreg:$0x0] =	wrdreg $0x60  }
0xae: {  	[dreg:$0x2] =	wrdreg s24  }
0xaf: {  	[dreg:$0x3] =	wrdreg s2  }
0xb0: {  	[dreg:$0x4] =	wrdreg $0x9  }
0xb1: {  	_ =	task.clear_ibuf [dreg:s7], $0x5FFFF;
	_ =	strace $0x90000046  }
0xb2: {  	s29 =	simm.s32 $0x9;
	_ =	strace $0x80000048  }
0xb3: {  	_ =	swait.ge [sflag:s29], $0x1  }
0xb4: {  	[sflag:s29] =	ssyncadd.s32 $0xFFFFFFFF  }
0xb5: {  	_ =	strace $0x90000048  }
0xb6: {  	_ =	sfence  }
0xb7: {  	s30 =	sld [smem:$0x0];
	_ =	sdelay $0x2  }
0xb8: {  	s31 =	sshll.u32 s1, $0xD;
	s1 =	sshrl.u32 s1, $0x2  }
0xb9: {  	s3 =	sand.u32 $0x4000, s31;
	s1 =	sadd.s32 s1, s30  }
0xba: {  	s0 =	sor.u32 s3, s0;
	s1 =	sshll.u32 s1, $0x11  }
0xbb: {  	s0 =	sor.u32 s1, s0  }
0xbc: {  	s0 =	sadd.s32 $0x8F2B, s0  }
0xbd: {  	[sflag:s0] =	ssyncadd.remote.s32 $0x1  }
0xbe: {  	_ =	sfence.sel $0xFFFF  }
0xbf: {  	[dreg:$0x0] =	wrdreg $0xFFFFFFFF;
	(pc) =	sbr.abs _section_cstart, $3  }
0xc0: {  	[dreg:$0x1] =	wrdreg $0xFFFFFFFF  }
0xc1: {  	_ =	task.clear_ibuf [dreg:s7], $0x2FFFF;
	_ =	strace $0x9FFFFFFF  }
0xc2: {  	(tm) =	ssettm $0x7FFFFFFF  }
0xc3: {  	_ =	shalt  }
tec
execute0_lowered:
.L_overlay_start_1:
0x0: {  	(tag) =	ssettag $0x1  }
0x1: {  	s0 =	rddreg [dreg:$0x0];
	s1 =	srdreg.scid  }
0x2: {  	s2 =	stileid.u32;
	s3 =	rddreg [dreg:$0x1]  }
0x3: {  	s8 =	simm.s32 $0x400;
	s9 =	simm.s32 $0xB400;
	s11 =	simm.s32 $0x2  }
0x4: {  	s31 =	simm.s32 $0x800;
	s30 =	simm.s32 $0xC00;
	s29 =	simm.s32 $0x1000  }
0x5: {  	s26 =	simm.s32 $0x1400;
	s25 =	simm.s32 $0x1800;
	p0 =	por $0x0, $0x0  }
0x6: {  	s18 =	simm.s32 $0x2800;
	s1 =	sand.u32 $0x1, s1;
	s4 =	sshll.u32 s2, $0x1  }
0x7: {  	s16 =	simm.s32 $0x2C00;
	s14 =	simm.s32 $0x3000;
	s4 =	sor.u32 s1, s4  }
0x8: {  	s2 =	simm.s32 $0x0;
	s7 =	sadd.s32 $0x2600, s0;
	s5 =	smul.u32 $0x68000, s4  }
0x9: {  	[smem:$0x7FF] =	sst s2;
	s1 =	ssub.s32 $0x2, s1;
	s6 =	smul.u32 $0x680, s4  }
0xa: {  	_ =	strace $0x80000047;
	s4 =	smul.u32 $0xD000, s4;
	s21 =	sshrl.u32 s1, $0x1  }
0xb: {  	s1 =	ssub.s32 s1, s21;
	s5 =	sshrl.u32 s5, $0x3;
	s3 =	sadd.s32 s3, s6  }
0xc: {  	s28 =	sadd.s32 s7, s4;
	s24 =	smax.u32 s1, $0x1;
	s4 =	simm.s32 $0x3  }
0xd: {  	s6 =	simm.s32 $0x1;
	s5 =	sadd.s32 s7, s5;
	[dreg:$0x3] =	wrdreg s3  }
0xe: {  	s22 =	sadd.s32 $0x1000, s28;
	s23 =	sadd.s32 $0x2000, s28;
	s3 =	sadd.s32 $0x27AEA00, s0  }
0xf: {  	s21 =	sadd.s32 $0x4000, s28;
	s19 =	sadd.s32 $0x5000, s28;
	s17 =	sadd.s32 $0x6000, s28  }
0x10: {  	s15 =	sadd.s32 $0x7000, s28;
	s13 =	sadd.s32 $0x8000, s28;
	p1 =	sne.s32 s24, $0x1  }
.Ltmp0:
0x11: {  	s12 =	sadd.s32 $0x9000, s28;
	s10 =	sadd.s32 $0xA000, s28;
	(pc) =	sbr.rel @!p1 .LBB2_3-.Ltmp0, $4  }
0x12: {  	s7 =	sadd.s32 $0xB000, s28;
	s1 =	sadd.s32 $0xFFFFFFFF, s24;
	[dreg:$0x5] =	wrdreg s22  }
0x13: {  	s24 =	simm.s32 $0x1C00;
	s20 =	sadd.s32 $0xC000, s5;
	[dreg:$0x6] =	wrdreg s23  }
0x14: {  	s23 =	sadd.s32 $0x3000, s28;
	s5 =	simm.s32 $0x3400;
	s0 =	rddreg [dreg:$0x3]  }
0x15: {  	s22 =	simm.s32 $0x2000;
	[dreg:$0x4] =	wrdreg s20;
	s20 =	simm.s32 $0x2400  }
0x16: {  	[tilespmem:s2], [sflag:$0x3] =	stream.linear.gather [hbm4b:s0+s2], $0x3400, $0x38;
	[tilespmem:$0x13400] =	vst v63  }
0x17: {  	_ =	swait.ge [sflag:s4], $0x3400  }
0x18: {  	[sflag:s4] =	ssyncset.done $0x0  }
0x19: {  	[sflag:s4] =	ssyncadd.s32 $0xFFFFCC00  }
0x1a: {  	[tilespmem:s5], [sflag:$0x1] =	stream.indirect.gather [hbm4b:s3+s8], $0x20, s2, s8, $0xb8;
	[tilespmem:$0x13400] =	vst v63  }
0x1b: {  	_ =	swait.ge [sflag:s6], $0x8000  }
0x1c: {  	[sflag:s6] =	ssyncset.done $0x0  }
0x1d: {  	[sflag:s6] =	ssyncadd.s32 $0xFFFF8000  }
0x1e: {  	[tilespmem:s9], [sflag:$0x2] =	stream.indirect.gather [hbm4b:s3+s8], $0x20, s8, s8, $0xb8;
	[tilespmem:$0x13400] =	vst v63  }
0x1f: {  	_ = 	snop  }
0x20: {  	[hbm4b:s28+s2] =	stream.linear.scatter [tilespmem:s5], [sflag:$0x3], $0x8000, $0x38;
	[tilespmem:$0x13400] =	vst v63  }
0x21: {  	_ =	swait.ge [sflag:s4], $0x8000  }
0x22: {  	[sflag:s4] =	ssyncset.done $0x0  }
0x23: {  	[sflag:s4] =	ssyncadd.s32 $0xFFFF8000  }
0x24: {  	_ =	swait.ge [sflag:s11], $0x8000  }
0x25: {  	[sflag:s11] =	ssyncset.done $0x0  }
0x26: {  	[sflag:s11] =	ssyncadd.s32 $0xFFFF8000  }
0x27: {  	[tilespmem:s5], [sflag:$0x1] =	stream.indirect.gather [hbm4b:s3+s8], $0x20, s31, s8, $0xb8;
	[tilespmem:$0x13400] =	vst v63  }
0x28: {  	s0 =	rddreg [dreg:$0x5]  }
0x29: {  	[hbm4b:s0+s2] =	stream.linear.scatter [tilespmem:s9], [sflag:$0x3], $0x8000, $0x38;
	[tilespmem:$0x13400] =	vst v63  }
0x2a: {  	_ =	swait.ge [sflag:s4], $0x8000  }
0x2b: {  	[sflag:s4] =	ssyncset.done $0x0  }
0x2c: {  	[sflag:s4] =	ssyncadd.s32 $0xFFFF8000  }
0x2d: {  	_ =	swait.ge [sflag:s6], $0x8000  }
0x2e: {  	[sflag:s6] =	ssyncset.done $0x0  }
0x2f: {  	[sflag:s6] =	ssyncadd.s32 $0xFFFF8000  }
0x30: {  	[tilespmem:s9], [sflag:$0x2] =	stream.indirect.gather [hbm4b:s3+s8], $0x20, s30, s8, $0xb8;
	[tilespmem:$0x13400] =	vst v63  }
0x31: {  	s0 =	rddreg [dreg:$0x6]  }
0x32: {  	[hbm4b:s0+s2] =	stream.linear.scatter [tilespmem:s5], [sflag:$0x3], $0x8000, $0x38;
	[tilespmem:$0x13400] =	vst v63  }
0x33: {  	_ =	swait.ge [sflag:s4], $0x8000  }
0x34: {  	[sflag:s4] =	ssyncset.done $0x0  }
0x35: {  	[sflag:s4] =	ssyncadd.s32 $0xFFFF8000  }
0x36: {  	_ =	swait.ge [sflag:s11], $0x8000  }
0x37: {  	[sflag:s11] =	ssyncset.done $0x0  }
0x38: {  	[sflag:s11] =	ssyncadd.s32 $0xFFFF8000  }
0x39: {  	[tilespmem:s5], [sflag:$0x1] =	stream.indirect.gather [hbm4b:s3+s8], $0x20, s29, s8, $0xb8;
	[tilespmem:$0x13400] =	vst v63  }
0x3a: {  	_ = 	snop  }
0x3b: {  	[hbm4b:s23+s2] =	stream.linear.scatter [tilespmem:s9], [sflag:$0x3], $0x8000, $0x38;
	[tilespmem:$0x13400] =	vst v63  }
0x3c: {  	_ =	swait.ge [sflag:s4], $0x8000  }
0x3d: {  	[sflag:s4] =	ssyncset.done $0x0  }
0x3e: {  	[sflag:s4] =	ssyncadd.s32 $0xFFFF8000  }
0x3f: {  	_ =	swait.ge [sflag:s6], $0x8000  }
0x40: {  	[sflag:s6] =	ssyncset.done $0x0  }
0x41: {  	[sflag:s6] =	ssyncadd.s32 $0xFFFF8000  }
0x42: {  	[tilespmem:s9], [sflag:$0x2] =	stream.indirect.gather [hbm4b:s3+s8], $0x20, s26, s8, $0xb8;
	[tilespmem:$0x13400] =	vst v63  }
0x43: {  	_ = 	snop  }
0x44: {  	[hbm4b:s21+s2] =	stream.linear.scatter [tilespmem:s5], [sflag:$0x3], $0x8000, $0x38;
	[tilespmem:$0x13400] =	vst v63  }
0x45: {  	_ =	swait.ge [sflag:s4], $0x8000  }
0x46: {  	[sflag:s4] =	ssyncset.done $0x0  }
0x47: {  	[sflag:s4] =	ssyncadd.s32 $0xFFFF8000  }
0x48: {  	_ =	swait.ge [sflag:s11], $0x8000  }
0x49: {  	[sflag:s11] =	ssyncset.done $0x0  }
0x4a: {  	[sflag:s11] =	ssyncadd.s32 $0xFFFF8000  }
0x4b: {  	[tilespmem:s5], [sflag:$0x1] =	stream.indirect.gather [hbm4b:s3+s8], $0x20, s25, s8, $0xb8;
	[tilespmem:$0x13400] =	vst v63  }
0x4c: {  	_ = 	snop  }
0x4d: {  	[hbm4b:s19+s2] =	stream.linear.scatter [tilespmem:s9], [sflag:$0x3], $0x8000, $0x38;
	[tilespmem:$0x13400] =	vst v63  }
0x4e: {  	_ =	swait.ge [sflag:s4], $0x8000  }
0x4f: {  	[sflag:s4] =	ssyncset.done $0x0  }
0x50: {  	[sflag:s4] =	ssyncadd.s32 $0xFFFF8000  }
0x51: {  	_ =	swait.ge [sflag:s6], $0x8000  }
0x52: {  	[sflag:s6] =	ssyncset.done $0x0  }
0x53: {  	[sflag:s6] =	ssyncadd.s32 $0xFFFF8000  }
0x54: {  	[tilespmem:s9], [sflag:$0x2] =	stream.indirect.gather [hbm4b:s3+s8], $0x20, s24, s8, $0xb8;
	[tilespmem:$0x13400] =	vst v63  }
0x55: {  	_ = 	snop  }
0x56: {  	[hbm4b:s17+s2] =	stream.linear.scatter [tilespmem:s5], [sflag:$0x3], $0x8000, $0x38;
	[tilespmem:$0x13400] =	vst v63  }
0x57: {  	_ =	swait.ge [sflag:s4], $0x8000  }
0x58: {  	[sflag:s4] =	ssyncset.done $0x0  }
0x59: {  	[sflag:s4] =	ssyncadd.s32 $0xFFFF8000  }
0x5a: {  	_ =	swait.ge [sflag:s11], $0x8000  }
0x5b: {  	[sflag:s11] =	ssyncset.done $0x0  }
0x5c: {  	[sflag:s11] =	ssyncadd.s32 $0xFFFF8000  }
0x5d: {  	[tilespmem:s5], [sflag:$0x1] =	stream.indirect.gather [hbm4b:s3+s8], $0x20, s22, s8, $0xb8;
	[tilespmem:$0x13400] =	vst v63  }
0x5e: {  	_ = 	snop  }
0x5f: {  	[hbm4b:s15+s2] =	stream.linear.scatter [tilespmem:s9], [sflag:$0x3], $0x8000, $0x38;
	[tilespmem:$0x13400] =	vst v63  }
0x60: {  	_ =	swait.ge [sflag:s4], $0x8000  }
0x61: {  	[sflag:s4] =	ssyncset.done $0x0  }
0x62: {  	[sflag:s4] =	ssyncadd.s32 $0xFFFF8000  }
0x63: {  	_ =	swait.ge [sflag:s6], $0x8000  }
0x64: {  	[sflag:s6] =	ssyncset.done $0x0  }
0x65: {  	[sflag:s6] =	ssyncadd.s32 $0xFFFF8000  }
0x66: {  	[tilespmem:s9], [sflag:$0x2] =	stream.indirect.gather [hbm4b:s3+s8], $0x20, s20, s8, $0xb8;
	[tilespmem:$0x13400] =	vst v63  }
0x67: {  	_ = 	snop  }
0x68: {  	[hbm4b:s13+s2] =	stream.linear.scatter [tilespmem:s5], [sflag:$0x3], $0x8000, $0x38;
	[tilespmem:$0x13400] =	vst v63  }
0x69: {  	_ =	swait.ge [sflag:s4], $0x8000  }
0x6a: {  	[sflag:s4] =	ssyncset.done $0x0  }
0x6b: {  	[sflag:s4] =	ssyncadd.s32 $0xFFFF8000  }
0x6c: {  	_ =	swait.ge [sflag:s11], $0x8000  }
0x6d: {  	[sflag:s11] =	ssyncset.done $0x0  }
0x6e: {  	[sflag:s11] =	ssyncadd.s32 $0xFFFF8000  }
0x6f: {  	[tilespmem:s5], [sflag:$0x1] =	stream.indirect.gather [hbm4b:s3+s8], $0x20, s18, s8, $0xb8;
	[tilespmem:$0x13400] =	vst v63  }
0x70: {  	_ = 	snop  }
0x71: {  	[hbm4b:s12+s2] =	stream.linear.scatter [tilespmem:s9], [sflag:$0x3], $0x8000, $0x38;
	[tilespmem:$0x13400] =	vst v63  }
0x72: {  	_ =	swait.ge [sflag:s4], $0x8000  }
0x73: {  	[sflag:s4] =	ssyncset.done $0x0  }
0x74: {  	[sflag:s4] =	ssyncadd.s32 $0xFFFF8000  }
0x75: {  	_ =	swait.ge [sflag:s6], $0x8000  }
0x76: {  	[sflag:s6] =	ssyncset.done $0x0  }
0x77: {  	[sflag:s6] =	ssyncadd.s32 $0xFFFF8000  }
0x78: {  	[tilespmem:s9], [sflag:$0x2] =	stream.indirect.gather [hbm4b:s3+s8], $0x20, s16, s8, $0xb8;
	[tilespmem:$0x13400] =	vst v63  }
0x79: {  	_ = 	snop  }
0x7a: {  	[hbm4b:s10+s2] =	stream.linear.scatter [tilespmem:s5], [sflag:$0x3], $0x8000, $0x38;
	[tilespmem:$0x13400] =	vst v63  }
0x7b: {  	_ =	swait.ge [sflag:s4], $0x8000  }
0x7c: {  	[sflag:s4] =	ssyncset.done $0x0  }
0x7d: {  	[sflag:s4] =	ssyncadd.s32 $0xFFFF8000  }
0x7e: {  	_ =	swait.ge [sflag:s11], $0x8000  }
0x7f: {  	[sflag:s11] =	ssyncset.done $0x0  }
0x80: {  	[sflag:s11] =	ssyncadd.s32 $0xFFFF8000  }
0x81: {  	[tilespmem:s5], [sflag:$0x1] =	stream.indirect.gather [hbm4b:s3+s8], $0x20, s14, s8, $0xb8;
	[tilespmem:$0x13400] =	vst v63  }
0x82: {  	_ = 	snop  }
0x83: {  	[hbm4b:s7+s2] =	stream.linear.scatter [tilespmem:s9], [sflag:$0x3], $0x8000, $0x38;
	[tilespmem:$0x13400] =	vst v63  }
0x84: {  	_ =	swait.ge [sflag:s4], $0x8000  }
0x85: {  	[sflag:s4] =	ssyncset.done $0x0  }
0x86: {  	[sflag:s4] =	ssyncadd.s32 $0xFFFF8000  }
0x87: {  	p1 =	sne.s32 s1, $0x1;
	_ =	swait.ge [sflag:s6], $0x8000  }
.Ltmp1:
0x88: {  	[sflag:s6] =	ssyncset.done $0x0;
	(pc) =	sbr.rel @!p1 .LBB2_3-.Ltmp1, $4  }
0x89: {  	s0 =	rddreg [dreg:$0x4];
	[sflag:s6] =	ssyncadd.s32 $0xFFFF8000  }
0x8a: {  	[hbm4b:s0+s2] =	stream.linear.scatter [tilespmem:s5], [sflag:$0x3], $0x8000, $0x38;
	[tilespmem:$0x13400] =	vst v63  }
0x8b: {  	s1 =	sadd.s32 $0xFFFFFFFF, s1;
	_ =	swait.ge [sflag:s4], $0x8000  }
0x8c: {  	p0 =	por $0x1, $0x1;
	s0 =	rddreg [dreg:$0x3];
	[sflag:s4] =	ssyncset.done $0x0  }
.LBB2_2:
0x8d: {  	[sflag:s4] =	ssyncadd.s32 $0xFFFF8000  }
0x8e: {  	[tilespmem:s2], [sflag:$0x3] =	stream.linear.gather [hbm4b:s0+s2], $0x3400, $0x38;
	[tilespmem:$0x13400] =	vst v63  }
0x8f: {  	_ =	swait.ge [sflag:s4], $0x3400  }
0x90: {  	[sflag:s4] =	ssyncset.done $0x0  }
0x91: {  	[sflag:s4] =	ssyncadd.s32 $0xFFFFCC00  }
0x92: {  	[tilespmem:s5], [sflag:$0x1] =	stream.indirect.gather [hbm4b:s3+s8], $0x20, s2, s8, $0xb8;
	[tilespmem:$0x13400] =	vst v63  }
0x93: {  	_ =	swait.ge [sflag:s6], $0x8000  }
0x94: {  	[sflag:s6] =	ssyncset.done $0x0  }
0x95: {  	[sflag:s6] =	ssyncadd.s32 $0xFFFF8000  }
0x96: {  	[tilespmem:s9], [sflag:$0x2] =	stream.indirect.gather [hbm4b:s3+s8], $0x20, s8, s8, $0xb8;
	[tilespmem:$0x13400] =	vst v63  }
0x97: {  	_ = 	snop  }
0x98: {  	[hbm4b:s28+s2] =	stream.linear.scatter [tilespmem:s5], [sflag:$0x3], $0x8000, $0x38;
	[tilespmem:$0x13400] =	vst v63  }
0x99: {  	_ =	swait.ge [sflag:s4], $0x8000  }
0x9a: {  	[sflag:s4] =	ssyncset.done $0x0  }
0x9b: {  	[sflag:s4] =	ssyncadd.s32 $0xFFFF8000  }
0x9c: {  	_ =	swait.ge [sflag:s11], $0x8000  }
0x9d: {  	[sflag:s11] =	ssyncset.done $0x0  }
0x9e: {  	[sflag:s11] =	ssyncadd.s32 $0xFFFF8000  }
0x9f: {  	[tilespmem:s5], [sflag:$0x1] =	stream.indirect.gather [hbm4b:s3+s8], $0x20, s31, s8, $0xb8;
	[tilespmem:$0x13400] =	vst v63  }
0xa0: {  	s0 =	rddreg [dreg:$0x5]  }
0xa1: {  	[hbm4b:s0+s2] =	stream.linear.scatter [tilespmem:s9], [sflag:$0x3], $0x8000, $0x38;
	[tilespmem:$0x13400] =	vst v63  }
0xa2: {  	_ =	swait.ge [sflag:s4], $0x8000  }
0xa3: {  	[sflag:s4] =	ssyncset.done $0x0  }
0xa4: {  	[sflag:s4] =	ssyncadd.s32 $0xFFFF8000  }
0xa5: {  	_ =	swait.ge [sflag:s6], $0x8000  }
0xa6: {  	[sflag:s6] =	ssyncset.done $0x0  }
0xa7: {  	[sflag:s6] =	ssyncadd.s32 $0xFFFF8000  }
0xa8: {  	[tilespmem:s9], [sflag:$0x2] =	stream.indirect.gather [hbm4b:s3+s8], $0x20, s30, s8, $0xb8;
	[tilespmem:$0x13400] =	vst v63  }
0xa9: {  	s0 =	rddreg [dreg:$0x6]  }
0xaa: {  	[hbm4b:s0+s2] =	stream.linear.scatter [tilespmem:s5], [sflag:$0x3], $0x8000, $0x38;
	[tilespmem:$0x13400] =	vst v63  }
0xab: {  	_ =	swait.ge [sflag:s4], $0x8000  }
0xac: {  	[sflag:s4] =	ssyncset.done $0x0  }
0xad: {  	[sflag:s4] =	ssyncadd.s32 $0xFFFF8000  }
0xae: {  	_ =	swait.ge [sflag:s11], $0x8000  }
0xaf: {  	[sflag:s11] =	ssyncset.done $0x0  }
0xb0: {  	[sflag:s11] =	ssyncadd.s32 $0xFFFF8000  }
0xb1: {  	[tilespmem:s5], [sflag:$0x1] =	stream.indirect.gather [hbm4b:s3+s8], $0x20, s29, s8, $0xb8;
	[tilespmem:$0x13400] =	vst v63  }
0xb2: {  	_ = 	snop  }
0xb3: {  	[hbm4b:s23+s2] =	stream.linear.scatter [tilespmem:s9], [sflag:$0x3], $0x8000, $0x38;
	[tilespmem:$0x13400] =	vst v63  }
0xb4: {  	_ =	swait.ge [sflag:s4], $0x8000  }
0xb5: {  	[sflag:s4] =	ssyncset.done $0x0  }
0xb6: {  	[sflag:s4] =	ssyncadd.s32 $0xFFFF8000  }
0xb7: {  	_ =	swait.ge [sflag:s6], $0x8000  }
0xb8: {  	[sflag:s6] =	ssyncset.done $0x0  }
0xb9: {  	[sflag:s6] =	ssyncadd.s32 $0xFFFF8000  }
0xba: {  	[tilespmem:s9], [sflag:$0x2] =	stream.indirect.gather [hbm4b:s3+s8], $0x20, s26, s8, $0xb8;
	[tilespmem:$0x13400] =	vst v63  }
0xbb: {  	_ = 	snop  }
0xbc: {  	[hbm4b:s21+s2] =	stream.linear.scatter [tilespmem:s5], [sflag:$0x3], $0x8000, $0x38;
	[tilespmem:$0x13400] =	vst v63  }
0xbd: {  	_ =	swait.ge [sflag:s4], $0x8000  }
0xbe: {  	[sflag:s4] =	ssyncset.done $0x0  }
0xbf: {  	[sflag:s4] =	ssyncadd.s32 $0xFFFF8000  }
0xc0: {  	_ =	swait.ge [sflag:s11], $0x8000  }
0xc1: {  	[sflag:s11] =	ssyncset.done $0x0  }
0xc2: {  	[sflag:s11] =	ssyncadd.s32 $0xFFFF8000  }
0xc3: {  	[tilespmem:s5], [sflag:$0x1] =	stream.indirect.gather [hbm4b:s3+s8], $0x20, s25, s8, $0xb8;
	[tilespmem:$0x13400] =	vst v63  }
0xc4: {  	_ = 	snop  }
0xc5: {  	[hbm4b:s19+s2] =	stream.linear.scatter [tilespmem:s9], [sflag:$0x3], $0x8000, $0x38;
	[tilespmem:$0x13400] =	vst v63  }
0xc6: {  	_ =	swait.ge [sflag:s4], $0x8000  }
0xc7: {  	[sflag:s4] =	ssyncset.done $0x0  }
0xc8: {  	[sflag:s4] =	ssyncadd.s32 $0xFFFF8000  }
0xc9: {  	_ =	swait.ge [sflag:s6], $0x8000  }
0xca: {  	[sflag:s6] =	ssyncset.done $0x0  }
0xcb: {  	[sflag:s6] =	ssyncadd.s32 $0xFFFF8000  }
0xcc: {  	[tilespmem:s9], [sflag:$0x2] =	stream.indirect.gather [hbm4b:s3+s8], $0x20, s24, s8, $0xb8;
	[tilespmem:$0x13400] =	vst v63  }
0xcd: {  	_ = 	snop  }
0xce: {  	[hbm4b:s17+s2] =	stream.linear.scatter [tilespmem:s5], [sflag:$0x3], $0x8000, $0x38;
	[tilespmem:$0x13400] =	vst v63  }
0xcf: {  	_ =	swait.ge [sflag:s4], $0x8000  }
0xd0: {  	[sflag:s4] =	ssyncset.done $0x0  }
0xd1: {  	[sflag:s4] =	ssyncadd.s32 $0xFFFF8000  }
0xd2: {  	_ =	swait.ge [sflag:s11], $0x8000  }
0xd3: {  	[sflag:s11] =	ssyncset.done $0x0  }
0xd4: {  	[sflag:s11] =	ssyncadd.s32 $0xFFFF8000  }
0xd5: {  	[tilespmem:s5], [sflag:$0x1] =	stream.indirect.gather [hbm4b:s3+s8], $0x20, s22, s8, $0xb8;
	[tilespmem:$0x13400] =	vst v63  }
0xd6: {  	_ = 	snop  }
0xd7: {  	[hbm4b:s15+s2] =	stream.linear.scatter [tilespmem:s9], [sflag:$0x3], $0x8000, $0x38;
	[tilespmem:$0x13400] =	vst v63  }
0xd8: {  	_ =	swait.ge [sflag:s4], $0x8000  }
0xd9: {  	[sflag:s4] =	ssyncset.done $0x0  }
0xda: {  	[sflag:s4] =	ssyncadd.s32 $0xFFFF8000  }
0xdb: {  	_ =	swait.ge [sflag:s6], $0x8000  }
0xdc: {  	[sflag:s6] =	ssyncset.done $0x0  }
0xdd: {  	[sflag:s6] =	ssyncadd.s32 $0xFFFF8000  }
0xde: {  	[tilespmem:s9], [sflag:$0x2] =	stream.indirect.gather [hbm4b:s3+s8], $0x20, s20, s8, $0xb8;
	[tilespmem:$0x13400] =	vst v63  }
0xdf: {  	_ = 	snop  }
0xe0: {  	[hbm4b:s13+s2] =	stream.linear.scatter [tilespmem:s5], [sflag:$0x3], $0x8000, $0x38;
	[tilespmem:$0x13400] =	vst v63  }
0xe1: {  	_ =	swait.ge [sflag:s4], $0x8000  }
0xe2: {  	[sflag:s4] =	ssyncset.done $0x0  }
0xe3: {  	[sflag:s4] =	ssyncadd.s32 $0xFFFF8000  }
0xe4: {  	_ =	swait.ge [sflag:s11], $0x8000  }
0xe5: {  	[sflag:s11] =	ssyncset.done $0x0  }
0xe6: {  	[sflag:s11] =	ssyncadd.s32 $0xFFFF8000  }
0xe7: {  	[tilespmem:s5], [sflag:$0x1] =	stream.indirect.gather [hbm4b:s3+s8], $0x20, s18, s8, $0xb8;
	[tilespmem:$0x13400] =	vst v63  }
0xe8: {  	_ = 	snop  }
0xe9: {  	[hbm4b:s12+s2] =	stream.linear.scatter [tilespmem:s9], [sflag:$0x3], $0x8000, $0x38;
	[tilespmem:$0x13400] =	vst v63  }
0xea: {  	_ =	swait.ge [sflag:s4], $0x8000  }
0xeb: {  	[sflag:s4] =	ssyncset.done $0x0  }
0xec: {  	[sflag:s4] =	ssyncadd.s32 $0xFFFF8000  }
0xed: {  	_ =	swait.ge [sflag:s6], $0x8000  }
0xee: {  	[sflag:s6] =	ssyncset.done $0x0  }
0xef: {  	[sflag:s6] =	ssyncadd.s32 $0xFFFF8000  }
0xf0: {  	[tilespmem:s9], [sflag:$0x2] =	stream.indirect.gather [hbm4b:s3+s8], $0x20, s16, s8, $0xb8;
	[tilespmem:$0x13400] =	vst v63  }
0xf1: {  	_ = 	snop  }
0xf2: {  	[hbm4b:s10+s2] =	stream.linear.scatter [tilespmem:s5], [sflag:$0x3], $0x8000, $0x38;
	[tilespmem:$0x13400] =	vst v63  }
0xf3: {  	_ =	swait.ge [sflag:s4], $0x8000  }
0xf4: {  	[sflag:s4] =	ssyncset.done $0x0  }
0xf5: {  	[sflag:s4] =	ssyncadd.s32 $0xFFFF8000  }
0xf6: {  	_ =	swait.ge [sflag:s11], $0x8000  }
0xf7: {  	[sflag:s11] =	ssyncset.done $0x0  }
0xf8: {  	[sflag:s11] =	ssyncadd.s32 $0xFFFF8000  }
0xf9: {  	[tilespmem:s5], [sflag:$0x1] =	stream.indirect.gather [hbm4b:s3+s8], $0x20, s14, s8, $0xb8;
	[tilespmem:$0x13400] =	vst v63  }
0xfa: {  	_ = 	snop  }
0xfb: {  	[hbm4b:s7+s2] =	stream.linear.scatter [tilespmem:s9], [sflag:$0x3], $0x8000, $0x38;
	[tilespmem:$0x13400] =	vst v63  }
0xfc: {  	_ =	swait.ge [sflag:s4], $0x8000  }
0xfd: {  	[sflag:s4] =	ssyncset.done $0x0  }
0xfe: {  	[sflag:s4] =	ssyncadd.s32 $0xFFFF8000  }
0xff: {  	p1 =	sne.s32 s1, $0x1;
	_ =	swait.ge [sflag:s6], $0x8000  }
.Ltmp2:
0x100: {  	[sflag:s6] =	ssyncset.done $0x0;
	(pc) =	sbr.rel @p1 .LBB2_2-.Ltmp2, $4  }
0x101: {  	s0 =	rddreg [dreg:$0x4];
	[sflag:s6] =	ssyncadd.s32 $0xFFFF8000  }
0x102: {  	[hbm4b:s0+s2] =	stream.linear.scatter [tilespmem:s5], [sflag:$0x3], $0x8000, $0x38;
	[tilespmem:$0x13400] =	vst v63  }
0x103: {  	_ =	swait.ge [sflag:s4], $0x8000  }
0x104: {  	s1 =	sadd.s32 $0xFFFFFFFF, s1;
	s0 =	rddreg [dreg:$0x3];
	[sflag:s4] =	ssyncset.done $0x0  }
.LBB2_3:
0x105: {  	[sflag:s4] =	ssyncadd.s32 @p0 $0xFFFF8000  }
0x106: {  	[tilespmem:s2], [sflag:$0x3] =	stream.linear.gather [hbm4b:s0+s2], $0x3400, $0x38;
	[tilespmem:$0x13400] =	vst v63  }
0x107: {  	_ =	swait.ge [sflag:s4], $0x3400  }
0x108: {  	[sflag:s4] =	ssyncset.done $0x0  }
0x109: {  	[sflag:s4] =	ssyncadd.s32 $0xFFFFCC00  }
0x10a: {  	[tilespmem:s5], [sflag:$0x1] =	stream.indirect.gather [hbm4b:s3+s8], $0x20, s2, s8, $0xb8;
	[tilespmem:$0x13400] =	vst v63  }
0x10b: {  	_ =	swait.ge [sflag:s6], $0x8000  }
0x10c: {  	[sflag:s6] =	ssyncset.done $0x0  }
0x10d: {  	[sflag:s6] =	ssyncadd.s32 $0xFFFF8000  }
0x10e: {  	[tilespmem:s9], [sflag:$0x2] =	stream.indirect.gather [hbm4b:s3+s8], $0x20, s8, s8, $0xb8;
	[tilespmem:$0x13400] =	vst v63  }
0x10f: {  	_ = 	snop  }
0x110: {  	[hbm4b:s28+s2] =	stream.linear.scatter [tilespmem:s5], [sflag:$0x3], $0x8000, $0x38;
	[tilespmem:$0x13400] =	vst v63  }
0x111: {  	_ =	swait.ge [sflag:s4], $0x8000  }
0x112: {  	[sflag:s4] =	ssyncset.done $0x0  }
0x113: {  	[sflag:s4] =	ssyncadd.s32 $0xFFFF8000  }
0x114: {  	_ =	swait.ge [sflag:s11], $0x8000  }
0x115: {  	[sflag:s11] =	ssyncset.done $0x0  }
0x116: {  	[sflag:s11] =	ssyncadd.s32 $0xFFFF8000  }
0x117: {  	[tilespmem:s5], [sflag:$0x1] =	stream.indirect.gather [hbm4b:s3+s8], $0x20, s31, s8, $0xb8;
	[tilespmem:$0x13400] =	vst v63  }
0x118: {  	s1 =	rddreg [dreg:$0x5]  }
0x119: {  	[hbm4b:s1+s2] =	stream.linear.scatter [tilespmem:s9], [sflag:$0x3], $0x8000, $0x38;
	[tilespmem:$0x13400] =	vst v63  }
0x11a: {  	_ =	swait.ge [sflag:s4], $0x8000  }
0x11b: {  	[sflag:s4] =	ssyncset.done $0x0  }
0x11c: {  	[sflag:s4] =	ssyncadd.s32 $0xFFFF8000  }
0x11d: {  	_ =	swait.ge [sflag:s6], $0x8000  }
0x11e: {  	[sflag:s6] =	ssyncset.done $0x0  }
0x11f: {  	[sflag:s6] =	ssyncadd.s32 $0xFFFF8000  }
0x120: {  	[tilespmem:s9], [sflag:$0x2] =	stream.indirect.gather [hbm4b:s3+s8], $0x20, s30, s8, $0xb8;
	[tilespmem:$0x13400] =	vst v63  }
0x121: {  	s28 =	rddreg [dreg:$0x6]  }
0x122: {  	[hbm4b:s28+s2] =	stream.linear.scatter [tilespmem:s5], [sflag:$0x3], $0x8000, $0x38;
	[tilespmem:$0x13400] =	vst v63  }
0x123: {  	_ =	swait.ge [sflag:s4], $0x8000  }
0x124: {  	[sflag:s4] =	ssyncset.done $0x0  }
0x125: {  	[sflag:s4] =	ssyncadd.s32 $0xFFFF8000  }
0x126: {  	_ =	swait.ge [sflag:s11], $0x8000  }
0x127: {  	[sflag:s11] =	ssyncset.done $0x0  }
0x128: {  	[sflag:s11] =	ssyncadd.s32 $0xFFFF8000  }
0x129: {  	[tilespmem:s5], [sflag:$0x1] =	stream.indirect.gather [hbm4b:s3+s8], $0x20, s29, s8, $0xb8;
	[tilespmem:$0x13400] =	vst v63  }
0x12a: {  	_ = 	snop  }
0x12b: {  	[hbm4b:s23+s2] =	stream.linear.scatter [tilespmem:s9], [sflag:$0x3], $0x8000, $0x38;
	[tilespmem:$0x13400] =	vst v63  }
0x12c: {  	_ =	swait.ge [sflag:s4], $0x8000  }
0x12d: {  	[sflag:s4] =	ssyncset.done $0x0  }
0x12e: {  	[sflag:s4] =	ssyncadd.s32 $0xFFFF8000  }
0x12f: {  	_ =	swait.ge [sflag:s6], $0x8000  }
0x130: {  	[sflag:s6] =	ssyncset.done $0x0  }
0x131: {  	[sflag:s6] =	ssyncadd.s32 $0xFFFF8000  }
0x132: {  	[tilespmem:s9], [sflag:$0x2] =	stream.indirect.gather [hbm4b:s3+s8], $0x20, s26, s8, $0xb8;
	[tilespmem:$0x13400] =	vst v63  }
0x133: {  	_ = 	snop  }
0x134: {  	[hbm4b:s21+s2] =	stream.linear.scatter [tilespmem:s5], [sflag:$0x3], $0x8000, $0x38;
	[tilespmem:$0x13400] =	vst v63  }
0x135: {  	_ =	swait.ge [sflag:s4], $0x8000  }
0x136: {  	[sflag:s4] =	ssyncset.done $0x0  }
0x137: {  	[sflag:s4] =	ssyncadd.s32 $0xFFFF8000  }
0x138: {  	_ =	swait.ge [sflag:s11], $0x8000  }
0x139: {  	[sflag:s11] =	ssyncset.done $0x0  }
0x13a: {  	[sflag:s11] =	ssyncadd.s32 $0xFFFF8000  }
0x13b: {  	[tilespmem:s5], [sflag:$0x1] =	stream.indirect.gather [hbm4b:s3+s8], $0x20, s25, s8, $0xb8;
	[tilespmem:$0x13400] =	vst v63  }
0x13c: {  	_ = 	snop  }
0x13d: {  	[hbm4b:s19+s2] =	stream.linear.scatter [tilespmem:s9], [sflag:$0x3], $0x8000, $0x38;
	[tilespmem:$0x13400] =	vst v63  }
0x13e: {  	_ =	swait.ge [sflag:s4], $0x8000  }
0x13f: {  	[sflag:s4] =	ssyncset.done $0x0  }
0x140: {  	[sflag:s4] =	ssyncadd.s32 $0xFFFF8000  }
0x141: {  	_ =	swait.ge [sflag:s6], $0x8000  }
0x142: {  	[sflag:s6] =	ssyncset.done $0x0  }
0x143: {  	[sflag:s6] =	ssyncadd.s32 $0xFFFF8000  }
0x144: {  	[tilespmem:s9], [sflag:$0x2] =	stream.indirect.gather [hbm4b:s3+s8], $0x20, s24, s8, $0xb8;
	[tilespmem:$0x13400] =	vst v63  }
0x145: {  	_ = 	snop  }
0x146: {  	[hbm4b:s17+s2] =	stream.linear.scatter [tilespmem:s5], [sflag:$0x3], $0x8000, $0x38;
	[tilespmem:$0x13400] =	vst v63  }
0x147: {  	_ =	swait.ge [sflag:s4], $0x8000  }
0x148: {  	[sflag:s4] =	ssyncset.done $0x0  }
0x149: {  	[sflag:s4] =	ssyncadd.s32 $0xFFFF8000  }
0x14a: {  	_ =	swait.ge [sflag:s11], $0x8000  }
0x14b: {  	[sflag:s11] =	ssyncset.done $0x0  }
0x14c: {  	[sflag:s11] =	ssyncadd.s32 $0xFFFF8000  }
0x14d: {  	[tilespmem:s5], [sflag:$0x1] =	stream.indirect.gather [hbm4b:s3+s8], $0x20, s22, s8, $0xb8;
	[tilespmem:$0x13400] =	vst v63  }
0x14e: {  	_ = 	snop  }
0x14f: {  	[hbm4b:s15+s2] =	stream.linear.scatter [tilespmem:s9], [sflag:$0x3], $0x8000, $0x38;
	[tilespmem:$0x13400] =	vst v63  }
0x150: {  	_ =	swait.ge [sflag:s4], $0x8000  }
0x151: {  	[sflag:s4] =	ssyncset.done $0x0  }
0x152: {  	[sflag:s4] =	ssyncadd.s32 $0xFFFF8000  }
0x153: {  	_ =	swait.ge [sflag:s6], $0x8000  }
0x154: {  	[sflag:s6] =	ssyncset.done $0x0  }
0x155: {  	[sflag:s6] =	ssyncadd.s32 $0xFFFF8000  }
0x156: {  	[tilespmem:s9], [sflag:$0x2] =	stream.indirect.gather [hbm4b:s3+s8], $0x20, s20, s8, $0xb8;
	[tilespmem:$0x13400] =	vst v63  }
0x157: {  	_ = 	snop  }
0x158: {  	[hbm4b:s13+s2] =	stream.linear.scatter [tilespmem:s5], [sflag:$0x3], $0x8000, $0x38;
	[tilespmem:$0x13400] =	vst v63  }
0x159: {  	_ =	swait.ge [sflag:s4], $0x8000  }
0x15a: {  	[sflag:s4] =	ssyncset.done $0x0  }
0x15b: {  	[sflag:s4] =	ssyncadd.s32 $0xFFFF8000  }
0x15c: {  	_ =	swait.ge [sflag:s11], $0x8000  }
0x15d: {  	[sflag:s11] =	ssyncset.done $0x0  }
0x15e: {  	[sflag:s11] =	ssyncadd.s32 $0xFFFF8000  }
0x15f: {  	[tilespmem:s5], [sflag:$0x1] =	stream.indirect.gather [hbm4b:s3+s8], $0x20, s18, s8, $0xb8;
	[tilespmem:$0x13400] =	vst v63  }
0x160: {  	_ = 	snop  }
0x161: {  	[hbm4b:s12+s2] =	stream.linear.scatter [tilespmem:s9], [sflag:$0x3], $0x8000, $0x38;
	[tilespmem:$0x13400] =	vst v63  }
0x162: {  	_ =	swait.ge [sflag:s4], $0x8000  }
0x163: {  	[sflag:s4] =	ssyncset.done $0x0  }
0x164: {  	[sflag:s4] =	ssyncadd.s32 $0xFFFF8000  }
0x165: {  	_ =	swait.ge [sflag:s6], $0x8000  }
0x166: {  	[sflag:s6] =	ssyncset.done $0x0  }
0x167: {  	[sflag:s6] =	ssyncadd.s32 $0xFFFF8000  }
0x168: {  	[tilespmem:s9], [sflag:$0x2] =	stream.indirect.gather [hbm4b:s3+s8], $0x20, s16, s8, $0xb8;
	[tilespmem:$0x13400] =	vst v63  }
0x169: {  	_ = 	snop  }
0x16a: {  	[hbm4b:s10+s2] =	stream.linear.scatter [tilespmem:s5], [sflag:$0x3], $0x8000, $0x38;
	[tilespmem:$0x13400] =	vst v63  }
0x16b: {  	_ =	swait.ge [sflag:s4], $0x8000  }
0x16c: {  	[sflag:s4] =	ssyncset.done $0x0  }
0x16d: {  	[sflag:s4] =	ssyncadd.s32 $0xFFFF8000  }
0x16e: {  	_ =	swait.ge [sflag:s11], $0x8000  }
0x16f: {  	[sflag:s11] =	ssyncset.done $0x0  }
0x170: {  	[sflag:s11] =	ssyncadd.s32 $0xFFFF8000  }
0x171: {  	[tilespmem:s5], [sflag:$0x1] =	stream.indirect.gather [hbm4b:s3+s8], $0x20, s14, s8, $0xb8;
	[tilespmem:$0x13400] =	vst v63  }
0x172: {  	_ = 	snop  }
0x173: {  	[hbm4b:s7+s2] =	stream.linear.scatter [tilespmem:s9], [sflag:$0x3], $0x8000, $0x38;
	[tilespmem:$0x13400] =	vst v63  }
0x174: {  	_ =	swait.ge [sflag:s4], $0x8000  }
0x175: {  	[sflag:s4] =	ssyncset.done $0x0  }
0x176: {  	[sflag:s4] =	ssyncadd.s32 $0xFFFF8000  }
0x177: {  	_ =	swait.ge [sflag:s6], $0x8000  }
0x178: {  	[sflag:s6] =	ssyncset.done $0x0  }
0x179: {  	s30 =	rddreg [dreg:$0x4];
	[sflag:s6] =	ssyncadd.s32 $0xFFFF8000  }
0x17a: {  	[hbm4b:s30+s2] =	stream.linear.scatter [tilespmem:s5], [sflag:$0x3], $0x8000, $0x38;
	[tilespmem:$0x13400] =	vst v63  }
0x17b: {  	_ =	swait.ge [sflag:s4], $0x8000  }
0x17c: {  	[sflag:s4] =	ssyncset.done $0x0  }
0x17d: {  	[sflag:s4] =	ssyncadd.s32 $0xFFFF8000  }
0x17e: {  	_ =	sfence.sel $0x180000  }
0x17f: {  	[bflag:$0x0] =	sbarrier.arrive $0xFFFF  }
0x180: {  	_ =	strace $0x90000047  }
0x181: {  	s31 =	stileid.u32;
	[bflag:$0x2] =	sbarrier.arrive $0xFFFF  }
0x182: {  	p0 =	sne.s32 s31, $0x0;
	s0 =	rddreg [dreg:$0x2]  }
0x183: {  	s0 =	sadd.s32 @!p0 $0x100000, s0  }
0x184: {  	[sflag:s0] =	ssyncadd.tile.s32 @!p0 $0x1;
	_ =	shalt  }
.Lfunc_end2:
_tile_overlayer_lowered:
.L_overlay_start_2:
0x185: {  	(tag) =	ssettag $0x2  }
0x186: {  	s0 =	rddreg [dreg:$0x0];
	s2 =	stileid.u32  }
0x187: {  	s1 =	rddreg [dreg:$0x1];
	p0 =	sne.s32 s2, $0x0  }
0x188: {  	s3 =	rddreg [dreg:$0x2];
	[bflag:$0x3] =	sbarrier.arrive $0xFFFF;
	s2 =	simm.s32 @!p0 $0x1C03  }
0x189: {  	[timem:s3], [sflag:s2] =	dma.local @!p0 [hbm:s0], s1  }
0x18a: {  	s0 =	simm.s32 @!p0 $0x3  }
0x18b: {  	_ =	swait.ge @!p0 [sflag:s0], s1  }
0x18c: {  	s1 =	ssub.s32 @!p0 $0x0, s1;
	[sflag:s0] =	ssyncset.done @!p0 $0x0  }
0x18d: {  	[sflag:s0] =	ssyncadd.s32 @!p0 s1  }
0x18e: {  	[bflag:$0x3] =	sbarrier.arrive $0xFFFF  }
0x18f: {  	_ =	shalt  }

</sc_bundles>
